<compile_context>
chip_gen: v7x
topology: tpu7x:2x2x1
jax: 0.10.2.dev20260603
libtpu: 0.0.44.dev20260713+nightly
codegen_flags: <defaults>
</compile_context>

<pallas_src>
import functools

import jax
import jax.numpy as jnp
from jax import lax
from jax.experimental import pallas as pl
from jax.experimental.pallas import tpu as pltpu
from jax.experimental.pallas import tpu_sc as plsc

BOHR = 0.52917721067
N_NODES = 50000
N_EDGES = 3200000

NC = 2
NS = 16
NW = NC * NS
L = 16

NPAD = 50176
SLICE = NPAD // NS
NTAIL = N_NODES - (NS - 1) * SLICE
ROWS = N_EDGES // 128
R = 40
SEC = 20
CHUNKS = ROWS // R
CPW = (CHUNKS + NW - 1) // NW


def _splat_f(v):
    return jnp.full((L,), v, jnp.float32)


def _splat_i(v):
    return jnp.full((L,), v, jnp.int32)


@functools.partial(
    pl.kernel,
    out_type=jax.ShapeDtypeStruct((NC * NPAD,), jnp.float32),
    mesh=plsc.VectorSubcoreMesh(
        core_axis_name="c", subcore_axis_name="s",
        num_cores=NC, num_subcores=NS),
    compiler_params=pltpu.CompilerParams(needs_layout_passes=False),
    scratch_types=[
        pltpu.VMEM((NPAD,), jnp.float32),
        pltpu.VMEM((NPAD,), jnp.float32),
        pltpu.VMEM((R, 128), jnp.int32),
        pltpu.VMEM((R * 128,), jnp.int32),
        pltpu.VMEM((R, 128), jnp.float32),
        pltpu.VMEM((R, 128), jnp.float32),
        pltpu.VMEM((R * 128,), jnp.float32),
        pltpu.VMEM((4 * L,), jnp.float32),
        pltpu.VMEM((96,), jnp.float32),
        pltpu.VMEM((96,), jnp.float32),
        pltpu.SemaphoreType.DMA,
        pltpu.SemaphoreType.DMA,
        pltpu.VMEM_SHARED((NPAD,), jnp.float32),
    ],
)
def _coulomb_sc(sp_hbm, ch_hbm, src_hbm, dst_hbm, dist_hbm, sw_hbm,
                par_hbm, vdw_hbm, val_hbm, out_hbm,
                tabQ_v, tabA_v, src_v, dst_v, dist_v, sw_v, ep_v,
                par_v, vdw_v, val_v, semI, semS, acc):
    c = lax.axis_index("c")
    s = lax.axis_index("s")
    wid = s * NC + c
    nbase = s * SLICE

    pltpu.async_copy(par_hbm, par_v, semS)
    pltpu.async_copy(vdw_hbm, vdw_v, semS)
    pltpu.async_copy(val_hbm, val_v, semS)

    @pl.when(s < NS - 1)
    def _():
        pltpu.async_copy(ch_hbm.at[pl.ds(nbase, SLICE)],
                         ep_v.at[pl.ds(0, SLICE)], semS)
        pltpu.async_copy(sp_hbm.at[pl.ds(nbase, SLICE)],
                         dst_v.at[pl.ds(0, SLICE)], semS)

    @pl.when(s == NS - 1)
    def _():
        pltpu.async_copy(ch_hbm.at[pl.ds(nbase, NTAIL)],
                         ep_v.at[pl.ds(0, NTAIL)], semS)
        pltpu.async_copy(sp_hbm.at[pl.ds(nbase, NTAIL)],
                         dst_v.at[pl.ds(0, NTAIL)], semS)

    rb0 = wid * R
    pltpu.async_copy(src_hbm.at[pl.ds(rb0, R)], src_v, semI)
    pltpu.async_copy(dist_hbm.at[pl.ds(rb0, R)], dist_v, semI)
    pltpu.async_copy(sw_hbm.at[pl.ds(rb0, R)], sw_v, semI)

    _HDR = (4 * L + 96 + 96)

    @pl.when(s < NS - 1)
    def _():
        pltpu.make_async_copy(ch_hbm.at[pl.ds(0, _HDR + 2 * SLICE)],
                              tabQ_v.at[pl.ds(0, _HDR + 2 * SLICE)],
                              semS).wait()

    @pl.when(s == NS - 1)
    def _():
        pltpu.make_async_copy(ch_hbm.at[pl.ds(0, _HDR + 2 * NTAIL)],
                              tabQ_v.at[pl.ds(0, _HDR + 2 * NTAIL)],
                              semS).wait()

        def _zt(i, carry):
            ep_v[pl.ds(NTAIL + i * L, L)] = _splat_f(0.0)
            dst_v[pl.ds(NTAIL + i * L, L)] = _splat_i(0)
            return carry
        lax.fori_loop(0, (SLICE - NTAIL) // L, _zt, 0)

    rv = par_v[pl.ds(0 * L, L)]
    sv = par_v[pl.ds(1 * L, L)]
    cscv = par_v[pl.ds(2 * L, L)]
    acpv = par_v[pl.ds(3 * L, L)]
    one = _splat_f(1.0)
    m7 = _splat_i(7)
    mm8 = _splat_i(-8)

    @plsc.parallel_loop(0, SLICE // L)
    def q_body(i):
        sl = pl.ds(i * L, L)
        tabQ_v[sl] = ep_v[sl] * cscv
    pltpu.sync_copy(tabQ_v.at[pl.ds(0, SLICE)], acc.at[pl.ds(nbase, SLICE)])
    plsc.subcore_barrier()
    rdQ = pltpu.async_copy(acc, tabQ_v, semS)

    @plsc.parallel_loop(0, SLICE // L)
    def a_body(i):
        sl = pl.ds(i * L, L)
        sp = dst_v[sl]
        v = plsc.load_gather(vdw_v, [sp])
        z = plsc.load_gather(val_v, [sp])
        a = acpv / v
        bits = ((lax.bitcast_convert_type(a, jnp.int32) & mm8)
                | (z.astype(jnp.int32) - 1))
        tabA_v[sl] = plsc.bitcast(bits, jnp.float32)
    pltpu.async_copy(dst_hbm.at[pl.ds(rb0 * 128, R * 128)], dst_v, semI)
    rdQ.wait()
    plsc.subcore_barrier()
    pltpu.sync_copy(tabA_v.at[pl.ds(0, SLICE)], acc.at[pl.ds(nbase, SLICE)])
    plsc.subcore_barrier()
    rdA = pltpu.async_copy(acc, tabA_v, semS)

    def _zb(i, carry):
        ep_v[pl.ds(i * L, L)] = _splat_f(0.0)
        return carry
    lax.fori_loop(0, SLICE // L, _zb, 0)
    rdA.wait()
    plsc.subcore_barrier()
    pltpu.sync_copy(ep_v.at[pl.ds(0, SLICE)], acc.at[pl.ds(nbase, SLICE)])
    plsc.subcore_barrier()

    def _drain_scatters():
        pltpu.make_async_copy(dist_hbm.at[pl.ds(0, R)], dist_v, semS).wait()

    def chunk_body(ci, carry):
        g = wid + ci * NW

        @pl.when(g < CHUNKS)
        def _():
            rb = g * R

            @pl.when(ci > 0)
            def _():
                pltpu.async_copy(dst_hbm.at[pl.ds(rb * 128, R * 128)],
                                 dst_v, semI)
                pltpu.async_copy(dist_hbm.at[pl.ds(rb, R)], dist_v, semI)
                pltpu.async_copy(sw_hbm.at[pl.ds(rb, R)], sw_v, semI)
                _drain_scatters()
                pltpu.async_copy(src_hbm.at[pl.ds(rb, R)], src_v, semI)

            pltpu.make_async_copy(ch_hbm.at[pl.ds(0, 4 * R * 128)],
                                  tabQ_v.at[pl.ds(0, 4 * R * 128)],
                                  semI).wait()

            for sec in range(R // SEC):
                @plsc.parallel_loop(sec * SEC, (sec + 1) * SEC)
                def row_body(j):
                    for gg in range(128 // L):
                        sl = pl.ds(gg * L, L)
                        isc = src_v[j, sl]
                        idc = dst_v[pl.ds(j * 128 + gg * L, L)]
                        qi = plsc.load_gather(tabQ_v, [isc])
                        qj = plsc.load_gather(tabQ_v, [idc])
                        ai = plsc.load_gather(tabA_v, [isc])
                        aj = plsc.load_gather(tabA_v, [idc])
                        pi = plsc.bitcast(ai, jnp.int32)
                        pj = plsc.bitcast(aj, jnp.int32)
                        zi = (pi & m7).astype(jnp.float32) + one
                        zj = (pj & m7).astype(jnp.float32) + one
                        d = dist_v[j, sl]
                        dai = d * ai
                        daj = d * aj
                        eAi = jnp.exp(dai)
                        eAj = jnp.exp(daj)
                        eBi = jnp.exp(dai * rv)
                        eBj = jnp.exp(daj * rv)
                        ui = zi - qi
                        uj = zj - qj
                        ti = ui * (eBi - one)
                        tj = uj * (eBj - one)
                        core = (zj * ui * eAi + zi * uj * eAj
                                + ti * tj - ui * uj + qi * qj)
                        ep_v[pl.ds(j * 128 + gg * L, L)] = (
                            core * sw_v[j, sl] / d)
                for j in range(sec * SEC, (sec + 1) * SEC):
                    pltpu.async_copy(ep_v.at[pl.ds(j * 128, 128)],
                                     acc.at[src_v.at[j]], semS, add=True)
        return carry

    lax.fori_loop(0, CPW, chunk_body, 0)
    _drain_scatters()

    plsc.subcore_barrier()
    pltpu.sync_copy(acc.at[pl.ds(nbase, SLICE)], ep_v.at[pl.ds(0, SLICE)])

    @plsc.parallel_loop(0, SLICE // L)
    def fin_body(i):
        sl = pl.ds(i * L, L)
        ep_v[sl] = ep_v[sl] * sv
    pltpu.sync_copy(ep_v.at[pl.ds(0, SLICE)],
                    out_hbm.at[pl.ds(c * NPAD + nbase, SLICE)])


def kernel(species, edge_src, edge_dst, distances, switch, charges,
           vdw_radii, d3_vdw_radii, valence_electrons,
           cpA, cpB, gamma, charge_scale, scale):
    N = species.shape[0]
    cpA_ = jnp.abs(cpA).astype(jnp.float32)
    cpB_ = jnp.abs(cpB).astype(jnp.float32)

    spi = species.astype(jnp.int32)
    chf = charges.astype(jnp.float32)
    vdw96 = jnp.pad(vdw_radii.astype(jnp.float32), (0, 96 - vdw_radii.shape[0]),
                    constant_values=1.0)
    val96 = jnp.pad(valence_electrons.astype(jnp.float32),
                    (0, 96 - valence_electrons.shape[0]), constant_values=1.0)
    params = jnp.concatenate([
        jnp.full((L,), cpB_ / cpA_, jnp.float32),
        jnp.full((L,), 0.5 * BOHR * jnp.abs(scale), jnp.float32),
        jnp.full((L,), jnp.abs(charge_scale), jnp.float32),
        jnp.full((L,), -cpA_ / BOHR, jnp.float32),
    ])

    src2 = edge_src.astype(jnp.int32).reshape(ROWS, 128)
    dst1 = edge_dst.astype(jnp.int32)
    dist2 = distances.astype(jnp.float32).reshape(ROWS, 128)
    sw2 = switch.astype(jnp.float32).reshape(ROWS, 128)

    out = _coulomb_sc(spi, chf, src2, dst1, dist2, sw2, params, vdw96, val96)
    return (out[:NPAD] + out[NPAD:])[:N]

# --- scband reference (transcript-rebuilt; emitter-appended) ---
"""Pipeline reference for scband-coulomb-49331994362111 (READ-ONLY COPY).

The authoritative reference and input builder live on the scoring server;
editing this copy changes nothing except your own understanding.
"""

import jax, jax.numpy as jnp
import numpy as np

BOHR = 0.52917721067
N_SPECIES = 94
N_NODES = 50000
N_EDGES = 3200000


def setup_inputs(seed: int = 0) -> dict:
    key = jax.random.key(seed)
    ks = jax.random.split(key, 10)
    species = jax.random.randint(ks[0], (N_NODES,), 0, N_SPECIES)
    edge_src = jax.random.randint(ks[1], (N_EDGES,), 0, N_NODES)
    edge_dst = jax.random.randint(ks[2], (N_EDGES,), 0, N_NODES)
    # distances in Angstrom, kept away from 0 to avoid 1/r blowup (realistic pair-list cutoffs)
    distances = jax.random.uniform(ks[3], (N_EDGES,), minval=1.0, maxval=6.0, dtype=jnp.float32)
    switch = jax.random.uniform(ks[4], (N_EDGES,), dtype=jnp.float32)
    charges = 0.2 * jax.random.normal(ks[5], (N_NODES,), dtype=jnp.float32)
    # element-wise constant tables (stand-ins for VDW_RADII / D3_VDW_RADII / VALENCE_ELECTRONS)
    vdw_radii = (1.5 + 2.5 * jax.random.uniform(ks[6], (N_SPECIES,))).astype(jnp.float32)
    d3_vdw_radii = (1.0 + 2.0 * jax.random.uniform(ks[7], (N_SPECIES,))).astype(jnp.float32)
    valence_electrons = jax.random.randint(ks[8], (N_SPECIES,), 1, 9).astype(jnp.float32)
    # trainable scalar params (module self.param's)
    cpA = jnp.asarray(4.42, jnp.float32)
    cpB = jnp.asarray(4.12, jnp.float32)
    gamma = jnp.asarray(0.1, jnp.float32)
    charge_scale = jnp.asarray(1.0, jnp.float32)
    scale = jnp.asarray(1.0, jnp.float32)
    return dict(species=species, edge_src=edge_src, edge_dst=edge_dst,
                distances=distances, switch=switch, charges=charges,
                vdw_radii=vdw_radii, d3_vdw_radii=d3_vdw_radii,
                valence_electrons=valence_electrons,
                cpA=cpA, cpB=cpB, gamma=gamma,
                charge_scale=charge_scale, scale=scale)


def reference(species, edge_src, edge_dst, distances, switch, charges,
              vdw_radii, d3_vdw_radii, valence_electrons,
              cpA, cpB, gamma, charge_scale, scale):
    N = species.shape[0]
    rij = distances / BOHR
    q = charges * jnp.abs(charge_scale)
    cpA_ = jnp.abs(cpA)
    cpB_ = jnp.abs(cpB)
    gamma_ = jnp.abs(gamma)  # created in original CP branch (unused in epair)
    ai2 = d3_vdw_radii[species] ** 2
    gamma_ij = (ai2[edge_src] + ai2[edge_dst] + 0.001) ** (-0.5)  # as in original; not used in epair
    rvdw = vdw_radii[species]
    Zv = valence_electrons[species]
    Zi, Zj = Zv[edge_src], Zv[edge_dst]
    qi, qj = q[edge_src], q[edge_dst]
    rvdwi, rvdwj = rvdw[edge_src], rvdw[edge_dst]
    eAi = jnp.exp(-cpA_ * rij / rvdwi)
    eAj = jnp.exp(-cpA_ * rij / rvdwj)
    eBi = jnp.exp(-cpB_ * rij / rvdwi)
    eBj = jnp.exp(-cpB_ * rij / rvdwj)
    eBij = eBi * eBj - eBi - eBj
    epair = (Zi * Zj * (eAi + eAj + eBij)
             - qi * Zj * (eAi + eBij)
             - qj * Zi * (eAj + eBij)
             + qi * qj * (1.0 + eBij)) * switch / rij
    eat = 0.5 * jax.ops.segment_sum(epair, edge_src, num_segments=N)
    eat = eat * jnp.abs(scale)
    return eat

if __name__ == "__main__":
    import jax
    _d = setup_inputs()
    print(jax.jit(kernel)(*tuple(_d.values())))

</pallas_src>

<mosaic_0001>
#map = affine_map<(d0, d1) -> (0)>
#map1 = affine_map<(d0, d1) -> (0, 0)>
module attributes {stable_mosaic.version = 14 : i64} {
  func.func @_coulomb_sc(%arg0: i32, %arg1: i32, %arg2: memref<50000xi32, #tpu.memory_space<hbm>>, %arg3: memref<50000xf32, #tpu.memory_space<hbm>>, %arg4: memref<25000x128xi32, #tpu.memory_space<hbm>>, %arg5: memref<3200000xi32, #tpu.memory_space<hbm>>, %arg6: memref<25000x128xf32, #tpu.memory_space<hbm>>, %arg7: memref<25000x128xf32, #tpu.memory_space<hbm>>, %arg8: memref<64xf32, #tpu.memory_space<hbm>>, %arg9: memref<96xf32, #tpu.memory_space<hbm>>, %arg10: memref<96xf32, #tpu.memory_space<hbm>>, %arg11: memref<100352xf32, #tpu.memory_space<hbm>>, %arg12: memref<50176xf32, #tpu.memory_space<vmem>>, %arg13: memref<50176xf32, #tpu.memory_space<vmem>>, %arg14: memref<40x128xi32, #tpu.memory_space<vmem>>, %arg15: memref<5120xi32, #tpu.memory_space<vmem>>, %arg16: memref<40x128xf32, #tpu.memory_space<vmem>>, %arg17: memref<40x128xf32, #tpu.memory_space<vmem>>, %arg18: memref<5120xf32, #tpu.memory_space<vmem>>, %arg19: memref<64xf32, #tpu.memory_space<vmem>>, %arg20: memref<96xf32, #tpu.memory_space<vmem>>, %arg21: memref<96xf32, #tpu.memory_space<vmem>>, %arg22: memref<!tpu.dma_semaphore, #tpu.memory_space<semaphore_mem>>, %arg23: memref<!tpu.dma_semaphore, #tpu.memory_space<semaphore_mem>>, %arg24: memref<50176xf32, #tpu.memory_space<vmem_shared>>) attributes {dimension_semantics = [#tpu.dimension_semantics<core_parallel>, #tpu.dimension_semantics<subcore_parallel>], iteration_bounds = array<i64: 2, 16>, scalar_prefetch = 0 : i64, scratch_operands = 13 : i64, tpu.core_type = #tpu.core_type<sc_vector_subcore>, window_params = [{transform_indices = #map}, {transform_indices = #map}, {transform_indices = #map1}, {transform_indices = #map}, {transform_indices = #map1}, {transform_indices = #map1}, {transform_indices = #map}, {transform_indices = #map}, {transform_indices = #map}, {transform_indices = #map}]} {
    %mul3A = arith.constant 2 : i32
    %mul3A_0 = arith.muli %arg1, %mul3A : i32
    %add3A = arith.addi %mul3A_0, %arg0 : i32
    %mul3A_1 = arith.constant 3136 : i32
    %mul3A_2 = arith.muli %arg1, %mul3A_1 : i32
    tpu.enqueue_dma source(%arg8 : memref<64xf32, #tpu.memory_space<hbm>>) target(%arg19 : memref<64xf32, #tpu.memory_space<vmem>>) target_semaphore(%arg23 : memref<!tpu.dma_semaphore, #tpu.memory_space<semaphore_mem>>)
    tpu.enqueue_dma source(%arg9 : memref<96xf32, #tpu.memory_space<hbm>>) target(%arg20 : memref<96xf32, #tpu.memory_space<vmem>>) target_semaphore(%arg23 : memref<!tpu.dma_semaphore, #tpu.memory_space<semaphore_mem>>)
    tpu.enqueue_dma source(%arg10 : memref<96xf32, #tpu.memory_space<hbm>>) target(%arg21 : memref<96xf32, #tpu.memory_space<vmem>>) target_semaphore(%arg23 : memref<!tpu.dma_semaphore, #tpu.memory_space<semaphore_mem>>)
    %lt3A = arith.constant 15 : i32
    %lt3A_3 = arith.cmpi slt, %arg1, %lt3A : i32
    %convert_element_type3A = arith.extui %lt3A_3 : i1 to i32
    %cond3A = arith.constant 0 : i32
    %cond3A_4 = arith.cmpi ne, %convert_element_type3A, %cond3A : i32
    scf.if %cond3A_4 {
      %dma_start3A_80 = arith.constant 0 : i32
      %dma_start3A_81 = tpu.memref_slice %arg18[%dma_start3A_80] : memref<5120xf32, #tpu.memory_space<vmem>> -> memref<3136xf32, #tpu.memory_space<vmem>>
      %dma_start3A_82 = tpu.memref_slice %arg3[%mul3A_2] : memref<50000xf32, #tpu.memory_space<hbm>> -> memref<3136xf32, #tpu.memory_space<hbm>>
      %dma_start3A_83 = arith.constant 0 : i32
      %dma_start3A_84 = tpu.memref_slice %arg18[%dma_start3A_83] : memref<5120xf32, #tpu.memory_space<vmem>> -> memref<3136xf32, #tpu.memory_space<vmem>>
      %dma_start3A_85 = tpu.memref_slice %arg3[%mul3A_2] : memref<50000xf32, #tpu.memory_space<hbm>> -> memref<3136xf32, #tpu.memory_space<hbm>>
      tpu.enqueue_dma source(%dma_start3A_85 : memref<3136xf32, #tpu.memory_space<hbm>>) target(%dma_start3A_84 : memref<3136xf32, #tpu.memory_space<vmem>>) target_semaphore(%arg23 : memref<!tpu.dma_semaphore, #tpu.memory_space<semaphore_mem>>)
      %dma_start3A_86 = arith.constant 0 : i32
      %dma_start3A_87 = tpu.memref_slice %arg15[%dma_start3A_86] : memref<5120xi32, #tpu.memory_space<vmem>> -> memref<3136xi32, #tpu.memory_space<vmem>>
      %dma_start3A_88 = tpu.memref_slice %arg2[%mul3A_2] : memref<50000xi32, #tpu.memory_space<hbm>> -> memref<3136xi32, #tpu.memory_space<hbm>>
      %dma_start3A_89 = arith.constant 0 : i32
      %dma_start3A_90 = tpu.memref_slice %arg15[%dma_start3A_89] : memref<5120xi32, #tpu.memory_space<vmem>> -> memref<3136xi32, #tpu.memory_space<vmem>>
      %dma_start3A_91 = tpu.memref_slice %arg2[%mul3A_2] : memref<50000xi32, #tpu.memory_space<hbm>> -> memref<3136xi32, #tpu.memory_space<hbm>>
      tpu.enqueue_dma source(%dma_start3A_91 : memref<3136xi32, #tpu.memory_space<hbm>>) target(%dma_start3A_90 : memref<3136xi32, #tpu.memory_space<vmem>>) target_semaphore(%arg23 : memref<!tpu.dma_semaphore, #tpu.memory_space<semaphore_mem>>)
    } else {
    }
    %eq3A = arith.constant 15 : i32
    %eq3A_5 = arith.cmpi eq, %arg1, %eq3A : i32
    %convert_element_type3A_6 = arith.extui %eq3A_5 : i1 to i32
    %cond3A_7 = arith.constant 0 : i32
    %cond3A_8 = arith.cmpi ne, %convert_element_type3A_6, %cond3A_7 : i32
    scf.if %cond3A_8 {
      %dma_start3A_80 = arith.constant 0 : i32
      %dma_start3A_81 = tpu.memref_slice %arg18[%dma_start3A_80] : memref<5120xf32, #tpu.memory_space<vmem>> -> memref<2960xf32, #tpu.memory_space<vmem>>
      %dma_start3A_82 = tpu.memref_slice %arg3[%mul3A_2] : memref<50000xf32, #tpu.memory_space<hbm>> -> memref<2960xf32, #tpu.memory_space<hbm>>
      %dma_start3A_83 = arith.constant 0 : i32
      %dma_start3A_84 = tpu.memref_slice %arg18[%dma_start3A_83] : memref<5120xf32, #tpu.memory_space<vmem>> -> memref<2960xf32, #tpu.memory_space<vmem>>
      %dma_start3A_85 = tpu.memref_slice %arg3[%mul3A_2] : memref<50000xf32, #tpu.memory_space<hbm>> -> memref<2960xf32, #tpu.memory_space<hbm>>
      tpu.enqueue_dma source(%dma_start3A_85 : memref<2960xf32, #tpu.memory_space<hbm>>) target(%dma_start3A_84 : memref<2960xf32, #tpu.memory_space<vmem>>) target_semaphore(%arg23 : memref<!tpu.dma_semaphore, #tpu.memory_space<semaphore_mem>>)
      %dma_start3A_86 = arith.constant 0 : i32
      %dma_start3A_87 = tpu.memref_slice %arg15[%dma_start3A_86] : memref<5120xi32, #tpu.memory_space<vmem>> -> memref<2960xi32, #tpu.memory_space<vmem>>
      %dma_start3A_88 = tpu.memref_slice %arg2[%mul3A_2] : memref<50000xi32, #tpu.memory_space<hbm>> -> memref<2960xi32, #tpu.memory_space<hbm>>
      %dma_start3A_89 = arith.constant 0 : i32
      %dma_start3A_90 = tpu.memref_slice %arg15[%dma_start3A_89] : memref<5120xi32, #tpu.memory_space<vmem>> -> memref<2960xi32, #tpu.memory_space<vmem>>
      %dma_start3A_91 = tpu.memref_slice %arg2[%mul3A_2] : memref<50000xi32, #tpu.memory_space<hbm>> -> memref<2960xi32, #tpu.memory_space<hbm>>
      tpu.enqueue_dma source(%dma_start3A_91 : memref<2960xi32, #tpu.memory_space<hbm>>) target(%dma_start3A_90 : memref<2960xi32, #tpu.memory_space<vmem>>) target_semaphore(%arg23 : memref<!tpu.dma_semaphore, #tpu.memory_space<semaphore_mem>>)
    } else {
    }
    %mul3A_9 = arith.constant 40 : i32
    %mul3A_10 = arith.muli %add3A, %mul3A_9 : i32
    %dma_start3A = arith.constant 0 : i32
    %dma_start3A_11 = tpu.memref_slice %arg4[%mul3A_10, %dma_start3A] : memref<25000x128xi32, #tpu.memory_space<hbm>> -> memref<40x128xi32, #tpu.memory_space<hbm>>
    %dma_start3A_12 = arith.constant 0 : i32
    %dma_start3A_13 = tpu.memref_slice %arg4[%mul3A_10, %dma_start3A_12] : memref<25000x128xi32, #tpu.memory_space<hbm>> -> memref<40x128xi32, #tpu.memory_space<hbm>>
    tpu.enqueue_dma source(%dma_start3A_13 : memref<40x128xi32, #tpu.memory_space<hbm>>) target(%arg14 : memref<40x128xi32, #tpu.memory_space<vmem>>) target_semaphore(%arg22 : memref<!tpu.dma_semaphore, #tpu.memory_space<semaphore_mem>>)
    %dma_start3A_14 = arith.constant 0 : i32
    %dma_start3A_15 = tpu.memref_slice %arg6[%mul3A_10, %dma_start3A_14] : memref<25000x128xf32, #tpu.memory_space<hbm>> -> memref<40x128xf32, #tpu.memory_space<hbm>>
    %dma_start3A_16 = arith.constant 0 : i32
    %dma_start3A_17 = tpu.memref_slice %arg6[%mul3A_10, %dma_start3A_16] : memref<25000x128xf32, #tpu.memory_space<hbm>> -> memref<40x128xf32, #tpu.memory_space<hbm>>
    tpu.enqueue_dma source(%dma_start3A_17 : memref<40x128xf32, #tpu.memory_space<hbm>>) target(%arg16 : memref<40x128xf32, #tpu.memory_space<vmem>>) target_semaphore(%arg22 : memref<!tpu.dma_semaphore, #tpu.memory_space<semaphore_mem>>)
    %dma_start3A_18 = arith.constant 0 : i32
    %dma_start3A_19 = tpu.memref_slice %arg7[%mul3A_10, %dma_start3A_18] : memref<25000x128xf32, #tpu.memory_space<hbm>> -> memref<40x128xf32, #tpu.memory_space<hbm>>
    %dma_start3A_20 = arith.constant 0 : i32
    %dma_start3A_21 = tpu.memref_slice %arg7[%mul3A_10, %dma_start3A_20] : memref<25000x128xf32, #tpu.memory_space<hbm>> -> memref<40x128xf32, #tpu.memory_space<hbm>>
    tpu.enqueue_dma source(%dma_start3A_21 : memref<40x128xf32, #tpu.memory_space<hbm>>) target(%arg17 : memref<40x128xf32, #tpu.memory_space<vmem>>) target_semaphore(%arg22 : memref<!tpu.dma_semaphore, #tpu.memory_space<semaphore_mem>>)
    %lt3A_22 = arith.constant 15 : i32
    %lt3A_23 = arith.cmpi slt, %arg1, %lt3A_22 : i32
    %convert_element_type3A_24 = arith.extui %lt3A_23 : i1 to i32
    %cond3A_25 = arith.constant 0 : i32
    %cond3A_26 = arith.cmpi ne, %convert_element_type3A_24, %cond3A_25 : i32
    scf.if %cond3A_26 {
      %dma_wait3A_80 = arith.constant 0 : i32
      %dma_wait3A_81 = tpu.memref_slice %arg12[%dma_wait3A_80] : memref<50176xf32, #tpu.memory_space<vmem>> -> memref<6528xf32, #tpu.memory_space<vmem>>
      %dma_wait3A_82 = arith.constant 0 : i32
      %dma_wait3A_83 = tpu.memref_slice %arg3[%dma_wait3A_82] : memref<50000xf32, #tpu.memory_space<hbm>> -> memref<6528xf32, #tpu.memory_space<hbm>>
      %dma_wait3A_84 = arith.constant 0 : i32
      %dma_wait3A_85 = tpu.memref_slice %arg12[%dma_wait3A_84] : memref<50176xf32, #tpu.memory_space<vmem>> -> memref<6528xf32, #tpu.memory_space<vmem>>
      %dma_wait3A_86 = arith.constant 0 : i32
      %dma_wait3A_87 = tpu.memref_slice %arg3[%dma_wait3A_86] : memref<50000xf32, #tpu.memory_space<hbm>> -> memref<6528xf32, #tpu.memory_space<hbm>>
      tpu.wait_dma2 semaphore(%arg23 : memref<!tpu.dma_semaphore, #tpu.memory_space<semaphore_mem>>) src(%dma_wait3A_87 : memref<6528xf32, #tpu.memory_space<hbm>>) dst(%dma_wait3A_85 : memref<6528xf32, #tpu.memory_space<vmem>>)
    } else {
    }
    %eq3A_27 = arith.constant 15 : i32
    %eq3A_28 = arith.cmpi eq, %arg1, %eq3A_27 : i32
    %convert_element_type3A_29 = arith.extui %eq3A_28 : i1 to i32
    %cond3A_30 = arith.constant 0 : i32
    %cond3A_31 = arith.cmpi ne, %convert_element_type3A_29, %cond3A_30 : i32
    scf.if %cond3A_31 {
      %dma_wait3A_80 = arith.constant 0 : i32
      %dma_wait3A_81 = tpu.memref_slice %arg12[%dma_wait3A_80] : memref<50176xf32, #tpu.memory_space<vmem>> -> memref<6176xf32, #tpu.memory_space<vmem>>
      %dma_wait3A_82 = arith.constant 0 : i32
      %dma_wait3A_83 = tpu.memref_slice %arg3[%dma_wait3A_82] : memref<50000xf32, #tpu.memory_space<hbm>> -> memref<6176xf32, #tpu.memory_space<hbm>>
      %dma_wait3A_84 = arith.constant 0 : i32
      %dma_wait3A_85 = tpu.memref_slice %arg12[%dma_wait3A_84] : memref<50176xf32, #tpu.memory_space<vmem>> -> memref<6176xf32, #tpu.memory_space<vmem>>
      %dma_wait3A_86 = arith.constant 0 : i32
      %dma_wait3A_87 = tpu.memref_slice %arg3[%dma_wait3A_86] : memref<50000xf32, #tpu.memory_space<hbm>> -> memref<6176xf32, #tpu.memory_space<hbm>>
      tpu.wait_dma2 semaphore(%arg23 : memref<!tpu.dma_semaphore, #tpu.memory_space<semaphore_mem>>) src(%dma_wait3A_87 : memref<6176xf32, #tpu.memory_space<hbm>>) dst(%dma_wait3A_85 : memref<6176xf32, #tpu.memory_space<vmem>>)
      %scan3A_88 = arith.constant 0 : i32
      %scan3A_89 = arith.constant 0 : i32
      %scan3A_90 = arith.constant 11 : i32
      %scan3A_91 = arith.addi %scan3A_89, %scan3A_90 : i32
      %scan3A_92 = arith.constant 1 : i32
      scf.for %scan3A_94 = %scan3A_89 to %scan3A_91 step %scan3A_92  : i32 {
        %broadcast_in_dim3A_95 = arith.constant 0.000000e+00 : f32
        %broadcast_in_dim3A_96 = vector.broadcast %broadcast_in_dim3A_95 : f32 to vector<16xf32>
        %mul3A_97 = arith.constant 16 : i32
        %mul3A_98 = arith.muli %scan3A_94, %mul3A_97 : i32
        %add3A_99 = arith.constant 2960 : i32
        %add3A_100 = arith.addi %add3A_99, %mul3A_98 : i32
        %swap3A = arith.index_cast %add3A_100 : i32 to index
        %swap3A_101 = tpu.vector_load %arg18[%swap3A] {strides = array<i32>} : memref<5120xf32, #tpu.memory_space<vmem>>, vector<16xf32>,
        tpu.vector_store %arg18[%swap3A], %broadcast_in_dim3A_96 {strides = array<i32>} : memref<5120xf32, #tpu.memory_space<vmem>>, vector<16xf32>,
        %broadcast_in_dim3A_102 = arith.constant 0 : i32
        %broadcast_in_dim3A_103 = vector.broadcast %broadcast_in_dim3A_102 : i32 to vector<16xi32>
        %mul3A_104 = arith.constant 16 : i32
        %mul3A_105 = arith.muli %scan3A_94, %mul3A_104 : i32
        %add3A_106 = arith.constant 2960 : i32
        %add3A_107 = arith.addi %add3A_106, %mul3A_105 : i32
        %swap3A_108 = arith.index_cast %add3A_107 : i32 to index
        %swap3A_109 = tpu.vector_load %arg15[%swap3A_108] {strides = array<i32>} : memref<5120xi32, #tpu.memory_space<vmem>>, vector<16xi32>,
        tpu.vector_store %arg15[%swap3A_108], %broadcast_in_dim3A_103 {strides = array<i32>} : memref<5120xi32, #tpu.memory_space<vmem>>, vector<16xi32>,
      }
      %scan3A_93 = arith.constant 11 : i32
    } else {
    }
    %get3A = arith.constant 0 : index
    %get3A_32 = tpu.vector_load %arg19[%get3A] {strides = array<i32>} : memref<64xf32, #tpu.memory_space<vmem>>, vector<16xf32>,
    %get3A_33 = arith.constant 16 : index
    %get3A_34 = tpu.vector_load %arg19[%get3A_33] {strides = array<i32>} : memref<64xf32, #tpu.memory_space<vmem>>, vector<16xf32>,
    %get3A_35 = arith.constant 32 : index
    %get3A_36 = tpu.vector_load %arg19[%get3A_35] {strides = array<i32>} : memref<64xf32, #tpu.memory_space<vmem>>, vector<16xf32>,
    %get3A_37 = arith.constant 48 : index
    %get3A_38 = tpu.vector_load %arg19[%get3A_37] {strides = array<i32>} : memref<64xf32, #tpu.memory_space<vmem>>, vector<16xf32>,
    %broadcast_in_dim3A = arith.constant 1.000000e+00 : f32
    %broadcast_in_dim3A_39 = vector.broadcast %broadcast_in_dim3A : f32 to vector<16xf32>
    %broadcast_in_dim3A_40 = arith.constant 7 : i32
    %broadcast_in_dim3A_41 = vector.broadcast %broadcast_in_dim3A_40 : i32 to vector<16xi32>
    %broadcast_in_dim3A_42 = arith.constant -8 : i32
    %broadcast_in_dim3A_43 = vector.broadcast %broadcast_in_dim3A_42 : i32 to vector<16xi32>
    %parallel_loop3A = arith.constant 0 : i32
    %parallel_loop3A_44 = arith.constant 196 : i32
    %parallel_loop3A_45 = arith.constant 1 : i32
    scf.for %parallel_loop3A_80 = %parallel_loop3A to %parallel_loop3A_44 step %parallel_loop3A_45  : i32 {
      %parallel_loop3A_81 = arith.constant 16 : i32
      %parallel_loop3A_82 = arith.muli %parallel_loop3A_80, %parallel_loop3A_81 : i32
      %parallel_loop3A_83 = arith.index_cast %parallel_loop3A_82 : i32 to index
      %parallel_loop3A_84 = tpu.vector_load %arg18[%parallel_loop3A_83] {strides = array<i32>} : memref<5120xf32, #tpu.memory_space<vmem>>, vector<16xf32>,
      %parallel_loop3A_85 = arith.mulf %parallel_loop3A_84, %get3A_36 : vector<16xf32>
      %parallel_loop3A_86 = arith.index_cast %parallel_loop3A_82 : i32 to index
      %parallel_loop3A_87 = tpu.vector_load %arg12[%parallel_loop3A_86] {strides = array<i32>} : memref<50176xf32, #tpu.memory_space<vmem>>, vector<16xf32>,
      tpu.vector_store %arg12[%parallel_loop3A_86], %parallel_loop3A_85 {strides = array<i32>} : memref<50176xf32, #tpu.memory_space<vmem>>, vector<16xf32>,
    } {sc.loop_unroll_factor = 1 : i64, sc.parallel_access}
    "tpu.region"() ({
      %run_scoped3A = tpu.sem_alloc : memref<!tpu.dma_semaphore, #tpu.memory_space<semaphore_mem>>
      %dma_start3A_80 = arith.constant 0 : i32
      %dma_start3A_81 = tpu.memref_slice %arg12[%dma_start3A_80] : memref<50176xf32, #tpu.memory_space<vmem>> -> memref<3136xf32, #tpu.memory_space<vmem>>
      %dma_start3A_82 = tpu.memref_slice %arg24[%mul3A_2] : memref<50176xf32, #tpu.memory_space<vmem_shared>> -> memref<3136xf32, #tpu.memory_space<vmem_shared>>
      %dma_start3A_83 = tpu.memref_slice %arg24[%mul3A_2] : memref<50176xf32, #tpu.memory_space<vmem_shared>> -> memref<3136xf32, #tpu.memory_space<vmem_shared>>
      %dma_start3A_84 = arith.constant 0 : i32
      %dma_start3A_85 = tpu.memref_slice %arg12[%dma_start3A_84] : memref<50176xf32, #tpu.memory_space<vmem>> -> memref<3136xf32, #tpu.memory_space<vmem>>
      tpu.enqueue_dma source(%dma_start3A_85 : memref<3136xf32, #tpu.memory_space<vmem>>) target(%dma_start3A_83 : memref<3136xf32, #tpu.memory_space<vmem_shared>>) target_semaphore(%run_scoped3A : memref<!tpu.dma_semaphore, #tpu.memory_space<semaphore_mem>>)
      %dma_wait3A_86 = arith.constant 0 : i32
      %dma_wait3A_87 = tpu.memref_slice %arg12[%dma_wait3A_86] : memref<50176xf32, #tpu.memory_space<vmem>> -> memref<3136xf32, #tpu.memory_space<vmem>>
      %dma_wait3A_88 = tpu.memref_slice %arg24[%mul3A_2] : memref<50176xf32, #tpu.memory_space<vmem_shared>> -> memref<3136xf32, #tpu.memory_space<vmem_shared>>
      %dma_wait3A_89 = tpu.memref_slice %arg24[%mul3A_2] : memref<50176xf32, #tpu.memory_space<vmem_shared>> -> memref<3136xf32, #tpu.memory_space<vmem_shared>>
      %dma_wait3A_90 = arith.constant 0 : i32
      %dma_wait3A_91 = tpu.memref_slice %arg12[%dma_wait3A_90] : memref<50176xf32, #tpu.memory_space<vmem>> -> memref<3136xf32, #tpu.memory_space<vmem>>
      tpu.wait_dma2 semaphore(%run_scoped3A : memref<!tpu.dma_semaphore, #tpu.memory_space<semaphore_mem>>) src(%dma_wait3A_91 : memref<3136xf32, #tpu.memory_space<vmem>>) dst(%dma_wait3A_89 : memref<3136xf32, #tpu.memory_space<vmem_shared>>)
      tpu.yield
    }) : () -> ()
    %barrier3A = arith.constant 0 : index
    tpu.barrier barrier_id(%barrier3A)
    tpu.enqueue_dma source(%arg24 : memref<50176xf32, #tpu.memory_space<vmem_shared>>) target(%arg12 : memref<50176xf32, #tpu.memory_space<vmem>>) target_semaphore(%arg23 : memref<!tpu.dma_semaphore, #tpu.memory_space<semaphore_mem>>)
    %parallel_loop3A_46 = arith.constant 0 : i32
    %parallel_loop3A_47 = arith.constant 196 : i32
    %parallel_loop3A_48 = arith.constant 1 : i32
    scf.for %parallel_loop3A_80 = %parallel_loop3A_46 to %parallel_loop3A_47 step %parallel_loop3A_48  : i32 {
      %parallel_loop3A_81 = arith.constant 16 : i32
      %parallel_loop3A_82 = arith.muli %parallel_loop3A_80, %parallel_loop3A_81 : i32
      %parallel_loop3A_83 = arith.index_cast %parallel_loop3A_82 : i32 to index
      %parallel_loop3A_84 = tpu.vector_load %arg15[%parallel_loop3A_83] {strides = array<i32>} : memref<5120xi32, #tpu.memory_space<vmem>>, vector<16xi32>,
      %parallel_loop3A_85 = tpu.vector_load_idx %arg20[%parallel_loop3A_84] : memref<96xf32, #tpu.memory_space<vmem>>[vector<16xi32>], vector<16xf32>,
      %parallel_loop3A_86 = tpu.vector_load_idx %arg21[%parallel_loop3A_84] : memref<96xf32, #tpu.memory_space<vmem>>[vector<16xi32>], vector<16xf32>,
      %parallel_loop3A_87 = arith.divf %get3A_38, %parallel_loop3A_85 : vector<16xf32>
      %parallel_loop3A_88 = tpu.bitcast %parallel_loop3A_87 : vector<16xf32> -> vector<16xi32>
      %parallel_loop3A_89 = arith.andi %parallel_loop3A_88, %broadcast_in_dim3A_43 : vector<16xi32>
      %parallel_loop3A_90 = arith.fptosi %parallel_loop3A_86 : vector<16xf32> to vector<16xi32>
      %parallel_loop3A_91 = arith.constant 1 : i32
      %parallel_loop3A_92 = vector.broadcast %parallel_loop3A_91 : i32 to vector<16xi32>
      %parallel_loop3A_93 = arith.subi %parallel_loop3A_90, %parallel_loop3A_92 : vector<16xi32>
      %parallel_loop3A_94 = arith.ori %parallel_loop3A_89, %parallel_loop3A_93 : vector<16xi32>
      %parallel_loop3A_95 = vector.bitcast %parallel_loop3A_94 : vector<16xi32> to vector<16xf32>
      %parallel_loop3A_96 = arith.index_cast %parallel_loop3A_82 : i32 to index
      %parallel_loop3A_97 = tpu.vector_load %arg13[%parallel_loop3A_96] {strides = array<i32>} : memref<50176xf32, #tpu.memory_space<vmem>>, vector<16xf32>,
      tpu.vector_store %arg13[%parallel_loop3A_96], %parallel_loop3A_95 {strides = array<i32>} : memref<50176xf32, #tpu.memory_space<vmem>>, vector<16xf32>,
    } {sc.loop_unroll_factor = 1 : i64, sc.parallel_access}
    %mul3A_49 = arith.constant 128 : i32
    %mul3A_50 = arith.muli %mul3A_10, %mul3A_49 : i32
    %dma_start3A_51 = tpu.memref_slice %arg5[%mul3A_50] : memref<3200000xi32, #tpu.memory_space<hbm>> -> memref<5120xi32, #tpu.memory_space<hbm>>
    %dma_start3A_52 = tpu.memref_slice %arg5[%mul3A_50] : memref<3200000xi32, #tpu.memory_space<hbm>> -> memref<5120xi32, #tpu.memory_space<hbm>>
    tpu.enqueue_dma source(%dma_start3A_52 : memref<5120xi32, #tpu.memory_space<hbm>>) target(%arg15 : memref<5120xi32, #tpu.memory_space<vmem>>) target_semaphore(%arg22 : memref<!tpu.dma_semaphore, #tpu.memory_space<semaphore_mem>>)
    tpu.wait_dma2 semaphore(%arg23 : memref<!tpu.dma_semaphore, #tpu.memory_space<semaphore_mem>>) src(%arg24 : memref<50176xf32, #tpu.memory_space<vmem_shared>>) dst(%arg12 : memref<50176xf32, #tpu.memory_space<vmem>>)
    %barrier3A_53 = arith.constant 0 : index
    tpu.barrier barrier_id(%barrier3A_53)
    "tpu.region"() ({
      %run_scoped3A = tpu.sem_alloc : memref<!tpu.dma_semaphore, #tpu.memory_space<semaphore_mem>>
      %dma_start3A_80 = arith.constant 0 : i32
      %dma_start3A_81 = tpu.memref_slice %arg13[%dma_start3A_80] : memref<50176xf32, #tpu.memory_space<vmem>> -> memref<3136xf32, #tpu.memory_space<vmem>>
      %dma_start3A_82 = tpu.memref_slice %arg24[%mul3A_2] : memref<50176xf32, #tpu.memory_space<vmem_shared>> -> memref<3136xf32, #tpu.memory_space<vmem_shared>>
      %dma_start3A_83 = tpu.memref_slice %arg24[%mul3A_2] : memref<50176xf32, #tpu.memory_space<vmem_shared>> -> memref<3136xf32, #tpu.memory_space<vmem_shared>>
      %dma_start3A_84 = arith.constant 0 : i32
      %dma_start3A_85 = tpu.memref_slice %arg13[%dma_start3A_84] : memref<50176xf32, #tpu.memory_space<vmem>> -> memref<3136xf32, #tpu.memory_space<vmem>>
      tpu.enqueue_dma source(%dma_start3A_85 : memref<3136xf32, #tpu.memory_space<vmem>>) target(%dma_start3A_83 : memref<3136xf32, #tpu.memory_space<vmem_shared>>) target_semaphore(%run_scoped3A : memref<!tpu.dma_semaphore, #tpu.memory_space<semaphore_mem>>)
      %dma_wait3A_86 = arith.constant 0 : i32
      %dma_wait3A_87 = tpu.memref_slice %arg13[%dma_wait3A_86] : memref<50176xf32, #tpu.memory_space<vmem>> -> memref<3136xf32, #tpu.memory_space<vmem>>
      %dma_wait3A_88 = tpu.memref_slice %arg24[%mul3A_2] : memref<50176xf32, #tpu.memory_space<vmem_shared>> -> memref<3136xf32, #tpu.memory_space<vmem_shared>>
      %dma_wait3A_89 = tpu.memref_slice %arg24[%mul3A_2] : memref<50176xf32, #tpu.memory_space<vmem_shared>> -> memref<3136xf32, #tpu.memory_space<vmem_shared>>
      %dma_wait3A_90 = arith.constant 0 : i32
      %dma_wait3A_91 = tpu.memref_slice %arg13[%dma_wait3A_90] : memref<50176xf32, #tpu.memory_space<vmem>> -> memref<3136xf32, #tpu.memory_space<vmem>>
      tpu.wait_dma2 semaphore(%run_scoped3A : memref<!tpu.dma_semaphore, #tpu.memory_space<semaphore_mem>>) src(%dma_wait3A_91 : memref<3136xf32, #tpu.memory_space<vmem>>) dst(%dma_wait3A_89 : memref<3136xf32, #tpu.memory_space<vmem_shared>>)
      tpu.yield
    }) : () -> ()
    %barrier3A_54 = arith.constant 0 : index
    tpu.barrier barrier_id(%barrier3A_54)
    tpu.enqueue_dma source(%arg24 : memref<50176xf32, #tpu.memory_space<vmem_shared>>) target(%arg13 : memref<50176xf32, #tpu.memory_space<vmem>>) target_semaphore(%arg23 : memref<!tpu.dma_semaphore, #tpu.memory_space<semaphore_mem>>)
    %scan3A = arith.constant 0 : i32
    %scan3A_55 = arith.constant 0 : i32
    %scan3A_56 = arith.constant 196 : i32
    %scan3A_57 = arith.addi %scan3A_55, %scan3A_56 : i32
    %scan3A_58 = arith.constant 1 : i32
    scf.for %scan3A_80 = %scan3A_55 to %scan3A_57 step %scan3A_58  : i32 {
      %broadcast_in_dim3A_81 = arith.constant 0.000000e+00 : f32
      %broadcast_in_dim3A_82 = vector.broadcast %broadcast_in_dim3A_81 : f32 to vector<16xf32>
      %mul3A_83 = arith.constant 16 : i32
      %mul3A_84 = arith.muli %scan3A_80, %mul3A_83 : i32
      %swap3A = arith.index_cast %mul3A_84 : i32 to index
      %swap3A_85 = tpu.vector_load %arg18[%swap3A] {strides = array<i32>} : memref<5120xf32, #tpu.memory_space<vmem>>, vector<16xf32>,
      tpu.vector_store %arg18[%swap3A], %broadcast_in_dim3A_82 {strides = array<i32>} : memref<5120xf32, #tpu.memory_space<vmem>>, vector<16xf32>,
    }
    %scan3A_59 = arith.constant 196 : i32
    tpu.wait_dma2 semaphore(%arg23 : memref<!tpu.dma_semaphore, #tpu.memory_space<semaphore_mem>>) src(%arg24 : memref<50176xf32, #tpu.memory_space<vmem_shared>>) dst(%arg13 : memref<50176xf32, #tpu.memory_space<vmem>>)
    %barrier3A_60 = arith.constant 0 : index
    tpu.barrier barrier_id(%barrier3A_60)
    "tpu.region"() ({
      %run_scoped3A = tpu.sem_alloc : memref<!tpu.dma_semaphore, #tpu.memory_space<semaphore_mem>>
      %dma_start3A_80 = arith.constant 0 : i32
      %dma_start3A_81 = tpu.memref_slice %arg18[%dma_start3A_80] : memref<5120xf32, #tpu.memory_space<vmem>> -> memref<3136xf32, #tpu.memory_space<vmem>>
      %dma_start3A_82 = tpu.memref_slice %arg24[%mul3A_2] : memref<50176xf32, #tpu.memory_space<vmem_shared>> -> memref<3136xf32, #tpu.memory_space<vmem_shared>>
      %dma_start3A_83 = tpu.memref_slice %arg24[%mul3A_2] : memref<50176xf32, #tpu.memory_space<vmem_shared>> -> memref<3136xf32, #tpu.memory_space<vmem_shared>>
      %dma_start3A_84 = arith.constant 0 : i32
      %dma_start3A_85 = tpu.memref_slice %arg18[%dma_start3A_84] : memref<5120xf32, #tpu.memory_space<vmem>> -> memref<3136xf32, #tpu.memory_space<vmem>>
      tpu.enqueue_dma source(%dma_start3A_85 : memref<3136xf32, #tpu.memory_space<vmem>>) target(%dma_start3A_83 : memref<3136xf32, #tpu.memory_space<vmem_shared>>) target_semaphore(%run_scoped3A : memref<!tpu.dma_semaphore, #tpu.memory_space<semaphore_mem>>)
      %dma_wait3A_86 = arith.constant 0 : i32
      %dma_wait3A_87 = tpu.memref_slice %arg18[%dma_wait3A_86] : memref<5120xf32, #tpu.memory_space<vmem>> -> memref<3136xf32, #tpu.memory_space<vmem>>
      %dma_wait3A_88 = tpu.memref_slice %arg24[%mul3A_2] : memref<50176xf32, #tpu.memory_space<vmem_shared>> -> memref<3136xf32, #tpu.memory_space<vmem_shared>>
      %dma_wait3A_89 = tpu.memref_slice %arg24[%mul3A_2] : memref<50176xf32, #tpu.memory_space<vmem_shared>> -> memref<3136xf32, #tpu.memory_space<vmem_shared>>
      %dma_wait3A_90 = arith.constant 0 : i32
      %dma_wait3A_91 = tpu.memref_slice %arg18[%dma_wait3A_90] : memref<5120xf32, #tpu.memory_space<vmem>> -> memref<3136xf32, #tpu.memory_space<vmem>>
      tpu.wait_dma2 semaphore(%run_scoped3A : memref<!tpu.dma_semaphore, #tpu.memory_space<semaphore_mem>>) src(%dma_wait3A_91 : memref<3136xf32, #tpu.memory_space<vmem>>) dst(%dma_wait3A_89 : memref<3136xf32, #tpu.memory_space<vmem_shared>>)
      tpu.yield
    }) : () -> ()
    %barrier3A_61 = arith.constant 0 : index
    tpu.barrier barrier_id(%barrier3A_61)
    %scan3A_62 = arith.constant 0 : i32
    %scan3A_63 = arith.constant 0 : i32
    %scan3A_64 = arith.constant 20 : i32
    %scan3A_65 = arith.addi %scan3A_63, %scan3A_64 : i32
    %scan3A_66 = arith.constant 1 : i32
    scf.for %scan3A_80 = %scan3A_63 to %scan3A_65 step %scan3A_66  : i32 {
      %mul3A_81 = arith.constant 32 : i32
      %mul3A_82 = arith.muli %scan3A_80, %mul3A_81 : i32
      %add3A_83 = arith.addi %add3A, %mul3A_82 : i32
      %lt3A_84 = arith.constant 625 : i32
      %lt3A_85 = arith.cmpi slt, %add3A_83, %lt3A_84 : i32
      %convert_element_type3A_86 = arith.extui %lt3A_85 : i1 to i32
      %cond3A_87 = arith.constant 0 : i32
      %cond3A_88 = arith.cmpi ne, %convert_element_type3A_86, %cond3A_87 : i32
      scf.if %cond3A_88 {
        %mul3A_89 = arith.constant 40 : i32
        %mul3A_90 = arith.muli %add3A_83, %mul3A_89 : i32
        %gt3A = arith.constant 0 : i32
        %gt3A_91 = arith.cmpi sgt, %scan3A_80, %gt3A : i32
        %convert_element_type3A_92 = arith.extui %gt3A_91 : i1 to i32
        %cond3A_93 = arith.constant 0 : i32
        %cond3A_94 = arith.cmpi ne, %convert_element_type3A_92, %cond3A_93 : i32
        scf.if %cond3A_94 {
          %mul3A_429 = arith.constant 128 : i32
          %mul3A_430 = arith.muli %mul3A_90, %mul3A_429 : i32
          %dma_start3A_431 = tpu.memref_slice %arg5[%mul3A_430] : memref<3200000xi32, #tpu.memory_space<hbm>> -> memref<5120xi32, #tpu.memory_space<hbm>>
          %dma_start3A_432 = tpu.memref_slice %arg5[%mul3A_430] : memref<3200000xi32, #tpu.memory_space<hbm>> -> memref<5120xi32, #tpu.memory_space<hbm>>
          tpu.enqueue_dma source(%dma_start3A_432 : memref<5120xi32, #tpu.memory_space<hbm>>) target(%arg15 : memref<5120xi32, #tpu.memory_space<vmem>>) target_semaphore(%arg22 : memref<!tpu.dma_semaphore, #tpu.memory_space<semaphore_mem>>)
          %dma_start3A_433 = arith.constant 0 : i32
          %dma_start3A_434 = tpu.memref_slice %arg6[%mul3A_90, %dma_start3A_433] : memref<25000x128xf32, #tpu.memory_space<hbm>> -> memref<40x128xf32, #tpu.memory_space<hbm>>
          %dma_start3A_435 = arith.constant 0 : i32
          %dma_start3A_436 = tpu.memref_slice %arg6[%mul3A_90, %dma_start3A_435] : memref<25000x128xf32, #tpu.memory_space<hbm>> -> memref<40x128xf32, #tpu.memory_space<hbm>>
          tpu.enqueue_dma source(%dma_start3A_436 : memref<40x128xf32, #tpu.memory_space<hbm>>) target(%arg16 : memref<40x128xf32, #tpu.memory_space<vmem>>) target_semaphore(%arg22 : memref<!tpu.dma_semaphore, #tpu.memory_space<semaphore_mem>>)
          %dma_start3A_437 = arith.constant 0 : i32
          %dma_start3A_438 = tpu.memref_slice %arg7[%mul3A_90, %dma_start3A_437] : memref<25000x128xf32, #tpu.memory_space<hbm>> -> memref<40x128xf32, #tpu.memory_space<hbm>>
          %dma_start3A_439 = arith.constant 0 : i32
          %dma_start3A_440 = tpu.memref_slice %arg7[%mul3A_90, %dma_start3A_439] : memref<25000x128xf32, #tpu.memory_space<hbm>> -> memref<40x128xf32, #tpu.memory_space<hbm>>
          tpu.enqueue_dma source(%dma_start3A_440 : memref<40x128xf32, #tpu.memory_space<hbm>>) target(%arg17 : memref<40x128xf32, #tpu.memory_space<vmem>>) target_semaphore(%arg22 : memref<!tpu.dma_semaphore, #tpu.memory_space<semaphore_mem>>)
          %dma_wait3A_441 = arith.constant 0 : i32
          %dma_wait3A_442 = arith.constant 0 : i32
          %dma_wait3A_443 = tpu.memref_slice %arg6[%dma_wait3A_441, %dma_wait3A_442] : memref<25000x128xf32, #tpu.memory_space<hbm>> -> memref<40x128xf32, #tpu.memory_space<hbm>>
          %dma_wait3A_444 = arith.constant 0 : i32
          %dma_wait3A_445 = arith.constant 0 : i32
          %dma_wait3A_446 = tpu.memref_slice %arg6[%dma_wait3A_444, %dma_wait3A_445] : memref<25000x128xf32, #tpu.memory_space<hbm>> -> memref<40x128xf32, #tpu.memory_space<hbm>>
          tpu.wait_dma2 semaphore(%arg23 : memref<!tpu.dma_semaphore, #tpu.memory_space<semaphore_mem>>) src(%dma_wait3A_446 : memref<40x128xf32, #tpu.memory_space<hbm>>) dst(%arg16 : memref<40x128xf32, #tpu.memory_space<vmem>>)
          %dma_start3A_447 = arith.constant 0 : i32
          %dma_start3A_448 = tpu.memref_slice %arg4[%mul3A_90, %dma_start3A_447] : memref<25000x128xi32, #tpu.memory_space<hbm>> -> memref<40x128xi32, #tpu.memory_space<hbm>>
          %dma_start3A_449 = arith.constant 0 : i32
          %dma_start3A_450 = tpu.memref_slice %arg4[%mul3A_90, %dma_start3A_449] : memref<25000x128xi32, #tpu.memory_space<hbm>> -> memref<40x128xi32, #tpu.memory_space<hbm>>
          tpu.enqueue_dma source(%dma_start3A_450 : memref<40x128xi32, #tpu.memory_space<hbm>>) target(%arg14 : memref<40x128xi32, #tpu.memory_space<vmem>>) target_semaphore(%arg22 : memref<!tpu.dma_semaphore, #tpu.memory_space<semaphore_mem>>)
        } else {
        }
        %dma_wait3A_95 = arith.constant 0 : i32
        %dma_wait3A_96 = tpu.memref_slice %arg12[%dma_wait3A_95] : memref<50176xf32, #tpu.memory_space<vmem>> -> memref<20480xf32, #tpu.memory_space<vmem>>
        %dma_wait3A_97 = arith.constant 0 : i32
        %dma_wait3A_98 = tpu.memref_slice %arg3[%dma_wait3A_97] : memref<50000xf32, #tpu.memory_space<hbm>> -> memref<20480xf32, #tpu.memory_space<hbm>>
        %dma_wait3A_99 = arith.constant 0 : i32
        %dma_wait3A_100 = tpu.memref_slice %arg12[%dma_wait3A_99] : memref<50176xf32, #tpu.memory_space<vmem>> -> memref<20480xf32, #tpu.memory_space<vmem>>
        %dma_wait3A_101 = arith.constant 0 : i32
        %dma_wait3A_102 = tpu.memref_slice %arg3[%dma_wait3A_101] : memref<50000xf32, #tpu.memory_space<hbm>> -> memref<20480xf32, #tpu.memory_space<hbm>>
        tpu.wait_dma2 semaphore(%arg22 : memref<!tpu.dma_semaphore, #tpu.memory_space<semaphore_mem>>) src(%dma_wait3A_102 : memref<20480xf32, #tpu.memory_space<hbm>>) dst(%dma_wait3A_100 : memref<20480xf32, #tpu.memory_space<vmem>>)
        %parallel_loop3A_103 = arith.constant 0 : i32
        %parallel_loop3A_104 = arith.constant 20 : i32
        %parallel_loop3A_105 = arith.constant 1 : i32
        scf.for %parallel_loop3A_429 = %parallel_loop3A_103 to %parallel_loop3A_104 step %parallel_loop3A_105  : i32 {
          %parallel_loop3A_430 = arith.index_cast %parallel_loop3A_429 : i32 to index
          %parallel_loop3A_431 = arith.constant 0 : index
          %parallel_loop3A_432 = tpu.vector_load %arg14[%parallel_loop3A_430, %parallel_loop3A_431] {strides = array<i32>} : memref<40x128xi32, #tpu.memory_space<vmem>>, vector<16xi32>,
          %parallel_loop3A_433 = arith.constant 128 : i32
          %parallel_loop3A_434 = arith.muli %parallel_loop3A_429, %parallel_loop3A_433 : i32
          %parallel_loop3A_435 = arith.constant 0 : i32
          %parallel_loop3A_436 = arith.addi %parallel_loop3A_434, %parallel_loop3A_435 : i32
          %parallel_loop3A_437 = arith.index_cast %parallel_loop3A_436 : i32 to index
          %parallel_loop3A_438 = tpu.vector_load %arg15[%parallel_loop3A_437] {strides = array<i32>} : memref<5120xi32, #tpu.memory_space<vmem>>, vector<16xi32>,
          %parallel_loop3A_439 = tpu.vector_load_idx %arg12[%parallel_loop3A_432] : memref<50176xf32, #tpu.memory_space<vmem>>[vector<16xi32>], vector<16xf32>,
          %parallel_loop3A_440 = tpu.vector_load_idx %arg12[%parallel_loop3A_438] : memref<50176xf32, #tpu.memory_space<vmem>>[vector<16xi32>], vector<16xf32>,
          %parallel_loop3A_441 = tpu.vector_load_idx %arg13[%parallel_loop3A_432] : memref<50176xf32, #tpu.memory_space<vmem>>[vector<16xi32>], vector<16xf32>,
          %parallel_loop3A_442 = tpu.vector_load_idx %arg13[%parallel_loop3A_438] : memref<50176xf32, #tpu.memory_space<vmem>>[vector<16xi32>], vector<16xf32>,
          %parallel_loop3A_443 = vector.bitcast %parallel_loop3A_441 : vector<16xf32> to vector<16xi32>
          %parallel_loop3A_444 = vector.bitcast %parallel_loop3A_442 : vector<16xf32> to vector<16xi32>
          %parallel_loop3A_445 = arith.andi %parallel_loop3A_443, %broadcast_in_dim3A_41 : vector<16xi32>
          %parallel_loop3A_446 = arith.sitofp %parallel_loop3A_445 : vector<16xi32> to vector<16xf32>
          %parallel_loop3A_447 = arith.addf %parallel_loop3A_446, %broadcast_in_dim3A_39 : vector<16xf32>
          %parallel_loop3A_448 = arith.andi %parallel_loop3A_444, %broadcast_in_dim3A_41 : vector<16xi32>
          %parallel_loop3A_449 = arith.sitofp %parallel_loop3A_448 : vector<16xi32> to vector<16xf32>
          %parallel_loop3A_450 = arith.addf %parallel_loop3A_449, %broadcast_in_dim3A_39 : vector<16xf32>
          %parallel_loop3A_451 = arith.index_cast %parallel_loop3A_429 : i32 to index
          %parallel_loop3A_452 = arith.constant 0 : index
          %parallel_loop3A_453 = tpu.vector_load %arg16[%parallel_loop3A_451, %parallel_loop3A_452] {strides = array<i32>} : memref<40x128xf32, #tpu.memory_space<vmem>>, vector<16xf32>,
          %parallel_loop3A_454 = arith.mulf %parallel_loop3A_453, %parallel_loop3A_441 : vector<16xf32>
          %parallel_loop3A_455 = arith.mulf %parallel_loop3A_453, %parallel_loop3A_442 : vector<16xf32>
          %parallel_loop3A_456 = math.exp %parallel_loop3A_454 : vector<16xf32>
          %parallel_loop3A_457 = math.exp %parallel_loop3A_455 : vector<16xf32>
          %parallel_loop3A_458 = arith.mulf %parallel_loop3A_454, %get3A_32 : vector<16xf32>
          %parallel_loop3A_459 = math.exp %parallel_loop3A_458 : vector<16xf32>
          %parallel_loop3A_460 = arith.mulf %parallel_loop3A_455, %get3A_32 : vector<16xf32>
          %parallel_loop3A_461 = math.exp %parallel_loop3A_460 : vector<16xf32>
          %parallel_loop3A_462 = arith.subf %parallel_loop3A_447, %parallel_loop3A_439 : vector<16xf32>
          %parallel_loop3A_463 = arith.subf %parallel_loop3A_450, %parallel_loop3A_440 : vector<16xf32>
          %parallel_loop3A_464 = arith.subf %parallel_loop3A_459, %broadcast_in_dim3A_39 : vector<16xf32>
          %parallel_loop3A_465 = arith.mulf %parallel_loop3A_462, %parallel_loop3A_464 : vector<16xf32>
          %parallel_loop3A_466 = arith.subf %parallel_loop3A_461, %broadcast_in_dim3A_39 : vector<16xf32>
          %parallel_loop3A_467 = arith.mulf %parallel_loop3A_463, %parallel_loop3A_466 : vector<16xf32>
          %parallel_loop3A_468 = arith.mulf %parallel_loop3A_450, %parallel_loop3A_462 : vector<16xf32>
          %parallel_loop3A_469 = arith.mulf %parallel_loop3A_468, %parallel_loop3A_456 : vector<16xf32>
          %parallel_loop3A_470 = arith.mulf %parallel_loop3A_447, %parallel_loop3A_463 : vector<16xf32>
          %parallel_loop3A_471 = arith.mulf %parallel_loop3A_470, %parallel_loop3A_457 : vector<16xf32>
          %parallel_loop3A_472 = arith.addf %parallel_loop3A_469, %parallel_loop3A_471 : vector<16xf32>
          %parallel_loop3A_473 = arith.mulf %parallel_loop3A_465, %parallel_loop3A_467 : vector<16xf32>
          %parallel_loop3A_474 = arith.addf %parallel_loop3A_472, %parallel_loop3A_473 : vector<16xf32>
          %parallel_loop3A_475 = arith.mulf %parallel_loop3A_462, %parallel_loop3A_463 : vector<16xf32>
          %parallel_loop3A_476 = arith.subf %parallel_loop3A_474, %parallel_loop3A_475 : vector<16xf32>
          %parallel_loop3A_477 = arith.mulf %parallel_loop3A_439, %parallel_loop3A_440 : vector<16xf32>
          %parallel_loop3A_478 = arith.addf %parallel_loop3A_476, %parallel_loop3A_477 : vector<16xf32>
          %parallel_loop3A_479 = arith.index_cast %parallel_loop3A_429 : i32 to index
          %parallel_loop3A_480 = arith.constant 0 : index
          %parallel_loop3A_481 = tpu.vector_load %arg17[%parallel_loop3A_479, %parallel_loop3A_480] {strides = array<i32>} : memref<40x128xf32, #tpu.memory_space<vmem>>, vector<16xf32>,
          %parallel_loop3A_482 = arith.mulf %parallel_loop3A_478, %parallel_loop3A_481 : vector<16xf32>
          %parallel_loop3A_483 = arith.divf %parallel_loop3A_482, %parallel_loop3A_453 : vector<16xf32>
          %parallel_loop3A_484 = arith.constant 128 : i32
          %parallel_loop3A_485 = arith.muli %parallel_loop3A_429, %parallel_loop3A_484 : i32
          %parallel_loop3A_486 = arith.constant 0 : i32
          %parallel_loop3A_487 = arith.addi %parallel_loop3A_485, %parallel_loop3A_486 : i32
          %parallel_loop3A_488 = arith.index_cast %parallel_loop3A_487 : i32 to index
          %parallel_loop3A_489 = tpu.vector_load %arg18[%parallel_loop3A_488] {strides = array<i32>} : memref<5120xf32, #tpu.memory_space<vmem>>, vector<16xf32>,
          tpu.vector_store %arg18[%parallel_loop3A_488], %parallel_loop3A_483 {strides = array<i32>} : memref<5120xf32, #tpu.memory_space<vmem>>, vector<16xf32>,
          %parallel_loop3A_490 = arith.index_cast %parallel_loop3A_429 : i32 to index
          %parallel_loop3A_491 = arith.constant 16 : index
          %parallel_loop3A_492 = tpu.vector_load %arg14[%parallel_loop3A_490, %parallel_loop3A_491] {strides = array<i32>} : memref<40x128xi32, #tpu.memory_space<vmem>>, vector<16xi32>,
          %parallel_loop3A_493 = arith.constant 128 : i32
          %parallel_loop3A_494 = arith.muli %parallel_loop3A_429, %parallel_loop3A_493 : i32
          %parallel_loop3A_495 = arith.constant 16 : i32
          %parallel_loop3A_496 = arith.addi %parallel_loop3A_494, %parallel_loop3A_495 : i32
          %parallel_loop3A_497 = arith.index_cast %parallel_loop3A_496 : i32 to index
          %parallel_loop3A_498 = tpu.vector_load %arg15[%parallel_loop3A_497] {strides = array<i32>} : memref<5120xi32, #tpu.memory_space<vmem>>, vector<16xi32>,
          %parallel_loop3A_499 = tpu.vector_load_idx %arg12[%parallel_loop3A_492] : memref<50176xf32, #tpu.memory_space<vmem>>[vector<16xi32>], vector<16xf32>,
          %parallel_loop3A_500 = tpu.vector_load_idx %arg12[%parallel_loop3A_498] : memref<50176xf32, #tpu.memory_space<vmem>>[vector<16xi32>], vector<16xf32>,
          %parallel_loop3A_501 = tpu.vector_load_idx %arg13[%parallel_loop3A_492] : memref<50176xf32, #tpu.memory_space<vmem>>[vector<16xi32>], vector<16xf32>,
          %parallel_loop3A_502 = tpu.vector_load_idx %arg13[%parallel_loop3A_498] : memref<50176xf32, #tpu.memory_space<vmem>>[vector<16xi32>], vector<16xf32>,
          %parallel_loop3A_503 = vector.bitcast %parallel_loop3A_501 : vector<16xf32> to vector<16xi32>
          %parallel_loop3A_504 = vector.bitcast %parallel_loop3A_502 : vector<16xf32> to vector<16xi32>
          %parallel_loop3A_505 = arith.andi %parallel_loop3A_503, %broadcast_in_dim3A_41 : vector<16xi32>
          %parallel_loop3A_506 = arith.sitofp %parallel_loop3A_505 : vector<16xi32> to vector<16xf32>
          %parallel_loop3A_507 = arith.addf %parallel_loop3A_506, %broadcast_in_dim3A_39 : vector<16xf32>
          %parallel_loop3A_508 = arith.andi %parallel_loop3A_504, %broadcast_in_dim3A_41 : vector<16xi32>
          %parallel_loop3A_509 = arith.sitofp %parallel_loop3A_508 : vector<16xi32> to vector<16xf32>
          %parallel_loop3A_510 = arith.addf %parallel_loop3A_509, %broadcast_in_dim3A_39 : vector<16xf32>
          %parallel_loop3A_511 = arith.index_cast %parallel_loop3A_429 : i32 to index
          %parallel_loop3A_512 = arith.constant 16 : index
          %parallel_loop3A_513 = tpu.vector_load %arg16[%parallel_loop3A_511, %parallel_loop3A_512] {strides = array<i32>} : memref<40x128xf32, #tpu.memory_space<vmem>>, vector<16xf32>,
          %parallel_loop3A_514 = arith.mulf %parallel_loop3A_513, %parallel_loop3A_501 : vector<16xf32>
          %parallel_loop3A_515 = arith.mulf %parallel_loop3A_513, %parallel_loop3A_502 : vector<16xf32>
          %parallel_loop3A_516 = math.exp %parallel_loop3A_514 : vector<16xf32>
          %parallel_loop3A_517 = math.exp %parallel_loop3A_515 : vector<16xf32>
          %parallel_loop3A_518 = arith.mulf %parallel_loop3A_514, %get3A_32 : vector<16xf32>
          %parallel_loop3A_519 = math.exp %parallel_loop3A_518 : vector<16xf32>
          %parallel_loop3A_520 = arith.mulf %parallel_loop3A_515, %get3A_32 : vector<16xf32>
          %parallel_loop3A_521 = math.exp %parallel_loop3A_520 : vector<16xf32>
          %parallel_loop3A_522 = arith.subf %parallel_loop3A_507, %parallel_loop3A_499 : vector<16xf32>
          %parallel_loop3A_523 = arith.subf %parallel_loop3A_510, %parallel_loop3A_500 : vector<16xf32>
          %parallel_loop3A_524 = arith.subf %parallel_loop3A_519, %broadcast_in_dim3A_39 : vector<16xf32>
          %parallel_loop3A_525 = arith.mulf %parallel_loop3A_522, %parallel_loop3A_524 : vector<16xf32>
          %parallel_loop3A_526 = arith.subf %parallel_loop3A_521, %broadcast_in_dim3A_39 : vector<16xf32>
          %parallel_loop3A_527 = arith.mulf %parallel_loop3A_523, %parallel_loop3A_526 : vector<16xf32>
          %parallel_loop3A_528 = arith.mulf %parallel_loop3A_510, %parallel_loop3A_522 : vector<16xf32>
          %parallel_loop3A_529 = arith.mulf %parallel_loop3A_528, %parallel_loop3A_516 : vector<16xf32>
          %parallel_loop3A_530 = arith.mulf %parallel_loop3A_507, %parallel_loop3A_523 : vector<16xf32>
          %parallel_loop3A_531 = arith.mulf %parallel_loop3A_530, %parallel_loop3A_517 : vector<16xf32>
          %parallel_loop3A_532 = arith.addf %parallel_loop3A_529, %parallel_loop3A_531 : vector<16xf32>
          %parallel_loop3A_533 = arith.mulf %parallel_loop3A_525, %parallel_loop3A_527 : vector<16xf32>
          %parallel_loop3A_534 = arith.addf %parallel_loop3A_532, %parallel_loop3A_533 : vector<16xf32>
          %parallel_loop3A_535 = arith.mulf %parallel_loop3A_522, %parallel_loop3A_523 : vector<16xf32>
          %parallel_loop3A_536 = arith.subf %parallel_loop3A_534, %parallel_loop3A_535 : vector<16xf32>
          %parallel_loop3A_537 = arith.mulf %parallel_loop3A_499, %parallel_loop3A_500 : vector<16xf32>
          %parallel_loop3A_538 = arith.addf %parallel_loop3A_536, %parallel_loop3A_537 : vector<16xf32>
          %parallel_loop3A_539 = arith.index_cast %parallel_loop3A_429 : i32 to index
          %parallel_loop3A_540 = arith.constant 16 : index
          %parallel_loop3A_541 = tpu.vector_load %arg17[%parallel_loop3A_539, %parallel_loop3A_540] {strides = array<i32>} : memref<40x128xf32, #tpu.memory_space<vmem>>, vector<16xf32>,
          %parallel_loop3A_542 = arith.mulf %parallel_loop3A_538, %parallel_loop3A_541 : vector<16xf32>
          %parallel_loop3A_543 = arith.divf %parallel_loop3A_542, %parallel_loop3A_513 : vector<16xf32>
          %parallel_loop3A_544 = arith.constant 128 : i32
          %parallel_loop3A_545 = arith.muli %parallel_loop3A_429, %parallel_loop3A_544 : i32
          %parallel_loop3A_546 = arith.constant 16 : i32
          %parallel_loop3A_547 = arith.addi %parallel_loop3A_545, %parallel_loop3A_546 : i32
          %parallel_loop3A_548 = arith.index_cast %parallel_loop3A_547 : i32 to index
          %parallel_loop3A_549 = tpu.vector_load %arg18[%parallel_loop3A_548] {strides = array<i32>} : memref<5120xf32, #tpu.memory_space<vmem>>, vector<16xf32>,
          tpu.vector_store %arg18[%parallel_loop3A_548], %parallel_loop3A_543 {strides = array<i32>} : memref<5120xf32, #tpu.memory_space<vmem>>, vector<16xf32>,
          %parallel_loop3A_550 = arith.index_cast %parallel_loop3A_429 : i32 to index
          %parallel_loop3A_551 = arith.constant 32 : index
          %parallel_loop3A_552 = tpu.vector_load %arg14[%parallel_loop3A_550, %parallel_loop3A_551] {strides = array<i32>} : memref<40x128xi32, #tpu.memory_space<vmem>>, vector<16xi32>,
          %parallel_loop3A_553 = arith.constant 128 : i32
          %parallel_loop3A_554 = arith.muli %parallel_loop3A_429, %parallel_loop3A_553 : i32
          %parallel_loop3A_555 = arith.constant 32 : i32
          %parallel_loop3A_556 = arith.addi %parallel_loop3A_554, %parallel_loop3A_555 : i32
          %parallel_loop3A_557 = arith.index_cast %parallel_loop3A_556 : i32 to index
          %parallel_loop3A_558 = tpu.vector_load %arg15[%parallel_loop3A_557] {strides = array<i32>} : memref<5120xi32, #tpu.memory_space<vmem>>, vector<16xi32>,
          %parallel_loop3A_559 = tpu.vector_load_idx %arg12[%parallel_loop3A_552] : memref<50176xf32, #tpu.memory_space<vmem>>[vector<16xi32>], vector<16xf32>,
          %parallel_loop3A_560 = tpu.vector_load_idx %arg12[%parallel_loop3A_558] : memref<50176xf32, #tpu.memory_space<vmem>>[vector<16xi32>], vector<16xf32>,
          %parallel_loop3A_561 = tpu.vector_load_idx %arg13[%parallel_loop3A_552] : memref<50176xf32, #tpu.memory_space<vmem>>[vector<16xi32>], vector<16xf32>,
          %parallel_loop3A_562 = tpu.vector_load_idx %arg13[%parallel_loop3A_558] : memref<50176xf32, #tpu.memory_space<vmem>>[vector<16xi32>], vector<16xf32>,
          %parallel_loop3A_563 = vector.bitcast %parallel_loop3A_561 : vector<16xf32> to vector<16xi32>
          %parallel_loop3A_564 = vector.bitcast %parallel_loop3A_562 : vector<16xf32> to vector<16xi32>
          %parallel_loop3A_565 = arith.andi %parallel_loop3A_563, %broadcast_in_dim3A_41 : vector<16xi32>
          %parallel_loop3A_566 = arith.sitofp %parallel_loop3A_565 : vector<16xi32> to vector<16xf32>
          %parallel_loop3A_567 = arith.addf %parallel_loop3A_566, %broadcast_in_dim3A_39 : vector<16xf32>
          %parallel_loop3A_568 = arith.andi %parallel_loop3A_564, %broadcast_in_dim3A_41 : vector<16xi32>
          %parallel_loop3A_569 = arith.sitofp %parallel_loop3A_568 : vector<16xi32> to vector<16xf32>
          %parallel_loop3A_570 = arith.addf %parallel_loop3A_569, %broadcast_in_dim3A_39 : vector<16xf32>
          %parallel_loop3A_571 = arith.index_cast %parallel_loop3A_429 : i32 to index
          %parallel_loop3A_572 = arith.constant 32 : index
          %parallel_loop3A_573 = tpu.vector_load %arg16[%parallel_loop3A_571, %parallel_loop3A_572] {strides = array<i32>} : memref<40x128xf32, #tpu.memory_space<vmem>>, vector<16xf32>,
          %parallel_loop3A_574 = arith.mulf %parallel_loop3A_573, %parallel_loop3A_561 : vector<16xf32>
          %parallel_loop3A_575 = arith.mulf %parallel_loop3A_573, %parallel_loop3A_562 : vector<16xf32>
          %parallel_loop3A_576 = math.exp %parallel_loop3A_574 : vector<16xf32>
          %parallel_loop3A_577 = math.exp %parallel_loop3A_575 : vector<16xf32>
          %parallel_loop3A_578 = arith.mulf %parallel_loop3A_574, %get3A_32 : vector<16xf32>
          %parallel_loop3A_579 = math.exp %parallel_loop3A_578 : vector<16xf32>
          %parallel_loop3A_580 = arith.mulf %parallel_loop3A_575, %get3A_32 : vector<16xf32>
          %parallel_loop3A_581 = math.exp %parallel_loop3A_580 : vector<16xf32>
          %parallel_loop3A_582 = arith.subf %parallel_loop3A_567, %parallel_loop3A_559 : vector<16xf32>
          %parallel_loop3A_583 = arith.subf %parallel_loop3A_570, %parallel_loop3A_560 : vector<16xf32>
          %parallel_loop3A_584 = arith.subf %parallel_loop3A_579, %broadcast_in_dim3A_39 : vector<16xf32>
          %parallel_loop3A_585 = arith.mulf %parallel_loop3A_582, %parallel_loop3A_584 : vector<16xf32>
          %parallel_loop3A_586 = arith.subf %parallel_loop3A_581, %broadcast_in_dim3A_39 : vector<16xf32>
          %parallel_loop3A_587 = arith.mulf %parallel_loop3A_583, %parallel_loop3A_586 : vector<16xf32>
          %parallel_loop3A_588 = arith.mulf %parallel_loop3A_570, %parallel_loop3A_582 : vector<16xf32>
          %parallel_loop3A_589 = arith.mulf %parallel_loop3A_588, %parallel_loop3A_576 : vector<16xf32>
          %parallel_loop3A_590 = arith.mulf %parallel_loop3A_567, %parallel_loop3A_583 : vector<16xf32>
          %parallel_loop3A_591 = arith.mulf %parallel_loop3A_590, %parallel_loop3A_577 : vector<16xf32>
          %parallel_loop3A_592 = arith.addf %parallel_loop3A_589, %parallel_loop3A_591 : vector<16xf32>
          %parallel_loop3A_593 = arith.mulf %parallel_loop3A_585, %parallel_loop3A_587 : vector<16xf32>
          %parallel_loop3A_594 = arith.addf %parallel_loop3A_592, %parallel_loop3A_593 : vector<16xf32>
          %parallel_loop3A_595 = arith.mulf %parallel_loop3A_582, %parallel_loop3A_583 : vector<16xf32>
          %parallel_loop3A_596 = arith.subf %parallel_loop3A_594, %parallel_loop3A_595 : vector<16xf32>
          %parallel_loop3A_597 = arith.mulf %parallel_loop3A_559, %parallel_loop3A_560 : vector<16xf32>
          %parallel_loop3A_598 = arith.addf %parallel_loop3A_596, %parallel_loop3A_597 : vector<16xf32>
          %parallel_loop3A_599 = arith.index_cast %parallel_loop3A_429 : i32 to index
          %parallel_loop3A_600 = arith.constant 32 : index
          %parallel_loop3A_601 = tpu.vector_load %arg17[%parallel_loop3A_599, %parallel_loop3A_600] {strides = array<i32>} : memref<40x128xf32, #tpu.memory_space<vmem>>, vector<16xf32>,
          %parallel_loop3A_602 = arith.mulf %parallel_loop3A_598, %parallel_loop3A_601 : vector<16xf32>
          %parallel_loop3A_603 = arith.divf %parallel_loop3A_602, %parallel_loop3A_573 : vector<16xf32>
          %parallel_loop3A_604 = arith.constant 128 : i32
          %parallel_loop3A_605 = arith.muli %parallel_loop3A_429, %parallel_loop3A_604 : i32
          %parallel_loop3A_606 = arith.constant 32 : i32
          %parallel_loop3A_607 = arith.addi %parallel_loop3A_605, %parallel_loop3A_606 : i32
          %parallel_loop3A_608 = arith.index_cast %parallel_loop3A_607 : i32 to index
          %parallel_loop3A_609 = tpu.vector_load %arg18[%parallel_loop3A_608] {strides = array<i32>} : memref<5120xf32, #tpu.memory_space<vmem>>, vector<16xf32>,
          tpu.vector_store %arg18[%parallel_loop3A_608], %parallel_loop3A_603 {strides = array<i32>} : memref<5120xf32, #tpu.memory_space<vmem>>, vector<16xf32>,
          %parallel_loop3A_610 = arith.index_cast %parallel_loop3A_429 : i32 to index
          %parallel_loop3A_611 = arith.constant 48 : index
          %parallel_loop3A_612 = tpu.vector_load %arg14[%parallel_loop3A_610, %parallel_loop3A_611] {strides = array<i32>} : memref<40x128xi32, #tpu.memory_space<vmem>>, vector<16xi32>,
          %parallel_loop3A_613 = arith.constant 128 : i32
          %parallel_loop3A_614 = arith.muli %parallel_loop3A_429, %parallel_loop3A_613 : i32
          %parallel_loop3A_615 = arith.constant 48 : i32
          %parallel_loop3A_616 = arith.addi %parallel_loop3A_614, %parallel_loop3A_615 : i32
          %parallel_loop3A_617 = arith.index_cast %parallel_loop3A_616 : i32 to index
          %parallel_loop3A_618 = tpu.vector_load %arg15[%parallel_loop3A_617] {strides = array<i32>} : memref<5120xi32, #tpu.memory_space<vmem>>, vector<16xi32>,
          %parallel_loop3A_619 = tpu.vector_load_idx %arg12[%parallel_loop3A_612] : memref<50176xf32, #tpu.memory_space<vmem>>[vector<16xi32>], vector<16xf32>,
          %parallel_loop3A_620 = tpu.vector_load_idx %arg12[%parallel_loop3A_618] : memref<50176xf32, #tpu.memory_space<vmem>>[vector<16xi32>], vector<16xf32>,
          %parallel_loop3A_621 = tpu.vector_load_idx %arg13[%parallel_loop3A_612] : memref<50176xf32, #tpu.memory_space<vmem>>[vector<16xi32>], vector<16xf32>,
          %parallel_loop3A_622 = tpu.vector_load_idx %arg13[%parallel_loop3A_618] : memref<50176xf32, #tpu.memory_space<vmem>>[vector<16xi32>], vector<16xf32>,
          %parallel_loop3A_623 = vector.bitcast %parallel_loop3A_621 : vector<16xf32> to vector<16xi32>
          %parallel_loop3A_624 = vector.bitcast %parallel_loop3A_622 : vector<16xf32> to vector<16xi32>
          %parallel_loop3A_625 = arith.andi %parallel_loop3A_623, %broadcast_in_dim3A_41 : vector<16xi32>
          %parallel_loop3A_626 = arith.sitofp %parallel_loop3A_625 : vector<16xi32> to vector<16xf32>
          %parallel_loop3A_627 = arith.addf %parallel_loop3A_626, %broadcast_in_dim3A_39 : vector<16xf32>
          %parallel_loop3A_628 = arith.andi %parallel_loop3A_624, %broadcast_in_dim3A_41 : vector<16xi32>
          %parallel_loop3A_629 = arith.sitofp %parallel_loop3A_628 : vector<16xi32> to vector<16xf32>
          %parallel_loop3A_630 = arith.addf %parallel_loop3A_629, %broadcast_in_dim3A_39 : vector<16xf32>
          %parallel_loop3A_631 = arith.index_cast %parallel_loop3A_429 : i32 to index
          %parallel_loop3A_632 = arith.constant 48 : index
          %parallel_loop3A_633 = tpu.vector_load %arg16[%parallel_loop3A_631, %parallel_loop3A_632] {strides = array<i32>} : memref<40x128xf32, #tpu.memory_space<vmem>>, vector<16xf32>,
          %parallel_loop3A_634 = arith.mulf %parallel_loop3A_633, %parallel_loop3A_621 : vector<16xf32>
          %parallel_loop3A_635 = arith.mulf %parallel_loop3A_633, %parallel_loop3A_622 : vector<16xf32>
          %parallel_loop3A_636 = math.exp %parallel_loop3A_634 : vector<16xf32>
          %parallel_loop3A_637 = math.exp %parallel_loop3A_635 : vector<16xf32>
          %parallel_loop3A_638 = arith.mulf %parallel_loop3A_634, %get3A_32 : vector<16xf32>
          %parallel_loop3A_639 = math.exp %parallel_loop3A_638 : vector<16xf32>
          %parallel_loop3A_640 = arith.mulf %parallel_loop3A_635, %get3A_32 : vector<16xf32>
          %parallel_loop3A_641 = math.exp %parallel_loop3A_640 : vector<16xf32>
          %parallel_loop3A_642 = arith.subf %parallel_loop3A_627, %parallel_loop3A_619 : vector<16xf32>
          %parallel_loop3A_643 = arith.subf %parallel_loop3A_630, %parallel_loop3A_620 : vector<16xf32>
          %parallel_loop3A_644 = arith.subf %parallel_loop3A_639, %broadcast_in_dim3A_39 : vector<16xf32>
          %parallel_loop3A_645 = arith.mulf %parallel_loop3A_642, %parallel_loop3A_644 : vector<16xf32>
          %parallel_loop3A_646 = arith.subf %parallel_loop3A_641, %broadcast_in_dim3A_39 : vector<16xf32>
          %parallel_loop3A_647 = arith.mulf %parallel_loop3A_643, %parallel_loop3A_646 : vector<16xf32>
          %parallel_loop3A_648 = arith.mulf %parallel_loop3A_630, %parallel_loop3A_642 : vector<16xf32>
          %parallel_loop3A_649 = arith.mulf %parallel_loop3A_648, %parallel_loop3A_636 : vector<16xf32>
          %parallel_loop3A_650 = arith.mulf %parallel_loop3A_627, %parallel_loop3A_643 : vector<16xf32>
          %parallel_loop3A_651 = arith.mulf %parallel_loop3A_650, %parallel_loop3A_637 : vector<16xf32>
          %parallel_loop3A_652 = arith.addf %parallel_loop3A_649, %parallel_loop3A_651 : vector<16xf32>
          %parallel_loop3A_653 = arith.mulf %parallel_loop3A_645, %parallel_loop3A_647 : vector<16xf32>
          %parallel_loop3A_654 = arith.addf %parallel_loop3A_652, %parallel_loop3A_653 : vector<16xf32>
          %parallel_loop3A_655 = arith.mulf %parallel_loop3A_642, %parallel_loop3A_643 : vector<16xf32>
          %parallel_loop3A_656 = arith.subf %parallel_loop3A_654, %parallel_loop3A_655 : vector<16xf32>
          %parallel_loop3A_657 = arith.mulf %parallel_loop3A_619, %parallel_loop3A_620 : vector<16xf32>
          %parallel_loop3A_658 = arith.addf %parallel_loop3A_656, %parallel_loop3A_657 : vector<16xf32>
          %parallel_loop3A_659 = arith.index_cast %parallel_loop3A_429 : i32 to index
          %parallel_loop3A_660 = arith.constant 48 : index
          %parallel_loop3A_661 = tpu.vector_load %arg17[%parallel_loop3A_659, %parallel_loop3A_660] {strides = array<i32>} : memref<40x128xf32, #tpu.memory_space<vmem>>, vector<16xf32>,
          %parallel_loop3A_662 = arith.mulf %parallel_loop3A_658, %parallel_loop3A_661 : vector<16xf32>
          %parallel_loop3A_663 = arith.divf %parallel_loop3A_662, %parallel_loop3A_633 : vector<16xf32>
          %parallel_loop3A_664 = arith.constant 128 : i32
          %parallel_loop3A_665 = arith.muli %parallel_loop3A_429, %parallel_loop3A_664 : i32
          %parallel_loop3A_666 = arith.constant 48 : i32
          %parallel_loop3A_667 = arith.addi %parallel_loop3A_665, %parallel_loop3A_666 : i32
          %parallel_loop3A_668 = arith.index_cast %parallel_loop3A_667 : i32 to index
          %parallel_loop3A_669 = tpu.vector_load %arg18[%parallel_loop3A_668] {strides = array<i32>} : memref<5120xf32, #tpu.memory_space<vmem>>, vector<16xf32>,
          tpu.vector_store %arg18[%parallel_loop3A_668], %parallel_loop3A_663 {strides = array<i32>} : memref<5120xf32, #tpu.memory_space<vmem>>, vector<16xf32>,
          %parallel_loop3A_670 = arith.index_cast %parallel_loop3A_429 : i32 to index
          %parallel_loop3A_671 = arith.constant 64 : index
          %parallel_loop3A_672 = tpu.vector_load %arg14[%parallel_loop3A_670, %parallel_loop3A_671] {strides = array<i32>} : memref<40x128xi32, #tpu.memory_space<vmem>>, vector<16xi32>,
          %parallel_loop3A_673 = arith.constant 128 : i32
          %parallel_loop3A_674 = arith.muli %parallel_loop3A_429, %parallel_loop3A_673 : i32
          %parallel_loop3A_675 = arith.constant 64 : i32
          %parallel_loop3A_676 = arith.addi %parallel_loop3A_674, %parallel_loop3A_675 : i32
          %parallel_loop3A_677 = arith.index_cast %parallel_loop3A_676 : i32 to index
          %parallel_loop3A_678 = tpu.vector_load %arg15[%parallel_loop3A_677] {strides = array<i32>} : memref<5120xi32, #tpu.memory_space<vmem>>, vector<16xi32>,
          %parallel_loop3A_679 = tpu.vector_load_idx %arg12[%parallel_loop3A_672] : memref<50176xf32, #tpu.memory_space<vmem>>[vector<16xi32>], vector<16xf32>,
          %parallel_loop3A_680 = tpu.vector_load_idx %arg12[%parallel_loop3A_678] : memref<50176xf32, #tpu.memory_space<vmem>>[vector<16xi32>], vector<16xf32>,
          %parallel_loop3A_681 = tpu.vector_load_idx %arg13[%parallel_loop3A_672] : memref<50176xf32, #tpu.memory_space<vmem>>[vector<16xi32>], vector<16xf32>,
          %parallel_loop3A_682 = tpu.vector_load_idx %arg13[%parallel_loop3A_678] : memref<50176xf32, #tpu.memory_space<vmem>>[vector<16xi32>], vector<16xf32>,
          %parallel_loop3A_683 = vector.bitcast %parallel_loop3A_681 : vector<16xf32> to vector<16xi32>
          %parallel_loop3A_684 = vector.bitcast %parallel_loop3A_682 : vector<16xf32> to vector<16xi32>
          %parallel_loop3A_685 = arith.andi %parallel_loop3A_683, %broadcast_in_dim3A_41 : vector<16xi32>
          %parallel_loop3A_686 = arith.sitofp %parallel_loop3A_685 : vector<16xi32> to vector<16xf32>
          %parallel_loop3A_687 = arith.addf %parallel_loop3A_686, %broadcast_in_dim3A_39 : vector<16xf32>
          %parallel_loop3A_688 = arith.andi %parallel_loop3A_684, %broadcast_in_dim3A_41 : vector<16xi32>
          %parallel_loop3A_689 = arith.sitofp %parallel_loop3A_688 : vector<16xi32> to vector<16xf32>
          %parallel_loop3A_690 = arith.addf %parallel_loop3A_689, %broadcast_in_dim3A_39 : vector<16xf32>
          %parallel_loop3A_691 = arith.index_cast %parallel_loop3A_429 : i32 to index
          %parallel_loop3A_692 = arith.constant 64 : index
          %parallel_loop3A_693 = tpu.vector_load %arg16[%parallel_loop3A_691, %parallel_loop3A_692] {strides = array<i32>} : memref<40x128xf32, #tpu.memory_space<vmem>>, vector<16xf32>,
          %parallel_loop3A_694 = arith.mulf %parallel_loop3A_693, %parallel_loop3A_681 : vector<16xf32>
          %parallel_loop3A_695 = arith.mulf %parallel_loop3A_693, %parallel_loop3A_682 : vector<16xf32>
          %parallel_loop3A_696 = math.exp %parallel_loop3A_694 : vector<16xf32>
          %parallel_loop3A_697 = math.exp %parallel_loop3A_695 : vector<16xf32>
          %parallel_loop3A_698 = arith.mulf %parallel_loop3A_694, %get3A_32 : vector<16xf32>
          %parallel_loop3A_699 = math.exp %parallel_loop3A_698 : vector<16xf32>
          %parallel_loop3A_700 = arith.mulf %parallel_loop3A_695, %get3A_32 : vector<16xf32>
          %parallel_loop3A_701 = math.exp %parallel_loop3A_700 : vector<16xf32>
          %parallel_loop3A_702 = arith.subf %parallel_loop3A_687, %parallel_loop3A_679 : vector<16xf32>
          %parallel_loop3A_703 = arith.subf %parallel_loop3A_690, %parallel_loop3A_680 : vector<16xf32>
          %parallel_loop3A_704 = arith.subf %parallel_loop3A_699, %broadcast_in_dim3A_39 : vector<16xf32>
          %parallel_loop3A_705 = arith.mulf %parallel_loop3A_702, %parallel_loop3A_704 : vector<16xf32>
          %parallel_loop3A_706 = arith.subf %parallel_loop3A_701, %broadcast_in_dim3A_39 : vector<16xf32>
          %parallel_loop3A_707 = arith.mulf %parallel_loop3A_703, %parallel_loop3A_706 : vector<16xf32>
          %parallel_loop3A_708 = arith.mulf %parallel_loop3A_690, %parallel_loop3A_702 : vector<16xf32>
          %parallel_loop3A_709 = arith.mulf %parallel_loop3A_708, %parallel_loop3A_696 : vector<16xf32>
          %parallel_loop3A_710 = arith.mulf %parallel_loop3A_687, %parallel_loop3A_703 : vector<16xf32>
          %parallel_loop3A_711 = arith.mulf %parallel_loop3A_710, %parallel_loop3A_697 : vector<16xf32>
          %parallel_loop3A_712 = arith.addf %parallel_loop3A_709, %parallel_loop3A_711 : vector<16xf32>
          %parallel_loop3A_713 = arith.mulf %parallel_loop3A_705, %parallel_loop3A_707 : vector<16xf32>
          %parallel_loop3A_714 = arith.addf %parallel_loop3A_712, %parallel_loop3A_713 : vector<16xf32>
          %parallel_loop3A_715 = arith.mulf %parallel_loop3A_702, %parallel_loop3A_703 : vector<16xf32>
          %parallel_loop3A_716 = arith.subf %parallel_loop3A_714, %parallel_loop3A_715 : vector<16xf32>
          %parallel_loop3A_717 = arith.mulf %parallel_loop3A_679, %parallel_loop3A_680 : vector<16xf32>
          %parallel_loop3A_718 = arith.addf %parallel_loop3A_716, %parallel_loop3A_717 : vector<16xf32>
          %parallel_loop3A_719 = arith.index_cast %parallel_loop3A_429 : i32 to index
          %parallel_loop3A_720 = arith.constant 64 : index
          %parallel_loop3A_721 = tpu.vector_load %arg17[%parallel_loop3A_719, %parallel_loop3A_720] {strides = array<i32>} : memref<40x128xf32, #tpu.memory_space<vmem>>, vector<16xf32>,
          %parallel_loop3A_722 = arith.mulf %parallel_loop3A_718, %parallel_loop3A_721 : vector<16xf32>
          %parallel_loop3A_723 = arith.divf %parallel_loop3A_722, %parallel_loop3A_693 : vector<16xf32>
          %parallel_loop3A_724 = arith.constant 128 : i32
          %parallel_loop3A_725 = arith.muli %parallel_loop3A_429, %parallel_loop3A_724 : i32
          %parallel_loop3A_726 = arith.constant 64 : i32
          %parallel_loop3A_727 = arith.addi %parallel_loop3A_725, %parallel_loop3A_726 : i32
          %parallel_loop3A_728 = arith.index_cast %parallel_loop3A_727 : i32 to index
          %parallel_loop3A_729 = tpu.vector_load %arg18[%parallel_loop3A_728] {strides = array<i32>} : memref<5120xf32, #tpu.memory_space<vmem>>, vector<16xf32>,
          tpu.vector_store %arg18[%parallel_loop3A_728], %parallel_loop3A_723 {strides = array<i32>} : memref<5120xf32, #tpu.memory_space<vmem>>, vector<16xf32>,
          %parallel_loop3A_730 = arith.index_cast %parallel_loop3A_429 : i32 to index
          %parallel_loop3A_731 = arith.constant 80 : index
          %parallel_loop3A_732 = tpu.vector_load %arg14[%parallel_loop3A_730, %parallel_loop3A_731] {strides = array<i32>} : memref<40x128xi32, #tpu.memory_space<vmem>>, vector<16xi32>,
          %parallel_loop3A_733 = arith.constant 128 : i32
          %parallel_loop3A_734 = arith.muli %parallel_loop3A_429, %parallel_loop3A_733 : i32
          %parallel_loop3A_735 = arith.constant 80 : i32
          %parallel_loop3A_736 = arith.addi %parallel_loop3A_734, %parallel_loop3A_735 : i32
          %parallel_loop3A_737 = arith.index_cast %parallel_loop3A_736 : i32 to index
          %parallel_loop3A_738 = tpu.vector_load %arg15[%parallel_loop3A_737] {strides = array<i32>} : memref<5120xi32, #tpu.memory_space<vmem>>, vector<16xi32>,
          %parallel_loop3A_739 = tpu.vector_load_idx %arg12[%parallel_loop3A_732] : memref<50176xf32, #tpu.memory_space<vmem>>[vector<16xi32>], vector<16xf32>,
          %parallel_loop3A_740 = tpu.vector_load_idx %arg12[%parallel_loop3A_738] : memref<50176xf32, #tpu.memory_space<vmem>>[vector<16xi32>], vector<16xf32>,
          %parallel_loop3A_741 = tpu.vector_load_idx %arg13[%parallel_loop3A_732] : memref<50176xf32, #tpu.memory_space<vmem>>[vector<16xi32>], vector<16xf32>,
          %parallel_loop3A_742 = tpu.vector_load_idx %arg13[%parallel_loop3A_738] : memref<50176xf32, #tpu.memory_space<vmem>>[vector<16xi32>], vector<16xf32>,
          %parallel_loop3A_743 = vector.bitcast %parallel_loop3A_741 : vector<16xf32> to vector<16xi32>
          %parallel_loop3A_744 = vector.bitcast %parallel_loop3A_742 : vector<16xf32> to vector<16xi32>
          %parallel_loop3A_745 = arith.andi %parallel_loop3A_743, %broadcast_in_dim3A_41 : vector<16xi32>
          %parallel_loop3A_746 = arith.sitofp %parallel_loop3A_745 : vector<16xi32> to vector<16xf32>
          %parallel_loop3A_747 = arith.addf %parallel_loop3A_746, %broadcast_in_dim3A_39 : vector<16xf32>
          %parallel_loop3A_748 = arith.andi %parallel_loop3A_744, %broadcast_in_dim3A_41 : vector<16xi32>
          %parallel_loop3A_749 = arith.sitofp %parallel_loop3A_748 : vector<16xi32> to vector<16xf32>
          %parallel_loop3A_750 = arith.addf %parallel_loop3A_749, %broadcast_in_dim3A_39 : vector<16xf32>
          %parallel_loop3A_751 = arith.index_cast %parallel_loop3A_429 : i32 to index
          %parallel_loop3A_752 = arith.constant 80 : index
          %parallel_loop3A_753 = tpu.vector_load %arg16[%parallel_loop3A_751, %parallel_loop3A_752] {strides = array<i32>} : memref<40x128xf32, #tpu.memory_space<vmem>>, vector<16xf32>,
          %parallel_loop3A_754 = arith.mulf %parallel_loop3A_753, %parallel_loop3A_741 : vector<16xf32>
          %parallel_loop3A_755 = arith.mulf %parallel_loop3A_753, %parallel_loop3A_742 : vector<16xf32>
          %parallel_loop3A_756 = math.exp %parallel_loop3A_754 : vector<16xf32>
          %parallel_loop3A_757 = math.exp %parallel_loop3A_755 : vector<16xf32>
          %parallel_loop3A_758 = arith.mulf %parallel_loop3A_754, %get3A_32 : vector<16xf32>
          %parallel_loop3A_759 = math.exp %parallel_loop3A_758 : vector<16xf32>
          %parallel_loop3A_760 = arith.mulf %parallel_loop3A_755, %get3A_32 : vector<16xf32>
          %parallel_loop3A_761 = math.exp %parallel_loop3A_760 : vector<16xf32>
          %parallel_loop3A_762 = arith.subf %parallel_loop3A_747, %parallel_loop3A_739 : vector<16xf32>
          %parallel_loop3A_763 = arith.subf %parallel_loop3A_750, %parallel_loop3A_740 : vector<16xf32>
          %parallel_loop3A_764 = arith.subf %parallel_loop3A_759, %broadcast_in_dim3A_39 : vector<16xf32>
          %parallel_loop3A_765 = arith.mulf %parallel_loop3A_762, %parallel_loop3A_764 : vector<16xf32>
          %parallel_loop3A_766 = arith.subf %parallel_loop3A_761, %broadcast_in_dim3A_39 : vector<16xf32>
          %parallel_loop3A_767 = arith.mulf %parallel_loop3A_763, %parallel_loop3A_766 : vector<16xf32>
          %parallel_loop3A_768 = arith.mulf %parallel_loop3A_750, %parallel_loop3A_762 : vector<16xf32>
          %parallel_loop3A_769 = arith.mulf %parallel_loop3A_768, %parallel_loop3A_756 : vector<16xf32>
          %parallel_loop3A_770 = arith.mulf %parallel_loop3A_747, %parallel_loop3A_763 : vector<16xf32>
          %parallel_loop3A_771 = arith.mulf %parallel_loop3A_770, %parallel_loop3A_757 : vector<16xf32>
          %parallel_loop3A_772 = arith.addf %parallel_loop3A_769, %parallel_loop3A_771 : vector<16xf32>
          %parallel_loop3A_773 = arith.mulf %parallel_loop3A_765, %parallel_loop3A_767 : vector<16xf32>
          %parallel_loop3A_774 = arith.addf %parallel_loop3A_772, %parallel_loop3A_773 : vector<16xf32>
          %parallel_loop3A_775 = arith.mulf %parallel_loop3A_762, %parallel_loop3A_763 : vector<16xf32>
          %parallel_loop3A_776 = arith.subf %parallel_loop3A_774, %parallel_loop3A_775 : vector<16xf32>
          %parallel_loop3A_777 = arith.mulf %parallel_loop3A_739, %parallel_loop3A_740 : vector<16xf32>
          %parallel_loop3A_778 = arith.addf %parallel_loop3A_776, %parallel_loop3A_777 : vector<16xf32>
          %parallel_loop3A_779 = arith.index_cast %parallel_loop3A_429 : i32 to index
          %parallel_loop3A_780 = arith.constant 80 : index
          %parallel_loop3A_781 = tpu.vector_load %arg17[%parallel_loop3A_779, %parallel_loop3A_780] {strides = array<i32>} : memref<40x128xf32, #tpu.memory_space<vmem>>, vector<16xf32>,
          %parallel_loop3A_782 = arith.mulf %parallel_loop3A_778, %parallel_loop3A_781 : vector<16xf32>
          %parallel_loop3A_783 = arith.divf %parallel_loop3A_782, %parallel_loop3A_753 : vector<16xf32>
          %parallel_loop3A_784 = arith.constant 128 : i32
          %parallel_loop3A_785 = arith.muli %parallel_loop3A_429, %parallel_loop3A_784 : i32
          %parallel_loop3A_786 = arith.constant 80 : i32
          %parallel_loop3A_787 = arith.addi %parallel_loop3A_785, %parallel_loop3A_786 : i32
          %parallel_loop3A_788 = arith.index_cast %parallel_loop3A_787 : i32 to index
          %parallel_loop3A_789 = tpu.vector_load %arg18[%parallel_loop3A_788] {strides = array<i32>} : memref<5120xf32, #tpu.memory_space<vmem>>, vector<16xf32>,
          tpu.vector_store %arg18[%parallel_loop3A_788], %parallel_loop3A_783 {strides = array<i32>} : memref<5120xf32, #tpu.memory_space<vmem>>, vector<16xf32>,
          %parallel_loop3A_790 = arith.index_cast %parallel_loop3A_429 : i32 to index
          %parallel_loop3A_791 = arith.constant 96 : index
          %parallel_loop3A_792 = tpu.vector_load %arg14[%parallel_loop3A_790, %parallel_loop3A_791] {strides = array<i32>} : memref<40x128xi32, #tpu.memory_space<vmem>>, vector<16xi32>,
          %parallel_loop3A_793 = arith.constant 128 : i32
          %parallel_loop3A_794 = arith.muli %parallel_loop3A_429, %parallel_loop3A_793 : i32
          %parallel_loop3A_795 = arith.constant 96 : i32
          %parallel_loop3A_796 = arith.addi %parallel_loop3A_794, %parallel_loop3A_795 : i32
          %parallel_loop3A_797 = arith.index_cast %parallel_loop3A_796 : i32 to index
          %parallel_loop3A_798 = tpu.vector_load %arg15[%parallel_loop3A_797] {strides = array<i32>} : memref<5120xi32, #tpu.memory_space<vmem>>, vector<16xi32>,
          %parallel_loop3A_799 = tpu.vector_load_idx %arg12[%parallel_loop3A_792] : memref<50176xf32, #tpu.memory_space<vmem>>[vector<16xi32>], vector<16xf32>,
          %parallel_loop3A_800 = tpu.vector_load_idx %arg12[%parallel_loop3A_798] : memref<50176xf32, #tpu.memory_space<vmem>>[vector<16xi32>], vector<16xf32>,
          %parallel_loop3A_801 = tpu.vector_load_idx %arg13[%parallel_loop3A_792] : memref<50176xf32, #tpu.memory_space<vmem>>[vector<16xi32>], vector<16xf32>,
          %parallel_loop3A_802 = tpu.vector_load_idx %arg13[%parallel_loop3A_798] : memref<50176xf32, #tpu.memory_space<vmem>>[vector<16xi32>], vector<16xf32>,
          %parallel_loop3A_803 = vector.bitcast %parallel_loop3A_801 : vector<16xf32> to vector<16xi32>
          %parallel_loop3A_804 = vector.bitcast %parallel_loop3A_802 : vector<16xf32> to vector<16xi32>
          %parallel_loop3A_805 = arith.andi %parallel_loop3A_803, %broadcast_in_dim3A_41 : vector<16xi32>
          %parallel_loop3A_806 = arith.sitofp %parallel_loop3A_805 : vector<16xi32> to vector<16xf32>
          %parallel_loop3A_807 = arith.addf %parallel_loop3A_806, %broadcast_in_dim3A_39 : vector<16xf32>
          %parallel_loop3A_808 = arith.andi %parallel_loop3A_804, %broadcast_in_dim3A_41 : vector<16xi32>
          %parallel_loop3A_809 = arith.sitofp %parallel_loop3A_808 : vector<16xi32> to vector<16xf32>
          %parallel_loop3A_810 = arith.addf %parallel_loop3A_809, %broadcast_in_dim3A_39 : vector<16xf32>
          %parallel_loop3A_811 = arith.index_cast %parallel_loop3A_429 : i32 to index
          %parallel_loop3A_812 = arith.constant 96 : index
          %parallel_loop3A_813 = tpu.vector_load %arg16[%parallel_loop3A_811, %parallel_loop3A_812] {strides = array<i32>} : memref<40x128xf32, #tpu.memory_space<vmem>>, vector<16xf32>,
          %parallel_loop3A_814 = arith.mulf %parallel_loop3A_813, %parallel_loop3A_801 : vector<16xf32>
          %parallel_loop3A_815 = arith.mulf %parallel_loop3A_813, %parallel_loop3A_802 : vector<16xf32>
          %parallel_loop3A_816 = math.exp %parallel_loop3A_814 : vector<16xf32>
          %parallel_loop3A_817 = math.exp %parallel_loop3A_815 : vector<16xf32>
          %parallel_loop3A_818 = arith.mulf %parallel_loop3A_814, %get3A_32 : vector<16xf32>
          %parallel_loop3A_819 = math.exp %parallel_loop3A_818 : vector<16xf32>
          %parallel_loop3A_820 = arith.mulf %parallel_loop3A_815, %get3A_32 : vector<16xf32>
          %parallel_loop3A_821 = math.exp %parallel_loop3A_820 : vector<16xf32>
          %parallel_loop3A_822 = arith.subf %parallel_loop3A_807, %parallel_loop3A_799 : vector<16xf32>
          %parallel_loop3A_823 = arith.subf %parallel_loop3A_810, %parallel_loop3A_800 : vector<16xf32>
          %parallel_loop3A_824 = arith.subf %parallel_loop3A_819, %broadcast_in_dim3A_39 : vector<16xf32>
          %parallel_loop3A_825 = arith.mulf %parallel_loop3A_822, %parallel_loop3A_824 : vector<16xf32>
          %parallel_loop3A_826 = arith.subf %parallel_loop3A_821, %broadcast_in_dim3A_39 : vector<16xf32>
          %parallel_loop3A_827 = arith.mulf %parallel_loop3A_823, %parallel_loop3A_826 : vector<16xf32>
          %parallel_loop3A_828 = arith.mulf %parallel_loop3A_810, %parallel_loop3A_822 : vector<16xf32>
          %parallel_loop3A_829 = arith.mulf %parallel_loop3A_828, %parallel_loop3A_816 : vector<16xf32>
          %parallel_loop3A_830 = arith.mulf %parallel_loop3A_807, %parallel_loop3A_823 : vector<16xf32>
          %parallel_loop3A_831 = arith.mulf %parallel_loop3A_830, %parallel_loop3A_817 : vector<16xf32>
          %parallel_loop3A_832 = arith.addf %parallel_loop3A_829, %parallel_loop3A_831 : vector<16xf32>
          %parallel_loop3A_833 = arith.mulf %parallel_loop3A_825, %parallel_loop3A_827 : vector<16xf32>
          %parallel_loop3A_834 = arith.addf %parallel_loop3A_832, %parallel_loop3A_833 : vector<16xf32>
          %parallel_loop3A_835 = arith.mulf %parallel_loop3A_822, %parallel_loop3A_823 : vector<16xf32>
          %parallel_loop3A_836 = arith.subf %parallel_loop3A_834, %parallel_loop3A_835 : vector<16xf32>
          %parallel_loop3A_837 = arith.mulf %parallel_loop3A_799, %parallel_loop3A_800 : vector<16xf32>
          %parallel_loop3A_838 = arith.addf %parallel_loop3A_836, %parallel_loop3A_837 : vector<16xf32>
          %parallel_loop3A_839 = arith.index_cast %parallel_loop3A_429 : i32 to index
          %parallel_loop3A_840 = arith.constant 96 : index
          %parallel_loop3A_841 = tpu.vector_load %arg17[%parallel_loop3A_839, %parallel_loop3A_840] {strides = array<i32>} : memref<40x128xf32, #tpu.memory_space<vmem>>, vector<16xf32>,
          %parallel_loop3A_842 = arith.mulf %parallel_loop3A_838, %parallel_loop3A_841 : vector<16xf32>
          %parallel_loop3A_843 = arith.divf %parallel_loop3A_842, %parallel_loop3A_813 : vector<16xf32>
          %parallel_loop3A_844 = arith.constant 128 : i32
          %parallel_loop3A_845 = arith.muli %parallel_loop3A_429, %parallel_loop3A_844 : i32
          %parallel_loop3A_846 = arith.constant 96 : i32
          %parallel_loop3A_847 = arith.addi %parallel_loop3A_845, %parallel_loop3A_846 : i32
          %parallel_loop3A_848 = arith.index_cast %parallel_loop3A_847 : i32 to index
          %parallel_loop3A_849 = tpu.vector_load %arg18[%parallel_loop3A_848] {strides = array<i32>} : memref<5120xf32, #tpu.memory_space<vmem>>, vector<16xf32>,
          tpu.vector_store %arg18[%parallel_loop3A_848], %parallel_loop3A_843 {strides = array<i32>} : memref<5120xf32, #tpu.memory_space<vmem>>, vector<16xf32>,
          %parallel_loop3A_850 = arith.index_cast %parallel_loop3A_429 : i32 to index
          %parallel_loop3A_851 = arith.constant 112 : index
          %parallel_loop3A_852 = tpu.vector_load %arg14[%parallel_loop3A_850, %parallel_loop3A_851] {strides = array<i32>} : memref<40x128xi32, #tpu.memory_space<vmem>>, vector<16xi32>,
          %parallel_loop3A_853 = arith.constant 128 : i32
          %parallel_loop3A_854 = arith.muli %parallel_loop3A_429, %parallel_loop3A_853 : i32
          %parallel_loop3A_855 = arith.constant 112 : i32
          %parallel_loop3A_856 = arith.addi %parallel_loop3A_854, %parallel_loop3A_855 : i32
          %parallel_loop3A_857 = arith.index_cast %parallel_loop3A_856 : i32 to index
          %parallel_loop3A_858 = tpu.vector_load %arg15[%parallel_loop3A_857] {strides = array<i32>} : memref<5120xi32, #tpu.memory_space<vmem>>, vector<16xi32>,
          %parallel_loop3A_859 = tpu.vector_load_idx %arg12[%parallel_loop3A_852] : memref<50176xf32, #tpu.memory_space<vmem>>[vector<16xi32>], vector<16xf32>,
          %parallel_loop3A_860 = tpu.vector_load_idx %arg12[%parallel_loop3A_858] : memref<50176xf32, #tpu.memory_space<vmem>>[vector<16xi32>], vector<16xf32>,
          %parallel_loop3A_861 = tpu.vector_load_idx %arg13[%parallel_loop3A_852] : memref<50176xf32, #tpu.memory_space<vmem>>[vector<16xi32>], vector<16xf32>,
          %parallel_loop3A_862 = tpu.vector_load_idx %arg13[%parallel_loop3A_858] : memref<50176xf32, #tpu.memory_space<vmem>>[vector<16xi32>], vector<16xf32>,
          %parallel_loop3A_863 = vector.bitcast %parallel_loop3A_861 : vector<16xf32> to vector<16xi32>
          %parallel_loop3A_864 = vector.bitcast %parallel_loop3A_862 : vector<16xf32> to vector<16xi32>
          %parallel_loop3A_865 = arith.andi %parallel_loop3A_863, %broadcast_in_dim3A_41 : vector<16xi32>
          %parallel_loop3A_866 = arith.sitofp %parallel_loop3A_865 : vector<16xi32> to vector<16xf32>
          %parallel_loop3A_867 = arith.addf %parallel_loop3A_866, %broadcast_in_dim3A_39 : vector<16xf32>
          %parallel_loop3A_868 = arith.andi %parallel_loop3A_864, %broadcast_in_dim3A_41 : vector<16xi32>
          %parallel_loop3A_869 = arith.sitofp %parallel_loop3A_868 : vector<16xi32> to vector<16xf32>
          %parallel_loop3A_870 = arith.addf %parallel_loop3A_869, %broadcast_in_dim3A_39 : vector<16xf32>
          %parallel_loop3A_871 = arith.index_cast %parallel_loop3A_429 : i32 to index
          %parallel_loop3A_872 = arith.constant 112 : index
          %parallel_loop3A_873 = tpu.vector_load %arg16[%parallel_loop3A_871, %parallel_loop3A_872] {strides = array<i32>} : memref<40x128xf32, #tpu.memory_space<vmem>>, vector<16xf32>,
          %parallel_loop3A_874 = arith.mulf %parallel_loop3A_873, %parallel_loop3A_861 : vector<16xf32>
          %parallel_loop3A_875 = arith.mulf %parallel_loop3A_873, %parallel_loop3A_862 : vector<16xf32>
          %parallel_loop3A_876 = math.exp %parallel_loop3A_874 : vector<16xf32>
          %parallel_loop3A_877 = math.exp %parallel_loop3A_875 : vector<16xf32>
          %parallel_loop3A_878 = arith.mulf %parallel_loop3A_874, %get3A_32 : vector<16xf32>
          %parallel_loop3A_879 = math.exp %parallel_loop3A_878 : vector<16xf32>
          %parallel_loop3A_880 = arith.mulf %parallel_loop3A_875, %get3A_32 : vector<16xf32>
          %parallel_loop3A_881 = math.exp %parallel_loop3A_880 : vector<16xf32>
          %parallel_loop3A_882 = arith.subf %parallel_loop3A_867, %parallel_loop3A_859 : vector<16xf32>
          %parallel_loop3A_883 = arith.subf %parallel_loop3A_870, %parallel_loop3A_860 : vector<16xf32>
          %parallel_loop3A_884 = arith.subf %parallel_loop3A_879, %broadcast_in_dim3A_39 : vector<16xf32>
          %parallel_loop3A_885 = arith.mulf %parallel_loop3A_882, %parallel_loop3A_884 : vector<16xf32>
          %parallel_loop3A_886 = arith.subf %parallel_loop3A_881, %broadcast_in_dim3A_39 : vector<16xf32>
          %parallel_loop3A_887 = arith.mulf %parallel_loop3A_883, %parallel_loop3A_886 : vector<16xf32>
          %parallel_loop3A_888 = arith.mulf %parallel_loop3A_870, %parallel_loop3A_882 : vector<16xf32>
          %parallel_loop3A_889 = arith.mulf %parallel_loop3A_888, %parallel_loop3A_876 : vector<16xf32>
          %parallel_loop3A_890 = arith.mulf %parallel_loop3A_867, %parallel_loop3A_883 : vector<16xf32>
          %parallel_loop3A_891 = arith.mulf %parallel_loop3A_890, %parallel_loop3A_877 : vector<16xf32>
          %parallel_loop3A_892 = arith.addf %parallel_loop3A_889, %parallel_loop3A_891 : vector<16xf32>
          %parallel_loop3A_893 = arith.mulf %parallel_loop3A_885, %parallel_loop3A_887 : vector<16xf32>
          %parallel_loop3A_894 = arith.addf %parallel_loop3A_892, %parallel_loop3A_893 : vector<16xf32>
          %parallel_loop3A_895 = arith.mulf %parallel_loop3A_882, %parallel_loop3A_883 : vector<16xf32>
          %parallel_loop3A_896 = arith.subf %parallel_loop3A_894, %parallel_loop3A_895 : vector<16xf32>
          %parallel_loop3A_897 = arith.mulf %parallel_loop3A_859, %parallel_loop3A_860 : vector<16xf32>
          %parallel_loop3A_898 = arith.addf %parallel_loop3A_896, %parallel_loop3A_897 : vector<16xf32>
          %parallel_loop3A_899 = arith.index_cast %parallel_loop3A_429 : i32 to index
          %parallel_loop3A_900 = arith.constant 112 : index
          %parallel_loop3A_901 = tpu.vector_load %arg17[%parallel_loop3A_899, %parallel_loop3A_900] {strides = array<i32>} : memref<40x128xf32, #tpu.memory_space<vmem>>, vector<16xf32>,
          %parallel_loop3A_902 = arith.mulf %parallel_loop3A_898, %parallel_loop3A_901 : vector<16xf32>
          %parallel_loop3A_903 = arith.divf %parallel_loop3A_902, %parallel_loop3A_873 : vector<16xf32>
          %parallel_loop3A_904 = arith.constant 128 : i32
          %parallel_loop3A_905 = arith.muli %parallel_loop3A_429, %parallel_loop3A_904 : i32
          %parallel_loop3A_906 = arith.constant 112 : i32
          %parallel_loop3A_907 = arith.addi %parallel_loop3A_905, %parallel_loop3A_906 : i32
          %parallel_loop3A_908 = arith.index_cast %parallel_loop3A_907 : i32 to index
          %parallel_loop3A_909 = tpu.vector_load %arg18[%parallel_loop3A_908] {strides = array<i32>} : memref<5120xf32, #tpu.memory_space<vmem>>, vector<16xf32>,
          tpu.vector_store %arg18[%parallel_loop3A_908], %parallel_loop3A_903 {strides = array<i32>} : memref<5120xf32, #tpu.memory_space<vmem>>, vector<16xf32>,
        } {sc.loop_unroll_factor = 1 : i64, sc.parallel_access}
        %dma_start3A_106 = arith.constant 0 : i32
        %dma_start3A_107 = arith.constant 0 : i32
        %dma_start3A_108 = tpu.memref_slice %arg18[%dma_start3A_107] : memref<5120xf32, #tpu.memory_space<vmem>> -> memref<128xf32, #tpu.memory_space<vmem>>
        %dma_start3A_109 = arith.constant 0 : i32
        %dma_start3A_110 = tpu.memref_slice %arg14[%dma_start3A_106, %dma_start3A_109] : memref<40x128xi32, #tpu.memory_space<vmem>> -> memref<1x128xi32, #tpu.memory_space<vmem>>
        %dma_start3A_111 = tpu.memref_squeeze %dma_start3A_110 : memref<1x128xi32, #tpu.memory_space<vmem>> -> memref<128xi32, #tpu.memory_space<vmem>>
        %dma_start3A_112 = arith.constant 0 : i32
        %dma_start3A_113 = tpu.memref_slice %arg24[%dma_start3A_112] : memref<50176xf32, #tpu.memory_space<vmem_shared>> -> memref<50176xf32, #tpu.memory_space<vmem_shared>>
        tpu.enqueue_indirect_dma source(%dma_start3A_108 : memref<128xf32, #tpu.memory_space<vmem>>) target(%dma_start3A_113 : memref<50176xf32, #tpu.memory_space<vmem_shared>>) offsets(%dma_start3A_111 : memref<128xi32, #tpu.memory_space<vmem>>) semaphore(%arg23 : memref<!tpu.dma_semaphore, #tpu.memory_space<semaphore_mem>>) {add = true}
        %dma_start3A_114 = arith.constant 1 : i32
        %dma_start3A_115 = arith.constant 128 : i32
        %dma_start3A_116 = tpu.memref_slice %arg18[%dma_start3A_115] : memref<5120xf32, #tpu.memory_space<vmem>> -> memref<128xf32, #tpu.memory_space<vmem>>
        %dma_start3A_117 = arith.constant 0 : i32
        %dma_start3A_118 = tpu.memref_slice %arg14[%dma_start3A_114, %dma_start3A_117] : memref<40x128xi32, #tpu.memory_space<vmem>> -> memref<1x128xi32, #tpu.memory_space<vmem>>
        %dma_start3A_119 = tpu.memref_squeeze %dma_start3A_118 : memref<1x128xi32, #tpu.memory_space<vmem>> -> memref<128xi32, #tpu.memory_space<vmem>>
        %dma_start3A_120 = arith.constant 0 : i32
        %dma_start3A_121 = tpu.memref_slice %arg24[%dma_start3A_120] : memref<50176xf32, #tpu.memory_space<vmem_shared>> -> memref<50176xf32, #tpu.memory_space<vmem_shared>>
        tpu.enqueue_indirect_dma source(%dma_start3A_116 : memref<128xf32, #tpu.memory_space<vmem>>) target(%dma_start3A_121 : memref<50176xf32, #tpu.memory_space<vmem_shared>>) offsets(%dma_start3A_119 : memref<128xi32, #tpu.memory_space<vmem>>) semaphore(%arg23 : memref<!tpu.dma_semaphore, #tpu.memory_space<semaphore_mem>>) {add = true}
        %dma_start3A_122 = arith.constant 2 : i32
        %dma_start3A_123 = arith.constant 256 : i32
        %dma_start3A_124 = tpu.memref_slice %arg18[%dma_start3A_123] : memref<5120xf32, #tpu.memory_space<vmem>> -> memref<128xf32, #tpu.memory_space<vmem>>
        %dma_start3A_125 = arith.constant 0 : i32
        %dma_start3A_126 = tpu.memref_slice %arg14[%dma_start3A_122, %dma_start3A_125] : memref<40x128xi32, #tpu.memory_space<vmem>> -> memref<1x128xi32, #tpu.memory_space<vmem>>
        %dma_start3A_127 = tpu.memref_squeeze %dma_start3A_126 : memref<1x128xi32, #tpu.memory_space<vmem>> -> memref<128xi32, #tpu.memory_space<vmem>>
        %dma_start3A_128 = arith.constant 0 : i32
        %dma_start3A_129 = tpu.memref_slice %arg24[%dma_start3A_128] : memref<50176xf32, #tpu.memory_space<vmem_shared>> -> memref<50176xf32, #tpu.memory_space<vmem_shared>>
        tpu.enqueue_indirect_dma source(%dma_start3A_124 : memref<128xf32, #tpu.memory_space<vmem>>) target(%dma_start3A_129 : memref<50176xf32, #tpu.memory_space<vmem_shared>>) offsets(%dma_start3A_127 : memref<128xi32, #tpu.memory_space<vmem>>) semaphore(%arg23 : memref<!tpu.dma_semaphore, #tpu.memory_space<semaphore_mem>>) {add = true}
        %dma_start3A_130 = arith.constant 3 : i32
        %dma_start3A_131 = arith.constant 384 : i32
        %dma_start3A_132 = tpu.memref_slice %arg18[%dma_start3A_131] : memref<5120xf32, #tpu.memory_space<vmem>> -> memref<128xf32, #tpu.memory_space<vmem>>
        %dma_start3A_133 = arith.constant 0 : i32
        %dma_start3A_134 = tpu.memref_slice %arg14[%dma_start3A_130, %dma_start3A_133] : memref<40x128xi32, #tpu.memory_space<vmem>> -> memref<1x128xi32, #tpu.memory_space<vmem>>
        %dma_start3A_135 = tpu.memref_squeeze %dma_start3A_134 : memref<1x128xi32, #tpu.memory_space<vmem>> -> memref<128xi32, #tpu.memory_space<vmem>>
        %dma_start3A_136 = arith.constant 0 : i32
        %dma_start3A_137 = tpu.memref_slice %arg24[%dma_start3A_136] : memref<50176xf32, #tpu.memory_space<vmem_shared>> -> memref<50176xf32, #tpu.memory_space<vmem_shared>>
        tpu.enqueue_indirect_dma source(%dma_start3A_132 : memref<128xf32, #tpu.memory_space<vmem>>) target(%dma_start3A_137 : memref<50176xf32, #tpu.memory_space<vmem_shared>>) offsets(%dma_start3A_135 : memref<128xi32, #tpu.memory_space<vmem>>) semaphore(%arg23 : memref<!tpu.dma_semaphore, #tpu.memory_space<semaphore_mem>>) {add = true}
        %dma_start3A_138 = arith.constant 4 : i32
        %dma_start3A_139 = arith.constant 512 : i32
        %dma_start3A_140 = tpu.memref_slice %arg18[%dma_start3A_139] : memref<5120xf32, #tpu.memory_space<vmem>> -> memref<128xf32, #tpu.memory_space<vmem>>
        %dma_start3A_141 = arith.constant 0 : i32
        %dma_start3A_142 = tpu.memref_slice %arg14[%dma_start3A_138, %dma_start3A_141] : memref<40x128xi32, #tpu.memory_space<vmem>> -> memref<1x128xi32, #tpu.memory_space<vmem>>
        %dma_start3A_143 = tpu.memref_squeeze %dma_start3A_142 : memref<1x128xi32, #tpu.memory_space<vmem>> -> memref<128xi32, #tpu.memory_space<vmem>>
        %dma_start3A_144 = arith.constant 0 : i32
        %dma_start3A_145 = tpu.memref_slice %arg24[%dma_start3A_144] : memref<50176xf32, #tpu.memory_space<vmem_shared>> -> memref<50176xf32, #tpu.memory_space<vmem_shared>>
        tpu.enqueue_indirect_dma source(%dma_start3A_140 : memref<128xf32, #tpu.memory_space<vmem>>) target(%dma_start3A_145 : memref<50176xf32, #tpu.memory_space<vmem_shared>>) offsets(%dma_start3A_143 : memref<128xi32, #tpu.memory_space<vmem>>) semaphore(%arg23 : memref<!tpu.dma_semaphore, #tpu.memory_space<semaphore_mem>>) {add = true}
        %dma_start3A_146 = arith.constant 5 : i32
        %dma_start3A_147 = arith.constant 640 : i32
        %dma_start3A_148 = tpu.memref_slice %arg18[%dma_start3A_147] : memref<5120xf32, #tpu.memory_space<vmem>> -> memref<128xf32, #tpu.memory_space<vmem>>
        %dma_start3A_149 = arith.constant 0 : i32
        %dma_start3A_150 = tpu.memref_slice %arg14[%dma_start3A_146, %dma_start3A_149] : memref<40x128xi32, #tpu.memory_space<vmem>> -> memref<1x128xi32, #tpu.memory_space<vmem>>
        %dma_start3A_151 = tpu.memref_squeeze %dma_start3A_150 : memref<1x128xi32, #tpu.memory_space<vmem>> -> memref<128xi32, #tpu.memory_space<vmem>>
        %dma_start3A_152 = arith.constant 0 : i32
        %dma_start3A_153 = tpu.memref_slice %arg24[%dma_start3A_152] : memref<50176xf32, #tpu.memory_space<vmem_shared>> -> memref<50176xf32, #tpu.memory_space<vmem_shared>>
        tpu.enqueue_indirect_dma source(%dma_start3A_148 : memref<128xf32, #tpu.memory_space<vmem>>) target(%dma_start3A_153 : memref<50176xf32, #tpu.memory_space<vmem_shared>>) offsets(%dma_start3A_151 : memref<128xi32, #tpu.memory_space<vmem>>) semaphore(%arg23 : memref<!tpu.dma_semaphore, #tpu.memory_space<semaphore_mem>>) {add = true}
        %dma_start3A_154 = arith.constant 6 : i32
        %dma_start3A_155 = arith.constant 768 : i32
        %dma_start3A_156 = tpu.memref_slice %arg18[%dma_start3A_155] : memref<5120xf32, #tpu.memory_space<vmem>> -> memref<128xf32, #tpu.memory_space<vmem>>
        %dma_start3A_157 = arith.constant 0 : i32
        %dma_start3A_158 = tpu.memref_slice %arg14[%dma_start3A_154, %dma_start3A_157] : memref<40x128xi32, #tpu.memory_space<vmem>> -> memref<1x128xi32, #tpu.memory_space<vmem>>
        %dma_start3A_159 = tpu.memref_squeeze %dma_start3A_158 : memref<1x128xi32, #tpu.memory_space<vmem>> -> memref<128xi32, #tpu.memory_space<vmem>>
        %dma_start3A_160 = arith.constant 0 : i32
        %dma_start3A_161 = tpu.memref_slice %arg24[%dma_start3A_160] : memref<50176xf32, #tpu.memory_space<vmem_shared>> -> memref<50176xf32, #tpu.memory_space<vmem_shared>>
        tpu.enqueue_indirect_dma source(%dma_start3A_156 : memref<128xf32, #tpu.memory_space<vmem>>) target(%dma_start3A_161 : memref<50176xf32, #tpu.memory_space<vmem_shared>>) offsets(%dma_start3A_159 : memref<128xi32, #tpu.memory_space<vmem>>) semaphore(%arg23 : memref<!tpu.dma_semaphore, #tpu.memory_space<semaphore_mem>>) {add = true}
        %dma_start3A_162 = arith.constant 7 : i32
        %dma_start3A_163 = arith.constant 896 : i32
        %dma_start3A_164 = tpu.memref_slice %arg18[%dma_start3A_163] : memref<5120xf32, #tpu.memory_space<vmem>> -> memref<128xf32, #tpu.memory_space<vmem>>
        %dma_start3A_165 = arith.constant 0 : i32
        %dma_start3A_166 = tpu.memref_slice %arg14[%dma_start3A_162, %dma_start3A_165] : memref<40x128xi32, #tpu.memory_space<vmem>> -> memref<1x128xi32, #tpu.memory_space<vmem>>
        %dma_start3A_167 = tpu.memref_squeeze %dma_start3A_166 : memref<1x128xi32, #tpu.memory_space<vmem>> -> memref<128xi32, #tpu.memory_space<vmem>>
        %dma_start3A_168 = arith.constant 0 : i32
        %dma_start3A_169 = tpu.memref_slice %arg24[%dma_start3A_168] : memref<50176xf32, #tpu.memory_space<vmem_shared>> -> memref<50176xf32, #tpu.memory_space<vmem_shared>>
        tpu.enqueue_indirect_dma source(%dma_start3A_164 : memref<128xf32, #tpu.memory_space<vmem>>) target(%dma_start3A_169 : memref<50176xf32, #tpu.memory_space<vmem_shared>>) offsets(%dma_start3A_167 : memref<128xi32, #tpu.memory_space<vmem>>) semaphore(%arg23 : memref<!tpu.dma_semaphore, #tpu.memory_space<semaphore_mem>>) {add = true}
        %dma_start3A_170 = arith.constant 8 : i32
        %dma_start3A_171 = arith.constant 1024 : i32
        %dma_start3A_172 = tpu.memref_slice %arg18[%dma_start3A_171] : memref<5120xf32, #tpu.memory_space<vmem>> -> memref<128xf32, #tpu.memory_space<vmem>>
        %dma_start3A_173 = arith.constant 0 : i32
        %dma_start3A_174 = tpu.memref_slice %arg14[%dma_start3A_170, %dma_start3A_173] : memref<40x128xi32, #tpu.memory_space<vmem>> -> memref<1x128xi32, #tpu.memory_space<vmem>>
        %dma_start3A_175 = tpu.memref_squeeze %dma_start3A_174 : memref<1x128xi32, #tpu.memory_space<vmem>> -> memref<128xi32, #tpu.memory_space<vmem>>
        %dma_start3A_176 = arith.constant 0 : i32
        %dma_start3A_177 = tpu.memref_slice %arg24[%dma_start3A_176] : memref<50176xf32, #tpu.memory_space<vmem_shared>> -> memref<50176xf32, #tpu.memory_space<vmem_shared>>
        tpu.enqueue_indirect_dma source(%dma_start3A_172 : memref<128xf32, #tpu.memory_space<vmem>>) target(%dma_start3A_177 : memref<50176xf32, #tpu.memory_space<vmem_shared>>) offsets(%dma_start3A_175 : memref<128xi32, #tpu.memory_space<vmem>>) semaphore(%arg23 : memref<!tpu.dma_semaphore, #tpu.memory_space<semaphore_mem>>) {add = true}
        %dma_start3A_178 = arith.constant 9 : i32
        %dma_start3A_179 = arith.constant 1152 : i32
        %dma_start3A_180 = tpu.memref_slice %arg18[%dma_start3A_179] : memref<5120xf32, #tpu.memory_space<vmem>> -> memref<128xf32, #tpu.memory_space<vmem>>
        %dma_start3A_181 = arith.constant 0 : i32
        %dma_start3A_182 = tpu.memref_slice %arg14[%dma_start3A_178, %dma_start3A_181] : memref<40x128xi32, #tpu.memory_space<vmem>> -> memref<1x128xi32, #tpu.memory_space<vmem>>
        %dma_start3A_183 = tpu.memref_squeeze %dma_start3A_182 : memref<1x128xi32, #tpu.memory_space<vmem>> -> memref<128xi32, #tpu.memory_space<vmem>>
        %dma_start3A_184 = arith.constant 0 : i32
        %dma_start3A_185 = tpu.memref_slice %arg24[%dma_start3A_184] : memref<50176xf32, #tpu.memory_space<vmem_shared>> -> memref<50176xf32, #tpu.memory_space<vmem_shared>>
        tpu.enqueue_indirect_dma source(%dma_start3A_180 : memref<128xf32, #tpu.memory_space<vmem>>) target(%dma_start3A_185 : memref<50176xf32, #tpu.memory_space<vmem_shared>>) offsets(%dma_start3A_183 : memref<128xi32, #tpu.memory_space<vmem>>) semaphore(%arg23 : memref<!tpu.dma_semaphore, #tpu.memory_space<semaphore_mem>>) {add = true}
        %dma_start3A_186 = arith.constant 10 : i32
        %dma_start3A_187 = arith.constant 1280 : i32
        %dma_start3A_188 = tpu.memref_slice %arg18[%dma_start3A_187] : memref<5120xf32, #tpu.memory_space<vmem>> -> memref<128xf32, #tpu.memory_space<vmem>>
        %dma_start3A_189 = arith.constant 0 : i32
        %dma_start3A_190 = tpu.memref_slice %arg14[%dma_start3A_186, %dma_start3A_189] : memref<40x128xi32, #tpu.memory_space<vmem>> -> memref<1x128xi32, #tpu.memory_space<vmem>>
        %dma_start3A_191 = tpu.memref_squeeze %dma_start3A_190 : memref<1x128xi32, #tpu.memory_space<vmem>> -> memref<128xi32, #tpu.memory_space<vmem>>
        %dma_start3A_192 = arith.constant 0 : i32
        %dma_start3A_193 = tpu.memref_slice %arg24[%dma_start3A_192] : memref<50176xf32, #tpu.memory_space<vmem_shared>> -> memref<50176xf32, #tpu.memory_space<vmem_shared>>
        tpu.enqueue_indirect_dma source(%dma_start3A_188 : memref<128xf32, #tpu.memory_space<vmem>>) target(%dma_start3A_193 : memref<50176xf32, #tpu.memory_space<vmem_shared>>) offsets(%dma_start3A_191 : memref<128xi32, #tpu.memory_space<vmem>>) semaphore(%arg23 : memref<!tpu.dma_semaphore, #tpu.memory_space<semaphore_mem>>) {add = true}
        %dma_start3A_194 = arith.constant 11 : i32
        %dma_start3A_195 = arith.constant 1408 : i32
        %dma_start3A_196 = tpu.memref_slice %arg18[%dma_start3A_195] : memref<5120xf32, #tpu.memory_space<vmem>> -> memref<128xf32, #tpu.memory_space<vmem>>
        %dma_start3A_197 = arith.constant 0 : i32
        %dma_start3A_198 = tpu.memref_slice %arg14[%dma_start3A_194, %dma_start3A_197] : memref<40x128xi32, #tpu.memory_space<vmem>> -> memref<1x128xi32, #tpu.memory_space<vmem>>
        %dma_start3A_199 = tpu.memref_squeeze %dma_start3A_198 : memref<1x128xi32, #tpu.memory_space<vmem>> -> memref<128xi32, #tpu.memory_space<vmem>>
        %dma_start3A_200 = arith.constant 0 : i32
        %dma_start3A_201 = tpu.memref_slice %arg24[%dma_start3A_200] : memref<50176xf32, #tpu.memory_space<vmem_shared>> -> memref<50176xf32, #tpu.memory_space<vmem_shared>>
        tpu.enqueue_indirect_dma source(%dma_start3A_196 : memref<128xf32, #tpu.memory_space<vmem>>) target(%dma_start3A_201 : memref<50176xf32, #tpu.memory_space<vmem_shared>>) offsets(%dma_start3A_199 : memref<128xi32, #tpu.memory_space<vmem>>) semaphore(%arg23 : memref<!tpu.dma_semaphore, #tpu.memory_space<semaphore_mem>>) {add = true}
        %dma_start3A_202 = arith.constant 12 : i32
        %dma_start3A_203 = arith.constant 1536 : i32
        %dma_start3A_204 = tpu.memref_slice %arg18[%dma_start3A_203] : memref<5120xf32, #tpu.memory_space<vmem>> -> memref<128xf32, #tpu.memory_space<vmem>>
        %dma_start3A_205 = arith.constant 0 : i32
        %dma_start3A_206 = tpu.memref_slice %arg14[%dma_start3A_202, %dma_start3A_205] : memref<40x128xi32, #tpu.memory_space<vmem>> -> memref<1x128xi32, #tpu.memory_space<vmem>>
        %dma_start3A_207 = tpu.memref_squeeze %dma_start3A_206 : memref<1x128xi32, #tpu.memory_space<vmem>> -> memref<128xi32, #tpu.memory_space<vmem>>
        %dma_start3A_208 = arith.constant 0 : i32
        %dma_start3A_209 = tpu.memref_slice %arg24[%dma_start3A_208] : memref<50176xf32, #tpu.memory_space<vmem_shared>> -> memref<50176xf32, #tpu.memory_space<vmem_shared>>
        tpu.enqueue_indirect_dma source(%dma_start3A_204 : memref<128xf32, #tpu.memory_space<vmem>>) target(%dma_start3A_209 : memref<50176xf32, #tpu.memory_space<vmem_shared>>) offsets(%dma_start3A_207 : memref<128xi32, #tpu.memory_space<vmem>>) semaphore(%arg23 : memref<!tpu.dma_semaphore, #tpu.memory_space<semaphore_mem>>) {add = true}
        %dma_start3A_210 = arith.constant 13 : i32
        %dma_start3A_211 = arith.constant 1664 : i32
        %dma_start3A_212 = tpu.memref_slice %arg18[%dma_start3A_211] : memref<5120xf32, #tpu.memory_space<vmem>> -> memref<128xf32, #tpu.memory_space<vmem>>
        %dma_start3A_213 = arith.constant 0 : i32
        %dma_start3A_214 = tpu.memref_slice %arg14[%dma_start3A_210, %dma_start3A_213] : memref<40x128xi32, #tpu.memory_space<vmem>> -> memref<1x128xi32, #tpu.memory_space<vmem>>
        %dma_start3A_215 = tpu.memref_squeeze %dma_start3A_214 : memref<1x128xi32, #tpu.memory_space<vmem>> -> memref<128xi32, #tpu.memory_space<vmem>>
        %dma_start3A_216 = arith.constant 0 : i32
        %dma_start3A_217 = tpu.memref_slice %arg24[%dma_start3A_216] : memref<50176xf32, #tpu.memory_space<vmem_shared>> -> memref<50176xf32, #tpu.memory_space<vmem_shared>>
        tpu.enqueue_indirect_dma source(%dma_start3A_212 : memref<128xf32, #tpu.memory_space<vmem>>) target(%dma_start3A_217 : memref<50176xf32, #tpu.memory_space<vmem_shared>>) offsets(%dma_start3A_215 : memref<128xi32, #tpu.memory_space<vmem>>) semaphore(%arg23 : memref<!tpu.dma_semaphore, #tpu.memory_space<semaphore_mem>>) {add = true}
        %dma_start3A_218 = arith.constant 14 : i32
        %dma_start3A_219 = arith.constant 1792 : i32
        %dma_start3A_220 = tpu.memref_slice %arg18[%dma_start3A_219] : memref<5120xf32, #tpu.memory_space<vmem>> -> memref<128xf32, #tpu.memory_space<vmem>>
        %dma_start3A_221 = arith.constant 0 : i32
        %dma_start3A_222 = tpu.memref_slice %arg14[%dma_start3A_218, %dma_start3A_221] : memref<40x128xi32, #tpu.memory_space<vmem>> -> memref<1x128xi32, #tpu.memory_space<vmem>>
        %dma_start3A_223 = tpu.memref_squeeze %dma_start3A_222 : memref<1x128xi32, #tpu.memory_space<vmem>> -> memref<128xi32, #tpu.memory_space<vmem>>
        %dma_start3A_224 = arith.constant 0 : i32
        %dma_start3A_225 = tpu.memref_slice %arg24[%dma_start3A_224] : memref<50176xf32, #tpu.memory_space<vmem_shared>> -> memref<50176xf32, #tpu.memory_space<vmem_shared>>
        tpu.enqueue_indirect_dma source(%dma_start3A_220 : memref<128xf32, #tpu.memory_space<vmem>>) target(%dma_start3A_225 : memref<50176xf32, #tpu.memory_space<vmem_shared>>) offsets(%dma_start3A_223 : memref<128xi32, #tpu.memory_space<vmem>>) semaphore(%arg23 : memref<!tpu.dma_semaphore, #tpu.memory_space<semaphore_mem>>) {add = true}
        %dma_start3A_226 = arith.constant 15 : i32
        %dma_start3A_227 = arith.constant 1920 : i32
        %dma_start3A_228 = tpu.memref_slice %arg18[%dma_start3A_227] : memref<5120xf32, #tpu.memory_space<vmem>> -> memref<128xf32, #tpu.memory_space<vmem>>
        %dma_start3A_229 = arith.constant 0 : i32
        %dma_start3A_230 = tpu.memref_slice %arg14[%dma_start3A_226, %dma_start3A_229] : memref<40x128xi32, #tpu.memory_space<vmem>> -> memref<1x128xi32, #tpu.memory_space<vmem>>
        %dma_start3A_231 = tpu.memref_squeeze %dma_start3A_230 : memref<1x128xi32, #tpu.memory_space<vmem>> -> memref<128xi32, #tpu.memory_space<vmem>>
        %dma_start3A_232 = arith.constant 0 : i32
        %dma_start3A_233 = tpu.memref_slice %arg24[%dma_start3A_232] : memref<50176xf32, #tpu.memory_space<vmem_shared>> -> memref<50176xf32, #tpu.memory_space<vmem_shared>>
        tpu.enqueue_indirect_dma source(%dma_start3A_228 : memref<128xf32, #tpu.memory_space<vmem>>) target(%dma_start3A_233 : memref<50176xf32, #tpu.memory_space<vmem_shared>>) offsets(%dma_start3A_231 : memref<128xi32, #tpu.memory_space<vmem>>) semaphore(%arg23 : memref<!tpu.dma_semaphore, #tpu.memory_space<semaphore_mem>>) {add = true}
        %dma_start3A_234 = arith.constant 16 : i32
        %dma_start3A_235 = arith.constant 2048 : i32
        %dma_start3A_236 = tpu.memref_slice %arg18[%dma_start3A_235] : memref<5120xf32, #tpu.memory_space<vmem>> -> memref<128xf32, #tpu.memory_space<vmem>>
        %dma_start3A_237 = arith.constant 0 : i32
        %dma_start3A_238 = tpu.memref_slice %arg14[%dma_start3A_234, %dma_start3A_237] : memref<40x128xi32, #tpu.memory_space<vmem>> -> memref<1x128xi32, #tpu.memory_space<vmem>>
        %dma_start3A_239 = tpu.memref_squeeze %dma_start3A_238 : memref<1x128xi32, #tpu.memory_space<vmem>> -> memref<128xi32, #tpu.memory_space<vmem>>
        %dma_start3A_240 = arith.constant 0 : i32
        %dma_start3A_241 = tpu.memref_slice %arg24[%dma_start3A_240] : memref<50176xf32, #tpu.memory_space<vmem_shared>> -> memref<50176xf32, #tpu.memory_space<vmem_shared>>
        tpu.enqueue_indirect_dma source(%dma_start3A_236 : memref<128xf32, #tpu.memory_space<vmem>>) target(%dma_start3A_241 : memref<50176xf32, #tpu.memory_space<vmem_shared>>) offsets(%dma_start3A_239 : memref<128xi32, #tpu.memory_space<vmem>>) semaphore(%arg23 : memref<!tpu.dma_semaphore, #tpu.memory_space<semaphore_mem>>) {add = true}
        %dma_start3A_242 = arith.constant 17 : i32
        %dma_start3A_243 = arith.constant 2176 : i32
        %dma_start3A_244 = tpu.memref_slice %arg18[%dma_start3A_243] : memref<5120xf32, #tpu.memory_space<vmem>> -> memref<128xf32, #tpu.memory_space<vmem>>
        %dma_start3A_245 = arith.constant 0 : i32
        %dma_start3A_246 = tpu.memref_slice %arg14[%dma_start3A_242, %dma_start3A_245] : memref<40x128xi32, #tpu.memory_space<vmem>> -> memref<1x128xi32, #tpu.memory_space<vmem>>
        %dma_start3A_247 = tpu.memref_squeeze %dma_start3A_246 : memref<1x128xi32, #tpu.memory_space<vmem>> -> memref<128xi32, #tpu.memory_space<vmem>>
        %dma_start3A_248 = arith.constant 0 : i32
        %dma_start3A_249 = tpu.memref_slice %arg24[%dma_start3A_248] : memref<50176xf32, #tpu.memory_space<vmem_shared>> -> memref<50176xf32, #tpu.memory_space<vmem_shared>>
        tpu.enqueue_indirect_dma source(%dma_start3A_244 : memref<128xf32, #tpu.memory_space<vmem>>) target(%dma_start3A_249 : memref<50176xf32, #tpu.memory_space<vmem_shared>>) offsets(%dma_start3A_247 : memref<128xi32, #tpu.memory_space<vmem>>) semaphore(%arg23 : memref<!tpu.dma_semaphore, #tpu.memory_space<semaphore_mem>>) {add = true}
        %dma_start3A_250 = arith.constant 18 : i32
        %dma_start3A_251 = arith.constant 2304 : i32
        %dma_start3A_252 = tpu.memref_slice %arg18[%dma_start3A_251] : memref<5120xf32, #tpu.memory_space<vmem>> -> memref<128xf32, #tpu.memory_space<vmem>>
        %dma_start3A_253 = arith.constant 0 : i32
        %dma_start3A_254 = tpu.memref_slice %arg14[%dma_start3A_250, %dma_start3A_253] : memref<40x128xi32, #tpu.memory_space<vmem>> -> memref<1x128xi32, #tpu.memory_space<vmem>>
        %dma_start3A_255 = tpu.memref_squeeze %dma_start3A_254 : memref<1x128xi32, #tpu.memory_space<vmem>> -> memref<128xi32, #tpu.memory_space<vmem>>
        %dma_start3A_256 = arith.constant 0 : i32
        %dma_start3A_257 = tpu.memref_slice %arg24[%dma_start3A_256] : memref<50176xf32, #tpu.memory_space<vmem_shared>> -> memref<50176xf32, #tpu.memory_space<vmem_shared>>
        tpu.enqueue_indirect_dma source(%dma_start3A_252 : memref<128xf32, #tpu.memory_space<vmem>>) target(%dma_start3A_257 : memref<50176xf32, #tpu.memory_space<vmem_shared>>) offsets(%dma_start3A_255 : memref<128xi32, #tpu.memory_space<vmem>>) semaphore(%arg23 : memref<!tpu.dma_semaphore, #tpu.memory_space<semaphore_mem>>) {add = true}
        %dma_start3A_258 = arith.constant 19 : i32
        %dma_start3A_259 = arith.constant 2432 : i32
        %dma_start3A_260 = tpu.memref_slice %arg18[%dma_start3A_259] : memref<5120xf32, #tpu.memory_space<vmem>> -> memref<128xf32, #tpu.memory_space<vmem>>
        %dma_start3A_261 = arith.constant 0 : i32
        %dma_start3A_262 = tpu.memref_slice %arg14[%dma_start3A_258, %dma_start3A_261] : memref<40x128xi32, #tpu.memory_space<vmem>> -> memref<1x128xi32, #tpu.memory_space<vmem>>
        %dma_start3A_263 = tpu.memref_squeeze %dma_start3A_262 : memref<1x128xi32, #tpu.memory_space<vmem>> -> memref<128xi32, #tpu.memory_space<vmem>>
        %dma_start3A_264 = arith.constant 0 : i32
        %dma_start3A_265 = tpu.memref_slice %arg24[%dma_start3A_264] : memref<50176xf32, #tpu.memory_space<vmem_shared>> -> memref<50176xf32, #tpu.memory_space<vmem_shared>>
        tpu.enqueue_indirect_dma source(%dma_start3A_260 : memref<128xf32, #tpu.memory_space<vmem>>) target(%dma_start3A_265 : memref<50176xf32, #tpu.memory_space<vmem_shared>>) offsets(%dma_start3A_263 : memref<128xi32, #tpu.memory_space<vmem>>) semaphore(%arg23 : memref<!tpu.dma_semaphore, #tpu.memory_space<semaphore_mem>>) {add = true}
        %parallel_loop3A_266 = arith.constant 20 : i32
        %parallel_loop3A_267 = arith.constant 40 : i32
        %parallel_loop3A_268 = arith.constant 1 : i32
        scf.for %parallel_loop3A_429 = %parallel_loop3A_266 to %parallel_loop3A_267 step %parallel_loop3A_268  : i32 {
          %parallel_loop3A_430 = arith.index_cast %parallel_loop3A_429 : i32 to index
          %parallel_loop3A_431 = arith.constant 0 : index
          %parallel_loop3A_432 = tpu.vector_load %arg14[%parallel_loop3A_430, %parallel_loop3A_431] {strides = array<i32>} : memref<40x128xi32, #tpu.memory_space<vmem>>, vector<16xi32>,
          %parallel_loop3A_433 = arith.constant 128 : i32
          %parallel_loop3A_434 = arith.muli %parallel_loop3A_429, %parallel_loop3A_433 : i32
          %parallel_loop3A_435 = arith.constant 0 : i32
          %parallel_loop3A_436 = arith.addi %parallel_loop3A_434, %parallel_loop3A_435 : i32
          %parallel_loop3A_437 = arith.index_cast %parallel_loop3A_436 : i32 to index
          %parallel_loop3A_438 = tpu.vector_load %arg15[%parallel_loop3A_437] {strides = array<i32>} : memref<5120xi32, #tpu.memory_space<vmem>>, vector<16xi32>,
          %parallel_loop3A_439 = tpu.vector_load_idx %arg12[%parallel_loop3A_432] : memref<50176xf32, #tpu.memory_space<vmem>>[vector<16xi32>], vector<16xf32>,
          %parallel_loop3A_440 = tpu.vector_load_idx %arg12[%parallel_loop3A_438] : memref<50176xf32, #tpu.memory_space<vmem>>[vector<16xi32>], vector<16xf32>,
          %parallel_loop3A_441 = tpu.vector_load_idx %arg13[%parallel_loop3A_432] : memref<50176xf32, #tpu.memory_space<vmem>>[vector<16xi32>], vector<16xf32>,
          %parallel_loop3A_442 = tpu.vector_load_idx %arg13[%parallel_loop3A_438] : memref<50176xf32, #tpu.memory_space<vmem>>[vector<16xi32>], vector<16xf32>,
          %parallel_loop3A_443 = vector.bitcast %parallel_loop3A_441 : vector<16xf32> to vector<16xi32>
          %parallel_loop3A_444 = vector.bitcast %parallel_loop3A_442 : vector<16xf32> to vector<16xi32>
          %parallel_loop3A_445 = arith.andi %parallel_loop3A_443, %broadcast_in_dim3A_41 : vector<16xi32>
          %parallel_loop3A_446 = arith.sitofp %parallel_loop3A_445 : vector<16xi32> to vector<16xf32>
          %parallel_loop3A_447 = arith.addf %parallel_loop3A_446, %broadcast_in_dim3A_39 : vector<16xf32>
          %parallel_loop3A_448 = arith.andi %parallel_loop3A_444, %broadcast_in_dim3A_41 : vector<16xi32>
          %parallel_loop3A_449 = arith.sitofp %parallel_loop3A_448 : vector<16xi32> to vector<16xf32>
          %parallel_loop3A_450 = arith.addf %parallel_loop3A_449, %broadcast_in_dim3A_39 : vector<16xf32>
          %parallel_loop3A_451 = arith.index_cast %parallel_loop3A_429 : i32 to index
          %parallel_loop3A_452 = arith.constant 0 : index
          %parallel_loop3A_453 = tpu.vector_load %arg16[%parallel_loop3A_451, %parallel_loop3A_452] {strides = array<i32>} : memref<40x128xf32, #tpu.memory_space<vmem>>, vector<16xf32>,
          %parallel_loop3A_454 = arith.mulf %parallel_loop3A_453, %parallel_loop3A_441 : vector<16xf32>
          %parallel_loop3A_455 = arith.mulf %parallel_loop3A_453, %parallel_loop3A_442 : vector<16xf32>
          %parallel_loop3A_456 = math.exp %parallel_loop3A_454 : vector<16xf32>
          %parallel_loop3A_457 = math.exp %parallel_loop3A_455 : vector<16xf32>
          %parallel_loop3A_458 = arith.mulf %parallel_loop3A_454, %get3A_32 : vector<16xf32>
          %parallel_loop3A_459 = math.exp %parallel_loop3A_458 : vector<16xf32>
          %parallel_loop3A_460 = arith.mulf %parallel_loop3A_455, %get3A_32 : vector<16xf32>
          %parallel_loop3A_461 = math.exp %parallel_loop3A_460 : vector<16xf32>
          %parallel_loop3A_462 = arith.subf %parallel_loop3A_447, %parallel_loop3A_439 : vector<16xf32>
          %parallel_loop3A_463 = arith.subf %parallel_loop3A_450, %parallel_loop3A_440 : vector<16xf32>
          %parallel_loop3A_464 = arith.subf %parallel_loop3A_459, %broadcast_in_dim3A_39 : vector<16xf32>
          %parallel_loop3A_465 = arith.mulf %parallel_loop3A_462, %parallel_loop3A_464 : vector<16xf32>
          %parallel_loop3A_466 = arith.subf %parallel_loop3A_461, %broadcast_in_dim3A_39 : vector<16xf32>
          %parallel_loop3A_467 = arith.mulf %parallel_loop3A_463, %parallel_loop3A_466 : vector<16xf32>
          %parallel_loop3A_468 = arith.mulf %parallel_loop3A_450, %parallel_loop3A_462 : vector<16xf32>
          %parallel_loop3A_469 = arith.mulf %parallel_loop3A_468, %parallel_loop3A_456 : vector<16xf32>
          %parallel_loop3A_470 = arith.mulf %parallel_loop3A_447, %parallel_loop3A_463 : vector<16xf32>
          %parallel_loop3A_471 = arith.mulf %parallel_loop3A_470, %parallel_loop3A_457 : vector<16xf32>
          %parallel_loop3A_472 = arith.addf %parallel_loop3A_469, %parallel_loop3A_471 : vector<16xf32>
          %parallel_loop3A_473 = arith.mulf %parallel_loop3A_465, %parallel_loop3A_467 : vector<16xf32>
          %parallel_loop3A_474 = arith.addf %parallel_loop3A_472, %parallel_loop3A_473 : vector<16xf32>
          %parallel_loop3A_475 = arith.mulf %parallel_loop3A_462, %parallel_loop3A_463 : vector<16xf32>
          %parallel_loop3A_476 = arith.subf %parallel_loop3A_474, %parallel_loop3A_475 : vector<16xf32>
          %parallel_loop3A_477 = arith.mulf %parallel_loop3A_439, %parallel_loop3A_440 : vector<16xf32>
          %parallel_loop3A_478 = arith.addf %parallel_loop3A_476, %parallel_loop3A_477 : vector<16xf32>
          %parallel_loop3A_479 = arith.index_cast %parallel_loop3A_429 : i32 to index
          %parallel_loop3A_480 = arith.constant 0 : index
          %parallel_loop3A_481 = tpu.vector_load %arg17[%parallel_loop3A_479, %parallel_loop3A_480] {strides = array<i32>} : memref<40x128xf32, #tpu.memory_space<vmem>>, vector<16xf32>,
          %parallel_loop3A_482 = arith.mulf %parallel_loop3A_478, %parallel_loop3A_481 : vector<16xf32>
          %parallel_loop3A_483 = arith.divf %parallel_loop3A_482, %parallel_loop3A_453 : vector<16xf32>
          %parallel_loop3A_484 = arith.constant 128 : i32
          %parallel_loop3A_485 = arith.muli %parallel_loop3A_429, %parallel_loop3A_484 : i32
          %parallel_loop3A_486 = arith.constant 0 : i32
          %parallel_loop3A_487 = arith.addi %parallel_loop3A_485, %parallel_loop3A_486 : i32
          %parallel_loop3A_488 = arith.index_cast %parallel_loop3A_487 : i32 to index
          %parallel_loop3A_489 = tpu.vector_load %arg18[%parallel_loop3A_488] {strides = array<i32>} : memref<5120xf32, #tpu.memory_space<vmem>>, vector<16xf32>,
          tpu.vector_store %arg18[%parallel_loop3A_488], %parallel_loop3A_483 {strides = array<i32>} : memref<5120xf32, #tpu.memory_space<vmem>>, vector<16xf32>,
          %parallel_loop3A_490 = arith.index_cast %parallel_loop3A_429 : i32 to index
          %parallel_loop3A_491 = arith.constant 16 : index
          %parallel_loop3A_492 = tpu.vector_load %arg14[%parallel_loop3A_490, %parallel_loop3A_491] {strides = array<i32>} : memref<40x128xi32, #tpu.memory_space<vmem>>, vector<16xi32>,
          %parallel_loop3A_493 = arith.constant 128 : i32
          %parallel_loop3A_494 = arith.muli %parallel_loop3A_429, %parallel_loop3A_493 : i32
          %parallel_loop3A_495 = arith.constant 16 : i32
          %parallel_loop3A_496 = arith.addi %parallel_loop3A_494, %parallel_loop3A_495 : i32
          %parallel_loop3A_497 = arith.index_cast %parallel_loop3A_496 : i32 to index
          %parallel_loop3A_498 = tpu.vector_load %arg15[%parallel_loop3A_497] {strides = array<i32>} : memref<5120xi32, #tpu.memory_space<vmem>>, vector<16xi32>,
          %parallel_loop3A_499 = tpu.vector_load_idx %arg12[%parallel_loop3A_492] : memref<50176xf32, #tpu.memory_space<vmem>>[vector<16xi32>], vector<16xf32>,
          %parallel_loop3A_500 = tpu.vector_load_idx %arg12[%parallel_loop3A_498] : memref<50176xf32, #tpu.memory_space<vmem>>[vector<16xi32>], vector<16xf32>,
          %parallel_loop3A_501 = tpu.vector_load_idx %arg13[%parallel_loop3A_492] : memref<50176xf32, #tpu.memory_space<vmem>>[vector<16xi32>], vector<16xf32>,
          %parallel_loop3A_502 = tpu.vector_load_idx %arg13[%parallel_loop3A_498] : memref<50176xf32, #tpu.memory_space<vmem>>[vector<16xi32>], vector<16xf32>,
          %parallel_loop3A_503 = vector.bitcast %parallel_loop3A_501 : vector<16xf32> to vector<16xi32>
          %parallel_loop3A_504 = vector.bitcast %parallel_loop3A_502 : vector<16xf32> to vector<16xi32>
          %parallel_loop3A_505 = arith.andi %parallel_loop3A_503, %broadcast_in_dim3A_41 : vector<16xi32>
          %parallel_loop3A_506 = arith.sitofp %parallel_loop3A_505 : vector<16xi32> to vector<16xf32>
          %parallel_loop3A_507 = arith.addf %parallel_loop3A_506, %broadcast_in_dim3A_39 : vector<16xf32>
          %parallel_loop3A_508 = arith.andi %parallel_loop3A_504, %broadcast_in_dim3A_41 : vector<16xi32>
          %parallel_loop3A_509 = arith.sitofp %parallel_loop3A_508 : vector<16xi32> to vector<16xf32>
          %parallel_loop3A_510 = arith.addf %parallel_loop3A_509, %broadcast_in_dim3A_39 : vector<16xf32>
          %parallel_loop3A_511 = arith.index_cast %parallel_loop3A_429 : i32 to index
          %parallel_loop3A_512 = arith.constant 16 : index
          %parallel_loop3A_513 = tpu.vector_load %arg16[%parallel_loop3A_511, %parallel_loop3A_512] {strides = array<i32>} : memref<40x128xf32, #tpu.memory_space<vmem>>, vector<16xf32>,
          %parallel_loop3A_514 = arith.mulf %parallel_loop3A_513, %parallel_loop3A_501 : vector<16xf32>
          %parallel_loop3A_515 = arith.mulf %parallel_loop3A_513, %parallel_loop3A_502 : vector<16xf32>
          %parallel_loop3A_516 = math.exp %parallel_loop3A_514 : vector<16xf32>
          %parallel_loop3A_517 = math.exp %parallel_loop3A_515 : vector<16xf32>
          %parallel_loop3A_518 = arith.mulf %parallel_loop3A_514, %get3A_32 : vector<16xf32>
          %parallel_loop3A_519 = math.exp %parallel_loop3A_518 : vector<16xf32>
          %parallel_loop3A_520 = arith.mulf %parallel_loop3A_515, %get3A_32 : vector<16xf32>
          %parallel_loop3A_521 = math.exp %parallel_loop3A_520 : vector<16xf32>
          %parallel_loop3A_522 = arith.subf %parallel_loop3A_507, %parallel_loop3A_499 : vector<16xf32>
          %parallel_loop3A_523 = arith.subf %parallel_loop3A_510, %parallel_loop3A_500 : vector<16xf32>
          %parallel_loop3A_524 = arith.subf %parallel_loop3A_519, %broadcast_in_dim3A_39 : vector<16xf32>
          %parallel_loop3A_525 = arith.mulf %parallel_loop3A_522, %parallel_loop3A_524 : vector<16xf32>
          %parallel_loop3A_526 = arith.subf %parallel_loop3A_521, %broadcast_in_dim3A_39 : vector<16xf32>
          %parallel_loop3A_527 = arith.mulf %parallel_loop3A_523, %parallel_loop3A_526 : vector<16xf32>
          %parallel_loop3A_528 = arith.mulf %parallel_loop3A_510, %parallel_loop3A_522 : vector<16xf32>
          %parallel_loop3A_529 = arith.mulf %parallel_loop3A_528, %parallel_loop3A_516 : vector<16xf32>
          %parallel_loop3A_530 = arith.mulf %parallel_loop3A_507, %parallel_loop3A_523 : vector<16xf32>
          %parallel_loop3A_531 = arith.mulf %parallel_loop3A_530, %parallel_loop3A_517 : vector<16xf32>
          %parallel_loop3A_532 = arith.addf %parallel_loop3A_529, %parallel_loop3A_531 : vector<16xf32>
          %parallel_loop3A_533 = arith.mulf %parallel_loop3A_525, %parallel_loop3A_527 : vector<16xf32>
          %parallel_loop3A_534 = arith.addf %parallel_loop3A_532, %parallel_loop3A_533 : vector<16xf32>
          %parallel_loop3A_535 = arith.mulf %parallel_loop3A_522, %parallel_loop3A_523 : vector<16xf32>
          %parallel_loop3A_536 = arith.subf %parallel_loop3A_534, %parallel_loop3A_535 : vector<16xf32>
          %parallel_loop3A_537 = arith.mulf %parallel_loop3A_499, %parallel_loop3A_500 : vector<16xf32>
          %parallel_loop3A_538 = arith.addf %parallel_loop3A_536, %parallel_loop3A_537 : vector<16xf32>
          %parallel_loop3A_539 = arith.index_cast %parallel_loop3A_429 : i32 to index
          %parallel_loop3A_540 = arith.constant 16 : index
          %parallel_loop3A_541 = tpu.vector_load %arg17[%parallel_loop3A_539, %parallel_loop3A_540] {strides = array<i32>} : memref<40x128xf32, #tpu.memory_space<vmem>>, vector<16xf32>,
          %parallel_loop3A_542 = arith.mulf %parallel_loop3A_538, %parallel_loop3A_541 : vector<16xf32>
          %parallel_loop3A_543 = arith.divf %parallel_loop3A_542, %parallel_loop3A_513 : vector<16xf32>
          %parallel_loop3A_544 = arith.constant 128 : i32
          %parallel_loop3A_545 = arith.muli %parallel_loop3A_429, %parallel_loop3A_544 : i32
          %parallel_loop3A_546 = arith.constant 16 : i32
          %parallel_loop3A_547 = arith.addi %parallel_loop3A_545, %parallel_loop3A_546 : i32
          %parallel_loop3A_548 = arith.index_cast %parallel_loop3A_547 : i32 to index
          %parallel_loop3A_549 = tpu.vector_load %arg18[%parallel_loop3A_548] {strides = array<i32>} : memref<5120xf32, #tpu.memory_space<vmem>>, vector<16xf32>,
          tpu.vector_store %arg18[%parallel_loop3A_548], %parallel_loop3A_543 {strides = array<i32>} : memref<5120xf32, #tpu.memory_space<vmem>>, vector<16xf32>,
          %parallel_loop3A_550 = arith.index_cast %parallel_loop3A_429 : i32 to index
          %parallel_loop3A_551 = arith.constant 32 : index
          %parallel_loop3A_552 = tpu.vector_load %arg14[%parallel_loop3A_550, %parallel_loop3A_551] {strides = array<i32>} : memref<40x128xi32, #tpu.memory_space<vmem>>, vector<16xi32>,
          %parallel_loop3A_553 = arith.constant 128 : i32
          %parallel_loop3A_554 = arith.muli %parallel_loop3A_429, %parallel_loop3A_553 : i32
          %parallel_loop3A_555 = arith.constant 32 : i32
          %parallel_loop3A_556 = arith.addi %parallel_loop3A_554, %parallel_loop3A_555 : i32
          %parallel_loop3A_557 = arith.index_cast %parallel_loop3A_556 : i32 to index
          %parallel_loop3A_558 = tpu.vector_load %arg15[%parallel_loop3A_557] {strides = array<i32>} : memref<5120xi32, #tpu.memory_space<vmem>>, vector<16xi32>,
          %parallel_loop3A_559 = tpu.vector_load_idx %arg12[%parallel_loop3A_552] : memref<50176xf32, #tpu.memory_space<vmem>>[vector<16xi32>], vector<16xf32>,
          %parallel_loop3A_560 = tpu.vector_load_idx %arg12[%parallel_loop3A_558] : memref<50176xf32, #tpu.memory_space<vmem>>[vector<16xi32>], vector<16xf32>,
          %parallel_loop3A_561 = tpu.vector_load_idx %arg13[%parallel_loop3A_552] : memref<50176xf32, #tpu.memory_space<vmem>>[vector<16xi32>], vector<16xf32>,
          %parallel_loop3A_562 = tpu.vector_load_idx %arg13[%parallel_loop3A_558] : memref<50176xf32, #tpu.memory_space<vmem>>[vector<16xi32>], vector<16xf32>,
          %parallel_loop3A_563 = vector.bitcast %parallel_loop3A_561 : vector<16xf32> to vector<16xi32>
          %parallel_loop3A_564 = vector.bitcast %parallel_loop3A_562 : vector<16xf32> to vector<16xi32>
          %parallel_loop3A_565 = arith.andi %parallel_loop3A_563, %broadcast_in_dim3A_41 : vector<16xi32>
          %parallel_loop3A_566 = arith.sitofp %parallel_loop3A_565 : vector<16xi32> to vector<16xf32>
          %parallel_loop3A_567 = arith.addf %parallel_loop3A_566, %broadcast_in_dim3A_39 : vector<16xf32>
          %parallel_loop3A_568 = arith.andi %parallel_loop3A_564, %broadcast_in_dim3A_41 : vector<16xi32>
          %parallel_loop3A_569 = arith.sitofp %parallel_loop3A_568 : vector<16xi32> to vector<16xf32>
          %parallel_loop3A_570 = arith.addf %parallel_loop3A_569, %broadcast_in_dim3A_39 : vector<16xf32>
          %parallel_loop3A_571 = arith.index_cast %parallel_loop3A_429 : i32 to index
          %parallel_loop3A_572 = arith.constant 32 : index
          %parallel_loop3A_573 = tpu.vector_load %arg16[%parallel_loop3A_571, %parallel_loop3A_572] {strides = array<i32>} : memref<40x128xf32, #tpu.memory_space<vmem>>, vector<16xf32>,
          %parallel_loop3A_574 = arith.mulf %parallel_loop3A_573, %parallel_loop3A_561 : vector<16xf32>
          %parallel_loop3A_575 = arith.mulf %parallel_loop3A_573, %parallel_loop3A_562 : vector<16xf32>
          %parallel_loop3A_576 = math.exp %parallel_loop3A_574 : vector<16xf32>
          %parallel_loop3A_577 = math.exp %parallel_loop3A_575 : vector<16xf32>
          %parallel_loop3A_578 = arith.mulf %parallel_loop3A_574, %get3A_32 : vector<16xf32>
          %parallel_loop3A_579 = math.exp %parallel_loop3A_578 : vector<16xf32>
          %parallel_loop3A_580 = arith.mulf %parallel_loop3A_575, %get3A_32 : vector<16xf32>
          %parallel_loop3A_581 = math.exp %parallel_loop3A_580 : vector<16xf32>
          %parallel_loop3A_582 = arith.subf %parallel_loop3A_567, %parallel_loop3A_559 : vector<16xf32>
          %parallel_loop3A_583 = arith.subf %parallel_loop3A_570, %parallel_loop3A_560 : vector<16xf32>
          %parallel_loop3A_584 = arith.subf %parallel_loop3A_579, %broadcast_in_dim3A_39 : vector<16xf32>
          %parallel_loop3A_585 = arith.mulf %parallel_loop3A_582, %parallel_loop3A_584 : vector<16xf32>
          %parallel_loop3A_586 = arith.subf %parallel_loop3A_581, %broadcast_in_dim3A_39 : vector<16xf32>
          %parallel_loop3A_587 = arith.mulf %parallel_loop3A_583, %parallel_loop3A_586 : vector<16xf32>
          %parallel_loop3A_588 = arith.mulf %parallel_loop3A_570, %parallel_loop3A_582 : vector<16xf32>
          %parallel_loop3A_589 = arith.mulf %parallel_loop3A_588, %parallel_loop3A_576 : vector<16xf32>
          %parallel_loop3A_590 = arith.mulf %parallel_loop3A_567, %parallel_loop3A_583 : vector<16xf32>
          %parallel_loop3A_591 = arith.mulf %parallel_loop3A_590, %parallel_loop3A_577 : vector<16xf32>
          %parallel_loop3A_592 = arith.addf %parallel_loop3A_589, %parallel_loop3A_591 : vector<16xf32>
          %parallel_loop3A_593 = arith.mulf %parallel_loop3A_585, %parallel_loop3A_587 : vector<16xf32>
          %parallel_loop3A_594 = arith.addf %parallel_loop3A_592, %parallel_loop3A_593 : vector<16xf32>
          %parallel_loop3A_595 = arith.mulf %parallel_loop3A_582, %parallel_loop3A_583 : vector<16xf32>
          %parallel_loop3A_596 = arith.subf %parallel_loop3A_594, %parallel_loop3A_595 : vector<16xf32>
          %parallel_loop3A_597 = arith.mulf %parallel_loop3A_559, %parallel_loop3A_560 : vector<16xf32>
          %parallel_loop3A_598 = arith.addf %parallel_loop3A_596, %parallel_loop3A_597 : vector<16xf32>
          %parallel_loop3A_599 = arith.index_cast %parallel_loop3A_429 : i32 to index
          %parallel_loop3A_600 = arith.constant 32 : index
          %parallel_loop3A_601 = tpu.vector_load %arg17[%parallel_loop3A_599, %parallel_loop3A_600] {strides = array<i32>} : memref<40x128xf32, #tpu.memory_space<vmem>>, vector<16xf32>,
          %parallel_loop3A_602 = arith.mulf %parallel_loop3A_598, %parallel_loop3A_601 : vector<16xf32>
          %parallel_loop3A_603 = arith.divf %parallel_loop3A_602, %parallel_loop3A_573 : vector<16xf32>
          %parallel_loop3A_604 = arith.constant 128 : i32
          %parallel_loop3A_605 = arith.muli %parallel_loop3A_429, %parallel_loop3A_604 : i32
          %parallel_loop3A_606 = arith.constant 32 : i32
          %parallel_loop3A_607 = arith.addi %parallel_loop3A_605, %parallel_loop3A_606 : i32
          %parallel_loop3A_608 = arith.index_cast %parallel_loop3A_607 : i32 to index
          %parallel_loop3A_609 = tpu.vector_load %arg18[%parallel_loop3A_608] {strides = array<i32>} : memref<5120xf32, #tpu.memory_space<vmem>>, vector<16xf32>,
          tpu.vector_store %arg18[%parallel_loop3A_608], %parallel_loop3A_603 {strides = array<i32>} : memref<5120xf32, #tpu.memory_space<vmem>>, vector<16xf32>,
          %parallel_loop3A_610 = arith.index_cast %parallel_loop3A_429 : i32 to index
          %parallel_loop3A_611 = arith.constant 48 : index
          %parallel_loop3A_612 = tpu.vector_load %arg14[%parallel_loop3A_610, %parallel_loop3A_611] {strides = array<i32>} : memref<40x128xi32, #tpu.memory_space<vmem>>, vector<16xi32>,
          %parallel_loop3A_613 = arith.constant 128 : i32
          %parallel_loop3A_614 = arith.muli %parallel_loop3A_429, %parallel_loop3A_613 : i32
          %parallel_loop3A_615 = arith.constant 48 : i32
          %parallel_loop3A_616 = arith.addi %parallel_loop3A_614, %parallel_loop3A_615 : i32
          %parallel_loop3A_617 = arith.index_cast %parallel_loop3A_616 : i32 to index
          %parallel_loop3A_618 = tpu.vector_load %arg15[%parallel_loop3A_617] {strides = array<i32>} : memref<5120xi32, #tpu.memory_space<vmem>>, vector<16xi32>,
          %parallel_loop3A_619 = tpu.vector_load_idx %arg12[%parallel_loop3A_612] : memref<50176xf32, #tpu.memory_space<vmem>>[vector<16xi32>], vector<16xf32>,
          %parallel_loop3A_620 = tpu.vector_load_idx %arg12[%parallel_loop3A_618] : memref<50176xf32, #tpu.memory_space<vmem>>[vector<16xi32>], vector<16xf32>,
          %parallel_loop3A_621 = tpu.vector_load_idx %arg13[%parallel_loop3A_612] : memref<50176xf32, #tpu.memory_space<vmem>>[vector<16xi32>], vector<16xf32>,
          %parallel_loop3A_622 = tpu.vector_load_idx %arg13[%parallel_loop3A_618] : memref<50176xf32, #tpu.memory_space<vmem>>[vector<16xi32>], vector<16xf32>,
          %parallel_loop3A_623 = vector.bitcast %parallel_loop3A_621 : vector<16xf32> to vector<16xi32>
          %parallel_loop3A_624 = vector.bitcast %parallel_loop3A_622 : vector<16xf32> to vector<16xi32>
          %parallel_loop3A_625 = arith.andi %parallel_loop3A_623, %broadcast_in_dim3A_41 : vector<16xi32>
          %parallel_loop3A_626 = arith.sitofp %parallel_loop3A_625 : vector<16xi32> to vector<16xf32>
          %parallel_loop3A_627 = arith.addf %parallel_loop3A_626, %broadcast_in_dim3A_39 : vector<16xf32>
          %parallel_loop3A_628 = arith.andi %parallel_loop3A_624, %broadcast_in_dim3A_41 : vector<16xi32>
          %parallel_loop3A_629 = arith.sitofp %parallel_loop3A_628 : vector<16xi32> to vector<16xf32>
          %parallel_loop3A_630 = arith.addf %parallel_loop3A_629, %broadcast_in_dim3A_39 : vector<16xf32>
          %parallel_loop3A_631 = arith.index_cast %parallel_loop3A_429 : i32 to index
          %parallel_loop3A_632 = arith.constant 48 : index
          %parallel_loop3A_633 = tpu.vector_load %arg16[%parallel_loop3A_631, %parallel_loop3A_632] {strides = array<i32>} : memref<40x128xf32, #tpu.memory_space<vmem>>, vector<16xf32>,
          %parallel_loop3A_634 = arith.mulf %parallel_loop3A_633, %parallel_loop3A_621 : vector<16xf32>
          %parallel_loop3A_635 = arith.mulf %parallel_loop3A_633, %parallel_loop3A_622 : vector<16xf32>
          %parallel_loop3A_636 = math.exp %parallel_loop3A_634 : vector<16xf32>
          %parallel_loop3A_637 = math.exp %parallel_loop3A_635 : vector<16xf32>
          %parallel_loop3A_638 = arith.mulf %parallel_loop3A_634, %get3A_32 : vector<16xf32>
          %parallel_loop3A_639 = math.exp %parallel_loop3A_638 : vector<16xf32>
          %parallel_loop3A_640 = arith.mulf %parallel_loop3A_635, %get3A_32 : vector<16xf32>
          %parallel_loop3A_641 = math.exp %parallel_loop3A_640 : vector<16xf32>
          %parallel_loop3A_642 = arith.subf %parallel_loop3A_627, %parallel_loop3A_619 : vector<16xf32>
          %parallel_loop3A_643 = arith.subf %parallel_loop3A_630, %parallel_loop3A_620 : vector<16xf32>
          %parallel_loop3A_644 = arith.subf %parallel_loop3A_639, %broadcast_in_dim3A_39 : vector<16xf32>
          %parallel_loop3A_645 = arith.mulf %parallel_loop3A_642, %parallel_loop3A_644 : vector<16xf32>
          %parallel_loop3A_646 = arith.subf %parallel_loop3A_641, %broadcast_in_dim3A_39 : vector<16xf32>
          %parallel_loop3A_647 = arith.mulf %parallel_loop3A_643, %parallel_loop3A_646 : vector<16xf32>
          %parallel_loop3A_648 = arith.mulf %parallel_loop3A_630, %parallel_loop3A_642 : vector<16xf32>
          %parallel_loop3A_649 = arith.mulf %parallel_loop3A_648, %parallel_loop3A_636 : vector<16xf32>
          %parallel_loop3A_650 = arith.mulf %parallel_loop3A_627, %parallel_loop3A_643 : vector<16xf32>
          %parallel_loop3A_651 = arith.mulf %parallel_loop3A_650, %parallel_loop3A_637 : vector<16xf32>
          %parallel_loop3A_652 = arith.addf %parallel_loop3A_649, %parallel_loop3A_651 : vector<16xf32>
          %parallel_loop3A_653 = arith.mulf %parallel_loop3A_645, %parallel_loop3A_647 : vector<16xf32>
          %parallel_loop3A_654 = arith.addf %parallel_loop3A_652, %parallel_loop3A_653 : vector<16xf32>
          %parallel_loop3A_655 = arith.mulf %parallel_loop3A_642, %parallel_loop3A_643 : vector<16xf32>
          %parallel_loop3A_656 = arith.subf %parallel_loop3A_654, %parallel_loop3A_655 : vector<16xf32>
          %parallel_loop3A_657 = arith.mulf %parallel_loop3A_619, %parallel_loop3A_620 : vector<16xf32>
          %parallel_loop3A_658 = arith.addf %parallel_loop3A_656, %parallel_loop3A_657 : vector<16xf32>
          %parallel_loop3A_659 = arith.index_cast %parallel_loop3A_429 : i32 to index
          %parallel_loop3A_660 = arith.constant 48 : index
          %parallel_loop3A_661 = tpu.vector_load %arg17[%parallel_loop3A_659, %parallel_loop3A_660] {strides = array<i32>} : memref<40x128xf32, #tpu.memory_space<vmem>>, vector<16xf32>,
          %parallel_loop3A_662 = arith.mulf %parallel_loop3A_658, %parallel_loop3A_661 : vector<16xf32>
          %parallel_loop3A_663 = arith.divf %parallel_loop3A_662, %parallel_loop3A_633 : vector<16xf32>
          %parallel_loop3A_664 = arith.constant 128 : i32
          %parallel_loop3A_665 = arith.muli %parallel_loop3A_429, %parallel_loop3A_664 : i32
          %parallel_loop3A_666 = arith.constant 48 : i32
          %parallel_loop3A_667 = arith.addi %parallel_loop3A_665, %parallel_loop3A_666 : i32
          %parallel_loop3A_668 = arith.index_cast %parallel_loop3A_667 : i32 to index
          %parallel_loop3A_669 = tpu.vector_load %arg18[%parallel_loop3A_668] {strides = array<i32>} : memref<5120xf32, #tpu.memory_space<vmem>>, vector<16xf32>,
          tpu.vector_store %arg18[%parallel_loop3A_668], %parallel_loop3A_663 {strides = array<i32>} : memref<5120xf32, #tpu.memory_space<vmem>>, vector<16xf32>,
          %parallel_loop3A_670 = arith.index_cast %parallel_loop3A_429 : i32 to index
          %parallel_loop3A_671 = arith.constant 64 : index
          %parallel_loop3A_672 = tpu.vector_load %arg14[%parallel_loop3A_670, %parallel_loop3A_671] {strides = array<i32>} : memref<40x128xi32, #tpu.memory_space<vmem>>, vector<16xi32>,
          %parallel_loop3A_673 = arith.constant 128 : i32
          %parallel_loop3A_674 = arith.muli %parallel_loop3A_429, %parallel_loop3A_673 : i32
          %parallel_loop3A_675 = arith.constant 64 : i32
          %parallel_loop3A_676 = arith.addi %parallel_loop3A_674, %parallel_loop3A_675 : i32
          %parallel_loop3A_677 = arith.index_cast %parallel_loop3A_676 : i32 to index
          %parallel_loop3A_678 = tpu.vector_load %arg15[%parallel_loop3A_677] {strides = array<i32>} : memref<5120xi32, #tpu.memory_space<vmem>>, vector<16xi32>,
          %parallel_loop3A_679 = tpu.vector_load_idx %arg12[%parallel_loop3A_672] : memref<50176xf32, #tpu.memory_space<vmem>>[vector<16xi32>], vector<16xf32>,
          %parallel_loop3A_680 = tpu.vector_load_idx %arg12[%parallel_loop3A_678] : memref<50176xf32, #tpu.memory_space<vmem>>[vector<16xi32>], vector<16xf32>,
          %parallel_loop3A_681 = tpu.vector_load_idx %arg13[%parallel_loop3A_672] : memref<50176xf32, #tpu.memory_space<vmem>>[vector<16xi32>], vector<16xf32>,
          %parallel_loop3A_682 = tpu.vector_load_idx %arg13[%parallel_loop3A_678] : memref<50176xf32, #tpu.memory_space<vmem>>[vector<16xi32>], vector<16xf32>,
          %parallel_loop3A_683 = vector.bitcast %parallel_loop3A_681 : vector<16xf32> to vector<16xi32>
          %parallel_loop3A_684 = vector.bitcast %parallel_loop3A_682 : vector<16xf32> to vector<16xi32>
          %parallel_loop3A_685 = arith.andi %parallel_loop3A_683, %broadcast_in_dim3A_41 : vector<16xi32>
          %parallel_loop3A_686 = arith.sitofp %parallel_loop3A_685 : vector<16xi32> to vector<16xf32>
          %parallel_loop3A_687 = arith.addf %parallel_loop3A_686, %broadcast_in_dim3A_39 : vector<16xf32>
          %parallel_loop3A_688 = arith.andi %parallel_loop3A_684, %broadcast_in_dim3A_41 : vector<16xi32>
          %parallel_loop3A_689 = arith.sitofp %parallel_loop3A_688 : vector<16xi32> to vector<16xf32>
          %parallel_loop3A_690 = arith.addf %parallel_loop3A_689, %broadcast_in_dim3A_39 : vector<16xf32>
          %parallel_loop3A_691 = arith.index_cast %parallel_loop3A_429 : i32 to index
          %parallel_loop3A_692 = arith.constant 64 : index
          %parallel_loop3A_693 = tpu.vector_load %arg16[%parallel_loop3A_691, %parallel_loop3A_692] {strides = array<i32>} : memref<40x128xf32, #tpu.memory_space<vmem>>, vector<16xf32>,
          %parallel_loop3A_694 = arith.mulf %parallel_loop3A_693, %parallel_loop3A_681 : vector<16xf32>
          %parallel_loop3A_695 = arith.mulf %parallel_loop3A_693, %parallel_loop3A_682 : vector<16xf32>
          %parallel_loop3A_696 = math.exp %parallel_loop3A_694 : vector<16xf32>
          %parallel_loop3A_697 = math.exp %parallel_loop3A_695 : vector<16xf32>
          %parallel_loop3A_698 = arith.mulf %parallel_loop3A_694, %get3A_32 : vector<16xf32>
          %parallel_loop3A_699 = math.exp %parallel_loop3A_698 : vector<16xf32>
          %parallel_loop3A_700 = arith.mulf %parallel_loop3A_695, %get3A_32 : vector<16xf32>
          %parallel_loop3A_701 = math.exp %parallel_loop3A_700 : vector<16xf32>
          %parallel_loop3A_702 = arith.subf %parallel_loop3A_687, %parallel_loop3A_679 : vector<16xf32>
          %parallel_loop3A_703 = arith.subf %parallel_loop3A_690, %parallel_loop3A_680 : vector<16xf32>
          %parallel_loop3A_704 = arith.subf %parallel_loop3A_699, %broadcast_in_dim3A_39 : vector<16xf32>
          %parallel_loop3A_705 = arith.mulf %parallel_loop3A_702, %parallel_loop3A_704 : vector<16xf32>
          %parallel_loop3A_706 = arith.subf %parallel_loop3A_701, %broadcast_in_dim3A_39 : vector<16xf32>
          %parallel_loop3A_707 = arith.mulf %parallel_loop3A_703, %parallel_loop3A_706 : vector<16xf32>
          %parallel_loop3A_708 = arith.mulf %parallel_loop3A_690, %parallel_loop3A_702 : vector<16xf32>
          %parallel_loop3A_709 = arith.mulf %parallel_loop3A_708, %parallel_loop3A_696 : vector<16xf32>
          %parallel_loop3A_710 = arith.mulf %parallel_loop3A_687, %parallel_loop3A_703 : vector<16xf32>
          %parallel_loop3A_711 = arith.mulf %parallel_loop3A_710, %parallel_loop3A_697 : vector<16xf32>
          %parallel_loop3A_712 = arith.addf %parallel_loop3A_709, %parallel_loop3A_711 : vector<16xf32>
          %parallel_loop3A_713 = arith.mulf %parallel_loop3A_705, %parallel_loop3A_707 : vector<16xf32>
          %parallel_loop3A_714 = arith.addf %parallel_loop3A_712, %parallel_loop3A_713 : vector<16xf32>
          %parallel_loop3A_715 = arith.mulf %parallel_loop3A_702, %parallel_loop3A_703 : vector<16xf32>
          %parallel_loop3A_716 = arith.subf %parallel_loop3A_714, %parallel_loop3A_715 : vector<16xf32>
          %parallel_loop3A_717 = arith.mulf %parallel_loop3A_679, %parallel_loop3A_680 : vector<16xf32>
          %parallel_loop3A_718 = arith.addf %parallel_loop3A_716, %parallel_loop3A_717 : vector<16xf32>
          %parallel_loop3A_719 = arith.index_cast %parallel_loop3A_429 : i32 to index
          %parallel_loop3A_720 = arith.constant 64 : index
          %parallel_loop3A_721 = tpu.vector_load %arg17[%parallel_loop3A_719, %parallel_loop3A_720] {strides = array<i32>} : memref<40x128xf32, #tpu.memory_space<vmem>>, vector<16xf32>,
          %parallel_loop3A_722 = arith.mulf %parallel_loop3A_718, %parallel_loop3A_721 : vector<16xf32>
          %parallel_loop3A_723 = arith.divf %parallel_loop3A_722, %parallel_loop3A_693 : vector<16xf32>
          %parallel_loop3A_724 = arith.constant 128 : i32
          %parallel_loop3A_725 = arith.muli %parallel_loop3A_429, %parallel_loop3A_724 : i32
          %parallel_loop3A_726 = arith.constant 64 : i32
          %parallel_loop3A_727 = arith.addi %parallel_loop3A_725, %parallel_loop3A_726 : i32
          %parallel_loop3A_728 = arith.index_cast %parallel_loop3A_727 : i32 to index
          %parallel_loop3A_729 = tpu.vector_load %arg18[%parallel_loop3A_728] {strides = array<i32>} : memref<5120xf32, #tpu.memory_space<vmem>>, vector<16xf32>,
          tpu.vector_store %arg18[%parallel_loop3A_728], %parallel_loop3A_723 {strides = array<i32>} : memref<5120xf32, #tpu.memory_space<vmem>>, vector<16xf32>,
          %parallel_loop3A_730 = arith.index_cast %parallel_loop3A_429 : i32 to index
          %parallel_loop3A_731 = arith.constant 80 : index
          %parallel_loop3A_732 = tpu.vector_load %arg14[%parallel_loop3A_730, %parallel_loop3A_731] {strides = array<i32>} : memref<40x128xi32, #tpu.memory_space<vmem>>, vector<16xi32>,
          %parallel_loop3A_733 = arith.constant 128 : i32
          %parallel_loop3A_734 = arith.muli %parallel_loop3A_429, %parallel_loop3A_733 : i32
          %parallel_loop3A_735 = arith.constant 80 : i32
          %parallel_loop3A_736 = arith.addi %parallel_loop3A_734, %parallel_loop3A_735 : i32
          %parallel_loop3A_737 = arith.index_cast %parallel_loop3A_736 : i32 to index
          %parallel_loop3A_738 = tpu.vector_load %arg15[%parallel_loop3A_737] {strides = array<i32>} : memref<5120xi32, #tpu.memory_space<vmem>>, vector<16xi32>,
          %parallel_loop3A_739 = tpu.vector_load_idx %arg12[%parallel_loop3A_732] : memref<50176xf32, #tpu.memory_space<vmem>>[vector<16xi32>], vector<16xf32>,
          %parallel_loop3A_740 = tpu.vector_load_idx %arg12[%parallel_loop3A_738] : memref<50176xf32, #tpu.memory_space<vmem>>[vector<16xi32>], vector<16xf32>,
          %parallel_loop3A_741 = tpu.vector_load_idx %arg13[%parallel_loop3A_732] : memref<50176xf32, #tpu.memory_space<vmem>>[vector<16xi32>], vector<16xf32>,
          %parallel_loop3A_742 = tpu.vector_load_idx %arg13[%parallel_loop3A_738] : memref<50176xf32, #tpu.memory_space<vmem>>[vector<16xi32>], vector<16xf32>,
          %parallel_loop3A_743 = vector.bitcast %parallel_loop3A_741 : vector<16xf32> to vector<16xi32>
          %parallel_loop3A_744 = vector.bitcast %parallel_loop3A_742 : vector<16xf32> to vector<16xi32>
          %parallel_loop3A_745 = arith.andi %parallel_loop3A_743, %broadcast_in_dim3A_41 : vector<16xi32>
          %parallel_loop3A_746 = arith.sitofp %parallel_loop3A_745 : vector<16xi32> to vector<16xf32>
          %parallel_loop3A_747 = arith.addf %parallel_loop3A_746, %broadcast_in_dim3A_39 : vector<16xf32>
          %parallel_loop3A_748 = arith.andi %parallel_loop3A_744, %broadcast_in_dim3A_41 : vector<16xi32>
          %parallel_loop3A_749 = arith.sitofp %parallel_loop3A_748 : vector<16xi32> to vector<16xf32>
          %parallel_loop3A_750 = arith.addf %parallel_loop3A_749, %broadcast_in_dim3A_39 : vector<16xf32>
          %parallel_loop3A_751 = arith.index_cast %parallel_loop3A_429 : i32 to index
          %parallel_loop3A_752 = arith.constant 80 : index
          %parallel_loop3A_753 = tpu.vector_load %arg16[%parallel_loop3A_751, %parallel_loop3A_752] {strides = array<i32>} : memref<40x128xf32, #tpu.memory_space<vmem>>, vector<16xf32>,
          %parallel_loop3A_754 = arith.mulf %parallel_loop3A_753, %parallel_loop3A_741 : vector<16xf32>
          %parallel_loop3A_755 = arith.mulf %parallel_loop3A_753, %parallel_loop3A_742 : vector<16xf32>
          %parallel_loop3A_756 = math.exp %parallel_loop3A_754 : vector<16xf32>
          %parallel_loop3A_757 = math.exp %parallel_loop3A_755 : vector<16xf32>
          %parallel_loop3A_758 = arith.mulf %parallel_loop3A_754, %get3A_32 : vector<16xf32>
          %parallel_loop3A_759 = math.exp %parallel_loop3A_758 : vector<16xf32>
          %parallel_loop3A_760 = arith.mulf %parallel_loop3A_755, %get3A_32 : vector<16xf32>
          %parallel_loop3A_761 = math.exp %parallel_loop3A_760 : vector<16xf32>
          %parallel_loop3A_762 = arith.subf %parallel_loop3A_747, %parallel_loop3A_739 : vector<16xf32>
          %parallel_loop3A_763 = arith.subf %parallel_loop3A_750, %parallel_loop3A_740 : vector<16xf32>
          %parallel_loop3A_764 = arith.subf %parallel_loop3A_759, %broadcast_in_dim3A_39 : vector<16xf32>
          %parallel_loop3A_765 = arith.mulf %parallel_loop3A_762, %parallel_loop3A_764 : vector<16xf32>
          %parallel_loop3A_766 = arith.subf %parallel_loop3A_761, %broadcast_in_dim3A_39 : vector<16xf32>
          %parallel_loop3A_767 = arith.mulf %parallel_loop3A_763, %parallel_loop3A_766 : vector<16xf32>
          %parallel_loop3A_768 = arith.mulf %parallel_loop3A_750, %parallel_loop3A_762 : vector<16xf32>
          %parallel_loop3A_769 = arith.mulf %parallel_loop3A_768, %parallel_loop3A_756 : vector<16xf32>
          %parallel_loop3A_770 = arith.mulf %parallel_loop3A_747, %parallel_loop3A_763 : vector<16xf32>
          %parallel_loop3A_771 = arith.mulf %parallel_loop3A_770, %parallel_loop3A_757 : vector<16xf32>
          %parallel_loop3A_772 = arith.addf %parallel_loop3A_769, %parallel_loop3A_771 : vector<16xf32>
          %parallel_loop3A_773 = arith.mulf %parallel_loop3A_765, %parallel_loop3A_767 : vector<16xf32>
          %parallel_loop3A_774 = arith.addf %parallel_loop3A_772, %parallel_loop3A_773 : vector<16xf32>
          %parallel_loop3A_775 = arith.mulf %parallel_loop3A_762, %parallel_loop3A_763 : vector<16xf32>
          %parallel_loop3A_776 = arith.subf %parallel_loop3A_774, %parallel_loop3A_775 : vector<16xf32>
          %parallel_loop3A_777 = arith.mulf %parallel_loop3A_739, %parallel_loop3A_740 : vector<16xf32>
          %parallel_loop3A_778 = arith.addf %parallel_loop3A_776, %parallel_loop3A_777 : vector<16xf32>
          %parallel_loop3A_779 = arith.index_cast %parallel_loop3A_429 : i32 to index
          %parallel_loop3A_780 = arith.constant 80 : index
          %parallel_loop3A_781 = tpu.vector_load %arg17[%parallel_loop3A_779, %parallel_loop3A_780] {strides = array<i32>} : memref<40x128xf32, #tpu.memory_space<vmem>>, vector<16xf32>,
          %parallel_loop3A_782 = arith.mulf %parallel_loop3A_778, %parallel_loop3A_781 : vector<16xf32>
          %parallel_loop3A_783 = arith.divf %parallel_loop3A_782, %parallel_loop3A_753 : vector<16xf32>
          %parallel_loop3A_784 = arith.constant 128 : i32
          %parallel_loop3A_785 = arith.muli %parallel_loop3A_429, %parallel_loop3A_784 : i32
          %parallel_loop3A_786 = arith.constant 80 : i32
          %parallel_loop3A_787 = arith.addi %parallel_loop3A_785, %parallel_loop3A_786 : i32
          %parallel_loop3A_788 = arith.index_cast %parallel_loop3A_787 : i32 to index
          %parallel_loop3A_789 = tpu.vector_load %arg18[%parallel_loop3A_788] {strides = array<i32>} : memref<5120xf32, #tpu.memory_space<vmem>>, vector<16xf32>,
          tpu.vector_store %arg18[%parallel_loop3A_788], %parallel_loop3A_783 {strides = array<i32>} : memref<5120xf32, #tpu.memory_space<vmem>>, vector<16xf32>,
          %parallel_loop3A_790 = arith.index_cast %parallel_loop3A_429 : i32 to index
          %parallel_loop3A_791 = arith.constant 96 : index
          %parallel_loop3A_792 = tpu.vector_load %arg14[%parallel_loop3A_790, %parallel_loop3A_791] {strides = array<i32>} : memref<40x128xi32, #tpu.memory_space<vmem>>, vector<16xi32>,
          %parallel_loop3A_793 = arith.constant 128 : i32
          %parallel_loop3A_794 = arith.muli %parallel_loop3A_429, %parallel_loop3A_793 : i32
          %parallel_loop3A_795 = arith.constant 96 : i32
          %parallel_loop3A_796 = arith.addi %parallel_loop3A_794, %parallel_loop3A_795 : i32
          %parallel_loop3A_797 = arith.index_cast %parallel_loop3A_796 : i32 to index
          %parallel_loop3A_798 = tpu.vector_load %arg15[%parallel_loop3A_797] {strides = array<i32>} : memref<5120xi32, #tpu.memory_space<vmem>>, vector<16xi32>,
          %parallel_loop3A_799 = tpu.vector_load_idx %arg12[%parallel_loop3A_792] : memref<50176xf32, #tpu.memory_space<vmem>>[vector<16xi32>], vector<16xf32>,
          %parallel_loop3A_800 = tpu.vector_load_idx %arg12[%parallel_loop3A_798] : memref<50176xf32, #tpu.memory_space<vmem>>[vector<16xi32>], vector<16xf32>,
          %parallel_loop3A_801 = tpu.vector_load_idx %arg13[%parallel_loop3A_792] : memref<50176xf32, #tpu.memory_space<vmem>>[vector<16xi32>], vector<16xf32>,
          %parallel_loop3A_802 = tpu.vector_load_idx %arg13[%parallel_loop3A_798] : memref<50176xf32, #tpu.memory_space<vmem>>[vector<16xi32>], vector<16xf32>,
          %parallel_loop3A_803 = vector.bitcast %parallel_loop3A_801 : vector<16xf32> to vector<16xi32>
          %parallel_loop3A_804 = vector.bitcast %parallel_loop3A_802 : vector<16xf32> to vector<16xi32>
          %parallel_loop3A_805 = arith.andi %parallel_loop3A_803, %broadcast_in_dim3A_41 : vector<16xi32>
          %parallel_loop3A_806 = arith.sitofp %parallel_loop3A_805 : vector<16xi32> to vector<16xf32>
          %parallel_loop3A_807 = arith.addf %parallel_loop3A_806, %broadcast_in_dim3A_39 : vector<16xf32>
          %parallel_loop3A_808 = arith.andi %parallel_loop3A_804, %broadcast_in_dim3A_41 : vector<16xi32>
          %parallel_loop3A_809 = arith.sitofp %parallel_loop3A_808 : vector<16xi32> to vector<16xf32>
          %parallel_loop3A_810 = arith.addf %parallel_loop3A_809, %broadcast_in_dim3A_39 : vector<16xf32>
          %parallel_loop3A_811 = arith.index_cast %parallel_loop3A_429 : i32 to index
          %parallel_loop3A_812 = arith.constant 96 : index
          %parallel_loop3A_813 = tpu.vector_load %arg16[%parallel_loop3A_811, %parallel_loop3A_812] {strides = array<i32>} : memref<40x128xf32, #tpu.memory_space<vmem>>, vector<16xf32>,
          %parallel_loop3A_814 = arith.mulf %parallel_loop3A_813, %parallel_loop3A_801 : vector<16xf32>
          %parallel_loop3A_815 = arith.mulf %parallel_loop3A_813, %parallel_loop3A_802 : vector<16xf32>
          %parallel_loop3A_816 = math.exp %parallel_loop3A_814 : vector<16xf32>
          %parallel_loop3A_817 = math.exp %parallel_loop3A_815 : vector<16xf32>
          %parallel_loop3A_818 = arith.mulf %parallel_loop3A_814, %get3A_32 : vector<16xf32>
          %parallel_loop3A_819 = math.exp %parallel_loop3A_818 : vector<16xf32>
          %parallel_loop3A_820 = arith.mulf %parallel_loop3A_815, %get3A_32 : vector<16xf32>
          %parallel_loop3A_821 = math.exp %parallel_loop3A_820 : vector<16xf32>
          %parallel_loop3A_822 = arith.subf %parallel_loop3A_807, %parallel_loop3A_799 : vector<16xf32>
          %parallel_loop3A_823 = arith.subf %parallel_loop3A_810, %parallel_loop3A_800 : vector<16xf32>
          %parallel_loop3A_824 = arith.subf %parallel_loop3A_819, %broadcast_in_dim3A_39 : vector<16xf32>
          %parallel_loop3A_825 = arith.mulf %parallel_loop3A_822, %parallel_loop3A_824 : vector<16xf32>
          %parallel_loop3A_826 = arith.subf %parallel_loop3A_821, %broadcast_in_dim3A_39 : vector<16xf32>
          %parallel_loop3A_827 = arith.mulf %parallel_loop3A_823, %parallel_loop3A_826 : vector<16xf32>
          %parallel_loop3A_828 = arith.mulf %parallel_loop3A_810, %parallel_loop3A_822 : vector<16xf32>
          %parallel_loop3A_829 = arith.mulf %parallel_loop3A_828, %parallel_loop3A_816 : vector<16xf32>
          %parallel_loop3A_830 = arith.mulf %parallel_loop3A_807, %parallel_loop3A_823 : vector<16xf32>
          %parallel_loop3A_831 = arith.mulf %parallel_loop3A_830, %parallel_loop3A_817 : vector<16xf32>
          %parallel_loop3A_832 = arith.addf %parallel_loop3A_829, %parallel_loop3A_831 : vector<16xf32>
          %parallel_loop3A_833 = arith.mulf %parallel_loop3A_825, %parallel_loop3A_827 : vector<16xf32>
          %parallel_loop3A_834 = arith.addf %parallel_loop3A_832, %parallel_loop3A_833 : vector<16xf32>
          %parallel_loop3A_835 = arith.mulf %parallel_loop3A_822, %parallel_loop3A_823 : vector<16xf32>
          %parallel_loop3A_836 = arith.subf %parallel_loop3A_834, %parallel_loop3A_835 : vector<16xf32>
          %parallel_loop3A_837 = arith.mulf %parallel_loop3A_799, %parallel_loop3A_800 : vector<16xf32>
          %parallel_loop3A_838 = arith.addf %parallel_loop3A_836, %parallel_loop3A_837 : vector<16xf32>
          %parallel_loop3A_839 = arith.index_cast %parallel_loop3A_429 : i32 to index
          %parallel_loop3A_840 = arith.constant 96 : index
          %parallel_loop3A_841 = tpu.vector_load %arg17[%parallel_loop3A_839, %parallel_loop3A_840] {strides = array<i32>} : memref<40x128xf32, #tpu.memory_space<vmem>>, vector<16xf32>,
          %parallel_loop3A_842 = arith.mulf %parallel_loop3A_838, %parallel_loop3A_841 : vector<16xf32>
          %parallel_loop3A_843 = arith.divf %parallel_loop3A_842, %parallel_loop3A_813 : vector<16xf32>
          %parallel_loop3A_844 = arith.constant 128 : i32
          %parallel_loop3A_845 = arith.muli %parallel_loop3A_429, %parallel_loop3A_844 : i32
          %parallel_loop3A_846 = arith.constant 96 : i32
          %parallel_loop3A_847 = arith.addi %parallel_loop3A_845, %parallel_loop3A_846 : i32
          %parallel_loop3A_848 = arith.index_cast %parallel_loop3A_847 : i32 to index
          %parallel_loop3A_849 = tpu.vector_load %arg18[%parallel_loop3A_848] {strides = array<i32>} : memref<5120xf32, #tpu.memory_space<vmem>>, vector<16xf32>,
          tpu.vector_store %arg18[%parallel_loop3A_848], %parallel_loop3A_843 {strides = array<i32>} : memref<5120xf32, #tpu.memory_space<vmem>>, vector<16xf32>,
          %parallel_loop3A_850 = arith.index_cast %parallel_loop3A_429 : i32 to index
          %parallel_loop3A_851 = arith.constant 112 : index
          %parallel_loop3A_852 = tpu.vector_load %arg14[%parallel_loop3A_850, %parallel_loop3A_851] {strides = array<i32>} : memref<40x128xi32, #tpu.memory_space<vmem>>, vector<16xi32>,
          %parallel_loop3A_853 = arith.constant 128 : i32
          %parallel_loop3A_854 = arith.muli %parallel_loop3A_429, %parallel_loop3A_853 : i32
          %parallel_loop3A_855 = arith.constant 112 : i32
          %parallel_loop3A_856 = arith.addi %parallel_loop3A_854, %parallel_loop3A_855 : i32
          %parallel_loop3A_857 = arith.index_cast %parallel_loop3A_856 : i32 to index
          %parallel_loop3A_858 = tpu.vector_load %arg15[%parallel_loop3A_857] {strides = array<i32>} : memref<5120xi32, #tpu.memory_space<vmem>>, vector<16xi32>,
          %parallel_loop3A_859 = tpu.vector_load_idx %arg12[%parallel_loop3A_852] : memref<50176xf32, #tpu.memory_space<vmem>>[vector<16xi32>], vector<16xf32>,
          %parallel_loop3A_860 = tpu.vector_load_idx %arg12[%parallel_loop3A_858] : memref<50176xf32, #tpu.memory_space<vmem>>[vector<16xi32>], vector<16xf32>,
          %parallel_loop3A_861 = tpu.vector_load_idx %arg13[%parallel_loop3A_852] : memref<50176xf32, #tpu.memory_space<vmem>>[vector<16xi32>], vector<16xf32>,
          %parallel_loop3A_862 = tpu.vector_load_idx %arg13[%parallel_loop3A_858] : memref<50176xf32, #tpu.memory_space<vmem>>[vector<16xi32>], vector<16xf32>,
          %parallel_loop3A_863 = vector.bitcast %parallel_loop3A_861 : vector<16xf32> to vector<16xi32>
          %parallel_loop3A_864 = vector.bitcast %parallel_loop3A_862 : vector<16xf32> to vector<16xi32>
          %parallel_loop3A_865 = arith.andi %parallel_loop3A_863, %broadcast_in_dim3A_41 : vector<16xi32>
          %parallel_loop3A_866 = arith.sitofp %parallel_loop3A_865 : vector<16xi32> to vector<16xf32>
          %parallel_loop3A_867 = arith.addf %parallel_loop3A_866, %broadcast_in_dim3A_39 : vector<16xf32>
          %parallel_loop3A_868 = arith.andi %parallel_loop3A_864, %broadcast_in_dim3A_41 : vector<16xi32>
          %parallel_loop3A_869 = arith.sitofp %parallel_loop3A_868 : vector<16xi32> to vector<16xf32>
          %parallel_loop3A_870 = arith.addf %parallel_loop3A_869, %broadcast_in_dim3A_39 : vector<16xf32>
          %parallel_loop3A_871 = arith.index_cast %parallel_loop3A_429 : i32 to index
          %parallel_loop3A_872 = arith.constant 112 : index
          %parallel_loop3A_873 = tpu.vector_load %arg16[%parallel_loop3A_871, %parallel_loop3A_872] {strides = array<i32>} : memref<40x128xf32, #tpu.memory_space<vmem>>, vector<16xf32>,
          %parallel_loop3A_874 = arith.mulf %parallel_loop3A_873, %parallel_loop3A_861 : vector<16xf32>
          %parallel_loop3A_875 = arith.mulf %parallel_loop3A_873, %parallel_loop3A_862 : vector<16xf32>
          %parallel_loop3A_876 = math.exp %parallel_loop3A_874 : vector<16xf32>
          %parallel_loop3A_877 = math.exp %parallel_loop3A_875 : vector<16xf32>
          %parallel_loop3A_878 = arith.mulf %parallel_loop3A_874, %get3A_32 : vector<16xf32>
          %parallel_loop3A_879 = math.exp %parallel_loop3A_878 : vector<16xf32>
          %parallel_loop3A_880 = arith.mulf %parallel_loop3A_875, %get3A_32 : vector<16xf32>
          %parallel_loop3A_881 = math.exp %parallel_loop3A_880 : vector<16xf32>
          %parallel_loop3A_882 = arith.subf %parallel_loop3A_867, %parallel_loop3A_859 : vector<16xf32>
          %parallel_loop3A_883 = arith.subf %parallel_loop3A_870, %parallel_loop3A_860 : vector<16xf32>
          %parallel_loop3A_884 = arith.subf %parallel_loop3A_879, %broadcast_in_dim3A_39 : vector<16xf32>
          %parallel_loop3A_885 = arith.mulf %parallel_loop3A_882, %parallel_loop3A_884 : vector<16xf32>
          %parallel_loop3A_886 = arith.subf %parallel_loop3A_881, %broadcast_in_dim3A_39 : vector<16xf32>
          %parallel_loop3A_887 = arith.mulf %parallel_loop3A_883, %parallel_loop3A_886 : vector<16xf32>
          %parallel_loop3A_888 = arith.mulf %parallel_loop3A_870, %parallel_loop3A_882 : vector<16xf32>
          %parallel_loop3A_889 = arith.mulf %parallel_loop3A_888, %parallel_loop3A_876 : vector<16xf32>
          %parallel_loop3A_890 = arith.mulf %parallel_loop3A_867, %parallel_loop3A_883 : vector<16xf32>
          %parallel_loop3A_891 = arith.mulf %parallel_loop3A_890, %parallel_loop3A_877 : vector<16xf32>
          %parallel_loop3A_892 = arith.addf %parallel_loop3A_889, %parallel_loop3A_891 : vector<16xf32>
          %parallel_loop3A_893 = arith.mulf %parallel_loop3A_885, %parallel_loop3A_887 : vector<16xf32>
          %parallel_loop3A_894 = arith.addf %parallel_loop3A_892, %parallel_loop3A_893 : vector<16xf32>
          %parallel_loop3A_895 = arith.mulf %parallel_loop3A_882, %parallel_loop3A_883 : vector<16xf32>
          %parallel_loop3A_896 = arith.subf %parallel_loop3A_894, %parallel_loop3A_895 : vector<16xf32>
          %parallel_loop3A_897 = arith.mulf %parallel_loop3A_859, %parallel_loop3A_860 : vector<16xf32>
          %parallel_loop3A_898 = arith.addf %parallel_loop3A_896, %parallel_loop3A_897 : vector<16xf32>
          %parallel_loop3A_899 = arith.index_cast %parallel_loop3A_429 : i32 to index
          %parallel_loop3A_900 = arith.constant 112 : index
          %parallel_loop3A_901 = tpu.vector_load %arg17[%parallel_loop3A_899, %parallel_loop3A_900] {strides = array<i32>} : memref<40x128xf32, #tpu.memory_space<vmem>>, vector<16xf32>,
          %parallel_loop3A_902 = arith.mulf %parallel_loop3A_898, %parallel_loop3A_901 : vector<16xf32>
          %parallel_loop3A_903 = arith.divf %parallel_loop3A_902, %parallel_loop3A_873 : vector<16xf32>
          %parallel_loop3A_904 = arith.constant 128 : i32
          %parallel_loop3A_905 = arith.muli %parallel_loop3A_429, %parallel_loop3A_904 : i32
          %parallel_loop3A_906 = arith.constant 112 : i32
          %parallel_loop3A_907 = arith.addi %parallel_loop3A_905, %parallel_loop3A_906 : i32
          %parallel_loop3A_908 = arith.index_cast %parallel_loop3A_907 : i32 to index
          %parallel_loop3A_909 = tpu.vector_load %arg18[%parallel_loop3A_908] {strides = array<i32>} : memref<5120xf32, #tpu.memory_space<vmem>>, vector<16xf32>,
          tpu.vector_store %arg18[%parallel_loop3A_908], %parallel_loop3A_903 {strides = array<i32>} : memref<5120xf32, #tpu.memory_space<vmem>>, vector<16xf32>,
        } {sc.loop_unroll_factor = 1 : i64, sc.parallel_access}
        %dma_start3A_269 = arith.constant 20 : i32
        %dma_start3A_270 = arith.constant 2560 : i32
        %dma_start3A_271 = tpu.memref_slice %arg18[%dma_start3A_270] : memref<5120xf32, #tpu.memory_space<vmem>> -> memref<128xf32, #tpu.memory_space<vmem>>
        %dma_start3A_272 = arith.constant 0 : i32
        %dma_start3A_273 = tpu.memref_slice %arg14[%dma_start3A_269, %dma_start3A_272] : memref<40x128xi32, #tpu.memory_space<vmem>> -> memref<1x128xi32, #tpu.memory_space<vmem>>
        %dma_start3A_274 = tpu.memref_squeeze %dma_start3A_273 : memref<1x128xi32, #tpu.memory_space<vmem>> -> memref<128xi32, #tpu.memory_space<vmem>>
        %dma_start3A_275 = arith.constant 0 : i32
        %dma_start3A_276 = tpu.memref_slice %arg24[%dma_start3A_275] : memref<50176xf32, #tpu.memory_space<vmem_shared>> -> memref<50176xf32, #tpu.memory_space<vmem_shared>>
        tpu.enqueue_indirect_dma source(%dma_start3A_271 : memref<128xf32, #tpu.memory_space<vmem>>) target(%dma_start3A_276 : memref<50176xf32, #tpu.memory_space<vmem_shared>>) offsets(%dma_start3A_274 : memref<128xi32, #tpu.memory_space<vmem>>) semaphore(%arg23 : memref<!tpu.dma_semaphore, #tpu.memory_space<semaphore_mem>>) {add = true}
        %dma_start3A_277 = arith.constant 21 : i32
        %dma_start3A_278 = arith.constant 2688 : i32
        %dma_start3A_279 = tpu.memref_slice %arg18[%dma_start3A_278] : memref<5120xf32, #tpu.memory_space<vmem>> -> memref<128xf32, #tpu.memory_space<vmem>>
        %dma_start3A_280 = arith.constant 0 : i32
        %dma_start3A_281 = tpu.memref_slice %arg14[%dma_start3A_277, %dma_start3A_280] : memref<40x128xi32, #tpu.memory_space<vmem>> -> memref<1x128xi32, #tpu.memory_space<vmem>>
        %dma_start3A_282 = tpu.memref_squeeze %dma_start3A_281 : memref<1x128xi32, #tpu.memory_space<vmem>> -> memref<128xi32, #tpu.memory_space<vmem>>
        %dma_start3A_283 = arith.constant 0 : i32
        %dma_start3A_284 = tpu.memref_slice %arg24[%dma_start3A_283] : memref<50176xf32, #tpu.memory_space<vmem_shared>> -> memref<50176xf32, #tpu.memory_space<vmem_shared>>
        tpu.enqueue_indirect_dma source(%dma_start3A_279 : memref<128xf32, #tpu.memory_space<vmem>>) target(%dma_start3A_284 : memref<50176xf32, #tpu.memory_space<vmem_shared>>) offsets(%dma_start3A_282 : memref<128xi32, #tpu.memory_space<vmem>>) semaphore(%arg23 : memref<!tpu.dma_semaphore, #tpu.memory_space<semaphore_mem>>) {add = true}
        %dma_start3A_285 = arith.constant 22 : i32
        %dma_start3A_286 = arith.constant 2816 : i32
        %dma_start3A_287 = tpu.memref_slice %arg18[%dma_start3A_286] : memref<5120xf32, #tpu.memory_space<vmem>> -> memref<128xf32, #tpu.memory_space<vmem>>
        %dma_start3A_288 = arith.constant 0 : i32
        %dma_start3A_289 = tpu.memref_slice %arg14[%dma_start3A_285, %dma_start3A_288] : memref<40x128xi32, #tpu.memory_space<vmem>> -> memref<1x128xi32, #tpu.memory_space<vmem>>
        %dma_start3A_290 = tpu.memref_squeeze %dma_start3A_289 : memref<1x128xi32, #tpu.memory_space<vmem>> -> memref<128xi32, #tpu.memory_space<vmem>>
        %dma_start3A_291 = arith.constant 0 : i32
        %dma_start3A_292 = tpu.memref_slice %arg24[%dma_start3A_291] : memref<50176xf32, #tpu.memory_space<vmem_shared>> -> memref<50176xf32, #tpu.memory_space<vmem_shared>>
        tpu.enqueue_indirect_dma source(%dma_start3A_287 : memref<128xf32, #tpu.memory_space<vmem>>) target(%dma_start3A_292 : memref<50176xf32, #tpu.memory_space<vmem_shared>>) offsets(%dma_start3A_290 : memref<128xi32, #tpu.memory_space<vmem>>) semaphore(%arg23 : memref<!tpu.dma_semaphore, #tpu.memory_space<semaphore_mem>>) {add = true}
        %dma_start3A_293 = arith.constant 23 : i32
        %dma_start3A_294 = arith.constant 2944 : i32
        %dma_start3A_295 = tpu.memref_slice %arg18[%dma_start3A_294] : memref<5120xf32, #tpu.memory_space<vmem>> -> memref<128xf32, #tpu.memory_space<vmem>>
        %dma_start3A_296 = arith.constant 0 : i32
        %dma_start3A_297 = tpu.memref_slice %arg14[%dma_start3A_293, %dma_start3A_296] : memref<40x128xi32, #tpu.memory_space<vmem>> -> memref<1x128xi32, #tpu.memory_space<vmem>>
        %dma_start3A_298 = tpu.memref_squeeze %dma_start3A_297 : memref<1x128xi32, #tpu.memory_space<vmem>> -> memref<128xi32, #tpu.memory_space<vmem>>
        %dma_start3A_299 = arith.constant 0 : i32
        %dma_start3A_300 = tpu.memref_slice %arg24[%dma_start3A_299] : memref<50176xf32, #tpu.memory_space<vmem_shared>> -> memref<50176xf32, #tpu.memory_space<vmem_shared>>
        tpu.enqueue_indirect_dma source(%dma_start3A_295 : memref<128xf32, #tpu.memory_space<vmem>>) target(%dma_start3A_300 : memref<50176xf32, #tpu.memory_space<vmem_shared>>) offsets(%dma_start3A_298 : memref<128xi32, #tpu.memory_space<vmem>>) semaphore(%arg23 : memref<!tpu.dma_semaphore, #tpu.memory_space<semaphore_mem>>) {add = true}
        %dma_start3A_301 = arith.constant 24 : i32
        %dma_start3A_302 = arith.constant 3072 : i32
        %dma_start3A_303 = tpu.memref_slice %arg18[%dma_start3A_302] : memref<5120xf32, #tpu.memory_space<vmem>> -> memref<128xf32, #tpu.memory_space<vmem>>
        %dma_start3A_304 = arith.constant 0 : i32
        %dma_start3A_305 = tpu.memref_slice %arg14[%dma_start3A_301, %dma_start3A_304] : memref<40x128xi32, #tpu.memory_space<vmem>> -> memref<1x128xi32, #tpu.memory_space<vmem>>
        %dma_start3A_306 = tpu.memref_squeeze %dma_start3A_305 : memref<1x128xi32, #tpu.memory_space<vmem>> -> memref<128xi32, #tpu.memory_space<vmem>>
        %dma_start3A_307 = arith.constant 0 : i32
        %dma_start3A_308 = tpu.memref_slice %arg24[%dma_start3A_307] : memref<50176xf32, #tpu.memory_space<vmem_shared>> -> memref<50176xf32, #tpu.memory_space<vmem_shared>>
        tpu.enqueue_indirect_dma source(%dma_start3A_303 : memref<128xf32, #tpu.memory_space<vmem>>) target(%dma_start3A_308 : memref<50176xf32, #tpu.memory_space<vmem_shared>>) offsets(%dma_start3A_306 : memref<128xi32, #tpu.memory_space<vmem>>) semaphore(%arg23 : memref<!tpu.dma_semaphore, #tpu.memory_space<semaphore_mem>>) {add = true}
        %dma_start3A_309 = arith.constant 25 : i32
        %dma_start3A_310 = arith.constant 3200 : i32
        %dma_start3A_311 = tpu.memref_slice %arg18[%dma_start3A_310] : memref<5120xf32, #tpu.memory_space<vmem>> -> memref<128xf32, #tpu.memory_space<vmem>>
        %dma_start3A_312 = arith.constant 0 : i32
        %dma_start3A_313 = tpu.memref_slice %arg14[%dma_start3A_309, %dma_start3A_312] : memref<40x128xi32, #tpu.memory_space<vmem>> -> memref<1x128xi32, #tpu.memory_space<vmem>>
        %dma_start3A_314 = tpu.memref_squeeze %dma_start3A_313 : memref<1x128xi32, #tpu.memory_space<vmem>> -> memref<128xi32, #tpu.memory_space<vmem>>
        %dma_start3A_315 = arith.constant 0 : i32
        %dma_start3A_316 = tpu.memref_slice %arg24[%dma_start3A_315] : memref<50176xf32, #tpu.memory_space<vmem_shared>> -> memref<50176xf32, #tpu.memory_space<vmem_shared>>
        tpu.enqueue_indirect_dma source(%dma_start3A_311 : memref<128xf32, #tpu.memory_space<vmem>>) target(%dma_start3A_316 : memref<50176xf32, #tpu.memory_space<vmem_shared>>) offsets(%dma_start3A_314 : memref<128xi32, #tpu.memory_space<vmem>>) semaphore(%arg23 : memref<!tpu.dma_semaphore, #tpu.memory_space<semaphore_mem>>) {add = true}
        %dma_start3A_317 = arith.constant 26 : i32
        %dma_start3A_318 = arith.constant 3328 : i32
        %dma_start3A_319 = tpu.memref_slice %arg18[%dma_start3A_318] : memref<5120xf32, #tpu.memory_space<vmem>> -> memref<128xf32, #tpu.memory_space<vmem>>
        %dma_start3A_320 = arith.constant 0 : i32
        %dma_start3A_321 = tpu.memref_slice %arg14[%dma_start3A_317, %dma_start3A_320] : memref<40x128xi32, #tpu.memory_space<vmem>> -> memref<1x128xi32, #tpu.memory_space<vmem>>
        %dma_start3A_322 = tpu.memref_squeeze %dma_start3A_321 : memref<1x128xi32, #tpu.memory_space<vmem>> -> memref<128xi32, #tpu.memory_space<vmem>>
        %dma_start3A_323 = arith.constant 0 : i32
        %dma_start3A_324 = tpu.memref_slice %arg24[%dma_start3A_323] : memref<50176xf32, #tpu.memory_space<vmem_shared>> -> memref<50176xf32, #tpu.memory_space<vmem_shared>>
        tpu.enqueue_indirect_dma source(%dma_start3A_319 : memref<128xf32, #tpu.memory_space<vmem>>) target(%dma_start3A_324 : memref<50176xf32, #tpu.memory_space<vmem_shared>>) offsets(%dma_start3A_322 : memref<128xi32, #tpu.memory_space<vmem>>) semaphore(%arg23 : memref<!tpu.dma_semaphore, #tpu.memory_space<semaphore_mem>>) {add = true}
        %dma_start3A_325 = arith.constant 27 : i32
        %dma_start3A_326 = arith.constant 3456 : i32
        %dma_start3A_327 = tpu.memref_slice %arg18[%dma_start3A_326] : memref<5120xf32, #tpu.memory_space<vmem>> -> memref<128xf32, #tpu.memory_space<vmem>>
        %dma_start3A_328 = arith.constant 0 : i32
        %dma_start3A_329 = tpu.memref_slice %arg14[%dma_start3A_325, %dma_start3A_328] : memref<40x128xi32, #tpu.memory_space<vmem>> -> memref<1x128xi32, #tpu.memory_space<vmem>>
        %dma_start3A_330 = tpu.memref_squeeze %dma_start3A_329 : memref<1x128xi32, #tpu.memory_space<vmem>> -> memref<128xi32, #tpu.memory_space<vmem>>
        %dma_start3A_331 = arith.constant 0 : i32
        %dma_start3A_332 = tpu.memref_slice %arg24[%dma_start3A_331] : memref<50176xf32, #tpu.memory_space<vmem_shared>> -> memref<50176xf32, #tpu.memory_space<vmem_shared>>
        tpu.enqueue_indirect_dma source(%dma_start3A_327 : memref<128xf32, #tpu.memory_space<vmem>>) target(%dma_start3A_332 : memref<50176xf32, #tpu.memory_space<vmem_shared>>) offsets(%dma_start3A_330 : memref<128xi32, #tpu.memory_space<vmem>>) semaphore(%arg23 : memref<!tpu.dma_semaphore, #tpu.memory_space<semaphore_mem>>) {add = true}
        %dma_start3A_333 = arith.constant 28 : i32
        %dma_start3A_334 = arith.constant 3584 : i32
        %dma_start3A_335 = tpu.memref_slice %arg18[%dma_start3A_334] : memref<5120xf32, #tpu.memory_space<vmem>> -> memref<128xf32, #tpu.memory_space<vmem>>
        %dma_start3A_336 = arith.constant 0 : i32
        %dma_start3A_337 = tpu.memref_slice %arg14[%dma_start3A_333, %dma_start3A_336] : memref<40x128xi32, #tpu.memory_space<vmem>> -> memref<1x128xi32, #tpu.memory_space<vmem>>
        %dma_start3A_338 = tpu.memref_squeeze %dma_start3A_337 : memref<1x128xi32, #tpu.memory_space<vmem>> -> memref<128xi32, #tpu.memory_space<vmem>>
        %dma_start3A_339 = arith.constant 0 : i32
        %dma_start3A_340 = tpu.memref_slice %arg24[%dma_start3A_339] : memref<50176xf32, #tpu.memory_space<vmem_shared>> -> memref<50176xf32, #tpu.memory_space<vmem_shared>>
        tpu.enqueue_indirect_dma source(%dma_start3A_335 : memref<128xf32, #tpu.memory_space<vmem>>) target(%dma_start3A_340 : memref<50176xf32, #tpu.memory_space<vmem_shared>>) offsets(%dma_start3A_338 : memref<128xi32, #tpu.memory_space<vmem>>) semaphore(%arg23 : memref<!tpu.dma_semaphore, #tpu.memory_space<semaphore_mem>>) {add = true}
        %dma_start3A_341 = arith.constant 29 : i32
        %dma_start3A_342 = arith.constant 3712 : i32
        %dma_start3A_343 = tpu.memref_slice %arg18[%dma_start3A_342] : memref<5120xf32, #tpu.memory_space<vmem>> -> memref<128xf32, #tpu.memory_space<vmem>>
        %dma_start3A_344 = arith.constant 0 : i32
        %dma_start3A_345 = tpu.memref_slice %arg14[%dma_start3A_341, %dma_start3A_344] : memref<40x128xi32, #tpu.memory_space<vmem>> -> memref<1x128xi32, #tpu.memory_space<vmem>>
        %dma_start3A_346 = tpu.memref_squeeze %dma_start3A_345 : memref<1x128xi32, #tpu.memory_space<vmem>> -> memref<128xi32, #tpu.memory_space<vmem>>
        %dma_start3A_347 = arith.constant 0 : i32
        %dma_start3A_348 = tpu.memref_slice %arg24[%dma_start3A_347] : memref<50176xf32, #tpu.memory_space<vmem_shared>> -> memref<50176xf32, #tpu.memory_space<vmem_shared>>
        tpu.enqueue_indirect_dma source(%dma_start3A_343 : memref<128xf32, #tpu.memory_space<vmem>>) target(%dma_start3A_348 : memref<50176xf32, #tpu.memory_space<vmem_shared>>) offsets(%dma_start3A_346 : memref<128xi32, #tpu.memory_space<vmem>>) semaphore(%arg23 : memref<!tpu.dma_semaphore, #tpu.memory_space<semaphore_mem>>) {add = true}
        %dma_start3A_349 = arith.constant 30 : i32
        %dma_start3A_350 = arith.constant 3840 : i32
        %dma_start3A_351 = tpu.memref_slice %arg18[%dma_start3A_350] : memref<5120xf32, #tpu.memory_space<vmem>> -> memref<128xf32, #tpu.memory_space<vmem>>
        %dma_start3A_352 = arith.constant 0 : i32
        %dma_start3A_353 = tpu.memref_slice %arg14[%dma_start3A_349, %dma_start3A_352] : memref<40x128xi32, #tpu.memory_space<vmem>> -> memref<1x128xi32, #tpu.memory_space<vmem>>
        %dma_start3A_354 = tpu.memref_squeeze %dma_start3A_353 : memref<1x128xi32, #tpu.memory_space<vmem>> -> memref<128xi32, #tpu.memory_space<vmem>>
        %dma_start3A_355 = arith.constant 0 : i32
        %dma_start3A_356 = tpu.memref_slice %arg24[%dma_start3A_355] : memref<50176xf32, #tpu.memory_space<vmem_shared>> -> memref<50176xf32, #tpu.memory_space<vmem_shared>>
        tpu.enqueue_indirect_dma source(%dma_start3A_351 : memref<128xf32, #tpu.memory_space<vmem>>) target(%dma_start3A_356 : memref<50176xf32, #tpu.memory_space<vmem_shared>>) offsets(%dma_start3A_354 : memref<128xi32, #tpu.memory_space<vmem>>) semaphore(%arg23 : memref<!tpu.dma_semaphore, #tpu.memory_space<semaphore_mem>>) {add = true}
        %dma_start3A_357 = arith.constant 31 : i32
        %dma_start3A_358 = arith.constant 3968 : i32
        %dma_start3A_359 = tpu.memref_slice %arg18[%dma_start3A_358] : memref<5120xf32, #tpu.memory_space<vmem>> -> memref<128xf32, #tpu.memory_space<vmem>>
        %dma_start3A_360 = arith.constant 0 : i32
        %dma_start3A_361 = tpu.memref_slice %arg14[%dma_start3A_357, %dma_start3A_360] : memref<40x128xi32, #tpu.memory_space<vmem>> -> memref<1x128xi32, #tpu.memory_space<vmem>>
        %dma_start3A_362 = tpu.memref_squeeze %dma_start3A_361 : memref<1x128xi32, #tpu.memory_space<vmem>> -> memref<128xi32, #tpu.memory_space<vmem>>
        %dma_start3A_363 = arith.constant 0 : i32
        %dma_start3A_364 = tpu.memref_slice %arg24[%dma_start3A_363] : memref<50176xf32, #tpu.memory_space<vmem_shared>> -> memref<50176xf32, #tpu.memory_space<vmem_shared>>
        tpu.enqueue_indirect_dma source(%dma_start3A_359 : memref<128xf32, #tpu.memory_space<vmem>>) target(%dma_start3A_364 : memref<50176xf32, #tpu.memory_space<vmem_shared>>) offsets(%dma_start3A_362 : memref<128xi32, #tpu.memory_space<vmem>>) semaphore(%arg23 : memref<!tpu.dma_semaphore, #tpu.memory_space<semaphore_mem>>) {add = true}
        %dma_start3A_365 = arith.constant 32 : i32
        %dma_start3A_366 = arith.constant 4096 : i32
        %dma_start3A_367 = tpu.memref_slice %arg18[%dma_start3A_366] : memref<5120xf32, #tpu.memory_space<vmem>> -> memref<128xf32, #tpu.memory_space<vmem>>
        %dma_start3A_368 = arith.constant 0 : i32
        %dma_start3A_369 = tpu.memref_slice %arg14[%dma_start3A_365, %dma_start3A_368] : memref<40x128xi32, #tpu.memory_space<vmem>> -> memref<1x128xi32, #tpu.memory_space<vmem>>
        %dma_start3A_370 = tpu.memref_squeeze %dma_start3A_369 : memref<1x128xi32, #tpu.memory_space<vmem>> -> memref<128xi32, #tpu.memory_space<vmem>>
        %dma_start3A_371 = arith.constant 0 : i32
        %dma_start3A_372 = tpu.memref_slice %arg24[%dma_start3A_371] : memref<50176xf32, #tpu.memory_space<vmem_shared>> -> memref<50176xf32, #tpu.memory_space<vmem_shared>>
        tpu.enqueue_indirect_dma source(%dma_start3A_367 : memref<128xf32, #tpu.memory_space<vmem>>) target(%dma_start3A_372 : memref<50176xf32, #tpu.memory_space<vmem_shared>>) offsets(%dma_start3A_370 : memref<128xi32, #tpu.memory_space<vmem>>) semaphore(%arg23 : memref<!tpu.dma_semaphore, #tpu.memory_space<semaphore_mem>>) {add = true}
        %dma_start3A_373 = arith.constant 33 : i32
        %dma_start3A_374 = arith.constant 4224 : i32
        %dma_start3A_375 = tpu.memref_slice %arg18[%dma_start3A_374] : memref<5120xf32, #tpu.memory_space<vmem>> -> memref<128xf32, #tpu.memory_space<vmem>>
        %dma_start3A_376 = arith.constant 0 : i32
        %dma_start3A_377 = tpu.memref_slice %arg14[%dma_start3A_373, %dma_start3A_376] : memref<40x128xi32, #tpu.memory_space<vmem>> -> memref<1x128xi32, #tpu.memory_space<vmem>>
        %dma_start3A_378 = tpu.memref_squeeze %dma_start3A_377 : memref<1x128xi32, #tpu.memory_space<vmem>> -> memref<128xi32, #tpu.memory_space<vmem>>
        %dma_start3A_379 = arith.constant 0 : i32
        %dma_start3A_380 = tpu.memref_slice %arg24[%dma_start3A_379] : memref<50176xf32, #tpu.memory_space<vmem_shared>> -> memref<50176xf32, #tpu.memory_space<vmem_shared>>
        tpu.enqueue_indirect_dma source(%dma_start3A_375 : memref<128xf32, #tpu.memory_space<vmem>>) target(%dma_start3A_380 : memref<50176xf32, #tpu.memory_space<vmem_shared>>) offsets(%dma_start3A_378 : memref<128xi32, #tpu.memory_space<vmem>>) semaphore(%arg23 : memref<!tpu.dma_semaphore, #tpu.memory_space<semaphore_mem>>) {add = true}
        %dma_start3A_381 = arith.constant 34 : i32
        %dma_start3A_382 = arith.constant 4352 : i32
        %dma_start3A_383 = tpu.memref_slice %arg18[%dma_start3A_382] : memref<5120xf32, #tpu.memory_space<vmem>> -> memref<128xf32, #tpu.memory_space<vmem>>
        %dma_start3A_384 = arith.constant 0 : i32
        %dma_start3A_385 = tpu.memref_slice %arg14[%dma_start3A_381, %dma_start3A_384] : memref<40x128xi32, #tpu.memory_space<vmem>> -> memref<1x128xi32, #tpu.memory_space<vmem>>
        %dma_start3A_386 = tpu.memref_squeeze %dma_start3A_385 : memref<1x128xi32, #tpu.memory_space<vmem>> -> memref<128xi32, #tpu.memory_space<vmem>>
        %dma_start3A_387 = arith.constant 0 : i32
        %dma_start3A_388 = tpu.memref_slice %arg24[%dma_start3A_387] : memref<50176xf32, #tpu.memory_space<vmem_shared>> -> memref<50176xf32, #tpu.memory_space<vmem_shared>>
        tpu.enqueue_indirect_dma source(%dma_start3A_383 : memref<128xf32, #tpu.memory_space<vmem>>) target(%dma_start3A_388 : memref<50176xf32, #tpu.memory_space<vmem_shared>>) offsets(%dma_start3A_386 : memref<128xi32, #tpu.memory_space<vmem>>) semaphore(%arg23 : memref<!tpu.dma_semaphore, #tpu.memory_space<semaphore_mem>>) {add = true}
        %dma_start3A_389 = arith.constant 35 : i32
        %dma_start3A_390 = arith.constant 4480 : i32
        %dma_start3A_391 = tpu.memref_slice %arg18[%dma_start3A_390] : memref<5120xf32, #tpu.memory_space<vmem>> -> memref<128xf32, #tpu.memory_space<vmem>>
        %dma_start3A_392 = arith.constant 0 : i32
        %dma_start3A_393 = tpu.memref_slice %arg14[%dma_start3A_389, %dma_start3A_392] : memref<40x128xi32, #tpu.memory_space<vmem>> -> memref<1x128xi32, #tpu.memory_space<vmem>>
        %dma_start3A_394 = tpu.memref_squeeze %dma_start3A_393 : memref<1x128xi32, #tpu.memory_space<vmem>> -> memref<128xi32, #tpu.memory_space<vmem>>
        %dma_start3A_395 = arith.constant 0 : i32
        %dma_start3A_396 = tpu.memref_slice %arg24[%dma_start3A_395] : memref<50176xf32, #tpu.memory_space<vmem_shared>> -> memref<50176xf32, #tpu.memory_space<vmem_shared>>
        tpu.enqueue_indirect_dma source(%dma_start3A_391 : memref<128xf32, #tpu.memory_space<vmem>>) target(%dma_start3A_396 : memref<50176xf32, #tpu.memory_space<vmem_shared>>) offsets(%dma_start3A_394 : memref<128xi32, #tpu.memory_space<vmem>>) semaphore(%arg23 : memref<!tpu.dma_semaphore, #tpu.memory_space<semaphore_mem>>) {add = true}
        %dma_start3A_397 = arith.constant 36 : i32
        %dma_start3A_398 = arith.constant 4608 : i32
        %dma_start3A_399 = tpu.memref_slice %arg18[%dma_start3A_398] : memref<5120xf32, #tpu.memory_space<vmem>> -> memref<128xf32, #tpu.memory_space<vmem>>
        %dma_start3A_400 = arith.constant 0 : i32
        %dma_start3A_401 = tpu.memref_slice %arg14[%dma_start3A_397, %dma_start3A_400] : memref<40x128xi32, #tpu.memory_space<vmem>> -> memref<1x128xi32, #tpu.memory_space<vmem>>
        %dma_start3A_402 = tpu.memref_squeeze %dma_start3A_401 : memref<1x128xi32, #tpu.memory_space<vmem>> -> memref<128xi32, #tpu.memory_space<vmem>>
        %dma_start3A_403 = arith.constant 0 : i32
        %dma_start3A_404 = tpu.memref_slice %arg24[%dma_start3A_403] : memref<50176xf32, #tpu.memory_space<vmem_shared>> -> memref<50176xf32, #tpu.memory_space<vmem_shared>>
        tpu.enqueue_indirect_dma source(%dma_start3A_399 : memref<128xf32, #tpu.memory_space<vmem>>) target(%dma_start3A_404 : memref<50176xf32, #tpu.memory_space<vmem_shared>>) offsets(%dma_start3A_402 : memref<128xi32, #tpu.memory_space<vmem>>) semaphore(%arg23 : memref<!tpu.dma_semaphore, #tpu.memory_space<semaphore_mem>>) {add = true}
        %dma_start3A_405 = arith.constant 37 : i32
        %dma_start3A_406 = arith.constant 4736 : i32
        %dma_start3A_407 = tpu.memref_slice %arg18[%dma_start3A_406] : memref<5120xf32, #tpu.memory_space<vmem>> -> memref<128xf32, #tpu.memory_space<vmem>>
        %dma_start3A_408 = arith.constant 0 : i32
        %dma_start3A_409 = tpu.memref_slice %arg14[%dma_start3A_405, %dma_start3A_408] : memref<40x128xi32, #tpu.memory_space<vmem>> -> memref<1x128xi32, #tpu.memory_space<vmem>>
        %dma_start3A_410 = tpu.memref_squeeze %dma_start3A_409 : memref<1x128xi32, #tpu.memory_space<vmem>> -> memref<128xi32, #tpu.memory_space<vmem>>
        %dma_start3A_411 = arith.constant 0 : i32
        %dma_start3A_412 = tpu.memref_slice %arg24[%dma_start3A_411] : memref<50176xf32, #tpu.memory_space<vmem_shared>> -> memref<50176xf32, #tpu.memory_space<vmem_shared>>
        tpu.enqueue_indirect_dma source(%dma_start3A_407 : memref<128xf32, #tpu.memory_space<vmem>>) target(%dma_start3A_412 : memref<50176xf32, #tpu.memory_space<vmem_shared>>) offsets(%dma_start3A_410 : memref<128xi32, #tpu.memory_space<vmem>>) semaphore(%arg23 : memref<!tpu.dma_semaphore, #tpu.memory_space<semaphore_mem>>) {add = true}
        %dma_start3A_413 = arith.constant 38 : i32
        %dma_start3A_414 = arith.constant 4864 : i32
        %dma_start3A_415 = tpu.memref_slice %arg18[%dma_start3A_414] : memref<5120xf32, #tpu.memory_space<vmem>> -> memref<128xf32, #tpu.memory_space<vmem>>
        %dma_start3A_416 = arith.constant 0 : i32
        %dma_start3A_417 = tpu.memref_slice %arg14[%dma_start3A_413, %dma_start3A_416] : memref<40x128xi32, #tpu.memory_space<vmem>> -> memref<1x128xi32, #tpu.memory_space<vmem>>
        %dma_start3A_418 = tpu.memref_squeeze %dma_start3A_417 : memref<1x128xi32, #tpu.memory_space<vmem>> -> memref<128xi32, #tpu.memory_space<vmem>>
        %dma_start3A_419 = arith.constant 0 : i32
        %dma_start3A_420 = tpu.memref_slice %arg24[%dma_start3A_419] : memref<50176xf32, #tpu.memory_space<vmem_shared>> -> memref<50176xf32, #tpu.memory_space<vmem_shared>>
        tpu.enqueue_indirect_dma source(%dma_start3A_415 : memref<128xf32, #tpu.memory_space<vmem>>) target(%dma_start3A_420 : memref<50176xf32, #tpu.memory_space<vmem_shared>>) offsets(%dma_start3A_418 : memref<128xi32, #tpu.memory_space<vmem>>) semaphore(%arg23 : memref<!tpu.dma_semaphore, #tpu.memory_space<semaphore_mem>>) {add = true}
        %dma_start3A_421 = arith.constant 39 : i32
        %dma_start3A_422 = arith.constant 4992 : i32
        %dma_start3A_423 = tpu.memref_slice %arg18[%dma_start3A_422] : memref<5120xf32, #tpu.memory_space<vmem>> -> memref<128xf32, #tpu.memory_space<vmem>>
        %dma_start3A_424 = arith.constant 0 : i32
        %dma_start3A_425 = tpu.memref_slice %arg14[%dma_start3A_421, %dma_start3A_424] : memref<40x128xi32, #tpu.memory_space<vmem>> -> memref<1x128xi32, #tpu.memory_space<vmem>>
        %dma_start3A_426 = tpu.memref_squeeze %dma_start3A_425 : memref<1x128xi32, #tpu.memory_space<vmem>> -> memref<128xi32, #tpu.memory_space<vmem>>
        %dma_start3A_427 = arith.constant 0 : i32
        %dma_start3A_428 = tpu.memref_slice %arg24[%dma_start3A_427] : memref<50176xf32, #tpu.memory_space<vmem_shared>> -> memref<50176xf32, #tpu.memory_space<vmem_shared>>
        tpu.enqueue_indirect_dma source(%dma_start3A_423 : memref<128xf32, #tpu.memory_space<vmem>>) target(%dma_start3A_428 : memref<50176xf32, #tpu.memory_space<vmem_shared>>) offsets(%dma_start3A_426 : memref<128xi32, #tpu.memory_space<vmem>>) semaphore(%arg23 : memref<!tpu.dma_semaphore, #tpu.memory_space<semaphore_mem>>) {add = true}
      } else {
      }
    }
    %scan3A_67 = arith.constant 20 : i32
    %dma_wait3A = arith.constant 0 : i32
    %dma_wait3A_68 = arith.constant 0 : i32
    %dma_wait3A_69 = tpu.memref_slice %arg6[%dma_wait3A, %dma_wait3A_68] : memref<25000x128xf32, #tpu.memory_space<hbm>> -> memref<40x128xf32, #tpu.memory_space<hbm>>
    %dma_wait3A_70 = arith.constant 0 : i32
    %dma_wait3A_71 = arith.constant 0 : i32
    %dma_wait3A_72 = tpu.memref_slice %arg6[%dma_wait3A_70, %dma_wait3A_71] : memref<25000x128xf32, #tpu.memory_space<hbm>> -> memref<40x128xf32, #tpu.memory_space<hbm>>
    tpu.wait_dma2 semaphore(%arg23 : memref<!tpu.dma_semaphore, #tpu.memory_space<semaphore_mem>>) src(%dma_wait3A_72 : memref<40x128xf32, #tpu.memory_space<hbm>>) dst(%arg16 : memref<40x128xf32, #tpu.memory_space<vmem>>)
    %barrier3A_73 = arith.constant 0 : index
    tpu.barrier barrier_id(%barrier3A_73)
    "tpu.region"() ({
      %run_scoped3A = tpu.sem_alloc : memref<!tpu.dma_semaphore, #tpu.memory_space<semaphore_mem>>
      %dma_start3A_80 = arith.constant 0 : i32
      %dma_start3A_81 = tpu.memref_slice %arg18[%dma_start3A_80] : memref<5120xf32, #tpu.memory_space<vmem>> -> memref<3136xf32, #tpu.memory_space<vmem>>
      %dma_start3A_82 = tpu.memref_slice %arg24[%mul3A_2] : memref<50176xf32, #tpu.memory_space<vmem_shared>> -> memref<3136xf32, #tpu.memory_space<vmem_shared>>
      %dma_start3A_83 = arith.constant 0 : i32
      %dma_start3A_84 = tpu.memref_slice %arg18[%dma_start3A_83] : memref<5120xf32, #tpu.memory_space<vmem>> -> memref<3136xf32, #tpu.memory_space<vmem>>
      %dma_start3A_85 = tpu.memref_slice %arg24[%mul3A_2] : memref<50176xf32, #tpu.memory_space<vmem_shared>> -> memref<3136xf32, #tpu.memory_space<vmem_shared>>
      tpu.enqueue_dma source(%dma_start3A_85 : memref<3136xf32, #tpu.memory_space<vmem_shared>>) target(%dma_start3A_84 : memref<3136xf32, #tpu.memory_space<vmem>>) target_semaphore(%run_scoped3A : memref<!tpu.dma_semaphore, #tpu.memory_space<semaphore_mem>>)
      %dma_wait3A_86 = arith.constant 0 : i32
      %dma_wait3A_87 = tpu.memref_slice %arg18[%dma_wait3A_86] : memref<5120xf32, #tpu.memory_space<vmem>> -> memref<3136xf32, #tpu.memory_space<vmem>>
      %dma_wait3A_88 = tpu.memref_slice %arg24[%mul3A_2] : memref<50176xf32, #tpu.memory_space<vmem_shared>> -> memref<3136xf32, #tpu.memory_space<vmem_shared>>
      %dma_wait3A_89 = arith.constant 0 : i32
      %dma_wait3A_90 = tpu.memref_slice %arg18[%dma_wait3A_89] : memref<5120xf32, #tpu.memory_space<vmem>> -> memref<3136xf32, #tpu.memory_space<vmem>>
      %dma_wait3A_91 = tpu.memref_slice %arg24[%mul3A_2] : memref<50176xf32, #tpu.memory_space<vmem_shared>> -> memref<3136xf32, #tpu.memory_space<vmem_shared>>
      tpu.wait_dma2 semaphore(%run_scoped3A : memref<!tpu.dma_semaphore, #tpu.memory_space<semaphore_mem>>) src(%dma_wait3A_91 : memref<3136xf32, #tpu.memory_space<vmem_shared>>) dst(%dma_wait3A_90 : memref<3136xf32, #tpu.memory_space<vmem>>)
      tpu.yield
    }) : () -> ()
    %parallel_loop3A_74 = arith.constant 0 : i32
    %parallel_loop3A_75 = arith.constant 196 : i32
    %parallel_loop3A_76 = arith.constant 1 : i32
    scf.for %parallel_loop3A_80 = %parallel_loop3A_74 to %parallel_loop3A_75 step %parallel_loop3A_76  : i32 {
      %parallel_loop3A_81 = arith.constant 16 : i32
      %parallel_loop3A_82 = arith.muli %parallel_loop3A_80, %parallel_loop3A_81 : i32
      %parallel_loop3A_83 = arith.index_cast %parallel_loop3A_82 : i32 to index
      %parallel_loop3A_84 = tpu.vector_load %arg18[%parallel_loop3A_83] {strides = array<i32>} : memref<5120xf32, #tpu.memory_space<vmem>>, vector<16xf32>,
      %parallel_loop3A_85 = arith.mulf %parallel_loop3A_84, %get3A_34 : vector<16xf32>
      %parallel_loop3A_86 = arith.index_cast %parallel_loop3A_82 : i32 to index
      %parallel_loop3A_87 = tpu.vector_load %arg18[%parallel_loop3A_86] {strides = array<i32>} : memref<5120xf32, #tpu.memory_space<vmem>>, vector<16xf32>,
      tpu.vector_store %arg18[%parallel_loop3A_86], %parallel_loop3A_85 {strides = array<i32>} : memref<5120xf32, #tpu.memory_space<vmem>>, vector<16xf32>,
    } {sc.loop_unroll_factor = 1 : i64, sc.parallel_access}
    %mul3A_77 = arith.constant 50176 : i32
    %mul3A_78 = arith.muli %arg0, %mul3A_77 : i32
    %add3A_79 = arith.addi %mul3A_78, %mul3A_2 : i32
    "tpu.region"() ({
      %run_scoped3A = tpu.sem_alloc : memref<!tpu.dma_semaphore, #tpu.memory_space<semaphore_mem>>
      %dma_start3A_80 = arith.constant 0 : i32
      %dma_start3A_81 = tpu.memref_slice %arg18[%dma_start3A_80] : memref<5120xf32, #tpu.memory_space<vmem>> -> memref<3136xf32, #tpu.memory_space<vmem>>
      %dma_start3A_82 = tpu.memref_slice %arg11[%add3A_79] : memref<100352xf32, #tpu.memory_space<hbm>> -> memref<3136xf32, #tpu.memory_space<hbm>>
      %dma_start3A_83 = tpu.memref_slice %arg11[%add3A_79] : memref<100352xf32, #tpu.memory_space<hbm>> -> memref<3136xf32, #tpu.memory_space<hbm>>
      %dma_start3A_84 = arith.constant 0 : i32
      %dma_start3A_85 = tpu.memref_slice %arg18[%dma_start3A_84] : memref<5120xf32, #tpu.memory_space<vmem>> -> memref<3136xf32, #tpu.memory_space<vmem>>
      tpu.enqueue_dma source(%dma_start3A_85 : memref<3136xf32, #tpu.memory_space<vmem>>) target(%dma_start3A_83 : memref<3136xf32, #tpu.memory_space<hbm>>) target_semaphore(%run_scoped3A : memref<!tpu.dma_semaphore, #tpu.memory_space<semaphore_mem>>)
      %dma_wait3A_86 = arith.constant 0 : i32
      %dma_wait3A_87 = tpu.memref_slice %arg18[%dma_wait3A_86] : memref<5120xf32, #tpu.memory_space<vmem>> -> memref<3136xf32, #tpu.memory_space<vmem>>
      %dma_wait3A_88 = tpu.memref_slice %arg11[%add3A_79] : memref<100352xf32, #tpu.memory_space<hbm>> -> memref<3136xf32, #tpu.memory_space<hbm>>
      %dma_wait3A_89 = tpu.memref_slice %arg11[%add3A_79] : memref<100352xf32, #tpu.memory_space<hbm>> -> memref<3136xf32, #tpu.memory_space<hbm>>
      %dma_wait3A_90 = arith.constant 0 : i32
      %dma_wait3A_91 = tpu.memref_slice %arg18[%dma_wait3A_90] : memref<5120xf32, #tpu.memory_space<vmem>> -> memref<3136xf32, #tpu.memory_space<vmem>>
      tpu.wait_dma2 semaphore(%run_scoped3A : memref<!tpu.dma_semaphore, #tpu.memory_space<semaphore_mem>>) src(%dma_wait3A_91 : memref<3136xf32, #tpu.memory_space<vmem>>) dst(%dma_wait3A_89 : memref<3136xf32, #tpu.memory_space<hbm>>)
      tpu.yield
    }) : () -> ()
    return
  }
}

</mosaic_0001>

<sc_bundles>
// kernel: kernel.3.cloned.1.call-start
scs
__scs_entry_jumppad:
0x0: {  	(pc) =	sbr.rel $0x88, $3  }
0x1: {  	(tag) =	ssettag $0x0;
	lr =	simm.s32 $0x1  }
0x2: {  	[smem:$0x3F95] =	sst lr;
	_ =	strace $0xD0000000  }
0x3: {  	_ = 	snop  }
0x4: {  	_ = 	snop  }
0x5: {  	_ = 	snop  }
0x6: {  	_ = 	snop  }
0x7: {  	_ = 	snop  }
__scs_overlays_trampoline_lowered:
0x8: {  	[smem:$0x3FA4] =	sst s0  }
0x9: {  	[smem:$0x3FA5] =	sst s1  }
0xa: {  	[smem:$0x3FA6] =	sst s2  }
0xb: {  	[smem:$0x3FA7] =	sst s3  }
0xc: {  	[smem:$0x3FA8] =	sst s4  }
0xd: {  	[smem:$0x3FA9] =	sst s5  }
0xe: {  	[smem:$0x3FAA] =	sst s6  }
0xf: {  	[smem:$0x3FAB] =	sst s7  }
0x10: {  	[smem:$0x3FAC] =	sst s8  }
0x11: {  	[smem:$0x3FAD] =	sst s9;
	s0 =	simm.s32 @!p0 $0x0  }
0x12: {  	s1 =	sld [smem:$0x3F93];
	s0 =	simm.s32 @p0 $0x1  }
0x13: {  	[smem:$0x3FAE] =	sst s0;
	s0 =	simm.s32 @!p1 $0x0  }
0x14: {  	s2 =	sld [smem:$0x3F92];
	s0 =	simm.s32 @p1 $0x1  }
0x15: {  	[smem:$0x3FAF] =	sst s0;
	s0 =	simm.s32 @!p2 $0x0  }
0x16: {  	s3 =	sld [smem:$0x3FDB];
	s0 =	simm.s32 @p2 $0x1  }
0x17: {  	s4 =	simm.s32 $0x1BF5;
	[smem:$0x3FB1] =	sst s0  }
0x18: {  	s0 =	sld [smem:$0x3F94];
	_ =	swait.ge [sflag:s4], $0x0  }
0x19: {  	s7 =	sld [smem:$0x3F95]  }
0x1a: {  	s8 =	sadd.s32 $0xFFFFE003, lr  }
0x1b: {  	s9 =	sadd.s32 $0xFFFFFEF7, lr;
	s5 =	simm.s32 $0xFFFFFFFF;
	p2 =	slt.u32 s8, $0xFFFFF086  }
0x1c: {  	p1 =	slt.u32 s9, $0xF7A;
	s5 =	simm.s32 @!p2 $0x0  }
0x1d: {  	s5 =	simm.s32 @p1 $0x1;
	p0 =	seq.s32 s7, s2  }
0x1e: {  	s7 =	smul.u32 @!p0 $0xF7A, s2;
	p2 =	seq.s32 @!p0 s5, $0x0  }
0x1f: {  	s9 =	smul.u32 $0xF7A, s1;
	s8 =	simm.s32 @!p0 $0x1BF5;
	p2 =	por !p2, p0  }
0x20: {  	[sflag:s8] =	ssyncset.s32 @!p0 $0xFFFFF086;
	s6 =	sadd.s32 @!p0 s3, s7;
	s7 =	simm.s32 @!p0 $0x108  }
0x21: {  	s3 =	sadd.s32 s3, s9;
	s6 =	sadd.s32 @!p0 $0x88, s6;
	s7 =	simm.s32 @p2 $0x1082  }
0x22: {  	[simem:s7], [sflag:s8] =	dma.local @!p0 [hbm:s6], $0xF7A  }
0x23: {  	s9 =	sor.u32 $0xD0000000, s2;
	s6 =	simm.s32 $0x108;
	_ =	swait.ge @!p0 [sflag:s8], $0x0  }
0x24: {  	s3 =	sadd.s32 $0x88, s3;
	s6 =	simm.s32 @!p1 $0x1082;
	[sflag:s4] =	ssyncset.s32 $0xFFFFF086  }
0x25: {  	[simem:s6], [sflag:s4] =	dma.local [hbm:s3], $0xF7A  }
0x26: {  	[smem:$0x3F95] =	sst s1;
	(tag) =	ssettag s2;
	_ =	strace s9  }
0x27: {  	s1 =	sld [smem:$0x3FA5]  }
0x28: {  	s2 =	sld [smem:$0x3FA6]  }
0x29: {  	s4 =	sld [smem:$0x3FA8]  }
0x2a: {  	p0 =	seq.s32 s5, $0x0;
	s5 =	sld [smem:$0x3FA9]  }
0x2b: {  	s6 =	sld [smem:$0x3FAA]  }
0x2c: {  	s7 =	sld [smem:$0x3FAB]  }
0x2d: {  	s3 =	simm.s32 $0x108;
	s8 =	sld [smem:$0x3FAC]  }
0x2e: {  	s3 =	simm.s32 @!p0 $0x1082;
	s9 =	sld [smem:$0x3FAD]  }
0x2f: {  	lr =	sadd.s32 s0, s3;
	s0 =	sld [smem:$0x3FA4]  }
0x30: {  	s3 =	sld [smem:$0x3FA7]  }
0x31: {  	[smem:$0x3FB0] =	sst s10  }
0x32: {  	s10 =	sld [smem:$0x3FAE];
	_ =	sdelay $0x3  }
0x33: {  	p0 =	seq.s32 s10, $0x1;
	s10 =	sld [smem:$0x3FB0];
	_ =	sdelay $0x3  }
0x34: {  	[smem:$0x3FB0] =	sst s10  }
0x35: {  	s10 =	sld [smem:$0x3FAF];
	_ =	sdelay $0x3  }
0x36: {  	p1 =	seq.s32 s10, $0x1;
	s10 =	sld [smem:$0x3FB0];
	_ =	sdelay $0x3  }
0x37: {  	[smem:$0x3FB0] =	sst s10  }
0x38: {  	s10 =	sld [smem:$0x3FB1]  }
0x39: {  	_ = 	snop;
	(pc) =	sbr.ind lr, $3  }
0x3a: {  	_ = 	snop  }
0x3b: {  	_ = 	snop  }
0x3c: {  	p2 =	seq.s32 s10, $0x1;
	s10 =	sld [smem:$0x3FB0]  }
0x3d: {  	_ =	shalt  }
0x3e: {  	_ =	shalt  }
0x3f: {  	_ =	shalt  }
0x40: {  	_ =	shalt  }
0x41: {  	_ =	shalt  }
0x42: {  	_ =	shalt  }
0x43: {  	_ =	shalt  }
0x44: {  	_ =	shalt  }
0x45: {  	_ =	shalt  }
0x46: {  	_ =	shalt  }
0x47: {  	_ =	shalt  }
0x48: {  	_ =	shalt  }
0x49: {  	_ =	shalt  }
0x4a: {  	_ =	shalt  }
0x4b: {  	_ =	shalt  }
0x4c: {  	_ =	shalt  }
0x4d: {  	_ =	shalt  }
0x4e: {  	_ =	shalt  }
0x4f: {  	_ =	shalt  }
0x50: {  	_ =	shalt  }
0x51: {  	_ =	shalt  }
0x52: {  	_ =	shalt  }
0x53: {  	_ =	shalt  }
0x54: {  	_ =	shalt  }
0x55: {  	_ =	shalt  }
0x56: {  	_ =	shalt  }
0x57: {  	_ =	shalt  }
0x58: {  	_ =	shalt  }
0x59: {  	_ =	shalt  }
0x5a: {  	_ =	shalt  }
0x5b: {  	_ =	shalt  }
0x5c: {  	_ =	shalt  }
0x5d: {  	_ =	shalt  }
0x5e: {  	_ =	shalt  }
0x5f: {  	_ =	shalt  }
0x60: {  	_ =	shalt  }
0x61: {  	_ =	shalt  }
0x62: {  	_ =	shalt  }
0x63: {  	_ =	shalt  }
0x64: {  	_ =	shalt  }
0x65: {  	_ =	shalt  }
0x66: {  	_ =	shalt  }
0x67: {  	_ =	shalt  }
0x68: {  	_ =	shalt  }
0x69: {  	_ =	shalt  }
0x6a: {  	_ =	shalt  }
0x6b: {  	_ =	shalt  }
0x6c: {  	_ =	shalt  }
0x6d: {  	_ =	shalt  }
0x6e: {  	_ =	shalt  }
0x6f: {  	_ =	shalt  }
0x70: {  	_ =	shalt  }
0x71: {  	_ =	shalt  }
0x72: {  	_ =	shalt  }
0x73: {  	_ =	shalt  }
0x74: {  	_ =	shalt  }
0x75: {  	_ =	shalt  }
0x76: {  	_ =	shalt  }
0x77: {  	_ =	shalt  }
0x78: {  	_ =	shalt  }
0x79: {  	_ =	shalt  }
0x7a: {  	_ =	shalt  }
0x7b: {  	_ =	shalt  }
0x7c: {  	_ =	shalt  }
0x7d: {  	_ =	shalt  }
0x7e: {  	_ =	shalt  }
0x7f: {  	_ =	shalt  }
0x80: {  	_ =	shalt  }
0x81: {  	_ =	shalt  }
0x82: {  	_ =	shalt  }
0x83: {  	_ =	shalt  }
0x84: {  	_ =	shalt  }
0x85: {  	_ =	shalt  }
0x86: {  	_ =	shalt  }
0x87: {  	_ =	shalt  }
.Lfunc_end0:
.L_simem_size_0:
called_computation_lowered:
.L_overlay_start_0:
0x88: {  	s2 =	sld [smem:$0x3FD9]  }
0x89: {  	s3 =	sld [smem:$0x3FFE];
	_ =	sdelay $0x1  }
0x8a: {  	s1 =	srdreg.scid  }
0x8b: {  	s0 =	sand.u32 $0x1, s1  }
0x8c: {  	s17 =	sshll.u32 s0, $0xA;
	s2 =	sadd.s32 s3, s2  }
0x8d: {  	s2 =	sadd.s32 s2, s17  }
0x8e: {  	[smem:$0x3FBC] =	sst s2  }
0x8f: {  	_ = 	snop  }
0x90: {  	s2 =	sld [smem:$0x3FC9]  }
0x91: {  	s18 =	sld [smem:$0x3FC8]  }
0x92: {  	s4 =	sld [smem:$0x3FC7]  }
0x93: {  	s5 =	sld [smem:$0x3FC6]  }
0x94: {  	s6 =	sld [smem:$0x3FC5]  }
0x95: {  	s7 =	sld [smem:$0x3FC4]  }
0x96: {  	s8 =	sld [smem:$0x3FD0];
	(tm) =	ssettm $0x1  }
0x97: {  	s9 =	sld [smem:$0x3FFB];
	_ =	sdelay $0x3  }
0x98: {  	_ =	strace s9  }
0x99: {  	s9 =	sld [smem:$0x3FFC];
	_ =	sdelay $0x3  }
0x9a: {  	_ =	strace s9  }
0x9b: {  	s9 =	sld [smem:$0x3FFD];
	_ =	sdelay $0x3  }
0x9c: {  	_ =	strace s9  }
0x9d: {  	_ =	strace $0x8FFFFFFF  }
0x9e: {  	s19 =	sld [smem:$0x3FDB];
	_ =	sdelay $0x1  }
0x9f: {  	s10 =	simm.s32 $_scs_section_size  }
0xa0: {  	s11 =	simm.s32 $_size__tile_overlayer_lowered;
	s12 =	simm.s32 $_tile_overlayer_lowered  }
0xa1: {  	s22 =	simm.s32 $0x1BFF;
	s21 =	sshll.u32 s12, $0x1;
	s9 =	sadd.s32 s10, s19  }
0xa2: {  	s13 =	simm.s32 $0x0;
	s20 =	sshll.u32 s11, $0x1;
	s11 =	sadd.s32 s21, s9  }
0xa3: {  	[timem:s13], [sflag:s22] =	dma.local [hbm:s11], s20  }
0xa4: {  	_ =	swait.ge [sflag:s22], s20  }
0xa5: {  	s10 =	ssub.s32 $0x0, s20;
	[sflag:s22] =	ssyncset.done $0x0  }
0xa6: {  	[sflag:s22] =	ssyncadd.s32 s10;
	_ =	sdelay $0x1  }
0xa7: {  	s23 =	simm.s32 $0x1B8B  }
0xa8: {  	_ =	swait.ge [sflag:s23], $0x1  }
0xa9: {  	[sflag:s23] =	ssyncset.done $0x0  }
0xaa: {  	s25 =	simm.s32 $0x1B8E;
	s24 =	sld [smem:$0x3FFE];
	[sflag:s23] =	ssyncadd.s32 $0xFFFFFFFF  }
0xab: {  	s26 =	simm.s32 $execute0_lowered;
	[smem:$0x3FD2] =	sst s25  }
0xac: {  	s11 =	sshll.u32 s26, $0x1;
	_ =	strace $0x80000046;
	[dreg:$0x1] =	wrdreg $0xFFFFFFFF  }
0xad: {  	s28 =	simm.s32 $_size_execute0_lowered;
	s9 =	sadd.s32 s9, s11;
	[dreg:$0x0] =	wrdreg $0x0  }
0xae: {  	s11 =	sshll.u32 s28, $0x1;
	[dreg:$0x2] =	wrdreg s9  }
0xaf: {  	[dreg:$0x3] =	wrdreg s11  }
0xb0: {  	[dreg:$0x4] =	wrdreg $0xC0  }
0xb1: {  	_ =	task [dreg:s13], $0x5FFFF  }
0xb2: {  	[dreg:$0x1] =	wrdreg $0xFFFFFFFF  }
0xb3: {  	[dreg:$0x0] =	wrdreg $0x60  }
0xb4: {  	[dreg:$0x2] =	wrdreg s2  }
0xb5: {  	[dreg:$0x3] =	wrdreg s7  }
0xb6: {  	[dreg:$0x4] =	wrdreg s18  }
0xb7: {  	[dreg:$0x5] =	wrdreg s4  }
0xb8: {  	[dreg:$0x6] =	wrdreg s5  }
0xb9: {  	[dreg:$0x7] =	wrdreg s6  }
0xba: {  	[dreg:$0x8] =	wrdreg s8  }
0xbb: {  	[dreg:$0x9] =	wrdreg s24  }
0xbc: {  	[dreg:$0xa] =	wrdreg $0x1ED800  }
0xbd: {  	[dreg:$0xb] =	wrdreg $0x9  }
0xbe: {  	_ =	task.clear_ibuf [dreg:s13], $0xCFFFF;
	_ =	strace $0x90000046  }
0xbf: {  	s29 =	simm.s32 $0x9;
	_ =	strace $0x80000048  }
0xc0: {  	_ =	swait.ge [sflag:s29], $0x1  }
0xc1: {  	[sflag:s29] =	ssyncadd.s32 $0xFFFFFFFF  }
0xc2: {  	_ =	strace $0x90000048  }
0xc3: {  	_ =	sfence  }
0xc4: {  	s30 =	sld [smem:$0x0];
	_ =	sdelay $0x2  }
0xc5: {  	s31 =	sshll.u32 s1, $0xD;
	s1 =	sshrl.u32 s1, $0x2  }
0xc6: {  	s3 =	sand.u32 $0x4000, s31;
	s1 =	sadd.s32 s1, s30  }
0xc7: {  	s0 =	sor.u32 s3, s0;
	s1 =	sshll.u32 s1, $0x11  }
0xc8: {  	s0 =	sor.u32 s1, s0  }
0xc9: {  	s0 =	sadd.s32 $0x8F2B, s0  }
0xca: {  	[sflag:s0] =	ssyncadd.remote.s32 $0x1  }
0xcb: {  	_ =	sfence.sel $0xFFFF  }
0xcc: {  	[dreg:$0x0] =	wrdreg $0xFFFFFFFF;
	(pc) =	sbr.abs _section_cstart, $3  }
0xcd: {  	[dreg:$0x1] =	wrdreg $0xFFFFFFFF  }
0xce: {  	_ =	task.clear_ibuf [dreg:s13], $0x2FFFF;
	_ =	strace $0x9FFFFFFF  }
0xcf: {  	(tm) =	ssettm $0x7FFFFFFF  }
tec
execute0_lowered:
.L_overlay_start_1:
0x0: {  	(tag) =	ssettag $0x1  }
0x1: {  	s0 =	rddreg [dreg:$0x0]  }
0x2: {  	s1 =	rddreg [dreg:$0x1]  }
0x3: {  	s10 =	rddreg [dreg:$0x2]  }
0x4: {  	s12 =	rddreg [dreg:$0x3]  }
0x5: {  	s13 =	rddreg [dreg:$0x4]  }
0x6: {  	s15 =	rddreg [dreg:$0x5]  }
0x7: {  	s2 =	rddreg [dreg:$0x7];
	s3 =	srdreg.scid  }
0x8: {  	s14 =	stileid.u32;
	s7 =	rddreg [dreg:$0x8];
	s8 =	simm.s32 $0x0  }
0x9: {  	s28 =	simm.s32 $0x80;
	s29 =	simm.s32 $0x1E800;
	s31 =	simm.s32 $0x19880  }
0xa: {  	s3 =	sand.u32 $0x1, s3;
	s4 =	smul.u32 $0xC40, s14;
	[smem:$0x7FF] =	sst s8  }
0xb: {  	s6 =	sadd.s32 $0x600, s2;
	s11 =	sadd.s32 $0x800, s2;
	s16 =	sshll.u32 s14, $0x1  }
0xc: {  	p0 =	seq.s32 s14, $0xF;
	_ =	strace $0x80000047;
	[dreg:$0xa] =	wrdreg s6  }
0xd: {  	s14 =	simm.s32 $0x1E980;
	s5 =	smul.u32 $0xC400, s3;
	[dreg:$0xb] =	wrdreg s11  }
0xe: {  	s17 =	ssub.s32 $0x2, s3;
	s11 =	sor.u32 s3, s16;
	s6 =	simm.s32 $0x3  }
0xf: {  	s16 =	simm.s32 $0x1EA00;
	s18 =	sshrl.u32 s17, $0x1;
	s19 =	sshrl.u32 s4, $0x3  }
0x10: {  	s9 =	smul.u32 $0x280, s11;
	s5 =	sadd.s32 s4, s5;
	s3 =	ssub.s32 s17, s18  }
0x11: {  	s20 =	sadd.s32 s1, s19;
	s21 =	sadd.s32 s0, s19;
	s1 =	sadd.s32 $0x16F8, s1  }
0x12: {  	s0 =	sadd.s32 $0x16F8, s0;
	s4 =	sadd.s32 s4, s7;
	[dreg:$0xc] =	wrdreg s20  }
0x13: {  	s17 =	simm.s32 $0x19A80;
	s18 =	simm.s32 $0x1EA80;
	[dreg:$0xd] =	wrdreg s21  }
0x14: {  	s19 =	simm.s32 $0x1EB80;
	s5 =	sshrl.u32 s5, $0x3;
	[dreg:$0xe] =	wrdreg s1  }
0x15: {  	[dreg:$0xf] =	wrdreg s0;
	s22 =	sadd.s32 s10, s9;
	s23 =	sadd.s32 s13, s9  }
0x16: {  	s24 =	sadd.s32 s15, s9;
	s25 =	sadd.s32 s12, s9;
	s30 =	smax.u32 s3, $0x1  }
0x17: {  	s3 =	simm.s32 $0xC400;
	s9 =	simm.s32 $0x1E880;
	[dreg:$0x13] =	wrdreg s4  }
0x18: {  	s10 =	simm.s32 $0x19900;
	s12 =	simm.s32 $0x1E900;
	[dreg:$0x10] =	wrdreg s22  }
0x19: {  	s13 =	simm.s32 $0x19980;
	s15 =	simm.s32 $0x19A00;
	[dreg:$0x11] =	wrdreg s23  }
0x1a: {  	s20 =	simm.s32 $0x19B00;
	s21 =	simm.s32 $0x1EB00;
	[dreg:$0x12] =	wrdreg s24  }
0x1b: {  	s1 =	simm.s32 $0x0;
	s2 =	sadd.s32 s5, s2;
	[dreg:$0x14] =	wrdreg s25  }
0x1c: {  	[dreg:$0x16] =	wrdreg s30;
	s24 =	simm.s32 $0x1EC80;
	s25 =	simm.s32 $0x1ED00  }
0x1d: {  	s5 =	simm.s32 $0x1D800;
	s23 =	simm.s32 $0x1;
	s26 =	sadd.s32 $0xA00, s2  }
0x1e: {  	v0 =	vimm.f32 $0.0e+00;
	s22 =	simm.s32 $0x19B80;
	[dreg:$0x15] =	wrdreg s26;
	s26 =	simm.s32 $0x18800  }
.LBB2_1:
0x1f: {  	[dreg:$0x17] =	wrdreg s1  }
0x20: {  	s0 =	rddreg [dreg:$0x6];
	s30 =	simm.s32 $0x1EC00  }
0x21: {  	[tilespmem:s30], [sflag:$0x2] =	stream.linear.gather [hbm4b:s0+s8], $0x80, $0x38;
	[tilespmem:$0x1F9C0] =	vst v63  }
0x22: {  	s2 =	rddreg [dreg:$0xa]  }
0x23: {  	[tilespmem:s24], [sflag:$0x2] =	stream.linear.gather [hbm4b:s2+s8], $0x80, $0x38;
	[tilespmem:$0x1F9C0] =	vst v63  }
0x24: {  	s30 =	rddreg [dreg:$0xb]  }
0x25: {  	[tilespmem:s25], [sflag:$0x2] =	stream.linear.gather [hbm4b:s30+s8], $0x80, $0x38;
	[tilespmem:$0x1F9C0] =	vst v63  }
0x26: {  	s1 =	simm.s32 @p0 $0x1D800;
	s0 =	simm.s32 @p0 $0x0;
	s2 =	rddreg [dreg:$0xe]  }
0x27: {  	[tilespmem:s1], [sflag:$0x2] =	stream.linear.gather @p0 [hbm4b:s2+s0], $0xB90, $0x38;
	[tilespmem:$0x1F9C0] =	vst v63  }
0x28: {  	s1 =	simm.s32 @p0 $0x19C00;
	s2 =	rddreg [dreg:$0xf]  }
0x29: {  	[tilespmem:s1], [sflag:$0x2] =	stream.linear.gather @p0 [hbm4b:s2+s0], $0xB90, $0x38;
	[tilespmem:$0x1F9C0] =	vst v63  }
0x2a: {  	s0 =	simm.s32 @!p0 $0x0;
	s1 =	simm.s32 @!p0 $0x1D800;
	s2 =	rddreg [dreg:$0xc]  }
0x2b: {  	[tilespmem:s1], [sflag:$0x2] =	stream.linear.gather @!p0 [hbm4b:s2+s0], $0xC40, $0x38;
	[tilespmem:$0x1F9C0] =	vst v63  }
0x2c: {  	s1 =	simm.s32 @!p0 $0x19C00;
	s2 =	rddreg [dreg:$0xd]  }
0x2d: {  	[tilespmem:s1], [sflag:$0x2] =	stream.linear.gather @!p0 [hbm4b:s2+s0], $0xC40, $0x38;
	[tilespmem:$0x1F9C0] =	vst v63  }
0x2e: {  	s1 =	rddreg [dreg:$0x10]  }
0x2f: {  	[tilespmem:s26], [sflag:$0x1] =	stream.linear.gather [hbm4b:s1+s8], $0x1400, $0x38;
	[tilespmem:$0x1F9C0] =	vst v63  }
0x30: {  	s30 =	simm.s32 $0x1B000;
	s2 =	rddreg [dreg:$0x11]  }
0x31: {  	[tilespmem:s30], [sflag:$0x1] =	stream.linear.gather [hbm4b:s2+s8], $0x1400, $0x38;
	[tilespmem:$0x1F9C0] =	vst v63  }
0x32: {  	s0 =	simm.s32 @p0 $0x2;
	s2 =	rddreg [dreg:$0x12];
	s30 =	simm.s32 $0x1C400  }
0x33: {  	[tilespmem:s30], [sflag:$0x1] =	stream.linear.gather [hbm4b:s2+s8], $0x1400, $0x38;
	[tilespmem:$0x1F9C0] =	vst v63  }
0x34: {  	_ =	swait.ge @p0 [sflag:s0], $0x1820  }
0x35: {  	[sflag:s0] =	ssyncset.done @p0 $0x0  }
0x36: {  	v1 =	vimm.f32 @p0 $0.0e+00;
	[sflag:s0] =	ssyncadd.s32 @p0 $0xFFFFE7E0  }
0x37: {  	v2 =	vimm.s32 @p0 $0x0;
	[tilespmem:$0x1E390] =	vst @p0 v1  }
0x38: {  	[tilespmem:$0x1A790] =	vst @p0 v2  }
0x39: {  	[tilespmem:$0x1E3A0] =	vst @p0 v1  }
0x3a: {  	[tilespmem:$0x1A7A0] =	vst @p0 v2  }
0x3b: {  	[tilespmem:$0x1E3B0] =	vst @p0 v1  }
0x3c: {  	[tilespmem:$0x1A7B0] =	vst @p0 v2  }
0x3d: {  	[tilespmem:$0x1E3C0] =	vst @p0 v1  }
0x3e: {  	[tilespmem:$0x1A7C0] =	vst @p0 v2  }
0x3f: {  	[tilespmem:$0x1E3D0] =	vst @p0 v1  }
0x40: {  	[tilespmem:$0x1A7D0] =	vst @p0 v2  }
0x41: {  	[tilespmem:$0x1E3E0] =	vst @p0 v1  }
0x42: {  	[tilespmem:$0x1A7E0] =	vst @p0 v2  }
0x43: {  	[tilespmem:$0x1E3F0] =	vst @p0 v1  }
0x44: {  	[tilespmem:$0x1A7F0] =	vst @p0 v2  }
0x45: {  	[tilespmem:$0x1E400] =	vst @p0 v1  }
0x46: {  	[tilespmem:$0x1A800] =	vst @p0 v2  }
0x47: {  	[tilespmem:$0x1E410] =	vst @p0 v1  }
0x48: {  	[tilespmem:$0x1A810] =	vst @p0 v2  }
0x49: {  	[tilespmem:$0x1E420] =	vst @p0 v1  }
0x4a: {  	[tilespmem:$0x1A820] =	vst @p0 v2  }
0x4b: {  	[tilespmem:$0x1E430] =	vst @p0 v1  }
0x4c: {  	s0 =	simm.s32 @!p0 $0x2;
	[tilespmem:$0x1A830] =	vst @p0 v2  }
0x4d: {  	_ =	swait.ge @!p0 [sflag:s0], $0x1980  }
0x4e: {  	[sflag:s0] =	ssyncset.done @!p0 $0x0  }
0x4f: {  	[sflag:s0] =	ssyncadd.s32 @!p0 $0xFFFFE680  }
0x50: {  	v2 =	vld [tilespmem:$0x1EC00]  }
0x51: {  	v1 =	vld [tilespmem:$0x1EC10]  }
0x52: {  	s0 =	simm.s32 $0x0;
	v4 =	vld [tilespmem:$0x1EC20]  }
0x53: {  	v5 =	vld [tilespmem:s0+$0x1D800]  }
0x54: {  	s1 =	simm.s32 $0x40;
	v3 =	vld [tilespmem:$0x1EC30]  }
.LBB2_2:
0x55: {  	p1 =	sne.s32 s1, $0x30C0  }
.Ltmp0:
0x56: {  	_ = 	snop;
	(pc) =	sbr.rel @p1 .LBB2_2-.Ltmp0, $4  }
0x57: {  	_ = 	snop  }
0x58: {  	s2 =	sshra.s32 s1, $0x2;
	s1 =	sadd.s32 $0x40, s1;
	v6 =	vmul.f32 v5, v4  }
0x59: {  	v5 =	vld [tilespmem:s2+$0x1D800]  }
0x5a: {  	[tilespmem:s0+$0x0] =	vst v6;
	s0 =	smov.u32 s2  }
0x5b: {  	_ =	sdelay $0x2  }
0x5c: {  	v4 =	vmul.f32 v5, v4;
	_ =	sdelay $0x1  }
0x5d: {  	s30 =	simm.s32 $0x0;
	[tilespmem:s0+$0x0] =	vst v4  }
0x5e: {  	[spmem:s4] =	stream.linear.scatter [tilespmem:s30], [sflag:$0x3], $0xC40, $0x38;
	[tilespmem:$0x1F9C0] =	vst v63  }
0x5f: {  	_ =	swait.ge [sflag:s6], $0xC40  }
0x60: {  	[sflag:s6] =	ssyncset.done $0x0  }
0x61: {  	[sflag:s6] =	ssyncadd.s32 $0xFFFFF3C0  }
0x62: {  	s2 =	simm.s32 $0x0;
	[bflag:$0x0] =	sbarrier.arrive $0xFFFF  }
0x63: {  	[tilespmem:s30], [sflag:$0x2] =	stream.linear.gather [spmem:s7], $0xC400, $0x38;
	[tilespmem:$0x1F9C0] =	vst v63  }
0x64: {  	v4 =	vld [tilespmem:s2+$0x19C00];
	_ =	sdelay $0x5  }
0x65: {  	s0 =	simm.s32 $0x10  }
0x66: {  	v6 =	vld [tilespmem:s0+$0x19C00]  }
0x67: {  	v5 =	vld.idx.msk [tilespmem:v4+s24+$0x0], $0xffff;
	_ =	sdelay $0x4  }
0x68: {  	(erf) = vrcp.f32 v5;
	_ =	sdelay $0x1  }
0x69: {  	v7 =	vld.idx.msk [tilespmem:v6+s24+$0x0], $0xffff  }
0x6a: {  	s1 =	simm.s32 $0x20;
	v5 =	vld.idx.msk [tilespmem:v4+s25+$0x0], $0xffff  }
0x6b: {  	v4 =	vld [tilespmem:s1+$0x19C00];
	_ =	sdelay $0x4  }
0x6c: {  	v5 =	vtrunc.f32 v5;
	v8 =	vpop (erf);
	(erf) = vrcp.f32 v7  }
0x6d: {  	v9 =	vcvt.f32.s32 v5;
	v8 =	vmul.f32 v8, v3  }
0x6e: {  	v5 =	vld.idx.msk [tilespmem:v6+s25+$0x0], $0xffff  }
0x6f: {  	s4 =	simm.s32 $0x30;
	s6 =	simm.s32 $0x100;
	v7 =	vld.idx.msk [tilespmem:v4+s24+$0x0], $0xffff;
	v6 =	vand.u32 $0xFFFFFFF8, v8;
	v8 =	vadd.s32 $0xFFFFFFFF, v9  }
.LBB2_4:
0x70: {  	p1 =	sne.s32 s6, $0x30C0;
	v9 =	vld [tilespmem:s4+$0x19C00];
	v6 =	vor.u32 v8, v6  }
0x71: {  	[tilespmem:s2+$0xC400] =	vst v6;
	s2 =	smov.u32 s0;
	s0 =	smov.u32 s1;
	s1 =	smov.u32 s4  }
0x72: {  	_ =	sdelay $0x1  }
.Ltmp1:
0x73: {  	(pc) =	sbr.rel @p1 .LBB2_4-.Ltmp1, $4  }
0x74: {  	v5 =	vtrunc.f32 v5;
	(erf) = vrcp.f32 v7;
	v6 =	vpop (erf)  }
0x75: {  	v8 =	vcvt.f32.s32 v5;
	v6 =	vmul.f32 v6, v3  }
0x76: {  	v5 =	vld.idx.msk [tilespmem:v4+s25+$0x0], $0xffff;
	v4 =	vmov v9  }
0x77: {  	s4 =	sshra.s32 s6, $0x2;
	s6 =	sadd.s32 $0x40, s6;
	v8 =	vadd.s32 $0xFFFFFFFF, v8;
	v7 =	vld.idx.msk [tilespmem:v9+s24+$0x0], $0xffff;
	v6 =	vand.u32 $0xFFFFFFF8, v6  }
0x78: {  	v9 =	vld [tilespmem:s4+$0x19C00];
	_ =	sdelay $0x7  }
0x79: {  	v10 =	vld.idx.msk [tilespmem:v9+s24+$0x0], $0xffff;
	_ =	sdelay $0x3  }
0x7a: {  	(erf) = vrcp.f32 v7  }
0x7b: {  	(erf) = vrcp.f32 v10;
	_ =	sdelay $0x1  }
0x7c: {  	v4 =	vld.idx.msk [tilespmem:v4+s25+$0x0], $0xffff;
	_ =	sdelay $0x1  }
0x7d: {  	v9 =	vld.idx.msk [tilespmem:v9+s25+$0x0], $0xffff;
	_ =	sdelay $0x1  }
0x7e: {  	v5 =	vtrunc.f32 v5  }
0x7f: {  	v5 =	vcvt.f32.s32 v5;
	v59 =	vpop (erf);
	v4 =	vtrunc.f32 v4  }
0x80: {  	v6 =	vor.u32 v8, v6;
	v7 =	vmul.f32 v59, v3;
	v4 =	vcvt.f32.s32 v4;
	v60 =	vpop (erf)  }
0x81: {  	v5 =	vadd.s32 $0xFFFFFFFF, v5;
	v61 =	vtrunc.f32 v9;
	v10 =	vmul.f32 v60, v3;
	v11 =	vpop (erf)  }
0x82: {  	v7 =	vand.u32 $0xFFFFFFF8, v7;
	v8 =	vcvt.f32.s32 v61;
	v3 =	vmul.f32 v11, v3  }
0x83: {  	[tilespmem:s2+$0xC400] =	vst v6;
	v4 =	vadd.s32 $0xFFFFFFFF, v4;
	v5 =	vor.u32 v5, v7;
	v62 =	vand.u32 $0xFFFFFFF8, v10  }
0x84: {  	[tilespmem:s0+$0xC400] =	vst v5;
	v63 =	vadd.s32 $0xFFFFFFFF, v8;
	v4 =	vor.u32 v4, v62;
	v3 =	vand.u32 $0xFFFFFFF8, v3  }
0x85: {  	[tilespmem:s1+$0xC400] =	vst v4;
	v3 =	vor.u32 v63, v3  }
0x86: {  	s6 =	simm.s32 $0x19C00;
	[tilespmem:s4+$0xC400] =	vst v3  }
0x87: {  	s30 =	simm.s32 $0x2;
	s4 =	simm.s32 $0x0;
	s1 =	rddreg [dreg:$0x14]  }
0x88: {  	[tilespmem:s6], [sflag:$0x1] =	stream.linear.gather [hbm4b:s1+s4], $0x1400, $0x38;
	[tilespmem:$0x1F9C0] =	vst v63  }
0x89: {  	_ =	swait.ge [sflag:s30], $0xC400  }
0x8a: {  	[sflag:s30] =	ssyncset.done $0x0  }
0x8b: {  	[sflag:s30] =	ssyncadd.s32 $0xFFFF3C00  }
0x8c: {  	[bflag:$0x0] =	sbarrier.arrive $0xFFFF  }
0x8d: {  	s4 =	simm.s32 $0x3;
	s2 =	rddreg [dreg:$0x13]  }
0x8e: {  	[spmem:s2] =	stream.linear.scatter [tilespmem:s3], [sflag:$0x3], $0xC40, $0x38;
	[tilespmem:$0x1F9C0] =	vst v63  }
0x8f: {  	_ =	swait.ge [sflag:s4], $0xC40  }
0x90: {  	[sflag:s4] =	ssyncset.done $0x0  }
0x91: {  	[sflag:s4] =	ssyncadd.s32 $0xFFFFF3C0  }
0x92: {  	s0 =	simm.s32 $0x40;
	s1 =	simm.s32 $0x0;
	[bflag:$0x0] =	sbarrier.arrive $0xFFFF  }
0x93: {  	[tilespmem:s3], [sflag:$0x2] =	stream.linear.gather [spmem:s7], $0xC400, $0x38;
	[tilespmem:$0x1F9C0] =	vst v63  }
.LBB2_6:
0x94: {  	p1 =	sne.s32 s0, $0x30C0;
	[tilespmem:s1+$0x1D800] =	vst v0;
	s1 =	smov.u32 s0;
	s0 =	sadd.s32 $0x40, s0  }
.Ltmp2:
0x95: {  	(pc) =	sbr.rel @p1 .LBB2_6-.Ltmp2, $2  }
0x96: {  	_ =	sdelay $0x2  }
0x97: {  	s1 =	sshra.s32 s1, $0x2  }
0x98: {  	[tilespmem:s1+$0x1D800] =	vst v0;
	s0 =	simm.s32 $0x2  }
0x99: {  	_ =	swait.ge [sflag:s0], $0xC400  }
0x9a: {  	[sflag:s0] =	ssyncset.done $0x0  }
0x9b: {  	[sflag:s0] =	ssyncadd.s32 $0xFFFF3C00  }
0x9c: {  	[bflag:$0x0] =	sbarrier.arrive $0xFFFF  }
0x9d: {  	[spmem:s2] =	stream.linear.scatter [tilespmem:s5], [sflag:$0x3], $0xC40, $0x38;
	[tilespmem:$0x1F9C0] =	vst v63  }
.Ltmp3:
0x9e: {  	_ =	swait.ge [sflag:s4], $0xC40;
	(pc) =	sbr.rel .LBB2_8-.Ltmp3, $4  }
0x9f: {  	[sflag:s4] =	ssyncset.done $0x0  }
0xa0: {  	[sflag:s4] =	ssyncadd.s32 $0xFFFFF3C0  }
0xa1: {  	[bflag:$0x0] =	sbarrier.arrive $0xFFFF  }
0xa2: {  	s6 =	simm.s32 $0x0  }
.LBB2_14:
0xa3: {  	s6 =	sadd.s32 $0x1, s6  }
0xa4: {  	p1 =	sne.s32 s6, $0x14  }
.Ltmp4:
0xa5: {  	_ = 	snop;
	(pc) =	sbr.rel @!p1 .LBB2_15-.Ltmp4, $1  }
0xa6: {  	_ =	sdelay $0x3  }
.LBB2_8:
0xa7: {  	s0 =	sshll.u32 s6, $0x5  }
0xa8: {  	s0 =	sor.u32 s11, s0  }
0xa9: {  	p1 =	sgt.u32 s0, $0x270  }
.Ltmp5:
0xaa: {  	_ = 	snop;
	(pc) =	sbr.rel @p1 .LBB2_14-.Ltmp5, $1  }
0xab: {  	_ =	sdelay $0x3  }
0xac: {  	p1 =	seq.s32 s6, $0x0  }
0xad: {  	s0 =	smul.u32 @!p1 $0x280, s0  }
0xae: {  	s1 =	rddreg [dreg:$0x3]  }
0xaf: {  	s2 =	simm.s32 @!p1 $0x0;
	s4 =	simm.s32 @!p1 $0x19C00;
	s1 =	sadd.s32 @!p1 s1, s0  }
0xb0: {  	[tilespmem:s4], [sflag:$0x1] =	stream.linear.gather @!p1 [hbm4b:s1+s2], $0x1400, $0x38;
	[tilespmem:$0x1F9C0] =	vst v63  }
0xb1: {  	s1 =	rddreg [dreg:$0x4]  }
0xb2: {  	s4 =	simm.s32 @!p1 $0x1B000;
	s1 =	sadd.s32 @!p1 s1, s0  }
0xb3: {  	[tilespmem:s4], [sflag:$0x1] =	stream.linear.gather @!p1 [hbm4b:s1+s2], $0x1400, $0x38;
	[tilespmem:$0x1F9C0] =	vst v63  }
0xb4: {  	s1 =	rddreg [dreg:$0x5]  }
0xb5: {  	s4 =	simm.s32 @!p1 $0x1C400;
	s1 =	sadd.s32 @!p1 s1, s0  }
0xb6: {  	[tilespmem:s4], [sflag:$0x1] =	stream.linear.gather @!p1 [hbm4b:s1+s2], $0x1400, $0x38;
	[tilespmem:$0x1F9C0] =	vst v63  }
0xb7: {  	s1 =	simm.s32 @!p1 $0x2  }
0xb8: {  	_ =	swait.ge @!p1 [sflag:s1], $0x1400  }
0xb9: {  	[sflag:s1] =	ssyncset.done @!p1 $0x0  }
0xba: {  	[sflag:s1] =	ssyncadd.s32 @!p1 $0xFFFFEC00  }
0xbb: {  	s1 =	rddreg [dreg:$0x2]  }
0xbc: {  	s0 =	sadd.s32 @!p1 s1, s0;
	s1 =	simm.s32 @!p1 $0x18800  }
0xbd: {  	[tilespmem:s1], [sflag:$0x1] =	stream.linear.gather @!p1 [hbm4b:s0+s2], $0x1400, $0x38;
	[tilespmem:$0x1F9C0] =	vst v63  }
0xbe: {  	_ =	swait.ge [sflag:s23], $0x5000  }
0xbf: {  	[sflag:s23] =	ssyncset.done $0x0  }
0xc0: {  	s30 =	simm.s32 $0x70;
	[sflag:s23] =	ssyncadd.s32 $0xFFFFB000  }
0xc1: {  	v3 =	vld [tilespmem:s30+$0x18790]  }
0xc2: {  	v4 =	vld [tilespmem:s30+$0x19B90];
	_ =	sdelay $0x5  }
0xc3: {  	v6 =	vld [tilespmem:s30+$0x1AF90]  }
0xc4: {  	v5 =	vld.idx.msk [tilespmem:v3+s3+$0x0], $0xffff  }
0xc5: {  	v7 =	vld.idx.msk [tilespmem:v4+s3+$0x0], $0xffff;
	_ =	sdelay $0x3  }
0xc6: {  	v8 =	vmul.f32 v6, v5  }
0xc7: {  	v9 =	vmul.f32 v6, v7  }
0xc8: {  	v10 =	vmul.f32 $1.442695020e+00, v8;
	v8 =	vmul.f32 v8, v2  }
0xc9: {  	v11 =	vmul.f32 $1.442695020e+00, v9;
	v9 =	vmul.f32 v9, v2  }
0xca: {  	(erf) = vpow2.f32 v10;
	v8 =	vmul.f32 $1.442695020e+00, v8  }
0xcb: {  	v9 =	vmul.f32 $1.442695020e+00, v9;
	(erf) = vpow2.f32 v11  }
0xcc: {  	(erf) = vpow2.f32 v8  }
0xcd: {  	(erf) = vpow2.f32 v9  }
0xce: {  	v3 =	vld.idx.msk [tilespmem:v3+s8+$0x0], $0xffff  }
0xcf: {  	v4 =	vld.idx.msk [tilespmem:v4+s8+$0x0], $0xffff;
	v5 =	vand.u32 $0x7, v5;
	v7 =	vand.u32 $0x7, v7  }
0xd0: {  	v5 =	vcvt.s32.f32 v5;
	v7 =	vcvt.s32.f32 v7;
	_ =	sdelay $0x1  }
0xd1: {  	v5 =	vadd.f32 $1.000000000e+00, v5;
	v7 =	vadd.f32 $1.000000000e+00, v7  }
0xd2: {  	v8 =	vpop (erf)  }
0xd3: {  	v10 =	vsub.f32 v5, v3;
	v11 =	vsub.f32 v7, v4;
	v9 =	vpop (erf)  }
0xd4: {  	v12 =	vpop (erf)  }
0xd5: {  	v7 =	vmul.f32 v10, v7;
	v5 =	vmul.f32 v11, v5;
	v13 =	vpop (erf)  }
0xd6: {  	v12 =	vadd.f32 $-1.000000000e+00, v12;
	v13 =	vadd.f32 $-1.000000000e+00, v13  }
0xd7: {  	v7 =	vmul.f32 v7, v8;
	v5 =	vmul.f32 v5, v9  }
0xd8: {  	v8 =	vmul.f32 v12, v10;
	v9 =	vmul.f32 v13, v11;
	_ =	sdelay $0x1  }
0xd9: {  	(erf) = vrcp.f32 v6;
	v5 =	vadd.f32 v5, v7;
	v6 =	vmul.f32 v9, v8;
	_ =	sdelay $0x1  }
0xda: {  	v5 =	vadd.f32 v6, v5;
	v6 =	vmul.f32 v11, v10  }
0xdb: {  	v7 =	vld [tilespmem:s30+$0x1C390]  }
0xdc: {  	v3 =	vmul.f32 v4, v3;
	v5 =	vsub.f32 v5, v6  }
0xdd: {  	v4 =	vld [tilespmem:s30+$0x187A0]  }
0xde: {  	v3 =	vadd.f32 v5, v3;
	v5 =	vld [tilespmem:s30+$0x19BA0];
	_ =	sdelay $0x1  }
0xdf: {  	v3 =	vmul.f32 v3, v7  }
0xe0: {  	v6 =	vpop (erf)  }
0xe1: {  	v3 =	vmul.f32 v3, v6;
	_ =	sdelay $0x1  }
0xe2: {  	v6 =	vld [tilespmem:s30+$0x1AFA0];
	[tilespmem:s30+$0x1D790] =	vst v3  }
0xe3: {  	v3 =	vld.idx.msk [tilespmem:v4+s3+$0x0], $0xffff  }
0xe4: {  	v7 =	vld.idx.msk [tilespmem:v5+s3+$0x0], $0xffff;
	_ =	sdelay $0x3  }
0xe5: {  	v8 =	vmul.f32 v6, v3  }
0xe6: {  	v10 =	vld [tilespmem:s30+$0x1AFB0];
	v9 =	vmul.f32 v6, v7  }
0xe7: {  	v11 =	vmul.f32 $1.442695020e+00, v8  }
0xe8: {  	v12 =	vmul.f32 $1.442695020e+00, v9  }
0xe9: {  	v8 =	vmul.f32 v8, v2;
	(erf) = vpow2.f32 v11  }
0xea: {  	v9 =	vmul.f32 v9, v2;
	(erf) = vpow2.f32 v12  }
0xeb: {  	v8 =	vmul.f32 $1.442695020e+00, v8;
	(erf) = vrcp.f32 v10  }
0xec: {  	v9 =	vmul.f32 $1.442695020e+00, v9;
	(erf) = vrcp.f32 v6  }
0xed: {  	(erf) = vpow2.f32 v8  }
0xee: {  	(erf) = vpow2.f32 v9  }
0xef: {  	v4 =	vld.idx.msk [tilespmem:v4+s8+$0x0], $0xffff  }
0xf0: {  	v5 =	vld.idx.msk [tilespmem:v5+s8+$0x0], $0xffff;
	v3 =	vand.u32 $0x7, v3;
	v6 =	vand.u32 $0x7, v7  }
0xf1: {  	v3 =	vcvt.s32.f32 v3;
	v6 =	vcvt.s32.f32 v6  }
0xf2: {  	v7 =	vpop (erf)  }
0xf3: {  	v3 =	vadd.f32 $1.000000000e+00, v3;
	v6 =	vadd.f32 $1.000000000e+00, v6;
	v8 =	vpop (erf)  }
0xf4: {  	v9 =	vpop (erf)  }
0xf5: {  	v11 =	vsub.f32 v3, v4;
	v12 =	vsub.f32 v6, v5;
	v13 =	vpop (erf)  }
0xf6: {  	v14 =	vpop (erf)  }
0xf7: {  	v6 =	vmul.f32 v11, v6;
	v3 =	vmul.f32 v12, v3;
	v15 =	vpop (erf)  }
0xf8: {  	v14 =	vadd.f32 $-1.000000000e+00, v14;
	v15 =	vadd.f32 $-1.000000000e+00, v15  }
0xf9: {  	v6 =	vmul.f32 v6, v7;
	v3 =	vmul.f32 v3, v8  }
0xfa: {  	v7 =	vmul.f32 v14, v11;
	v8 =	vmul.f32 v15, v12  }
0xfb: {  	s0 =	simm.s32 $0xF0  }
0xfc: {  	v3 =	vadd.f32 v3, v6;
	v14 =	vld [tilespmem:s0+$0x18790];
	v6 =	vmul.f32 v8, v7  }
0xfd: {  	v7 =	vld [tilespmem:s0+$0x19B90]  }
0xfe: {  	v8 =	vmul.f32 v12, v11;
	v3 =	vadd.f32 v6, v3  }
0xff: {  	v6 =	vld [tilespmem:s30+$0x1C3A0]  }
0x100: {  	v4 =	vmul.f32 v5, v4;
	v3 =	vsub.f32 v3, v8  }
0x101: {  	v5 =	vld [tilespmem:s30+$0x187B0]  }
0x102: {  	v3 =	vadd.f32 v3, v4;
	v4 =	vld [tilespmem:s30+$0x19BB0]  }
0x103: {  	v11 =	vld [tilespmem:s0+$0x1AF90]  }
0x104: {  	v8 =	vld.idx.msk [tilespmem:v14+s3+$0x0], $0xffff;
	v3 =	vmul.f32 v3, v6  }
0x105: {  	v6 =	vld.idx.msk [tilespmem:v7+s3+$0x0], $0xffff  }
0x106: {  	v3 =	vmul.f32 v3, v13;
	_ =	sdelay $0x1  }
0x107: {  	[tilespmem:s30+$0x1D7A0] =	vst v3  }
0x108: {  	v3 =	vmul.f32 v11, v8;
	v12 =	vld.idx.msk [tilespmem:v5+s3+$0x0], $0xffff  }
0x109: {  	v13 =	vmul.f32 v11, v6;
	v15 =	vld.idx.msk [tilespmem:v4+s3+$0x0], $0xffff  }
0x10a: {  	v16 =	vmul.f32 $1.442695020e+00, v3;
	v3 =	vmul.f32 v3, v2  }
0x10b: {  	v17 =	vmul.f32 $1.442695020e+00, v13;
	v13 =	vmul.f32 v13, v2  }
0x10c: {  	(erf) = vpow2.f32 v16;
	v3 =	vmul.f32 $1.442695020e+00, v3  }
0x10d: {  	v13 =	vmul.f32 $1.442695020e+00, v13;
	v44 =	vmul.f32 v10, v12  }
0x10e: {  	(erf) = vpow2.f32 v17;
	v10 =	vmul.f32 v10, v15  }
0x10f: {  	(erf) = vpow2.f32 v3;
	v3 =	vmul.f32 v44, v2  }
0x110: {  	v16 =	vmul.f32 $1.442695020e+00, v44;
	v45 =	vmul.f32 v10, v2  }
0x111: {  	(erf) = vpow2.f32 v13;
	v3 =	vmul.f32 $1.442695020e+00, v3  }
0x112: {  	(erf) = vpow2.f32 v16;
	v13 =	vmul.f32 $1.442695020e+00, v45  }
0x113: {  	(erf) = vpow2.f32 v3  }
0x114: {  	v3 =	vmul.f32 $1.442695020e+00, v10;
	(erf) = vpow2.f32 v13;
	_ =	sdelay $0x1  }
0x115: {  	v5 =	vld.idx.msk [tilespmem:v5+s8+$0x0], $0xffff;
	v10 =	vand.u32 $0x7, v12;
	(erf) = vpow2.f32 v3  }
0x116: {  	v4 =	vld.idx.msk [tilespmem:v4+s8+$0x0], $0xffff;
	v12 =	vpop (erf);
	v3 =	vcvt.s32.f32 v10;
	v10 =	vand.u32 $0x7, v15  }
0x117: {  	v10 =	vcvt.s32.f32 v10;
	v13 =	vpop (erf)  }
0x118: {  	v3 =	vadd.f32 $1.000000000e+00, v3;
	v15 =	vpop (erf)  }
0x119: {  	v10 =	vadd.f32 $1.000000000e+00, v10;
	v46 =	vpop (erf)  }
0x11a: {  	v47 =	vsub.f32 v3, v5;
	v18 =	vpop (erf)  }
0x11b: {  	v19 =	vsub.f32 v10, v4;
	v20 =	vpop (erf)  }
0x11c: {  	v10 =	vmul.f32 v47, v10;
	v20 =	vadd.f32 $-1.000000000e+00, v20;
	v21 =	vpop (erf)  }
0x11d: {  	v3 =	vmul.f32 v19, v3;
	v21 =	vadd.f32 $-1.000000000e+00, v21  }
0x11e: {  	v10 =	vmul.f32 v10, v18;
	v48 =	vpop (erf);
	v20 =	vmul.f32 v20, v47  }
0x11f: {  	v3 =	vmul.f32 v3, v48;
	v49 =	vmul.f32 v21, v19;
	_ =	sdelay $0x1  }
0x120: {  	v3 =	vadd.f32 v3, v10;
	v10 =	vmul.f32 v49, v20;
	_ =	sdelay $0x1  }
0x121: {  	v17 =	vmul.f32 v19, v47;
	v3 =	vadd.f32 v10, v3  }
0x122: {  	v10 =	vld [tilespmem:s30+$0x1C3B0]  }
0x123: {  	v4 =	vmul.f32 v4, v5;
	v3 =	vsub.f32 v3, v17  }
0x124: {  	v5 =	vld [tilespmem:s30+$0x187C0]  }
0x125: {  	v3 =	vadd.f32 v3, v4;
	v4 =	vld [tilespmem:s30+$0x19BC0];
	_ =	sdelay $0x1  }
0x126: {  	v7 =	vld.idx.msk [tilespmem:v7+s8+$0x0], $0xffff;
	v6 =	vand.u32 $0x7, v6;
	v3 =	vmul.f32 v3, v10  }
0x127: {  	v14 =	vld.idx.msk [tilespmem:v14+s8+$0x0], $0xffff;
	v8 =	vand.u32 $0x7, v8;
	v6 =	vcvt.s32.f32 v6  }
0x128: {  	v8 =	vcvt.s32.f32 v8;
	v3 =	vmul.f32 v3, v9  }
0x129: {  	v6 =	vadd.f32 $1.000000000e+00, v6  }
0x12a: {  	v8 =	vadd.f32 $1.000000000e+00, v8;
	v9 =	vld [tilespmem:s30+$0x1AFC0];
	[tilespmem:s30+$0x1D7B0] =	vst v3  }
0x12b: {  	v50 =	vsub.f32 v6, v7;
	v10 =	vld.idx.msk [tilespmem:v5+s3+$0x0], $0xffff  }
0x12c: {  	v3 =	vsub.f32 v8, v14;
	v51 =	vld.idx.msk [tilespmem:v4+s3+$0x0], $0xffff  }
0x12d: {  	v8 =	vmul.f32 v50, v8  }
0x12e: {  	v6 =	vmul.f32 v3, v6  }
0x12f: {  	v8 =	vmul.f32 v8, v13  }
0x130: {  	v6 =	vmul.f32 v6, v12;
	v12 =	vadd.f32 $-1.000000000e+00, v15;
	v13 =	vmul.f32 v9, v10  }
0x131: {  	(erf) = vrcp.f32 v11;
	v52 =	vmul.f32 v9, v51  }
0x132: {  	v15 =	vadd.f32 $-1.000000000e+00, v46;
	v12 =	vmul.f32 v12, v3;
	v53 =	vmul.f32 v13, v2  }
0x133: {  	v13 =	vmul.f32 $1.442695020e+00, v13;
	v54 =	vmul.f32 v52, v2  }
0x134: {  	v15 =	vmul.f32 v15, v50;
	v11 =	vmul.f32 $1.442695020e+00, v53  }
0x135: {  	(erf) = vpow2.f32 v13;
	v55 =	vmul.f32 $1.442695020e+00, v54  }
0x136: {  	v6 =	vadd.f32 v8, v6;
	v8 =	vmul.f32 v15, v12;
	(erf) = vpow2.f32 v11  }
0x137: {  	v11 =	vmul.f32 $1.442695020e+00, v52;
	(erf) = vpow2.f32 v55  }
0x138: {  	v5 =	vld.idx.msk [tilespmem:v5+s8+$0x0], $0xffff;
	v3 =	vmul.f32 v50, v3;
	v10 =	vand.u32 $0x7, v10  }
0x139: {  	v10 =	vcvt.s32.f32 v10;
	v12 =	vld.idx.msk [tilespmem:v4+s8+$0x0], $0xffff;
	v6 =	vadd.f32 v8, v6;
	(erf) = vpow2.f32 v11  }
0x13a: {  	v8 =	vld [tilespmem:s0+$0x1C390];
	v11 =	vand.u32 $0x7, v51  }
0x13b: {  	v4 =	vmul.f32 v7, v14;
	v3 =	vsub.f32 v6, v3;
	v6 =	vcvt.s32.f32 v11  }
0x13c: {  	v7 =	vadd.f32 $1.000000000e+00, v10  }
0x13d: {  	v10 =	vpop (erf);
	v3 =	vadd.f32 v3, v4;
	v6 =	vadd.f32 $1.000000000e+00, v6  }
0x13e: {  	v13 =	vld [tilespmem:s0+$0x187A0];
	v11 =	vsub.f32 v7, v5;
	v14 =	vpop (erf)  }
0x13f: {  	v4 =	vld [tilespmem:s30+$0x1AFE0];
	v3 =	vmul.f32 v3, v8;
	v8 =	vsub.f32 v6, v12;
	v15 =	vpop (erf)  }
0x140: {  	v6 =	vmul.f32 v11, v6;
	v15 =	vadd.f32 $-1.000000000e+00, v15;
	v56 =	vpop (erf)  }
0x141: {  	v3 =	vmul.f32 v3, v10;
	v7 =	vmul.f32 v8, v7;
	v16 =	vadd.f32 $-1.000000000e+00, v56  }
0x142: {  	v6 =	vmul.f32 v6, v14;
	v14 =	vpop (erf);
	v15 =	vmul.f32 v15, v11  }
0x143: {  	v10 =	vld [tilespmem:s0+$0x19BA0];
	v7 =	vmul.f32 v7, v14;
	v14 =	vmul.f32 v16, v8  }
0x144: {  	v5 =	vmul.f32 v12, v5;
	(erf) = vrcp.f32 v4  }
0x145: {  	v12 =	vld [tilespmem:s30+$0x19BD0];
	[tilespmem:s0+$0x1D790] =	vst v3;
	(erf) = vrcp.f32 v9;
	v3 =	vadd.f32 v7, v6;
	v6 =	vmul.f32 v14, v15  }
0x146: {  	v9 =	vld [tilespmem:s0+$0x1AFA0]  }
0x147: {  	v7 =	vld.idx.msk [tilespmem:v13+s3+$0x0], $0xffff;
	v3 =	vadd.f32 v6, v3;
	v6 =	vmul.f32 v8, v11  }
0x148: {  	v8 =	vld [tilespmem:s30+$0x1C3C0]  }
0x149: {  	v14 =	vld [tilespmem:s30+$0x1AFD0];
	v3 =	vsub.f32 v3, v6  }
0x14a: {  	v6 =	vld [tilespmem:s30+$0x187D0]  }
0x14b: {  	v11 =	vld.idx.msk [tilespmem:v10+s3+$0x0], $0xffff;
	v5 =	vadd.f32 v3, v5;
	_ =	sdelay $0x1  }
0x14c: {  	v3 =	vpop (erf);
	v5 =	vmul.f32 v5, v8  }
0x14d: {  	v15 =	vpop (erf)  }
0x14e: {  	v8 =	vmul.f32 v9, v7;
	v5 =	vmul.f32 v5, v15  }
0x14f: {  	v58 =	vld [tilespmem:s0+$0x1AFB0];
	(erf) = vrcp.f32 v14;
	v57 =	vmul.f32 v9, v11;
	v11 =	vand.u32 $0x7, v11  }
0x150: {  	v7 =	vand.u32 $0x7, v7;
	v11 =	vcvt.s32.f32 v11;
	v15 =	vmul.f32 $1.442695020e+00, v8;
	[tilespmem:s30+$0x1D7C0] =	vst v5  }
0x151: {  	v59 =	vmul.f32 $1.442695020e+00, v57;
	v5 =	vcvt.s32.f32 v7;
	v7 =	vld.idx.msk [tilespmem:v6+s3+$0x0], $0xffff  }
0x152: {  	v8 =	vmul.f32 v8, v2;
	(erf) = vpow2.f32 v15;
	v15 =	vld.idx.msk [tilespmem:v12+s3+$0x0], $0xffff  }
0x153: {  	v16 =	vmul.f32 v57, v2;
	(erf) = vpow2.f32 v59  }
0x154: {  	v8 =	vmul.f32 $1.442695020e+00, v8;
	(erf) = vrcp.f32 v58  }
0x155: {  	v16 =	vmul.f32 $1.442695020e+00, v16;
	(erf) = vrcp.f32 v9  }
0x156: {  	(erf) = vpow2.f32 v8;
	v8 =	vmul.f32 v14, v7  }
0x157: {  	(erf) = vpow2.f32 v16;
	v9 =	vmul.f32 v14, v15  }
0x158: {  	v13 =	vld.idx.msk [tilespmem:v13+s8+$0x0], $0xffff;
	v14 =	vmul.f32 $1.442695020e+00, v8;
	v8 =	vmul.f32 v8, v2  }
0x159: {  	v10 =	vld.idx.msk [tilespmem:v10+s8+$0x0], $0xffff;
	v60 =	vmul.f32 $1.442695020e+00, v9;
	v9 =	vmul.f32 v9, v2  }
0x15a: {  	v11 =	vadd.f32 $1.000000000e+00, v11;
	v61 =	vpop (erf);
	(erf) = vpow2.f32 v14;
	v8 =	vmul.f32 $1.442695020e+00, v8  }
0x15b: {  	v62 =	vpop (erf);
	v14 =	vadd.f32 $1.000000000e+00, v5;
	v9 =	vmul.f32 $1.442695020e+00, v9;
	(erf) = vpow2.f32 v60  }
0x15c: {  	s1 =	simm.s32 $0x170;
	v63 =	vpop (erf);
	(erf) = vpow2.f32 v8  }
0x15d: {  	v23 =	vld [tilespmem:s1+$0x19B90];
	v7 =	vand.u32 $0x7, v7;
	v5 =	vpop (erf);
	v8 =	vsub.f32 v14, v13;
	(erf) = vpow2.f32 v9  }
0x15e: {  	v22 =	vld.idx.msk [tilespmem:v6+s8+$0x0], $0xffff;
	v7 =	vcvt.s32.f32 v7;
	v29 =	vpop (erf);
	v9 =	vsub.f32 v11, v10  }
0x15f: {  	v12 =	vld.idx.msk [tilespmem:v12+s8+$0x0], $0xffff;
	v15 =	vand.u32 $0x7, v15;
	v6 =	vmul.f32 v8, v11;
	v11 =	vpop (erf)  }
0x160: {  	v28 =	vld [tilespmem:s1+$0x18790];
	v15 =	vcvt.s32.f32 v15;
	v7 =	vadd.f32 $1.000000000e+00, v7;
	v14 =	vmul.f32 v9, v14;
	v24 =	vpop (erf)  }
0x161: {  	v11 =	vadd.f32 $-1.000000000e+00, v11;
	v24 =	vadd.f32 $-1.000000000e+00, v24  }
0x162: {  	v15 =	vadd.f32 $1.000000000e+00, v15;
	v6 =	vmul.f32 v6, v62;
	v14 =	vmul.f32 v14, v63  }
0x163: {  	v32 =	vsub.f32 v7, v22;
	v11 =	vmul.f32 v11, v8;
	v31 =	vmul.f32 v24, v9;
	v30 =	vpop (erf)  }
0x164: {  	v10 =	vmul.f32 v10, v13;
	v6 =	vadd.f32 v14, v6;
	v14 =	vsub.f32 v15, v12;
	v13 =	vpop (erf)  }
0x165: {  	v8 =	vmul.f32 v9, v8;
	v11 =	vmul.f32 v31, v11;
	v25 =	vpop (erf)  }
0x166: {  	v36 =	vld [tilespmem:s0+$0x1C3A0];
	v9 =	vmul.f32 v32, v15;
	v7 =	vmul.f32 v14, v7;
	v33 =	vadd.f32 $-1.000000000e+00, v25;
	v34 =	vpop (erf)  }
0x167: {  	v26 =	vld.idx.msk [tilespmem:v23+s3+$0x0], $0xffff;
	v11 =	vadd.f32 v11, v6;
	v25 =	vadd.f32 $-1.000000000e+00, v34  }
0x168: {  	v15 =	vld.idx.msk [tilespmem:v28+s3+$0x0], $0xffff;
	v9 =	vmul.f32 v9, v30;
	v7 =	vmul.f32 v7, v13  }
0x169: {  	v6 =	vld [tilespmem:s1+$0x1AF90];
	v35 =	vmul.f32 v33, v32;
	v8 =	vsub.f32 v11, v8;
	v13 =	vmul.f32 v25, v14  }
0x16a: {  	v11 =	vld [tilespmem:s0+$0x187B0]  }
0x16b: {  	v7 =	vadd.f32 v7, v9;
	v8 =	vadd.f32 v8, v10;
	v10 =	vld [tilespmem:s0+$0x19BB0];
	v9 =	vmul.f32 v13, v35;
	_ =	sdelay $0x1  }
0x16c: {  	v8 =	vmul.f32 v8, v36;
	v7 =	vadd.f32 v9, v7;
	v9 =	vmul.f32 v14, v32  }
0x16d: {  	v13 =	vand.u32 $0x7, v15;
	v37 =	vmul.f32 v6, v26;
	v14 =	vld [tilespmem:s30+$0x1C3D0]  }
0x16e: {  	v8 =	vmul.f32 v8, v29;
	v7 =	vsub.f32 v7, v9;
	v9 =	vmul.f32 v12, v22  }
0x16f: {  	v38 =	vld [tilespmem:s30+$0x187E0];
	v15 =	vmul.f32 v6, v15;
	v13 =	vcvt.s32.f32 v13  }
0x170: {  	v39 =	vmul.f32 $1.442695020e+00, v37;
	v12 =	vand.u32 $0x7, v26;
	[tilespmem:s0+$0x1D7A0] =	vst v8;
	v8 =	vld [tilespmem:s30+$0x19BE0];
	v7 =	vadd.f32 v7, v9  }
0x171: {  	v12 =	vcvt.s32.f32 v12;
	v9 =	vmul.f32 $1.442695020e+00, v15;
	v40 =	vld.idx.msk [tilespmem:v11+s3+$0x0], $0xffff  }
0x172: {  	v15 =	vmul.f32 v15, v2;
	v41 =	vld.idx.msk [tilespmem:v10+s3+$0x0], $0xffff;
	v7 =	vmul.f32 v7, v14  }
0x173: {  	v14 =	vmul.f32 v37, v2;
	(erf) = vpow2.f32 v9  }
0x174: {  	v9 =	vmul.f32 $1.442695020e+00, v15;
	(erf) = vpow2.f32 v39  }
0x175: {  	v7 =	vmul.f32 v7, v61;
	v14 =	vmul.f32 $1.442695020e+00, v14  }
0x176: {  	(erf) = vpow2.f32 v9;
	v9 =	vmul.f32 v58, v40  }
0x177: {  	[tilespmem:s30+$0x1D7D0] =	vst v7;
	(erf) = vpow2.f32 v14;
	v7 =	vand.u32 $0x7, v40;
	v14 =	vmul.f32 v58, v41  }
0x178: {  	v15 =	vld.idx.msk [tilespmem:v38+s3+$0x0], $0xffff;
	v7 =	vcvt.s32.f32 v7;
	v42 =	vmul.f32 v9, v2  }
0x179: {  	v44 =	vand.u32 $0x7, v41;
	v43 =	vld.idx.msk [tilespmem:v8+s3+$0x0], $0xffff;
	v9 =	vmul.f32 $1.442695020e+00, v9;
	v45 =	vmul.f32 v14, v2  }
0x17a: {  	v18 =	vcvt.s32.f32 v44;
	v16 =	vmul.f32 $1.442695020e+00, v42  }
0x17b: {  	v20 =	vld.idx.msk [tilespmem:v28+s8+$0x0], $0xffff;
	(erf) = vpow2.f32 v9;
	v21 =	vmul.f32 $1.442695020e+00, v45  }
0x17c: {  	v9 =	vmul.f32 $1.442695020e+00, v14;
	(erf) = vpow2.f32 v16  }
0x17d: {  	v23 =	vld.idx.msk [tilespmem:v23+s8+$0x0], $0xffff;
	(erf) = vpow2.f32 v21;
	v14 =	vmul.f32 v4, v15  }
0x17e: {  	v13 =	vadd.f32 $1.000000000e+00, v13;
	v11 =	vld.idx.msk [tilespmem:v11+s8+$0x0], $0xffff;
	v4 =	vmul.f32 v4, v43;
	(erf) = vpow2.f32 v9  }
0x17f: {  	v47 =	vmul.f32 v14, v2;
	v14 =	vmul.f32 $1.442695020e+00, v14  }
0x180: {  	v54 =	vsub.f32 v13, v20;
	v10 =	vld.idx.msk [tilespmem:v10+s8+$0x0], $0xffff;
	v12 =	vadd.f32 $1.000000000e+00, v12;
	v48 =	vpop (erf);
	v49 =	vmul.f32 v4, v2  }
0x181: {  	v7 =	vadd.f32 $1.000000000e+00, v7;
	v50 =	vpop (erf);
	v9 =	vadd.f32 $1.000000000e+00, v18;
	v18 =	vmul.f32 $1.442695020e+00, v47  }
0x182: {  	v28 =	vsub.f32 v12, v23;
	v52 =	vpop (erf);
	v22 =	vmul.f32 $1.442695020e+00, v49;
	(erf) = vpow2.f32 v14  }
0x183: {  	v46 =	vsub.f32 v7, v11;
	v4 =	vmul.f32 $1.442695020e+00, v4;
	v14 =	vpop (erf);
	(erf) = vpow2.f32 v18  }
0x184: {  	v12 =	vmul.f32 v54, v12;
	v15 =	vand.u32 $0x7, v15;
	v53 =	vpop (erf);
	(erf) = vpow2.f32 v22  }
0x185: {  	v19 =	vld.idx.msk [tilespmem:v38+s8+$0x0], $0xffff;
	v51 =	vmul.f32 v46, v9;
	v9 =	vsub.f32 v9, v10;
	v55 =	vpop (erf);
	(erf) = vpow2.f32 v4  }
0x186: {  	v8 =	vld.idx.msk [tilespmem:v8+s8+$0x0], $0xffff;
	v17 =	vand.u32 $0x7, v43;
	v15 =	vcvt.s32.f32 v15;
	v4 =	vadd.f32 $-1.000000000e+00, v55;
	v56 =	vpop (erf)  }
0x187: {  	v17 =	vcvt.s32.f32 v17;
	v7 =	vmul.f32 v9, v7;
	v25 =	vadd.f32 $-1.000000000e+00, v56  }
0x188: {  	v15 =	vadd.f32 $1.000000000e+00, v15;
	v18 =	vmul.f32 v51, v53;
	v27 =	vpop (erf);
	v4 =	vmul.f32 v4, v46  }
0x189: {  	v17 =	vadd.f32 $1.000000000e+00, v17;
	v7 =	vmul.f32 v7, v27;
	v25 =	vmul.f32 v25, v9  }
0x18a: {  	v13 =	vmul.f32 v28, v13;
	v57 =	vsub.f32 v15, v19  }
0x18b: {  	v58 =	vsub.f32 v17, v8;
	v7 =	vadd.f32 v7, v18;
	v59 =	vpop (erf);
	v4 =	vmul.f32 v25, v4  }
0x18c: {  	v21 =	vmul.f32 v12, v48;
	v10 =	vmul.f32 v10, v11;
	v12 =	vpop (erf)  }
0x18d: {  	v15 =	vmul.f32 v58, v15;
	v4 =	vadd.f32 v4, v7;
	v7 =	vmul.f32 v57, v17;
	v60 =	vpop (erf)  }
0x18e: {  	v9 =	vmul.f32 v9, v46;
	v11 =	vadd.f32 $-1.000000000e+00, v12;
	v12 =	vadd.f32 $-1.000000000e+00, v60;
	v61 =	vpop (erf)  }
0x18f: {  	v7 =	vmul.f32 v7, v59;
	v15 =	vmul.f32 v15, v61  }
0x190: {  	v62 =	vld [tilespmem:s0+$0x1C3B0];
	v4 =	vsub.f32 v4, v9;
	v9 =	vmul.f32 v11, v57;
	v11 =	vmul.f32 v12, v58  }
0x191: {  	v63 =	vadd.f32 $-1.000000000e+00, v52;
	v14 =	vadd.f32 $-1.000000000e+00, v14  }
0x192: {  	v13 =	vmul.f32 v13, v50;
	v7 =	vadd.f32 v15, v7;
	v9 =	vmul.f32 v11, v9  }
0x193: {  	v14 =	vmul.f32 v14, v28;
	v10 =	vadd.f32 v4, v10;
	v15 =	vmul.f32 v63, v54  }
0x194: {  	v12 =	vld [tilespmem:s0+$0x187C0];
	v7 =	vadd.f32 v9, v7;
	v9 =	vmul.f32 v58, v57  }
0x195: {  	v13 =	vadd.f32 v13, v21;
	v10 =	vmul.f32 v10, v62;
	v14 =	vmul.f32 v14, v15;
	v15 =	vld [tilespmem:s30+$0x1C3E0]  }
0x196: {  	v8 =	vmul.f32 v8, v19;
	(erf) = vrcp.f32 v6;
	v11 =	vld [tilespmem:s0+$0x19BC0];
	v9 =	vsub.f32 v7, v9  }
0x197: {  	v6 =	vld [tilespmem:s30+$0x1AFF0];
	v5 =	vmul.f32 v10, v5;
	v10 =	vadd.f32 v14, v13;
	v13 =	vmul.f32 v28, v54  }
0x198: {  	v4 =	vld [tilespmem:s30+$0x1B000];
	v8 =	vadd.f32 v9, v8  }
0x199: {  	v14 =	vld [tilespmem:s1+$0x1C390];
	v9 =	vsub.f32 v10, v13;
	v10 =	vmul.f32 v23, v20  }
0x19a: {  	v7 =	vld [tilespmem:s0+$0x1AFC0];
	v8 =	vmul.f32 v8, v15  }
0x19b: {  	v9 =	vadd.f32 v9, v10;
	v10 =	vld [tilespmem:s30+$0x187F0]  }
0x19c: {  	[tilespmem:s0+$0x1D7B0] =	vst v5;
	v15 =	vmul.f32 v8, v3;
	v8 =	vld [tilespmem:s30+$0x19BF0]  }
0x19d: {  	v5 =	vld.idx.msk [tilespmem:v12+s3+$0x0], $0xffff  }
0x19e: {  	v3 =	vmul.f32 v9, v14;
	v9 =	vld.idx.msk [tilespmem:v11+s3+$0x0], $0xffff;
	_ =	sdelay $0x2  }
0x19f: {  	(erf) = vrcp.f32 v4  }
0x1a0: {  	s2 =	simm.s32 $0x7C0;
	v13 =	vpop (erf);
	(erf) = vrcp.f32 v6;
	v14 =	vmul.f32 v7, v5;
	[tilespmem:s30+$0x1D7E0] =	vst v15  }
.LBB2_10:
0x1a1: {  	p1 =	sne.s32 s2, $0x27C0;
	v3 =	vmul.f32 v3, v13;
	v5 =	vand.u32 $0x7, v5;
	v13 =	vmul.f32 v7, v9;
	v15 =	vld.idx.msk [tilespmem:v10+s3+$0x0], $0xffff  }
0x1a2: {  	v5 =	vcvt.s32.f32 v5;
	v16 =	vmul.f32 v14, v2;
	v17 =	vld.idx.msk [tilespmem:v8+s3+$0x0], $0xffff  }
0x1a3: {  	v9 =	vand.u32 $0x7, v9;
	v14 =	vmul.f32 $1.442695020e+00, v14;
	v12 =	vld.idx.msk [tilespmem:v12+s8+$0x0], $0xffff;
	v18 =	vmul.f32 v13, v2  }
0x1a4: {  	v9 =	vcvt.s32.f32 v9;
	v16 =	vmul.f32 $1.442695020e+00, v16  }
0x1a5: {  	v18 =	vmul.f32 $1.442695020e+00, v18;
	(erf) = vpow2.f32 v14  }
0x1a6: {  	v13 =	vmul.f32 $1.442695020e+00, v13;
	v11 =	vld.idx.msk [tilespmem:v11+s8+$0x0], $0xffff;
	(erf) = vpow2.f32 v16  }
0x1a7: {  	v14 =	vadd.f32 $1.000000000e+00, v5;
	v5 =	vmul.f32 v6, v15;
	(erf) = vpow2.f32 v18  }
0x1a8: {  	(erf) = vpow2.f32 v13;
	v13 =	vmul.f32 v6, v17;
	v6 =	vpop (erf)  }
0x1a9: {  	v16 =	vadd.f32 $1.000000000e+00, v9;
	v18 =	vsub.f32 v14, v12;
	v19 =	vmul.f32 v5, v2;
	v9 =	vpop (erf)  }
0x1aa: {  	v20 =	vmul.f32 $1.442695020e+00, v5;
	v21 =	vmul.f32 v13, v2  }
0x1ab: {  	v22 =	vmul.f32 v18, v16;
	v24 =	vmul.f32 $1.442695020e+00, v19;
	v5 =	vld [tilespmem:s0+$0x1AFE0]  }
0x1ac: {  	v16 =	vsub.f32 v16, v11;
	v23 =	vld [tilespmem:s1+$0x187A0];
	v25 =	vmul.f32 $1.442695020e+00, v21;
	(erf) = vpow2.f32 v20  }
0x1ad: {  	v26 =	vmul.f32 $1.442695020e+00, v13;
	v20 =	vld [tilespmem:s1+$0x19BA0];
	(erf) = vpow2.f32 v24  }
0x1ae: {  	v14 =	vmul.f32 v16, v14;
	v19 =	vpop (erf);
	v10 =	vld.idx.msk [tilespmem:v10+s8+$0x0], $0xffff;
	(erf) = vpow2.f32 v25  }
0x1af: {  	v19 =	vmul.f32 v22, v19;
	v21 =	vpop (erf);
	v22 =	vld.idx.msk [tilespmem:v8+s8+$0x0], $0xffff;
	(erf) = vpow2.f32 v26  }
0x1b0: {  	v15 =	vand.u32 $0x7, v15;
	v17 =	vand.u32 $0x7, v17;
	v8 =	vadd.f32 $-1.000000000e+00, v21;
	v13 =	vpop (erf)  }
0x1b1: {  	v15 =	vcvt.s32.f32 v15;
	v17 =	vcvt.s32.f32 v17;
	v13 =	vadd.f32 $-1.000000000e+00, v13;
	v21 =	vpop (erf)  }
0x1b2: {  	v8 =	vmul.f32 v8, v18;
	v14 =	vmul.f32 v14, v21  }
0x1b3: {  	v15 =	vadd.f32 $1.000000000e+00, v15;
	v17 =	vadd.f32 $1.000000000e+00, v17;
	v13 =	vmul.f32 v13, v16  }
0x1b4: {  	[tilespmem:s1+$0x1D790] =	vst v3;
	v3 =	vadd.f32 v14, v19;
	v14 =	vld [tilespmem:s0+$0x1AFD0];
	(erf) = vrcp.f32 v5  }
0x1b5: {  	v21 =	vsub.f32 v17, v22;
	v19 =	vld.idx.msk [tilespmem:v23+s3+$0x0], $0xffff;
	v8 =	vmul.f32 v13, v8;
	v13 =	vsub.f32 v15, v10;
	v24 =	vpop (erf)  }
0x1b6: {  	v11 =	vmul.f32 v11, v12;
	v25 =	vld [tilespmem:s1+$0x1AFA0];
	(erf) = vrcp.f32 v7;
	v7 =	vpop (erf)  }
0x1b7: {  	v15 =	vmul.f32 v21, v15;
	v12 =	vld.idx.msk [tilespmem:v20+s3+$0x0], $0xffff;
	v3 =	vadd.f32 v8, v3;
	v8 =	vmul.f32 v13, v17;
	v17 =	vpop (erf)  }
0x1b8: {  	v16 =	vmul.f32 v16, v18;
	v7 =	vadd.f32 $-1.000000000e+00, v7;
	v17 =	vadd.f32 $-1.000000000e+00, v17;
	v18 =	vpop (erf)  }
0x1b9: {  	v26 =	vld [tilespmem:s0+$0x1C3C0];
	v8 =	vmul.f32 v8, v24;
	v15 =	vmul.f32 v15, v18  }
0x1ba: {  	v28 =	vsub.f32 v3, v16;
	v7 =	vmul.f32 v7, v13;
	v16 =	vmul.f32 v17, v21  }
0x1bb: {  	v17 =	vmul.f32 v25, v19;
	v18 =	vld [tilespmem:s0+$0x187D0];
	(erf) = vrcp.f32 v14  }
0x1bc: {  	v11 =	vadd.f32 v28, v11;
	v15 =	vadd.f32 v15, v8;
	v24 =	vld [tilespmem:s0+$0x19BD0];
	v7 =	vmul.f32 v16, v7  }
0x1bd: {  	v16 =	vmul.f32 v25, v12;
	v27 =	vmul.f32 $1.442695020e+00, v17;
	v3 =	vpop (erf);
	v28 =	vld [tilespmem:s30+$0x1C3F0]  }
0x1be: {  	v13 =	vmul.f32 v21, v13;
	v8 =	vld [tilespmem:s1+$0x1AFB0];
	v11 =	vmul.f32 v11, v26;
	v7 =	vadd.f32 v7, v15  }
0x1bf: {  	v19 =	vand.u32 $0x7, v19;
	v21 =	vmul.f32 $1.442695020e+00, v16;
	v15 =	vld.idx.msk [tilespmem:v23+s8+$0x0], $0xffff;
	(erf) = vpow2.f32 v27;
	v23 =	vpop (erf)  }
0x1c0: {  	v10 =	vmul.f32 v22, v10;
	v20 =	vld.idx.msk [tilespmem:v20+s8+$0x0], $0xffff;
	v11 =	vmul.f32 v11, v23;
	v7 =	vsub.f32 v7, v13  }
0x1c1: {  	v12 =	vand.u32 $0x7, v12;
	v13 =	vcvt.s32.f32 v19;
	(erf) = vpow2.f32 v21;
	v19 =	vld [tilespmem:s30+$0x18800]  }
0x1c2: {  	v12 =	vcvt.s32.f32 v12;
	v17 =	vmul.f32 v17, v2;
	[tilespmem:s0+$0x1D7C0] =	vst v11;
	v7 =	vadd.f32 v7, v10;
	v21 =	vld [tilespmem:s30+$0x19C00]  }
0x1c3: {  	v11 =	vadd.f32 $1.000000000e+00, v13;
	v13 =	vmul.f32 v16, v2;
	(erf) = vrcp.f32 v8;
	v16 =	vld.idx.msk [tilespmem:v18+s3+$0x0], $0xffff  }
0x1c4: {  	v22 =	vadd.f32 $1.000000000e+00, v12;
	v12 =	vmul.f32 $1.442695020e+00, v17;
	v17 =	vld.idx.msk [tilespmem:v24+s3+$0x0], $0xffff;
	v10 =	vpop (erf);
	v7 =	vmul.f32 v7, v28  }
0x1c5: {  	v13 =	vmul.f32 $1.442695020e+00, v13;
	v23 =	vsub.f32 v11, v15;
	(erf) = vrcp.f32 v25  }
0x1c6: {  	v25 =	vsub.f32 v22, v20;
	(erf) = vpow2.f32 v12;
	v7 =	vmul.f32 v7, v9  }
0x1c7: {  	v12 =	vmul.f32 v20, v15;
	(erf) = vpow2.f32 v13  }
0x1c8: {  	v9 =	vmul.f32 v23, v22;
	v13 =	vmul.f32 v25, v23;
	v15 =	vpop (erf);
	[tilespmem:s30+$0x1D7F0] =	vst v7  }
0x1c9: {  	v27 =	vmul.f32 v25, v11;
	v11 =	vmul.f32 v14, v16;
	v20 =	vld.idx.msk [tilespmem:v19+s3+$0x0], $0xffff  }
0x1ca: {  	v9 =	vmul.f32 v9, v15;
	v14 =	vmul.f32 v14, v17;
	v15 =	vpop (erf);
	v22 =	vld.idx.msk [tilespmem:v21+s3+$0x0], $0xffff  }
0x1cb: {  	v16 =	vand.u32 $0x7, v16;
	v28 =	vmul.f32 $1.442695020e+00, v11;
	v15 =	vmul.f32 v27, v15  }
0x1cc: {  	v16 =	vcvt.s32.f32 v16;
	v29 =	vmul.f32 $1.442695020e+00, v14;
	v7 =	vpop (erf)  }
0x1cd: {  	v11 =	vmul.f32 v11, v2;
	(erf) = vpow2.f32 v28  }
0x1ce: {  	v14 =	vmul.f32 v14, v2;
	v26 =	vpop (erf);
	(erf) = vpow2.f32 v29  }
0x1cf: {  	v11 =	vmul.f32 $1.442695020e+00, v11;
	v28 =	vmul.f32 v4, v20;
	v27 =	vpop (erf)  }
0x1d0: {  	v14 =	vmul.f32 $1.442695020e+00, v14;
	v30 =	vmul.f32 v4, v22;
	v29 =	vpop (erf)  }
0x1d1: {  	s4 =	sshra.s32 s2, $0x2;
	(erf) = vpow2.f32 v11;
	v11 =	vmul.f32 v28, v2  }
0x1d2: {  	v28 =	vmul.f32 $1.442695020e+00, v28;
	v31 =	vmul.f32 v30, v2;
	v4 =	vld [tilespmem:s4+$0x18790]  }
0x1d3: {  	v18 =	vld.idx.msk [tilespmem:v18+s8+$0x0], $0xffff;
	(erf) = vpow2.f32 v14;
	v14 =	vmul.f32 $1.442695020e+00, v11  }
0x1d4: {  	v9 =	vadd.f32 v15, v9;
	v15 =	vld.idx.msk [tilespmem:v24+s8+$0x0], $0xffff;
	v24 =	vmul.f32 $1.442695020e+00, v31;
	(erf) = vpow2.f32 v28  }
0x1d5: {  	v17 =	vand.u32 $0x7, v17;
	v28 =	vmul.f32 $1.442695020e+00, v30;
	v11 =	vld [tilespmem:s4+$0x19B90];
	(erf) = vpow2.f32 v14  }
0x1d6: {  	v17 =	vcvt.s32.f32 v17;
	v14 =	vadd.f32 $-1.000000000e+00, v27;
	v27 =	vpop (erf);
	v19 =	vld.idx.msk [tilespmem:v19+s8+$0x0], $0xffff;
	(erf) = vpow2.f32 v24  }
0x1d7: {  	v16 =	vadd.f32 $1.000000000e+00, v16;
	v24 =	vadd.f32 $-1.000000000e+00, v29;
	v29 =	vpop (erf);
	v21 =	vld.idx.msk [tilespmem:v21+s8+$0x0], $0xffff;
	(erf) = vpow2.f32 v28  }
0x1d8: {  	v17 =	vadd.f32 $1.000000000e+00, v17;
	v20 =	vand.u32 $0x7, v20;
	v22 =	vand.u32 $0x7, v22  }
0x1d9: {  	v20 =	vcvt.s32.f32 v20;
	v22 =	vcvt.s32.f32 v22;
	v28 =	vsub.f32 v16, v18  }
0x1da: {  	v14 =	vmul.f32 v14, v23;
	v23 =	vmul.f32 v24, v25;
	v24 =	vsub.f32 v17, v15;
	v25 =	vpop (erf)  }
0x1db: {  	v20 =	vadd.f32 $1.000000000e+00, v20;
	v22 =	vadd.f32 $1.000000000e+00, v22;
	v17 =	vmul.f32 v28, v17  }
0x1dc: {  	v14 =	vmul.f32 v23, v14;
	v23 =	vadd.f32 $-1.000000000e+00, v25;
	v16 =	vmul.f32 v24, v16;
	v30 =	vld.idx.msk [tilespmem:v4+s3+$0x0], $0xffff;
	v25 =	vpop (erf)  }
0x1dd: {  	v17 =	vmul.f32 v17, v27;
	v27 =	vsub.f32 v20, v19;
	v31 =	vsub.f32 v22, v21;
	v32 =	vpop (erf)  }
0x1de: {  	v23 =	vmul.f32 v23, v28;
	v25 =	vadd.f32 $-1.000000000e+00, v25;
	v16 =	vmul.f32 v16, v29;
	v33 =	vld.idx.msk [tilespmem:v11+s3+$0x0], $0xffff;
	v29 =	vpop (erf)  }
0x1df: {  	v14 =	vadd.f32 v14, v9;
	v22 =	vmul.f32 v27, v22;
	v20 =	vmul.f32 v31, v20;
	v9 =	vpop (erf)  }
0x1e0: {  	v25 =	vmul.f32 v25, v24;
	v29 =	vadd.f32 $-1.000000000e+00, v29;
	v34 =	vld [tilespmem:s1+$0x1C3A0];
	v35 =	vadd.f32 $-1.000000000e+00, v9;
	v36 =	vpop (erf)  }
0x1e1: {  	v13 =	vsub.f32 v14, v13;
	v14 =	vmul.f32 v22, v32;
	v9 =	vld [tilespmem:s4+$0x1AF90];
	v20 =	vmul.f32 v20, v36  }
0x1e2: {  	v22 =	vand.u32 $0x7, v30;
	v29 =	vmul.f32 v29, v27;
	v32 =	vld [tilespmem:s1+$0x187B0];
	v35 =	vmul.f32 v35, v31  }
0x1e3: {  	v16 =	vadd.f32 v16, v17;
	v12 =	vadd.f32 v13, v12;
	v17 =	vmul.f32 v25, v23;
	v13 =	vld [tilespmem:s1+$0x19BB0]  }
0x1e4: {  	v23 =	vand.u32 $0x7, v33;
	v14 =	vadd.f32 v20, v14;
	v20 =	vmul.f32 v35, v29  }
0x1e5: {  	v16 =	vadd.f32 v17, v16;
	v17 =	vmul.f32 v24, v28;
	v12 =	vmul.f32 v12, v34  }
0x1e6: {  	v24 =	vmul.f32 v9, v30;
	v25 =	vld [tilespmem:s0+$0x1C3D0];
	v14 =	vadd.f32 v20, v14;
	v20 =	vmul.f32 v31, v27  }
0x1e7: {  	v15 =	vmul.f32 v15, v18;
	v16 =	vsub.f32 v16, v17;
	v12 =	vmul.f32 v12, v26;
	v17 =	vld [tilespmem:s30+$0x1C400]  }
0x1e8: {  	v19 =	vmul.f32 v21, v19;
	v18 =	vmul.f32 v9, v33;
	v26 =	vld [tilespmem:s0+$0x187E0];
	v14 =	vsub.f32 v14, v20  }
0x1e9: {  	v21 =	vcvt.s32.f32 v23;
	v20 =	vcvt.s32.f32 v22;
	[tilespmem:s1+$0x1D7A0] =	vst v12;
	v12 =	vadd.f32 v16, v15;
	v15 =	vld [tilespmem:s0+$0x19BE0]  }
0x1ea: {  	v22 =	vmul.f32 $1.442695020e+00, v18;
	v16 =	vmul.f32 $1.442695020e+00, v24;
	v23 =	vld.idx.msk [tilespmem:v32+s3+$0x0], $0xffff;
	v14 =	vadd.f32 v14, v19  }
0x1eb: {  	v19 =	vmul.f32 v24, v2;
	v24 =	vld.idx.msk [tilespmem:v13+s3+$0x0], $0xffff;
	v12 =	vmul.f32 v12, v25  }
0x1ec: {  	v18 =	vmul.f32 v18, v2;
	v14 =	vmul.f32 v14, v17  }
0x1ed: {  	(erf) = vpow2.f32 v16;
	v10 =	vmul.f32 v12, v10  }
0x1ee: {  	v12 =	vmul.f32 $1.442695020e+00, v19;
	v6 =	vmul.f32 v14, v6  }
0x1ef: {  	v14 =	vmul.f32 $1.442695020e+00, v18;
	(erf) = vpow2.f32 v22;
	[tilespmem:s0+$0x1D7D0] =	vst v10  }
0x1f0: {  	v10 =	vmul.f32 v8, v23;
	(erf) = vpow2.f32 v12;
	[tilespmem:s30+$0x1D800] =	vst v6;
	s30 =	smov.u32 s0;
	s0 =	smov.u32 s1;
	s1 =	smov.u32 s4  }
0x1f1: {  	v6 =	vand.u32 $0x7, v23;
	v8 =	vmul.f32 v8, v24;
	(erf) = vpow2.f32 v14;
	v12 =	vld.idx.msk [tilespmem:v26+s3+$0x0], $0xffff  }
0x1f2: {  	v6 =	vcvt.s32.f32 v6;
	v14 =	vmul.f32 v10, v2;
	v16 =	vld.idx.msk [tilespmem:v15+s3+$0x0], $0xffff  }
0x1f3: {  	v18 =	vand.u32 $0x7, v24;
	v22 =	vmul.f32 $1.442695020e+00, v10;
	v19 =	vmul.f32 v8, v2;
	v17 =	vld.idx.msk [tilespmem:v32+s8+$0x0], $0xffff  }
0x1f4: {  	v18 =	vcvt.s32.f32 v18;
	v14 =	vmul.f32 $1.442695020e+00, v14  }
0x1f5: {  	v23 =	vmul.f32 $1.442695020e+00, v19;
	(erf) = vpow2.f32 v22  }
0x1f6: {  	v24 =	vmul.f32 $1.442695020e+00, v8;
	v10 =	vpop (erf);
	v13 =	vld.idx.msk [tilespmem:v13+s8+$0x0], $0xffff;
	(erf) = vpow2.f32 v14  }
0x1f7: {  	v6 =	vadd.f32 $1.000000000e+00, v6;
	v14 =	vmul.f32 v5, v12;
	(erf) = vpow2.f32 v23  }
0x1f8: {  	v5 =	vmul.f32 v5, v16;
	v19 =	vpop (erf);
	(erf) = vpow2.f32 v24  }
0x1f9: {  	v23 =	vmul.f32 v14, v2;
	v22 =	vld.idx.msk [tilespmem:v4+s8+$0x0], $0xffff;
	v8 =	vpop (erf);
	v4 =	vadd.f32 $1.000000000e+00, v18;
	v18 =	vsub.f32 v6, v17  }
0x1fa: {  	v14 =	vmul.f32 $1.442695020e+00, v14;
	v25 =	vmul.f32 v5, v2;
	v24 =	vpop (erf)  }
0x1fb: {  	v23 =	vmul.f32 $1.442695020e+00, v23;
	v27 =	vmul.f32 v18, v4  }
0x1fc: {  	v4 =	vsub.f32 v4, v13;
	v28 =	vld.idx.msk [tilespmem:v11+s8+$0x0], $0xffff;
	v11 =	vmul.f32 $1.442695020e+00, v25;
	(erf) = vpow2.f32 v14  }
0x1fd: {  	v5 =	vmul.f32 $1.442695020e+00, v5;
	v14 =	vadd.f32 $1.000000000e+00, v20;
	(erf) = vpow2.f32 v23  }
0x1fe: {  	v20 =	vadd.f32 $1.000000000e+00, v21;
	v6 =	vmul.f32 v4, v6;
	v21 =	vpop (erf);
	v23 =	vld.idx.msk [tilespmem:v26+s8+$0x0], $0xffff;
	(erf) = vpow2.f32 v11  }
0x1ff: {  	v25 =	vsub.f32 v14, v22;
	v11 =	vmul.f32 v27, v21;
	v21 =	vpop (erf);
	v15 =	vld.idx.msk [tilespmem:v15+s8+$0x0], $0xffff;
	(erf) = vpow2.f32 v5  }
0x200: {  	v12 =	vand.u32 $0x7, v12;
	v16 =	vand.u32 $0x7, v16;
	v5 =	vadd.f32 $-1.000000000e+00, v21;
	v21 =	vpop (erf)  }
0x201: {  	v12 =	vcvt.s32.f32 v12;
	v16 =	vcvt.s32.f32 v16;
	v21 =	vadd.f32 $-1.000000000e+00, v21;
	v26 =	vpop (erf)  }
0x202: {  	v27 =	vsub.f32 v20, v28;
	v5 =	vmul.f32 v5, v18;
	v6 =	vmul.f32 v6, v26  }
0x203: {  	v12 =	vadd.f32 $1.000000000e+00, v12;
	v16 =	vadd.f32 $1.000000000e+00, v16;
	v21 =	vmul.f32 v21, v4  }
0x204: {  	v20 =	vmul.f32 v25, v20;
	v14 =	vmul.f32 v27, v14;
	v6 =	vadd.f32 v6, v11  }
0x205: {  	v26 =	vsub.f32 v16, v15;
	v5 =	vmul.f32 v21, v5;
	v21 =	vsub.f32 v12, v23;
	v11 =	vpop (erf)  }
0x206: {  	v20 =	vmul.f32 v20, v10;
	v4 =	vmul.f32 v4, v18;
	v10 =	vpop (erf)  }
0x207: {  	v12 =	vmul.f32 v26, v12;
	v5 =	vadd.f32 v5, v6;
	v6 =	vmul.f32 v21, v16;
	v16 =	vpop (erf)  }
0x208: {  	v13 =	vmul.f32 v13, v17;
	v10 =	vadd.f32 $-1.000000000e+00, v10;
	v17 =	vld [tilespmem:s0+$0x1C3B0];
	v16 =	vadd.f32 $-1.000000000e+00, v16;
	v18 =	vpop (erf)  }
0x209: {  	v5 =	vsub.f32 v5, v4;
	v6 =	vmul.f32 v6, v11;
	v18 =	vmul.f32 v12, v18;
	v4 =	vld [tilespmem:s30+$0x1B000]  }
0x20a: {  	v8 =	vadd.f32 $-1.000000000e+00, v8;
	v10 =	vmul.f32 v10, v21;
	v12 =	vld [tilespmem:s0+$0x187C0];
	v16 =	vmul.f32 v16, v26  }
0x20b: {  	v24 =	vadd.f32 $-1.000000000e+00, v24;
	v14 =	vmul.f32 v14, v19;
	v5 =	vadd.f32 v5, v13;
	v11 =	vld [tilespmem:s0+$0x19BC0]  }
0x20c: {  	v13 =	vmul.f32 v8, v25;
	v8 =	vadd.f32 v18, v6;
	v16 =	vmul.f32 v16, v10;
	v6 =	vld [tilespmem:s30+$0x1AFF0]  }
0x20d: {  	v18 =	vmul.f32 v24, v27;
	v5 =	vmul.f32 v5, v17;
	v10 =	vld [tilespmem:s30+$0x187F0]  }
0x20e: {  	(erf) = vrcp.f32 v9;
	v9 =	vadd.f32 v16, v8;
	v16 =	vmul.f32 v26, v21;
	v8 =	vld [tilespmem:s30+$0x19BF0]  }
0x20f: {  	v14 =	vadd.f32 v14, v20;
	v13 =	vmul.f32 v18, v13;
	v5 =	vmul.f32 v5, v7;
	v17 =	vld [tilespmem:s30+$0x1C3E0]  }
0x210: {  	v15 =	vmul.f32 v15, v23;
	v7 =	vld [tilespmem:s0+$0x1AFC0];
	v9 =	vsub.f32 v9, v16  }
0x211: {  	v13 =	vadd.f32 v13, v14;
	v14 =	vmul.f32 v27, v25;
	v16 =	vld [tilespmem:s1+$0x1C390];
	[tilespmem:s0+$0x1D7B0] =	vst v5  }
0x212: {  	v5 =	vld.idx.msk [tilespmem:v12+s3+$0x0], $0xffff;
	v15 =	vadd.f32 v9, v15  }
0x213: {  	v13 =	vsub.f32 v13, v14;
	v14 =	vmul.f32 v28, v22;
	v9 =	vld.idx.msk [tilespmem:v11+s3+$0x0], $0xffff  }
.Ltmp6:
0x214: {  	v15 =	vmul.f32 v15, v17;
	(pc) =	sbr.rel @p1 .LBB2_10-.Ltmp6, $4  }
0x215: {  	v14 =	vadd.f32 v13, v14  }
0x216: {  	v15 =	vmul.f32 v15, v3  }
0x217: {  	v3 =	vmul.f32 v14, v16;
	v13 =	vpop (erf);
	(erf) = vrcp.f32 v4  }
0x218: {  	s2 =	sadd.s32 $0x200, s2;
	v14 =	vmul.f32 v7, v5;
	[tilespmem:s30+$0x1D7E0] =	vst v15;
	(erf) = vrcp.f32 v6  }
0x219: {  	_ = 	snop  }
0x21a: {  	v15 =	vmul.f32 v7, v9  }
0x21b: {  	v16 =	vmul.f32 v14, v2  }
0x21c: {  	v14 =	vmul.f32 $1.442695020e+00, v14;
	v18 =	vmul.f32 v15, v2  }
0x21d: {  	v17 =	vld.idx.msk [tilespmem:v10+s3+$0x0], $0xffff;
	v16 =	vmul.f32 $1.442695020e+00, v16  }
0x21e: {  	v19 =	vld.idx.msk [tilespmem:v8+s3+$0x0], $0xffff;
	(erf) = vpow2.f32 v14;
	v18 =	vmul.f32 $1.442695020e+00, v18  }
0x21f: {  	v5 =	vand.u32 $0x7, v5;
	(erf) = vpow2.f32 v16  }
0x220: {  	v12 =	vld.idx.msk [tilespmem:v12+s8+$0x0], $0xffff;
	v9 =	vand.u32 $0x7, v9;
	v14 =	vmul.f32 $1.442695020e+00, v15;
	(erf) = vpow2.f32 v18  }
0x221: {  	v5 =	vcvt.s32.f32 v5;
	v9 =	vcvt.s32.f32 v9  }
0x222: {  	v15 =	vld.idx.msk [tilespmem:v11+s8+$0x0], $0xffff;
	v11 =	vmul.f32 v6, v17;
	(erf) = vpow2.f32 v14  }
0x223: {  	v57 =	vld [tilespmem:s1+$0x19BA0];
	v5 =	vadd.f32 $1.000000000e+00, v5;
	v6 =	vmul.f32 v6, v19  }
0x224: {  	v13 =	vmul.f32 v3, v13;
	v23 =	vld [tilespmem:s1+$0x187A0];
	v9 =	vadd.f32 $1.000000000e+00, v9  }
0x225: {  	v14 =	vsub.f32 v5, v12;
	v51 =	vmul.f32 v11, v2;
	v52 =	vmul.f32 v6, v2;
	v3 =	vpop (erf)  }
0x226: {  	v20 =	vmul.f32 $1.442695020e+00, v11;
	v6 =	vmul.f32 $1.442695020e+00, v6;
	v11 =	vpop (erf)  }
0x227: {  	v22 =	vsub.f32 v9, v15;
	v21 =	vmul.f32 v14, v9;
	v16 =	vmul.f32 $1.442695020e+00, v51;
	v53 =	vpop (erf)  }
0x228: {  	v18 =	vmul.f32 $1.442695020e+00, v52;
	(erf) = vpow2.f32 v20;
	v9 =	vld [tilespmem:s0+$0x1AFE0];
	v54 =	vpop (erf)  }
0x229: {  	v59 =	vld.idx.msk [tilespmem:v10+s8+$0x0], $0xffff;
	v5 =	vmul.f32 v22, v5;
	(erf) = vpow2.f32 v16;
	v16 =	vadd.f32 $-1.000000000e+00, v54;
	v56 =	vpop (erf)  }
0x22a: {  	v62 =	vld [tilespmem:s1+$0x1AFA0];
	[tilespmem:s1+$0x1D790] =	vst v13;
	v55 =	vmul.f32 v21, v53;
	(erf) = vpow2.f32 v18;
	v58 =	vadd.f32 $-1.000000000e+00, v56  }
0x22b: {  	v24 =	vld.idx.msk [tilespmem:v57+s3+$0x0], $0xffff;
	(erf) = vpow2.f32 v6;
	v10 =	vpop (erf);
	v16 =	vmul.f32 v16, v14  }
0x22c: {  	v61 =	vld.idx.msk [tilespmem:v23+s3+$0x0], $0xffff;
	v5 =	vmul.f32 v5, v10;
	v10 =	vmul.f32 v58, v22  }
0x22d: {  	v19 =	vand.u32 $0x7, v19;
	(erf) = vrcp.f32 v9  }
0x22e: {  	(erf) = vrcp.f32 v7;
	v5 =	vadd.f32 v5, v55;
	v10 =	vmul.f32 v10, v16  }
0x22f: {  	v8 =	vld.idx.msk [tilespmem:v8+s8+$0x0], $0xffff;
	v60 =	vcvt.s32.f32 v19  }
0x230: {  	v13 =	vld [tilespmem:s0+$0x1AFD0];
	v28 =	vmul.f32 v62, v24;
	v5 =	vadd.f32 v10, v5;
	v10 =	vmul.f32 v22, v14  }
0x231: {  	v31 =	vld [tilespmem:s0+$0x1C3C0];
	v12 =	vmul.f32 v15, v12;
	v33 =	vmul.f32 v62, v61  }
0x232: {  	v6 =	vand.u32 $0x7, v17;
	v38 =	vmul.f32 v28, v2;
	v30 =	vpop (erf);
	v5 =	vsub.f32 v5, v10  }
0x233: {  	v25 =	vld [tilespmem:s0+$0x187D0];
	v35 =	vmul.f32 $1.442695020e+00, v33;
	v6 =	vcvt.s32.f32 v6;
	v7 =	vadd.f32 $1.000000000e+00, v60;
	v15 =	vpop (erf)  }
0x234: {  	v27 =	vld [tilespmem:s0+$0x19BD0];
	v36 =	vmul.f32 $1.442695020e+00, v28;
	v19 =	vmul.f32 $1.442695020e+00, v38;
	v10 =	vpop (erf);
	v5 =	vadd.f32 v5, v12  }
0x235: {  	v6 =	vadd.f32 $1.000000000e+00, v6;
	(erf) = vrcp.f32 v13;
	v63 =	vsub.f32 v7, v8;
	v26 =	vpop (erf)  }
0x236: {  	v8 =	vmul.f32 v8, v59;
	v10 =	vadd.f32 $-1.000000000e+00, v10;
	v12 =	vpop (erf);
	v5 =	vmul.f32 v5, v31  }
0x237: {  	v16 =	vand.u32 $0x7, v61;
	(erf) = vpow2.f32 v35;
	v14 =	vsub.f32 v6, v59;
	v34 =	vpop (erf)  }
0x238: {  	v15 =	vadd.f32 $-1.000000000e+00, v15;
	v32 =	vmul.f32 v10, v63;
	v10 =	vld [tilespmem:s1+$0x1AFB0];
	v5 =	vmul.f32 v5, v34  }
0x239: {  	v16 =	vcvt.s32.f32 v16;
	v6 =	vmul.f32 v63, v6  }
0x23a: {  	v7 =	vmul.f32 v14, v7;
	v15 =	vmul.f32 v15, v14;
	[tilespmem:s0+$0x1D7C0] =	vst v5  }
0x23b: {  	v18 =	vmul.f32 v63, v14;
	v5 =	vmul.f32 v33, v2;
	v37 =	vld.idx.msk [tilespmem:v25+s3+$0x0], $0xffff  }
0x23c: {  	v7 =	vmul.f32 v7, v30;
	(erf) = vpow2.f32 v36;
	v39 =	vld.idx.msk [tilespmem:v27+s3+$0x0], $0xffff  }
0x23d: {  	(erf) = vrcp.f32 v10;
	v5 =	vmul.f32 $1.442695020e+00, v5  }
0x23e: {  	v40 =	vld.idx.msk [tilespmem:v23+s8+$0x0], $0xffff;
	v6 =	vmul.f32 v6, v26;
	(erf) = vrcp.f32 v62  }
0x23f: {  	v15 =	vmul.f32 v32, v15;
	(erf) = vpow2.f32 v5  }
0x240: {  	v5 =	vand.u32 $0x7, v24;
	(erf) = vpow2.f32 v19;
	v41 =	vmul.f32 v13, v37  }
0x241: {  	v16 =	vadd.f32 $1.000000000e+00, v16;
	v5 =	vcvt.s32.f32 v5;
	v13 =	vmul.f32 v13, v39  }
0x242: {  	v21 =	vld.idx.msk [tilespmem:v57+s8+$0x0], $0xffff;
	v6 =	vadd.f32 v6, v7;
	v7 =	vmul.f32 $1.442695020e+00, v41;
	v19 =	vmul.f32 v41, v2  }
0x243: {  	v45 =	vsub.f32 v16, v40;
	v42 =	vpop (erf);
	v43 =	vmul.f32 $1.442695020e+00, v13;
	v13 =	vmul.f32 v13, v2  }
0x244: {  	v44 =	vpop (erf);
	v6 =	vadd.f32 v15, v6;
	(erf) = vpow2.f32 v7;
	v7 =	vmul.f32 $1.442695020e+00, v19  }
0x245: {  	v29 =	vpop (erf);
	v5 =	vadd.f32 $1.000000000e+00, v5;
	v13 =	vmul.f32 $1.442695020e+00, v13;
	(erf) = vpow2.f32 v43  }
0x246: {  	v6 =	vsub.f32 v6, v18;
	v26 =	vand.u32 $0x7, v39;
	v14 =	vpop (erf);
	(erf) = vpow2.f32 v7  }
0x247: {  	v51 =	vld.idx.msk [tilespmem:v27+s8+$0x0], $0xffff;
	v46 =	vsub.f32 v5, v21;
	v15 =	vmul.f32 v45, v5;
	v30 =	vpop (erf);
	(erf) = vpow2.f32 v13  }
0x248: {  	v8 =	vadd.f32 v6, v8;
	v26 =	vcvt.s32.f32 v26;
	v7 =	vld [tilespmem:s30+$0x1C3F0];
	v48 =	vpop (erf)  }
0x249: {  	v50 =	vld.idx.msk [tilespmem:v25+s8+$0x0], $0xffff;
	v47 =	vand.u32 $0x7, v37;
	v15 =	vmul.f32 v15, v44;
	v13 =	vmul.f32 v46, v16;
	v49 =	vpop (erf)  }
0x24a: {  	v5 =	vld [tilespmem:s30+$0x18800];
	v16 =	vcvt.s32.f32 v47;
	v20 =	vadd.f32 $-1.000000000e+00, v48;
	v18 =	vadd.f32 $-1.000000000e+00, v49  }
0x24b: {  	v26 =	vadd.f32 $1.000000000e+00, v26;
	v13 =	vmul.f32 v13, v29  }
0x24c: {  	v16 =	vadd.f32 $1.000000000e+00, v16;
	v20 =	vmul.f32 v20, v45;
	v18 =	vmul.f32 v18, v46  }
0x24d: {  	v53 =	vsub.f32 v26, v51;
	v7 =	vmul.f32 v8, v7;
	v8 =	vpop (erf)  }
0x24e: {  	v6 =	vld [tilespmem:s30+$0x19C00];
	v13 =	vadd.f32 v13, v15;
	v52 =	vsub.f32 v16, v50;
	v18 =	vmul.f32 v18, v20;
	v15 =	vpop (erf)  }
0x24f: {  	v16 =	vmul.f32 v53, v16;
	v7 =	vmul.f32 v7, v11;
	v54 =	vpop (erf)  }
0x250: {  	v11 =	vmul.f32 v46, v45;
	v55 =	vmul.f32 v52, v26;
	v13 =	vadd.f32 v18, v13;
	v56 =	vpop (erf)  }
0x251: {  	v17 =	vmul.f32 v21, v40;
	v58 =	vld [tilespmem:s1+$0x1C3A0];
	[tilespmem:s30+$0x1D7F0] =	vst v7;
	v20 =	vadd.f32 $-1.000000000e+00, v54;
	v57 =	vadd.f32 $-1.000000000e+00, v56  }
0x252: {  	v24 =	vmul.f32 v55, v8;
	v7 =	vld.idx.msk [tilespmem:v5+s3+$0x0], $0xffff;
	v8 =	vsub.f32 v13, v11;
	v11 =	vmul.f32 v16, v15  }
0x253: {  	v15 =	vld [tilespmem:s1+$0x187B0];
	v20 =	vmul.f32 v20, v52;
	v13 =	vmul.f32 v57, v53  }
0x254: {  	v60 =	vld [tilespmem:s1+$0x19BB0];
	v59 =	vadd.f32 v8, v17  }
0x255: {  	v11 =	vadd.f32 v11, v24;
	v13 =	vmul.f32 v13, v20  }
0x256: {  	v8 =	vld.idx.msk [tilespmem:v6+s3+$0x0], $0xffff;
	v16 =	vmul.f32 v59, v58  }
0x257: {  	v11 =	vadd.f32 v13, v11;
	v13 =	vmul.f32 v53, v52  }
0x258: {  	v61 =	vld [tilespmem:s0+$0x1C3D0];
	v62 =	vmul.f32 v4, v7;
	v16 =	vmul.f32 v16, v30  }
0x259: {  	v63 =	vld [tilespmem:s0+$0x187E0];
	v11 =	vsub.f32 v11, v13;
	v13 =	vmul.f32 v51, v50  }
0x25a: {  	v30 =	vld [tilespmem:s0+$0x19BE0];
	v31 =	vmul.f32 v62, v2;
	[tilespmem:s1+$0x1D7A0] =	vst v16  }
0x25b: {  	v19 =	vmul.f32 $1.442695020e+00, v62;
	v4 =	vmul.f32 v4, v8;
	v11 =	vadd.f32 v11, v13;
	v13 =	vld.idx.msk [tilespmem:v15+s3+$0x0], $0xffff  }
0x25c: {  	v21 =	vmul.f32 $1.442695020e+00, v31;
	v33 =	vld.idx.msk [tilespmem:v60+s3+$0x0], $0xffff  }
0x25d: {  	(erf) = vpow2.f32 v19;
	v32 =	vmul.f32 v4, v2  }
0x25e: {  	v4 =	vmul.f32 $1.442695020e+00, v4;
	v11 =	vmul.f32 v11, v61  }
0x25f: {  	(erf) = vpow2.f32 v21;
	v34 =	vmul.f32 $1.442695020e+00, v32  }
0x260: {  	v11 =	vmul.f32 v11, v42;
	v35 =	vmul.f32 v10, v13  }
0x261: {  	(erf) = vpow2.f32 v34;
	v10 =	vmul.f32 v10, v33  }
0x262: {  	(erf) = vpow2.f32 v4;
	[tilespmem:s0+$0x1D7D0] =	vst v11;
	v4 =	vmul.f32 v35, v2  }
0x263: {  	v38 =	vand.u32 $0x7, v33;
	v36 =	vld.idx.msk [tilespmem:v63+s3+$0x0], $0xffff;
	v19 =	vmul.f32 $1.442695020e+00, v35;
	v37 =	vmul.f32 v10, v2  }
0x264: {  	v39 =	vcvt.s32.f32 v38;
	v11 =	vand.u32 $0x7, v13;
	v13 =	vld.idx.msk [tilespmem:v30+s3+$0x0], $0xffff;
	v4 =	vmul.f32 $1.442695020e+00, v4  }
0x265: {  	v21 =	vmul.f32 $1.442695020e+00, v37;
	(erf) = vpow2.f32 v19  }
0x266: {  	v15 =	vld.idx.msk [tilespmem:v15+s8+$0x0], $0xffff;
	v11 =	vcvt.s32.f32 v11;
	(erf) = vpow2.f32 v4  }
0x267: {  	v4 =	vmul.f32 $1.442695020e+00, v10;
	(erf) = vpow2.f32 v21  }
0x268: {  	v17 =	vld.idx.msk [tilespmem:v60+s8+$0x0], $0xffff;
	v40 =	vadd.f32 $1.000000000e+00, v11;
	v41 =	vmul.f32 v9, v36  }
0x269: {  	v42 =	vmul.f32 v9, v13;
	v9 =	vadd.f32 $1.000000000e+00, v39;
	(erf) = vpow2.f32 v4  }
0x26a: {  	v11 =	vpop (erf);
	v18 =	vand.u32 $0x7, v36  }
0x26b: {  	v43 =	vsub.f32 v40, v15;
	v10 =	vpop (erf);
	v18 =	vcvt.s32.f32 v18;
	v44 =	vmul.f32 v41, v2  }
0x26c: {  	v45 =	vmul.f32 v42, v2;
	v21 =	vmul.f32 $1.442695020e+00, v41;
	v4 =	vpop (erf)  }
0x26d: {  	v46 =	vmul.f32 v43, v9;
	v47 =	vsub.f32 v9, v17;
	v24 =	vmul.f32 $1.442695020e+00, v44;
	v9 =	vpop (erf)  }
0x26e: {  	v25 =	vmul.f32 $1.442695020e+00, v45;
	(erf) = vpow2.f32 v21;
	v49 =	vpop (erf)  }
0x26f: {  	v13 =	vand.u32 $0x7, v13;
	v48 =	vmul.f32 $1.442695020e+00, v42;
	(erf) = vpow2.f32 v24;
	v50 =	vpop (erf)  }
0x270: {  	v13 =	vcvt.s32.f32 v13;
	(erf) = vpow2.f32 v25;
	v51 =	vadd.f32 $-1.000000000e+00, v50;
	v52 =	vpop (erf)  }
0x271: {  	v20 =	vld.idx.msk [tilespmem:v63+s8+$0x0], $0xffff;
	v22 =	vmul.f32 v47, v40;
	(erf) = vpow2.f32 v48;
	v24 =	vadd.f32 $-1.000000000e+00, v52  }
0x272: {  	v16 =	vld.idx.msk [tilespmem:v30+s8+$0x0], $0xffff;
	v23 =	vmul.f32 v46, v49;
	v53 =	vpop (erf);
	v21 =	vmul.f32 v51, v43  }
0x273: {  	v22 =	vmul.f32 v22, v53;
	v24 =	vmul.f32 v24, v47  }
0x274: {  	v18 =	vadd.f32 $1.000000000e+00, v18  }
0x275: {  	v13 =	vadd.f32 $1.000000000e+00, v13;
	v22 =	vadd.f32 v22, v23;
	v21 =	vmul.f32 v24, v21  }
0x276: {  	v54 =	vsub.f32 v18, v20  }
0x277: {  	v19 =	vmul.f32 v47, v43;
	v55 =	vsub.f32 v13, v16;
	v56 =	vpop (erf);
	v21 =	vadd.f32 v21, v22  }
0x278: {  	v58 =	vld [tilespmem:s1+$0x1C3B0];
	v15 =	vmul.f32 v17, v15;
	v57 =	vpop (erf)  }
0x279: {  	v13 =	vmul.f32 v54, v13;
	v18 =	vmul.f32 v55, v18;
	v59 =	vpop (erf);
	v60 =	vsub.f32 v21, v19  }
0x27a: {  	v30 =	vld [tilespmem:s1+$0x187C0];
	v61 =	vadd.f32 $-1.000000000e+00, v57;
	v62 =	vadd.f32 $-1.000000000e+00, v59;
	v63 =	vpop (erf)  }
0x27b: {  	v25 =	vmul.f32 v13, v56;
	v18 =	vmul.f32 v18, v63;
	v13 =	vadd.f32 v60, v15;
	v15 =	vld [tilespmem:s1+$0x19BC0]  }
0x27c: {  	v31 =	vmul.f32 v61, v54;
	v32 =	vmul.f32 v62, v55  }
0x27d: {  	v33 =	vmul.f32 v13, v58  }
0x27e: {  	v18 =	vadd.f32 v18, v25;
	v17 =	vmul.f32 v32, v31  }
0x27f: {  	v34 =	vld [tilespmem:s0+$0x187F0];
	v14 =	vmul.f32 v33, v14  }
0x280: {  	v37 =	vld [tilespmem:s0+$0x1C3E0];
	v35 =	vmul.f32 v55, v54;
	v17 =	vadd.f32 v17, v18  }
0x281: {  	v36 =	vld [tilespmem:s1+$0x1AFC0];
	[tilespmem:s1+$0x1D7B0] =	vst v14  }
0x282: {  	v16 =	vmul.f32 v16, v20;
	v14 =	vsub.f32 v17, v35;
	v38 =	vld.idx.msk [tilespmem:v30+s3+$0x0], $0xffff  }
0x283: {  	v39 =	vld.idx.msk [tilespmem:v15+s3+$0x0], $0xffff  }
0x284: {  	v13 =	vld [tilespmem:s0+$0x1B000];
	v14 =	vadd.f32 v14, v16  }
0x285: {  	v40 =	vld [tilespmem:s0+$0x19BF0]  }
0x286: {  	v41 =	vld [tilespmem:s0+$0x1AFF0];
	v14 =	vmul.f32 v14, v37  }
0x287: {  	v42 =	vmul.f32 v36, v38  }
0x288: {  	v12 =	vmul.f32 v14, v12;
	v14 =	vmul.f32 v36, v39  }
0x289: {  	(erf) = vrcp.f32 v13;
	v43 =	vmul.f32 v42, v2  }
0x28a: {  	[tilespmem:s0+$0x1D7E0] =	vst v12;
	v12 =	vmul.f32 $1.442695020e+00, v42;
	v44 =	vmul.f32 v14, v2  }
0x28b: {  	(erf) = vrcp.f32 v41;
	v45 =	vld.idx.msk [tilespmem:v34+s3+$0x0], $0xffff;
	v23 =	vmul.f32 $1.442695020e+00, v43  }
0x28c: {  	(erf) = vpow2.f32 v12;
	v22 =	vmul.f32 $1.442695020e+00, v44  }
0x28d: {  	v46 =	vld.idx.msk [tilespmem:v40+s3+$0x0], $0xffff;
	(erf) = vpow2.f32 v23  }
0x28e: {  	v17 =	vand.u32 $0x7, v38;
	v14 =	vmul.f32 $1.442695020e+00, v14;
	(erf) = vpow2.f32 v22  }
0x28f: {  	v47 =	vld.idx.msk [tilespmem:v30+s8+$0x0], $0xffff;
	v12 =	vcvt.s32.f32 v17  }
0x290: {  	v15 =	vld.idx.msk [tilespmem:v15+s8+$0x0], $0xffff;
	v18 =	vand.u32 $0x7, v39;
	(erf) = vpow2.f32 v14;
	v14 =	vmul.f32 v41, v45  }
0x291: {  	v18 =	vcvt.s32.f32 v18  }
0x292: {  	v48 =	vadd.f32 $1.000000000e+00, v12;
	v16 =	vmul.f32 v41, v46;
	v50 =	vmul.f32 v14, v2  }
0x293: {  	v18 =	vadd.f32 $1.000000000e+00, v18;
	v12 =	vpop (erf);
	v14 =	vmul.f32 $1.442695020e+00, v14  }
0x294: {  	v49 =	vsub.f32 v48, v47;
	v28 =	vpop (erf);
	v51 =	vmul.f32 v16, v2;
	v26 =	vmul.f32 $1.442695020e+00, v50  }
0x295: {  	v53 =	vsub.f32 v18, v15;
	(erf) = vpow2.f32 v14;
	v14 =	vmul.f32 $1.442695020e+00, v16;
	v31 =	vpop (erf)  }
0x296: {  	v52 =	vmul.f32 v49, v18;
	v18 =	vld [tilespmem:s1+$0x1AFE0];
	v27 =	vmul.f32 $1.442695020e+00, v51;
	v54 =	vpop (erf)  }
0x297: {  	v22 =	vmul.f32 v53, v48;
	(erf) = vpow2.f32 v26;
	v16 =	vadd.f32 $-1.000000000e+00, v54;
	v55 =	vpop (erf)  }
0x298: {  	v56 =	vmul.f32 v52, v31;
	(erf) = vpow2.f32 v27;
	v26 =	vadd.f32 $-1.000000000e+00, v55  }
0x299: {  	(erf) = vpow2.f32 v14;
	v14 =	vpop (erf);
	v16 =	vmul.f32 v16, v49  }
0x29a: {  	v14 =	vmul.f32 v22, v14;
	v57 =	vmul.f32 v26, v53  }
0x29b: {  	(erf) = vrcp.f32 v18  }
0x29c: {  	(erf) = vrcp.f32 v36;
	v14 =	vadd.f32 v14, v56;
	v16 =	vmul.f32 v57, v16;
	_ =	sdelay $0x1  }
0x29d: {  	v58 =	vmul.f32 v53, v49;
	v14 =	vadd.f32 v16, v14  }
0x29e: {  	v59 =	vld [tilespmem:s1+$0x1C3C0]  }
0x29f: {  	v15 =	vmul.f32 v15, v47;
	v60 =	vpop (erf);
	v14 =	vsub.f32 v14, v58  }
0x2a0: {  	v62 =	vld [tilespmem:s1+$0x187D0];
	v61 =	vpop (erf)  }
0x2a1: {  	v63 =	vpop (erf);
	v14 =	vadd.f32 v14, v15;
	v15 =	vld [tilespmem:s1+$0x19BD0]  }
0x2a2: {  	v36 =	vpop (erf)  }
0x2a3: {  	v16 =	vpop (erf);
	v14 =	vmul.f32 v14, v59  }
0x2a4: {  	v37 =	vpop (erf)  }
0x2a5: {  	v14 =	vmul.f32 v14, v37;
	_ =	sdelay $0x1  }
0x2a6: {  	v38 =	vld [tilespmem:s1+$0x1AFD0];
	[tilespmem:s1+$0x1D7C0] =	vst v14  }
0x2a7: {  	v14 =	vld.idx.msk [tilespmem:v62+s3+$0x0], $0xffff  }
0x2a8: {  	v39 =	vld.idx.msk [tilespmem:v15+s3+$0x0], $0xffff;
	_ =	sdelay $0x1  }
0x2a9: {  	v24 =	vand.u32 $0x7, v45  }
0x2aa: {  	v19 =	vld.idx.msk [tilespmem:v34+s8+$0x0], $0xffff;
	v25 =	vand.u32 $0x7, v46;
	v24 =	vcvt.s32.f32 v24  }
0x2ab: {  	v20 =	vld.idx.msk [tilespmem:v40+s8+$0x0], $0xffff;
	v25 =	vcvt.s32.f32 v25;
	v40 =	vmul.f32 v38, v14  }
0x2ac: {  	(erf) = vrcp.f32 v38;
	v21 =	vmul.f32 v38, v39  }
0x2ad: {  	v24 =	vadd.f32 $1.000000000e+00, v24;
	v41 =	vmul.f32 $1.442695020e+00, v40;
	v30 =	vmul.f32 v40, v2  }
0x2ae: {  	v25 =	vadd.f32 $1.000000000e+00, v25;
	v32 =	vmul.f32 $1.442695020e+00, v21;
	v21 =	vmul.f32 v21, v2  }
0x2af: {  	v33 =	vsub.f32 v24, v19;
	(erf) = vpow2.f32 v41;
	v30 =	vmul.f32 $1.442695020e+00, v30  }
0x2b0: {  	(erf) = vpow2.f32 v32;
	v21 =	vmul.f32 $1.442695020e+00, v21  }
0x2b1: {  	v42 =	vsub.f32 v25, v20;
	v25 =	vmul.f32 v33, v25;
	(erf) = vpow2.f32 v30  }
0x2b2: {  	(erf) = vpow2.f32 v21  }
0x2b3: {  	v24 =	vmul.f32 v42, v24;
	v22 =	vmul.f32 v25, v60;
	v23 =	vld.idx.msk [tilespmem:v62+s8+$0x0], $0xffff  }
0x2b4: {  	v17 =	vadd.f32 $-1.000000000e+00, v61;
	v44 =	vld.idx.msk [tilespmem:v15+s8+$0x0], $0xffff;
	v14 =	vand.u32 $0x7, v14;
	v15 =	vand.u32 $0x7, v39  }
0x2b5: {  	v43 =	vadd.f32 $-1.000000000e+00, v63;
	v14 =	vcvt.s32.f32 v14;
	v15 =	vcvt.s32.f32 v15  }
0x2b6: {  	v24 =	vmul.f32 v24, v36;
	v17 =	vmul.f32 v17, v33  }
0x2b7: {  	v45 =	vpop (erf);
	v14 =	vadd.f32 $1.000000000e+00, v14;
	v15 =	vadd.f32 $1.000000000e+00, v15;
	v21 =	vmul.f32 v43, v42  }
0x2b8: {  	v22 =	vadd.f32 v24, v22;
	v46 =	vpop (erf)  }
0x2b9: {  	v48 =	vsub.f32 v14, v23;
	v49 =	vsub.f32 v15, v44;
	v17 =	vmul.f32 v21, v17;
	v47 =	vpop (erf)  }
0x2ba: {  	v19 =	vmul.f32 v20, v19;
	v50 =	vpop (erf)  }
0x2bb: {  	v15 =	vmul.f32 v48, v15;
	v14 =	vmul.f32 v49, v14;
	v17 =	vadd.f32 v17, v22;
	v52 =	vpop (erf)  }
0x2bc: {  	v51 =	vmul.f32 v42, v33;
	v29 =	vadd.f32 $-1.000000000e+00, v50;
	v53 =	vadd.f32 $-1.000000000e+00, v52  }
0x2bd: {  	v54 =	vld [tilespmem:s0+$0x1C3F0];
	v21 =	vmul.f32 v15, v46;
	v24 =	vmul.f32 v14, v47  }
0x2be: {  	v17 =	vsub.f32 v17, v51;
	v29 =	vmul.f32 v29, v48;
	v20 =	vmul.f32 v53, v49  }
0x2bf: {  	v14 =	vld [tilespmem:s0+$0x19C00]  }
0x2c0: {  	v15 =	vld [tilespmem:s0+$0x18800];
	v17 =	vadd.f32 v17, v19;
	v55 =	vadd.f32 v24, v21;
	v20 =	vmul.f32 v20, v29;
	_ =	sdelay $0x1  }
0x2c1: {  	v56 =	vmul.f32 v49, v48;
	v17 =	vmul.f32 v17, v54;
	v19 =	vadd.f32 v20, v55  }
0x2c2: {  	v57 =	vld [tilespmem:s1+$0x1C3D0]  }
0x2c3: {  	v58 =	vmul.f32 v44, v23;
	v17 =	vmul.f32 v17, v28;
	v19 =	vsub.f32 v19, v56  }
0x2c4: {  	v59 =	vld [tilespmem:s1+$0x187E0]  }
0x2c5: {  	v60 =	vld [tilespmem:s1+$0x19BE0];
	[tilespmem:s0+$0x1D7F0] =	vst v17;
	v20 =	vadd.f32 v19, v58  }
0x2c6: {  	v17 =	vld.idx.msk [tilespmem:v14+s3+$0x0], $0xffff  }
0x2c7: {  	v19 =	vld.idx.msk [tilespmem:v15+s3+$0x0], $0xffff;
	v20 =	vmul.f32 v20, v57;
	_ =	sdelay $0x1  }
0x2c8: {  	v20 =	vmul.f32 v20, v45;
	_ =	sdelay $0x1  }
0x2c9: {  	[tilespmem:s1+$0x1D7D0] =	vst v20  }
0x2ca: {  	v61 =	vmul.f32 v13, v19;
	v13 =	vmul.f32 v13, v17;
	v20 =	vld.idx.msk [tilespmem:v59+s3+$0x0], $0xffff  }
0x2cb: {  	v63 =	vld.idx.msk [tilespmem:v60+s3+$0x0], $0xffff  }
0x2cc: {  	v62 =	vmul.f32 v61, v2;
	v28 =	vmul.f32 v13, v2  }
0x2cd: {  	v21 =	vmul.f32 $1.442695020e+00, v61;
	v13 =	vmul.f32 $1.442695020e+00, v13  }
0x2ce: {  	v24 =	vmul.f32 $1.442695020e+00, v62;
	v26 =	vmul.f32 $1.442695020e+00, v28  }
0x2cf: {  	(erf) = vpow2.f32 v21;
	v29 =	vmul.f32 v18, v20  }
0x2d0: {  	(erf) = vpow2.f32 v24;
	v18 =	vmul.f32 v18, v63  }
0x2d1: {  	(erf) = vpow2.f32 v26;
	v30 =	vmul.f32 v29, v2  }
0x2d2: {  	v21 =	vmul.f32 $1.442695020e+00, v29;
	v31 =	vmul.f32 v18, v2  }
0x2d3: {  	(erf) = vpow2.f32 v13;
	v13 =	vmul.f32 $1.442695020e+00, v30  }
0x2d4: {  	v32 =	vmul.f32 $1.442695020e+00, v31;
	(erf) = vpow2.f32 v21  }
0x2d5: {  	v18 =	vmul.f32 $1.442695020e+00, v18;
	(erf) = vpow2.f32 v13  }
0x2d6: {  	(erf) = vpow2.f32 v32  }
0x2d7: {  	v22 =	vld.idx.msk [tilespmem:v59+s8+$0x0], $0xffff;
	v34 =	vand.u32 $0x7, v63;
	(erf) = vpow2.f32 v18  }
0x2d8: {  	v23 =	vld.idx.msk [tilespmem:v60+s8+$0x0], $0xffff;
	v33 =	vand.u32 $0x7, v20;
	v20 =	vcvt.s32.f32 v34  }
0x2d9: {  	v35 =	vcvt.s32.f32 v33;
	v13 =	vpop (erf)  }
0x2da: {  	v21 =	vpop (erf)  }
0x2db: {  	v24 =	vadd.f32 $1.000000000e+00, v35;
	v36 =	vadd.f32 $1.000000000e+00, v20;
	v18 =	vpop (erf)  }
0x2dc: {  	v20 =	vpop (erf)  }
0x2dd: {  	v37 =	vsub.f32 v24, v22;
	v38 =	vsub.f32 v36, v23;
	v39 =	vpop (erf)  }
0x2de: {  	v40 =	vpop (erf)  }
0x2df: {  	v25 =	vmul.f32 v37, v36;
	v24 =	vmul.f32 v38, v24;
	v41 =	vpop (erf)  }
0x2e0: {  	v29 =	vadd.f32 $-1.000000000e+00, v40;
	v30 =	vadd.f32 $-1.000000000e+00, v41;
	v42 =	vpop (erf)  }
0x2e1: {  	v25 =	vmul.f32 v25, v39;
	v24 =	vmul.f32 v24, v42  }
0x2e2: {  	v43 =	vmul.f32 v29, v37;
	v44 =	vmul.f32 v30, v38;
	_ =	sdelay $0x1  }
0x2e3: {  	v24 =	vadd.f32 v24, v25;
	v45 =	vmul.f32 v44, v43;
	_ =	sdelay $0x1  }
0x2e4: {  	v46 =	vmul.f32 v38, v37;
	v24 =	vadd.f32 v45, v24  }
0x2e5: {  	v47 =	vld [tilespmem:s1+$0x1C3E0]  }
0x2e6: {  	v22 =	vmul.f32 v23, v22;
	v24 =	vsub.f32 v24, v46  }
0x2e7: {  	v48 =	vld [tilespmem:s1+$0x187F0]  }
0x2e8: {  	v49 =	vld [tilespmem:s1+$0x19BF0];
	v22 =	vadd.f32 v24, v22;
	_ =	sdelay $0x1  }
0x2e9: {  	v22 =	vmul.f32 v22, v47;
	_ =	sdelay $0x1  }
0x2ea: {  	v16 =	vmul.f32 v22, v16;
	_ =	sdelay $0x1  }
0x2eb: {  	v50 =	vld [tilespmem:s1+$0x1AFF0];
	[tilespmem:s1+$0x1D7E0] =	vst v16  }
0x2ec: {  	v16 =	vld.idx.msk [tilespmem:v48+s3+$0x0], $0xffff  }
0x2ed: {  	v51 =	vld.idx.msk [tilespmem:v49+s3+$0x0], $0xffff  }
0x2ee: {  	v24 =	vld [tilespmem:s1+$0x1B000];
	_ =	sdelay $0x2  }
0x2ef: {  	v52 =	vmul.f32 v50, v16  }
0x2f0: {  	v53 =	vmul.f32 v50, v51  }
0x2f1: {  	(erf) = vrcp.f32 v24;
	v54 =	vmul.f32 v52, v2  }
0x2f2: {  	v27 =	vmul.f32 $1.442695020e+00, v52;
	v55 =	vmul.f32 v53, v2  }
0x2f3: {  	(erf) = vrcp.f32 v50;
	v56 =	vmul.f32 $1.442695020e+00, v54  }
0x2f4: {  	v57 =	vmul.f32 $1.442695020e+00, v55;
	(erf) = vpow2.f32 v27  }
0x2f5: {  	v58 =	vmul.f32 $1.442695020e+00, v53;
	(erf) = vpow2.f32 v56  }
0x2f6: {  	(erf) = vpow2.f32 v57  }
0x2f7: {  	v59 =	vld.idx.msk [tilespmem:v48+s8+$0x0], $0xffff;
	(erf) = vpow2.f32 v58  }
0x2f8: {  	v60 =	vld.idx.msk [tilespmem:v49+s8+$0x0], $0xffff;
	v16 =	vand.u32 $0x7, v16;
	v61 =	vand.u32 $0x7, v51  }
0x2f9: {  	v62 =	vcvt.s32.f32 v16;
	v25 =	vcvt.s32.f32 v61;
	_ =	sdelay $0x1  }
0x2fa: {  	v16 =	vpop (erf);
	v26 =	vadd.f32 $1.000000000e+00, v62;
	v25 =	vadd.f32 $1.000000000e+00, v25  }
0x2fb: {  	v63 =	vpop (erf)  }
0x2fc: {  	v36 =	vsub.f32 v26, v59;
	v37 =	vsub.f32 v25, v60;
	v38 =	vpop (erf)  }
0x2fd: {  	v39 =	vpop (erf)  }
0x2fe: {  	v25 =	vmul.f32 v36, v25;
	v26 =	vmul.f32 v37, v26;
	v40 =	vpop (erf)  }
0x2ff: {  	v31 =	vadd.f32 $-1.000000000e+00, v39;
	v32 =	vadd.f32 $-1.000000000e+00, v40;
	v41 =	vpop (erf)  }
0x300: {  	v25 =	vmul.f32 v25, v38;
	v26 =	vmul.f32 v26, v41  }
0x301: {  	v42 =	vmul.f32 v31, v36;
	v43 =	vmul.f32 v32, v37;
	_ =	sdelay $0x1  }
0x302: {  	v25 =	vadd.f32 v26, v25;
	v44 =	vmul.f32 v43, v42;
	_ =	sdelay $0x1  }
0x303: {  	v45 =	vmul.f32 v37, v36;
	v25 =	vadd.f32 v44, v25  }
0x304: {  	v46 =	vld [tilespmem:s1+$0x1C3F0]  }
0x305: {  	v22 =	vmul.f32 v60, v59;
	v25 =	vsub.f32 v25, v45  }
0x306: {  	v47 =	vld [tilespmem:s1+$0x18800]  }
0x307: {  	v48 =	vld [tilespmem:s1+$0x19C00];
	v22 =	vadd.f32 v25, v22;
	_ =	sdelay $0x1  }
0x308: {  	v22 =	vmul.f32 v22, v46;
	_ =	sdelay $0x1  }
0x309: {  	v22 =	vmul.f32 v22, v63  }
0x30a: {  	v5 =	vld.idx.msk [tilespmem:v5+s8+$0x0], $0xffff;
	v7 =	vand.u32 $0x7, v7  }
0x30b: {  	v6 =	vld.idx.msk [tilespmem:v6+s8+$0x0], $0xffff;
	v7 =	vcvt.s32.f32 v7;
	v8 =	vand.u32 $0x7, v8;
	[tilespmem:s1+$0x1D7F0] =	vst v22  }
0x30c: {  	v8 =	vcvt.s32.f32 v8;
	v22 =	vld.idx.msk [tilespmem:v47+s3+$0x0], $0xffff  }
0x30d: {  	v7 =	vadd.f32 $1.000000000e+00, v7;
	v49 =	vld.idx.msk [tilespmem:v48+s3+$0x0], $0xffff  }
0x30e: {  	v8 =	vadd.f32 $1.000000000e+00, v8  }
0x30f: {  	v19 =	vand.u32 $0x7, v19;
	v50 =	vsub.f32 v7, v5  }
0x310: {  	v19 =	vcvt.s32.f32 v19;
	v51 =	vsub.f32 v8, v6  }
0x311: {  	v8 =	vmul.f32 v50, v8;
	v52 =	vmul.f32 v24, v22  }
0x312: {  	v7 =	vmul.f32 v51, v7;
	v24 =	vmul.f32 v24, v49  }
0x313: {  	v10 =	vadd.f32 $-1.000000000e+00, v10;
	v8 =	vmul.f32 v8, v11;
	v11 =	vmul.f32 v52, v2  }
0x314: {  	v29 =	vmul.f32 $1.442695020e+00, v52;
	v53 =	vmul.f32 v24, v2  }
0x315: {  	v10 =	vmul.f32 v10, v50;
	v11 =	vmul.f32 $1.442695020e+00, v11  }
0x316: {  	v4 =	vadd.f32 $-1.000000000e+00, v4;
	v15 =	vld.idx.msk [tilespmem:v15+s8+$0x0], $0xffff;
	v30 =	vmul.f32 $1.442695020e+00, v53;
	(erf) = vpow2.f32 v29  }
0x317: {  	v17 =	vand.u32 $0x7, v17;
	v24 =	vmul.f32 $1.442695020e+00, v24;
	(erf) = vpow2.f32 v11  }
0x318: {  	v14 =	vld.idx.msk [tilespmem:v14+s8+$0x0], $0xffff;
	v7 =	vmul.f32 v7, v9;
	v9 =	vadd.f32 $1.000000000e+00, v19;
	(erf) = vpow2.f32 v30  }
0x319: {  	v55 =	vld.idx.msk [tilespmem:v48+s8+$0x0], $0xffff;
	v56 =	vand.u32 $0x7, v49;
	v11 =	vcvt.s32.f32 v17;
	(erf) = vpow2.f32 v24  }
0x31a: {  	v4 =	vmul.f32 v4, v51;
	v54 =	vld.idx.msk [tilespmem:v47+s8+$0x0], $0xffff;
	v22 =	vand.u32 $0x7, v22;
	v23 =	vcvt.s32.f32 v56  }
0x31b: {  	v57 =	vsub.f32 v9, v15;
	v22 =	vcvt.s32.f32 v22;
	v11 =	vadd.f32 $1.000000000e+00, v11  }
0x31c: {  	v4 =	vmul.f32 v4, v10;
	v10 =	vadd.f32 $-1.000000000e+00, v21;
	v23 =	vadd.f32 $1.000000000e+00, v23  }
0x31d: {  	v22 =	vadd.f32 $1.000000000e+00, v22;
	v58 =	vsub.f32 v11, v14;
	v11 =	vmul.f32 v57, v11  }
0x31e: {  	v18 =	vadd.f32 $-1.000000000e+00, v18;
	v59 =	vsub.f32 v23, v55  }
0x31f: {  	v10 =	vmul.f32 v10, v57;
	v11 =	vmul.f32 v11, v13;
	v13 =	vsub.f32 v22, v54;
	v60 =	vpop (erf)  }
0x320: {  	v9 =	vmul.f32 v58, v9;
	v22 =	vmul.f32 v59, v22;
	v61 =	vpop (erf)  }
0x321: {  	v7 =	vadd.f32 v7, v8;
	v18 =	vmul.f32 v18, v58;
	v8 =	vmul.f32 v13, v23;
	v62 =	vpop (erf)  }
0x322: {  	v9 =	vmul.f32 v9, v20;
	v20 =	vadd.f32 $-1.000000000e+00, v61;
	v23 =	vadd.f32 $-1.000000000e+00, v62;
	v63 =	vpop (erf)  }
0x323: {  	v8 =	vmul.f32 v8, v60;
	v22 =	vmul.f32 v22, v63  }
0x324: {  	v4 =	vadd.f32 v4, v7;
	v7 =	vmul.f32 v20, v13;
	v29 =	vmul.f32 v23, v59  }
0x325: {  	v10 =	vmul.f32 v18, v10;
	v9 =	vadd.f32 v9, v11  }
0x326: {  	v30 =	vmul.f32 v51, v50;
	v8 =	vadd.f32 v22, v8;
	v7 =	vmul.f32 v29, v7  }
0x327: {  	v5 =	vmul.f32 v6, v5;
	v11 =	vld [tilespmem:s30+$0x1C400];
	v9 =	vadd.f32 v10, v9;
	v10 =	vmul.f32 v58, v57  }
0x328: {  	v6 =	vld [tilespmem:s0+$0x1C400];
	v4 =	vsub.f32 v4, v30;
	v7 =	vadd.f32 v7, v8;
	v8 =	vmul.f32 v59, v13  }
0x329: {  	v9 =	vsub.f32 v9, v10;
	v10 =	vmul.f32 v14, v15;
	v13 =	vld [tilespmem:s1+$0x1C400]  }
0x32a: {  	v4 =	vadd.f32 v4, v5;
	v5 =	vsub.f32 v7, v8;
	v7 =	vmul.f32 v55, v54  }
0x32b: {  	v8 =	vadd.f32 v9, v10  }
0x32c: {  	v4 =	vmul.f32 v4, v11;
	v5 =	vadd.f32 v5, v7  }
0x32d: {  	v6 =	vmul.f32 v8, v6  }
0x32e: {  	v3 =	vmul.f32 v4, v3;
	v4 =	vmul.f32 v5, v13  }
0x32f: {  	v5 =	vmul.f32 v6, v12  }
0x330: {  	[tilespmem:s30+$0x1D800] =	vst v3;
	v3 =	vmul.f32 v4, v16  }
0x331: {  	[tilespmem:s0+$0x1D800] =	vst v5  }
0x332: {  	[tilespmem:s1+$0x1D800] =	vst v3  }
0x333: {  	[spmem:s7] =	stream.indirect.scatter.add.f32 [tilespmem:s5], [sflag:$0x2], $0x1, s26, s28, $0xb8;
	[tilespmem:$0x1F9C0] =	vst v63  }
0x334: {  	s2 =	simm.s32 $0x18880;
	s4 =	simm.s32 $0x1D880  }
0x335: {  	[spmem:s7] =	stream.indirect.scatter.add.f32 [tilespmem:s4], [sflag:$0x2], $0x1, s2, s28, $0xb8;
	[tilespmem:$0x1F9C0] =	vst v63  }
0x336: {  	s2 =	simm.s32 $0x18900;
	s4 =	simm.s32 $0x1D900  }
0x337: {  	[spmem:s7] =	stream.indirect.scatter.add.f32 [tilespmem:s4], [sflag:$0x2], $0x1, s2, s28, $0xb8;
	[tilespmem:$0x1F9C0] =	vst v63  }
0x338: {  	s2 =	simm.s32 $0x18980;
	s4 =	simm.s32 $0x1D980  }
0x339: {  	[spmem:s7] =	stream.indirect.scatter.add.f32 [tilespmem:s4], [sflag:$0x2], $0x1, s2, s28, $0xb8;
	[tilespmem:$0x1F9C0] =	vst v63  }
0x33a: {  	s2 =	simm.s32 $0x18A00;
	s4 =	simm.s32 $0x1DA00  }
0x33b: {  	[spmem:s7] =	stream.indirect.scatter.add.f32 [tilespmem:s4], [sflag:$0x2], $0x1, s2, s28, $0xb8;
	[tilespmem:$0x1F9C0] =	vst v63  }
0x33c: {  	s2 =	simm.s32 $0x18A80;
	s4 =	simm.s32 $0x1DA80  }
0x33d: {  	[spmem:s7] =	stream.indirect.scatter.add.f32 [tilespmem:s4], [sflag:$0x2], $0x1, s2, s28, $0xb8;
	[tilespmem:$0x1F9C0] =	vst v63  }
0x33e: {  	s2 =	simm.s32 $0x18B00;
	s4 =	simm.s32 $0x1DB00  }
0x33f: {  	[spmem:s7] =	stream.indirect.scatter.add.f32 [tilespmem:s4], [sflag:$0x2], $0x1, s2, s28, $0xb8;
	[tilespmem:$0x1F9C0] =	vst v63  }
0x340: {  	s2 =	simm.s32 $0x18B80;
	s4 =	simm.s32 $0x1DB80  }
0x341: {  	[spmem:s7] =	stream.indirect.scatter.add.f32 [tilespmem:s4], [sflag:$0x2], $0x1, s2, s28, $0xb8;
	[tilespmem:$0x1F9C0] =	vst v63  }
0x342: {  	s2 =	simm.s32 $0x18C00;
	s4 =	simm.s32 $0x1DC00  }
0x343: {  	[spmem:s7] =	stream.indirect.scatter.add.f32 [tilespmem:s4], [sflag:$0x2], $0x1, s2, s28, $0xb8;
	[tilespmem:$0x1F9C0] =	vst v63  }
0x344: {  	s2 =	simm.s32 $0x18C80;
	s4 =	simm.s32 $0x1DC80  }
0x345: {  	[spmem:s7] =	stream.indirect.scatter.add.f32 [tilespmem:s4], [sflag:$0x2], $0x1, s2, s28, $0xb8;
	[tilespmem:$0x1F9C0] =	vst v63  }
0x346: {  	s2 =	simm.s32 $0x18D00;
	s4 =	simm.s32 $0x1DD00  }
0x347: {  	[spmem:s7] =	stream.indirect.scatter.add.f32 [tilespmem:s4], [sflag:$0x2], $0x1, s2, s28, $0xb8;
	[tilespmem:$0x1F9C0] =	vst v63  }
0x348: {  	s2 =	simm.s32 $0x18D80;
	s4 =	simm.s32 $0x1DD80  }
0x349: {  	[spmem:s7] =	stream.indirect.scatter.add.f32 [tilespmem:s4], [sflag:$0x2], $0x1, s2, s28, $0xb8;
	[tilespmem:$0x1F9C0] =	vst v63  }
0x34a: {  	s2 =	simm.s32 $0x18E00;
	s4 =	simm.s32 $0x1DE00  }
0x34b: {  	[spmem:s7] =	stream.indirect.scatter.add.f32 [tilespmem:s4], [sflag:$0x2], $0x1, s2, s28, $0xb8;
	[tilespmem:$0x1F9C0] =	vst v63  }
0x34c: {  	s2 =	simm.s32 $0x18E80;
	s4 =	simm.s32 $0x1DE80  }
0x34d: {  	[spmem:s7] =	stream.indirect.scatter.add.f32 [tilespmem:s4], [sflag:$0x2], $0x1, s2, s28, $0xb8;
	[tilespmem:$0x1F9C0] =	vst v63  }
0x34e: {  	s2 =	simm.s32 $0x18F00;
	s4 =	simm.s32 $0x1DF00  }
0x34f: {  	[spmem:s7] =	stream.indirect.scatter.add.f32 [tilespmem:s4], [sflag:$0x2], $0x1, s2, s28, $0xb8;
	[tilespmem:$0x1F9C0] =	vst v63  }
0x350: {  	s2 =	simm.s32 $0x18F80;
	s4 =	simm.s32 $0x1DF80  }
0x351: {  	[spmem:s7] =	stream.indirect.scatter.add.f32 [tilespmem:s4], [sflag:$0x2], $0x1, s2, s28, $0xb8;
	[tilespmem:$0x1F9C0] =	vst v63  }
0x352: {  	s2 =	simm.s32 $0x19000;
	s4 =	simm.s32 $0x1E000  }
0x353: {  	[spmem:s7] =	stream.indirect.scatter.add.f32 [tilespmem:s4], [sflag:$0x2], $0x1, s2, s28, $0xb8;
	[tilespmem:$0x1F9C0] =	vst v63  }
0x354: {  	s2 =	simm.s32 $0x19080;
	s4 =	simm.s32 $0x1E080  }
0x355: {  	[spmem:s7] =	stream.indirect.scatter.add.f32 [tilespmem:s4], [sflag:$0x2], $0x1, s2, s28, $0xb8;
	[tilespmem:$0x1F9C0] =	vst v63  }
0x356: {  	s2 =	simm.s32 $0x19100;
	s4 =	simm.s32 $0x1E100  }
0x357: {  	[spmem:s7] =	stream.indirect.scatter.add.f32 [tilespmem:s4], [sflag:$0x2], $0x1, s2, s28, $0xb8;
	[tilespmem:$0x1F9C0] =	vst v63  }
0x358: {  	s30 =	simm.s32 $0x0;
	s2 =	simm.s32 $0x19180;
	s4 =	simm.s32 $0x1E180  }
0x359: {  	[spmem:s7] =	stream.indirect.scatter.add.f32 [tilespmem:s4], [sflag:$0x2], $0x1, s2, s28, $0xb8;
	[tilespmem:$0x1F9C0] =	vst v63  }
0x35a: {  	v3 =	vld [tilespmem:s30+$0x19200]  }
0x35b: {  	v4 =	vld [tilespmem:s30+$0x1A600];
	_ =	sdelay $0x5  }
0x35c: {  	v6 =	vld [tilespmem:s30+$0x1BA00]  }
0x35d: {  	v5 =	vld.idx.msk [tilespmem:v3+s3+$0x0], $0xffff  }
0x35e: {  	v7 =	vld.idx.msk [tilespmem:v4+s3+$0x0], $0xffff;
	_ =	sdelay $0x3  }
0x35f: {  	v8 =	vmul.f32 v6, v5  }
0x360: {  	v9 =	vmul.f32 v6, v7  }
0x361: {  	v10 =	vmul.f32 $1.442695020e+00, v8;
	v8 =	vmul.f32 v8, v2  }
0x362: {  	v11 =	vmul.f32 $1.442695020e+00, v9;
	v9 =	vmul.f32 v9, v2  }
0x363: {  	(erf) = vpow2.f32 v10;
	v8 =	vmul.f32 $1.442695020e+00, v8  }
0x364: {  	v9 =	vmul.f32 $1.442695020e+00, v9;
	(erf) = vpow2.f32 v11  }
0x365: {  	(erf) = vpow2.f32 v8  }
0x366: {  	(erf) = vpow2.f32 v9  }
0x367: {  	v3 =	vld.idx.msk [tilespmem:v3+s8+$0x0], $0xffff  }
0x368: {  	v4 =	vld.idx.msk [tilespmem:v4+s8+$0x0], $0xffff;
	v5 =	vand.u32 $0x7, v5;
	v7 =	vand.u32 $0x7, v7  }
0x369: {  	v5 =	vcvt.s32.f32 v5;
	v7 =	vcvt.s32.f32 v7;
	_ =	sdelay $0x1  }
0x36a: {  	v5 =	vadd.f32 $1.000000000e+00, v5;
	v7 =	vadd.f32 $1.000000000e+00, v7  }
0x36b: {  	v8 =	vpop (erf)  }
0x36c: {  	v10 =	vsub.f32 v5, v3;
	v11 =	vsub.f32 v7, v4;
	v9 =	vpop (erf)  }
0x36d: {  	v12 =	vpop (erf)  }
0x36e: {  	v7 =	vmul.f32 v10, v7;
	v5 =	vmul.f32 v11, v5;
	v13 =	vpop (erf)  }
0x36f: {  	v12 =	vadd.f32 $-1.000000000e+00, v12;
	v13 =	vadd.f32 $-1.000000000e+00, v13  }
0x370: {  	v7 =	vmul.f32 v7, v8;
	v5 =	vmul.f32 v5, v9  }
0x371: {  	v8 =	vmul.f32 v12, v10;
	v9 =	vmul.f32 v13, v11;
	_ =	sdelay $0x1  }
0x372: {  	(erf) = vrcp.f32 v6;
	v5 =	vadd.f32 v5, v7;
	v6 =	vmul.f32 v9, v8;
	_ =	sdelay $0x1  }
0x373: {  	v5 =	vadd.f32 v6, v5;
	v6 =	vmul.f32 v11, v10  }
0x374: {  	v7 =	vld [tilespmem:s30+$0x1CE00]  }
0x375: {  	v3 =	vmul.f32 v4, v3;
	v5 =	vsub.f32 v5, v6  }
0x376: {  	v4 =	vld [tilespmem:s30+$0x19210]  }
0x377: {  	v3 =	vadd.f32 v5, v3;
	v5 =	vld [tilespmem:s30+$0x1A610];
	_ =	sdelay $0x1  }
0x378: {  	v3 =	vmul.f32 v3, v7  }
0x379: {  	v6 =	vpop (erf)  }
0x37a: {  	v3 =	vmul.f32 v3, v6;
	_ =	sdelay $0x1  }
0x37b: {  	v6 =	vld [tilespmem:s30+$0x1BA10];
	[tilespmem:s30+$0x1E200] =	vst v3  }
0x37c: {  	v3 =	vld.idx.msk [tilespmem:v4+s3+$0x0], $0xffff  }
0x37d: {  	v7 =	vld.idx.msk [tilespmem:v5+s3+$0x0], $0xffff;
	_ =	sdelay $0x3  }
0x37e: {  	v8 =	vmul.f32 v6, v3  }
0x37f: {  	v10 =	vld [tilespmem:s30+$0x1BA20];
	v9 =	vmul.f32 v6, v7  }
0x380: {  	v11 =	vmul.f32 $1.442695020e+00, v8  }
0x381: {  	v12 =	vmul.f32 $1.442695020e+00, v9  }
0x382: {  	v8 =	vmul.f32 v8, v2;
	(erf) = vpow2.f32 v11  }
0x383: {  	v9 =	vmul.f32 v9, v2;
	(erf) = vpow2.f32 v12  }
0x384: {  	v8 =	vmul.f32 $1.442695020e+00, v8;
	(erf) = vrcp.f32 v10  }
0x385: {  	v9 =	vmul.f32 $1.442695020e+00, v9;
	(erf) = vrcp.f32 v6  }
0x386: {  	(erf) = vpow2.f32 v8  }
0x387: {  	(erf) = vpow2.f32 v9  }
0x388: {  	v4 =	vld.idx.msk [tilespmem:v4+s8+$0x0], $0xffff  }
0x389: {  	v5 =	vld.idx.msk [tilespmem:v5+s8+$0x0], $0xffff;
	v3 =	vand.u32 $0x7, v3;
	v6 =	vand.u32 $0x7, v7  }
0x38a: {  	v3 =	vcvt.s32.f32 v3;
	v6 =	vcvt.s32.f32 v6  }
0x38b: {  	v7 =	vpop (erf)  }
0x38c: {  	v3 =	vadd.f32 $1.000000000e+00, v3;
	v6 =	vadd.f32 $1.000000000e+00, v6;
	v8 =	vpop (erf)  }
0x38d: {  	v9 =	vpop (erf)  }
0x38e: {  	v11 =	vsub.f32 v3, v4;
	v12 =	vsub.f32 v6, v5;
	v13 =	vpop (erf)  }
0x38f: {  	v14 =	vpop (erf)  }
0x390: {  	v6 =	vmul.f32 v11, v6;
	v3 =	vmul.f32 v12, v3;
	v15 =	vpop (erf)  }
0x391: {  	v14 =	vadd.f32 $-1.000000000e+00, v14;
	v15 =	vadd.f32 $-1.000000000e+00, v15  }
0x392: {  	v6 =	vmul.f32 v6, v7;
	v3 =	vmul.f32 v3, v8  }
0x393: {  	v7 =	vmul.f32 v14, v11;
	v8 =	vmul.f32 v15, v12  }
0x394: {  	s0 =	simm.s32 $0x80  }
0x395: {  	v3 =	vadd.f32 v3, v6;
	v14 =	vld [tilespmem:s0+$0x19200];
	v6 =	vmul.f32 v8, v7  }
0x396: {  	v7 =	vld [tilespmem:s0+$0x1A600]  }
0x397: {  	v8 =	vmul.f32 v12, v11;
	v3 =	vadd.f32 v6, v3  }
0x398: {  	v6 =	vld [tilespmem:s30+$0x1CE10]  }
0x399: {  	v4 =	vmul.f32 v5, v4;
	v3 =	vsub.f32 v3, v8  }
0x39a: {  	v5 =	vld [tilespmem:s30+$0x19220]  }
0x39b: {  	v3 =	vadd.f32 v3, v4;
	v4 =	vld [tilespmem:s30+$0x1A620]  }
0x39c: {  	v11 =	vld [tilespmem:s0+$0x1BA00]  }
0x39d: {  	v8 =	vld.idx.msk [tilespmem:v14+s3+$0x0], $0xffff;
	v3 =	vmul.f32 v3, v6  }
0x39e: {  	v6 =	vld.idx.msk [tilespmem:v7+s3+$0x0], $0xffff  }
0x39f: {  	v3 =	vmul.f32 v3, v13;
	_ =	sdelay $0x1  }
0x3a0: {  	[tilespmem:s30+$0x1E210] =	vst v3  }
0x3a1: {  	v3 =	vmul.f32 v11, v8;
	v12 =	vld.idx.msk [tilespmem:v5+s3+$0x0], $0xffff  }
0x3a2: {  	v13 =	vmul.f32 v11, v6;
	v15 =	vld.idx.msk [tilespmem:v4+s3+$0x0], $0xffff  }
0x3a3: {  	v31 =	vmul.f32 $1.442695020e+00, v3;
	v3 =	vmul.f32 v3, v2  }
0x3a4: {  	v32 =	vmul.f32 $1.442695020e+00, v13;
	v13 =	vmul.f32 v13, v2  }
0x3a5: {  	(erf) = vpow2.f32 v31;
	v3 =	vmul.f32 $1.442695020e+00, v3  }
0x3a6: {  	v13 =	vmul.f32 $1.442695020e+00, v13;
	v33 =	vmul.f32 v10, v12  }
0x3a7: {  	(erf) = vpow2.f32 v32;
	v10 =	vmul.f32 v10, v15  }
0x3a8: {  	(erf) = vpow2.f32 v3;
	v3 =	vmul.f32 v33, v2  }
0x3a9: {  	v16 =	vmul.f32 $1.442695020e+00, v33;
	v34 =	vmul.f32 v10, v2  }
0x3aa: {  	(erf) = vpow2.f32 v13;
	v3 =	vmul.f32 $1.442695020e+00, v3  }
0x3ab: {  	(erf) = vpow2.f32 v16;
	v13 =	vmul.f32 $1.442695020e+00, v34  }
0x3ac: {  	(erf) = vpow2.f32 v3  }
0x3ad: {  	v3 =	vmul.f32 $1.442695020e+00, v10;
	(erf) = vpow2.f32 v13;
	_ =	sdelay $0x1  }
0x3ae: {  	v5 =	vld.idx.msk [tilespmem:v5+s8+$0x0], $0xffff;
	v10 =	vand.u32 $0x7, v12;
	(erf) = vpow2.f32 v3  }
0x3af: {  	v4 =	vld.idx.msk [tilespmem:v4+s8+$0x0], $0xffff;
	v12 =	vpop (erf);
	v3 =	vcvt.s32.f32 v10;
	v10 =	vand.u32 $0x7, v15  }
0x3b0: {  	v10 =	vcvt.s32.f32 v10;
	v13 =	vpop (erf)  }
0x3b1: {  	v3 =	vadd.f32 $1.000000000e+00, v3;
	v15 =	vpop (erf)  }
0x3b2: {  	v10 =	vadd.f32 $1.000000000e+00, v10;
	v35 =	vpop (erf)  }
0x3b3: {  	v36 =	vsub.f32 v3, v5;
	v37 =	vpop (erf)  }
0x3b4: {  	v38 =	vsub.f32 v10, v4;
	v39 =	vpop (erf)  }
0x3b5: {  	v10 =	vmul.f32 v36, v10;
	v20 =	vadd.f32 $-1.000000000e+00, v39;
	v40 =	vpop (erf)  }
0x3b6: {  	v3 =	vmul.f32 v38, v3;
	v21 =	vadd.f32 $-1.000000000e+00, v40  }
0x3b7: {  	v10 =	vmul.f32 v10, v37;
	v41 =	vpop (erf);
	v20 =	vmul.f32 v20, v36  }
0x3b8: {  	v3 =	vmul.f32 v3, v41;
	v42 =	vmul.f32 v21, v38;
	_ =	sdelay $0x1  }
0x3b9: {  	v3 =	vadd.f32 v3, v10;
	v10 =	vmul.f32 v42, v20;
	_ =	sdelay $0x1  }
0x3ba: {  	v17 =	vmul.f32 v38, v36;
	v3 =	vadd.f32 v10, v3  }
0x3bb: {  	v10 =	vld [tilespmem:s30+$0x1CE20]  }
0x3bc: {  	v4 =	vmul.f32 v4, v5;
	v3 =	vsub.f32 v3, v17  }
0x3bd: {  	v5 =	vld [tilespmem:s30+$0x19230]  }
0x3be: {  	v3 =	vadd.f32 v3, v4;
	v4 =	vld [tilespmem:s30+$0x1A630];
	_ =	sdelay $0x1  }
0x3bf: {  	v7 =	vld.idx.msk [tilespmem:v7+s8+$0x0], $0xffff;
	v6 =	vand.u32 $0x7, v6;
	v3 =	vmul.f32 v3, v10  }
0x3c0: {  	v14 =	vld.idx.msk [tilespmem:v14+s8+$0x0], $0xffff;
	v8 =	vand.u32 $0x7, v8;
	v6 =	vcvt.s32.f32 v6  }
0x3c1: {  	v8 =	vcvt.s32.f32 v8;
	v3 =	vmul.f32 v3, v9  }
0x3c2: {  	v6 =	vadd.f32 $1.000000000e+00, v6  }
0x3c3: {  	v8 =	vadd.f32 $1.000000000e+00, v8;
	v9 =	vld [tilespmem:s30+$0x1BA30];
	[tilespmem:s30+$0x1E220] =	vst v3  }
0x3c4: {  	v43 =	vsub.f32 v6, v7;
	v10 =	vld.idx.msk [tilespmem:v5+s3+$0x0], $0xffff  }
0x3c5: {  	v3 =	vsub.f32 v8, v14;
	v44 =	vld.idx.msk [tilespmem:v4+s3+$0x0], $0xffff  }
0x3c6: {  	v8 =	vmul.f32 v43, v8  }
0x3c7: {  	v6 =	vmul.f32 v3, v6  }
0x3c8: {  	v8 =	vmul.f32 v8, v13  }
0x3c9: {  	v6 =	vmul.f32 v6, v12;
	v12 =	vadd.f32 $-1.000000000e+00, v15;
	v13 =	vmul.f32 v9, v10  }
0x3ca: {  	(erf) = vrcp.f32 v11;
	v45 =	vmul.f32 v9, v44  }
0x3cb: {  	v15 =	vadd.f32 $-1.000000000e+00, v35;
	v12 =	vmul.f32 v12, v3;
	v46 =	vmul.f32 v13, v2  }
0x3cc: {  	v13 =	vmul.f32 $1.442695020e+00, v13;
	v47 =	vmul.f32 v45, v2  }
0x3cd: {  	v15 =	vmul.f32 v15, v43;
	v11 =	vmul.f32 $1.442695020e+00, v46  }
0x3ce: {  	(erf) = vpow2.f32 v13;
	v48 =	vmul.f32 $1.442695020e+00, v47  }
0x3cf: {  	v6 =	vadd.f32 v8, v6;
	v8 =	vmul.f32 v15, v12;
	(erf) = vpow2.f32 v11  }
0x3d0: {  	v11 =	vmul.f32 $1.442695020e+00, v45;
	(erf) = vpow2.f32 v48  }
0x3d1: {  	v5 =	vld.idx.msk [tilespmem:v5+s8+$0x0], $0xffff;
	v3 =	vmul.f32 v43, v3;
	v10 =	vand.u32 $0x7, v10  }
0x3d2: {  	v10 =	vcvt.s32.f32 v10;
	v12 =	vld.idx.msk [tilespmem:v4+s8+$0x0], $0xffff;
	v6 =	vadd.f32 v8, v6;
	(erf) = vpow2.f32 v11  }
0x3d3: {  	v8 =	vld [tilespmem:s0+$0x1CE00];
	v11 =	vand.u32 $0x7, v44  }
0x3d4: {  	v4 =	vmul.f32 v7, v14;
	v3 =	vsub.f32 v6, v3;
	v6 =	vcvt.s32.f32 v11  }
0x3d5: {  	v7 =	vadd.f32 $1.000000000e+00, v10  }
0x3d6: {  	v10 =	vpop (erf);
	v3 =	vadd.f32 v3, v4;
	v6 =	vadd.f32 $1.000000000e+00, v6  }
0x3d7: {  	v13 =	vld [tilespmem:s0+$0x19210];
	v11 =	vsub.f32 v7, v5;
	v14 =	vpop (erf)  }
0x3d8: {  	v4 =	vld [tilespmem:s30+$0x1BA50];
	v3 =	vmul.f32 v3, v8;
	v8 =	vsub.f32 v6, v12;
	v15 =	vpop (erf)  }
0x3d9: {  	v6 =	vmul.f32 v11, v6;
	v15 =	vadd.f32 $-1.000000000e+00, v15;
	v49 =	vpop (erf)  }
0x3da: {  	v3 =	vmul.f32 v3, v10;
	v7 =	vmul.f32 v8, v7;
	v16 =	vadd.f32 $-1.000000000e+00, v49  }
0x3db: {  	v6 =	vmul.f32 v6, v14;
	v14 =	vpop (erf);
	v15 =	vmul.f32 v15, v11  }
0x3dc: {  	v10 =	vld [tilespmem:s0+$0x1A610];
	v7 =	vmul.f32 v7, v14;
	v14 =	vmul.f32 v16, v8  }
0x3dd: {  	v5 =	vmul.f32 v12, v5;
	(erf) = vrcp.f32 v4  }
0x3de: {  	v12 =	vld [tilespmem:s30+$0x1A640];
	[tilespmem:s0+$0x1E200] =	vst v3;
	(erf) = vrcp.f32 v9;
	v3 =	vadd.f32 v7, v6;
	v6 =	vmul.f32 v14, v15  }
0x3df: {  	v9 =	vld [tilespmem:s0+$0x1BA10]  }
0x3e0: {  	v7 =	vld.idx.msk [tilespmem:v13+s3+$0x0], $0xffff;
	v3 =	vadd.f32 v6, v3;
	v6 =	vmul.f32 v8, v11  }
0x3e1: {  	v8 =	vld [tilespmem:s30+$0x1CE30]  }
0x3e2: {  	v14 =	vld [tilespmem:s30+$0x1BA40];
	v3 =	vsub.f32 v3, v6  }
0x3e3: {  	v6 =	vld [tilespmem:s30+$0x19240]  }
0x3e4: {  	v11 =	vld.idx.msk [tilespmem:v10+s3+$0x0], $0xffff;
	v5 =	vadd.f32 v3, v5;
	_ =	sdelay $0x1  }
0x3e5: {  	v3 =	vpop (erf);
	v5 =	vmul.f32 v5, v8  }
0x3e6: {  	v15 =	vpop (erf)  }
0x3e7: {  	v8 =	vmul.f32 v9, v7;
	v5 =	vmul.f32 v5, v15  }
0x3e8: {  	v51 =	vld [tilespmem:s0+$0x1BA20];
	(erf) = vrcp.f32 v14;
	v50 =	vmul.f32 v9, v11;
	v11 =	vand.u32 $0x7, v11  }
0x3e9: {  	v7 =	vand.u32 $0x7, v7;
	v11 =	vcvt.s32.f32 v11;
	v15 =	vmul.f32 $1.442695020e+00, v8;
	[tilespmem:s30+$0x1E230] =	vst v5  }
0x3ea: {  	v52 =	vmul.f32 $1.442695020e+00, v50;
	v5 =	vcvt.s32.f32 v7;
	v7 =	vld.idx.msk [tilespmem:v6+s3+$0x0], $0xffff  }
0x3eb: {  	v8 =	vmul.f32 v8, v2;
	(erf) = vpow2.f32 v15;
	v15 =	vld.idx.msk [tilespmem:v12+s3+$0x0], $0xffff  }
0x3ec: {  	v16 =	vmul.f32 v50, v2;
	(erf) = vpow2.f32 v52  }
0x3ed: {  	v8 =	vmul.f32 $1.442695020e+00, v8;
	(erf) = vrcp.f32 v51  }
0x3ee: {  	v16 =	vmul.f32 $1.442695020e+00, v16;
	(erf) = vrcp.f32 v9  }
0x3ef: {  	(erf) = vpow2.f32 v8;
	v8 =	vmul.f32 v14, v7  }
0x3f0: {  	(erf) = vpow2.f32 v16;
	v9 =	vmul.f32 v14, v15  }
0x3f1: {  	v13 =	vld.idx.msk [tilespmem:v13+s8+$0x0], $0xffff;
	v14 =	vmul.f32 $1.442695020e+00, v8;
	v8 =	vmul.f32 v8, v2  }
0x3f2: {  	v10 =	vld.idx.msk [tilespmem:v10+s8+$0x0], $0xffff;
	v53 =	vmul.f32 $1.442695020e+00, v9;
	v9 =	vmul.f32 v9, v2  }
0x3f3: {  	v11 =	vadd.f32 $1.000000000e+00, v11;
	v54 =	vpop (erf);
	(erf) = vpow2.f32 v14;
	v8 =	vmul.f32 $1.442695020e+00, v8  }
0x3f4: {  	v55 =	vpop (erf);
	v14 =	vadd.f32 $1.000000000e+00, v5;
	v9 =	vmul.f32 $1.442695020e+00, v9;
	(erf) = vpow2.f32 v53  }
0x3f5: {  	s1 =	simm.s32 $0x100;
	v56 =	vpop (erf);
	(erf) = vpow2.f32 v8  }
0x3f6: {  	v60 =	vld [tilespmem:s1+$0x1A600];
	v7 =	vand.u32 $0x7, v7;
	v5 =	vpop (erf);
	v8 =	vsub.f32 v14, v13;
	(erf) = vpow2.f32 v9  }
0x3f7: {  	v59 =	vld.idx.msk [tilespmem:v6+s8+$0x0], $0xffff;
	v7 =	vcvt.s32.f32 v7;
	v58 =	vpop (erf);
	v9 =	vsub.f32 v11, v10  }
0x3f8: {  	v12 =	vld.idx.msk [tilespmem:v12+s8+$0x0], $0xffff;
	v15 =	vand.u32 $0x7, v15;
	v6 =	vmul.f32 v8, v11;
	v11 =	vpop (erf)  }
0x3f9: {  	v57 =	vld [tilespmem:s1+$0x19200];
	v15 =	vcvt.s32.f32 v15;
	v7 =	vadd.f32 $1.000000000e+00, v7;
	v14 =	vmul.f32 v9, v14;
	v61 =	vpop (erf)  }
0x3fa: {  	v11 =	vadd.f32 $-1.000000000e+00, v11;
	v24 =	vadd.f32 $-1.000000000e+00, v61  }
0x3fb: {  	v15 =	vadd.f32 $1.000000000e+00, v15;
	v6 =	vmul.f32 v6, v55;
	v14 =	vmul.f32 v14, v56  }
0x3fc: {  	v28 =	vsub.f32 v7, v59;
	v11 =	vmul.f32 v11, v8;
	v63 =	vmul.f32 v24, v9;
	v62 =	vpop (erf)  }
0x3fd: {  	v10 =	vmul.f32 v10, v13;
	v6 =	vadd.f32 v14, v6;
	v14 =	vsub.f32 v15, v12;
	v13 =	vpop (erf)  }
0x3fe: {  	v8 =	vmul.f32 v9, v8;
	v11 =	vmul.f32 v63, v11;
	v29 =	vpop (erf)  }
0x3ff: {  	v32 =	vld.idx.msk [tilespmem:v60+s3+$0x0], $0xffff;
	v9 =	vmul.f32 v28, v15;
	v7 =	vmul.f32 v14, v7;
	v30 =	vadd.f32 $-1.000000000e+00, v29;
	v31 =	vpop (erf)  }
0x400: {  	v34 =	vld [tilespmem:s0+$0x1CE10];
	v11 =	vadd.f32 v11, v6;
	v25 =	vadd.f32 $-1.000000000e+00, v31  }
0x401: {  	v15 =	vld.idx.msk [tilespmem:v57+s3+$0x0], $0xffff;
	v9 =	vmul.f32 v9, v62;
	v7 =	vmul.f32 v7, v13  }
0x402: {  	v6 =	vld [tilespmem:s1+$0x1BA00];
	v33 =	vmul.f32 v30, v28;
	v8 =	vsub.f32 v11, v8;
	v13 =	vmul.f32 v25, v14  }
0x403: {  	v11 =	vld [tilespmem:s0+$0x19220]  }
0x404: {  	v7 =	vadd.f32 v7, v9;
	v8 =	vadd.f32 v8, v10;
	v10 =	vld [tilespmem:s0+$0x1A620];
	v9 =	vmul.f32 v13, v33;
	_ =	sdelay $0x1  }
0x405: {  	v8 =	vmul.f32 v8, v34;
	v7 =	vadd.f32 v9, v7;
	v9 =	vmul.f32 v14, v28  }
0x406: {  	v13 =	vand.u32 $0x7, v15;
	v35 =	vmul.f32 v6, v32;
	v14 =	vld [tilespmem:s30+$0x1CE40]  }
0x407: {  	v8 =	vmul.f32 v8, v58;
	v7 =	vsub.f32 v7, v9;
	v9 =	vmul.f32 v12, v59  }
0x408: {  	v36 =	vld [tilespmem:s30+$0x19250];
	v15 =	vmul.f32 v6, v15;
	v13 =	vcvt.s32.f32 v13  }
0x409: {  	v37 =	vmul.f32 $1.442695020e+00, v35;
	v12 =	vand.u32 $0x7, v32;
	[tilespmem:s0+$0x1E210] =	vst v8;
	v8 =	vld [tilespmem:s30+$0x1A650];
	v7 =	vadd.f32 v7, v9  }
0x40a: {  	v12 =	vcvt.s32.f32 v12;
	v9 =	vmul.f32 $1.442695020e+00, v15;
	v38 =	vld.idx.msk [tilespmem:v11+s3+$0x0], $0xffff  }
0x40b: {  	v15 =	vmul.f32 v15, v2;
	v39 =	vld.idx.msk [tilespmem:v10+s3+$0x0], $0xffff;
	v7 =	vmul.f32 v7, v14  }
0x40c: {  	v14 =	vmul.f32 v35, v2;
	(erf) = vpow2.f32 v9  }
0x40d: {  	v9 =	vmul.f32 $1.442695020e+00, v15;
	(erf) = vpow2.f32 v37  }
0x40e: {  	v7 =	vmul.f32 v7, v54;
	v14 =	vmul.f32 $1.442695020e+00, v14  }
0x40f: {  	(erf) = vpow2.f32 v9;
	v9 =	vmul.f32 v51, v38  }
0x410: {  	[tilespmem:s30+$0x1E240] =	vst v7;
	(erf) = vpow2.f32 v14;
	v7 =	vand.u32 $0x7, v38;
	v14 =	vmul.f32 v51, v39  }
0x411: {  	v15 =	vld.idx.msk [tilespmem:v36+s3+$0x0], $0xffff;
	v7 =	vcvt.s32.f32 v7;
	v40 =	vmul.f32 v9, v2  }
0x412: {  	v42 =	vand.u32 $0x7, v39;
	v41 =	vld.idx.msk [tilespmem:v8+s3+$0x0], $0xffff;
	v9 =	vmul.f32 $1.442695020e+00, v9;
	v43 =	vmul.f32 v14, v2  }
0x413: {  	v18 =	vcvt.s32.f32 v42;
	v16 =	vmul.f32 $1.442695020e+00, v40  }
0x414: {  	v20 =	vld.idx.msk [tilespmem:v57+s8+$0x0], $0xffff;
	(erf) = vpow2.f32 v9;
	v21 =	vmul.f32 $1.442695020e+00, v43  }
0x415: {  	v9 =	vmul.f32 $1.442695020e+00, v14;
	(erf) = vpow2.f32 v16  }
0x416: {  	v23 =	vld.idx.msk [tilespmem:v60+s8+$0x0], $0xffff;
	(erf) = vpow2.f32 v21;
	v14 =	vmul.f32 v4, v15  }
0x417: {  	v13 =	vadd.f32 $1.000000000e+00, v13;
	v11 =	vld.idx.msk [tilespmem:v11+s8+$0x0], $0xffff;
	v4 =	vmul.f32 v4, v41;
	(erf) = vpow2.f32 v9  }
0x418: {  	v45 =	vmul.f32 v14, v2;
	v14 =	vmul.f32 $1.442695020e+00, v14  }
0x419: {  	v52 =	vsub.f32 v13, v20;
	v10 =	vld.idx.msk [tilespmem:v10+s8+$0x0], $0xffff;
	v12 =	vadd.f32 $1.000000000e+00, v12;
	v46 =	vpop (erf);
	v47 =	vmul.f32 v4, v2  }
0x41a: {  	v7 =	vadd.f32 $1.000000000e+00, v7;
	v48 =	vpop (erf);
	v9 =	vadd.f32 $1.000000000e+00, v18;
	v18 =	vmul.f32 $1.442695020e+00, v45  }
0x41b: {  	v56 =	vsub.f32 v12, v23;
	v50 =	vpop (erf);
	v22 =	vmul.f32 $1.442695020e+00, v47;
	(erf) = vpow2.f32 v14  }
0x41c: {  	v44 =	vsub.f32 v7, v11;
	v4 =	vmul.f32 $1.442695020e+00, v4;
	v14 =	vpop (erf);
	(erf) = vpow2.f32 v18  }
0x41d: {  	v12 =	vmul.f32 v52, v12;
	v15 =	vand.u32 $0x7, v15;
	v51 =	vpop (erf);
	(erf) = vpow2.f32 v22  }
0x41e: {  	v19 =	vld.idx.msk [tilespmem:v36+s8+$0x0], $0xffff;
	v49 =	vmul.f32 v44, v9;
	v9 =	vsub.f32 v9, v10;
	v53 =	vpop (erf);
	(erf) = vpow2.f32 v4  }
0x41f: {  	v8 =	vld.idx.msk [tilespmem:v8+s8+$0x0], $0xffff;
	v17 =	vand.u32 $0x7, v41;
	v15 =	vcvt.s32.f32 v15;
	v4 =	vadd.f32 $-1.000000000e+00, v53;
	v54 =	vpop (erf)  }
0x420: {  	v17 =	vcvt.s32.f32 v17;
	v7 =	vmul.f32 v9, v7;
	v25 =	vadd.f32 $-1.000000000e+00, v54  }
0x421: {  	v15 =	vadd.f32 $1.000000000e+00, v15;
	v18 =	vmul.f32 v49, v51;
	v55 =	vpop (erf);
	v4 =	vmul.f32 v4, v44  }
0x422: {  	v17 =	vadd.f32 $1.000000000e+00, v17;
	v7 =	vmul.f32 v7, v55;
	v25 =	vmul.f32 v25, v9  }
0x423: {  	v13 =	vmul.f32 v56, v13;
	v57 =	vsub.f32 v15, v19  }
0x424: {  	v58 =	vsub.f32 v17, v8;
	v7 =	vadd.f32 v7, v18;
	v59 =	vpop (erf);
	v4 =	vmul.f32 v25, v4  }
0x425: {  	v21 =	vmul.f32 v12, v46;
	v10 =	vmul.f32 v10, v11;
	v12 =	vpop (erf)  }
0x426: {  	v15 =	vmul.f32 v58, v15;
	v4 =	vadd.f32 v4, v7;
	v7 =	vmul.f32 v57, v17;
	v60 =	vpop (erf)  }
0x427: {  	v9 =	vmul.f32 v9, v44;
	v11 =	vadd.f32 $-1.000000000e+00, v12;
	v12 =	vadd.f32 $-1.000000000e+00, v60;
	v61 =	vpop (erf)  }
0x428: {  	v7 =	vmul.f32 v7, v59;
	v15 =	vmul.f32 v15, v61  }
0x429: {  	v62 =	vld [tilespmem:s0+$0x1CE20];
	v4 =	vsub.f32 v4, v9;
	v9 =	vmul.f32 v11, v57;
	v11 =	vmul.f32 v12, v58  }
0x42a: {  	v63 =	vadd.f32 $-1.000000000e+00, v50;
	v14 =	vadd.f32 $-1.000000000e+00, v14  }
0x42b: {  	v13 =	vmul.f32 v13, v48;
	v7 =	vadd.f32 v15, v7;
	v9 =	vmul.f32 v11, v9  }
0x42c: {  	v14 =	vmul.f32 v14, v56;
	v10 =	vadd.f32 v4, v10;
	v15 =	vmul.f32 v63, v52  }
0x42d: {  	v12 =	vld [tilespmem:s0+$0x19230];
	v7 =	vadd.f32 v9, v7;
	v9 =	vmul.f32 v58, v57  }
0x42e: {  	v13 =	vadd.f32 v13, v21;
	v10 =	vmul.f32 v10, v62;
	v14 =	vmul.f32 v14, v15;
	v15 =	vld [tilespmem:s30+$0x1CE50]  }
0x42f: {  	v8 =	vmul.f32 v8, v19;
	(erf) = vrcp.f32 v6;
	v11 =	vld [tilespmem:s0+$0x1A630];
	v9 =	vsub.f32 v7, v9  }
0x430: {  	v6 =	vld [tilespmem:s30+$0x1BA60];
	v5 =	vmul.f32 v10, v5;
	v10 =	vadd.f32 v14, v13;
	v13 =	vmul.f32 v56, v52  }
0x431: {  	v4 =	vld [tilespmem:s30+$0x1BA70];
	v8 =	vadd.f32 v9, v8  }
0x432: {  	v14 =	vld [tilespmem:s1+$0x1CE00];
	v9 =	vsub.f32 v10, v13;
	v10 =	vmul.f32 v23, v20  }
0x433: {  	v7 =	vld [tilespmem:s0+$0x1BA30];
	v8 =	vmul.f32 v8, v15  }
0x434: {  	v9 =	vadd.f32 v9, v10;
	v10 =	vld [tilespmem:s30+$0x19260]  }
0x435: {  	[tilespmem:s0+$0x1E220] =	vst v5;
	v15 =	vmul.f32 v8, v3;
	v8 =	vld [tilespmem:s30+$0x1A660]  }
0x436: {  	v5 =	vld.idx.msk [tilespmem:v12+s3+$0x0], $0xffff  }
0x437: {  	v3 =	vmul.f32 v9, v14;
	v9 =	vld.idx.msk [tilespmem:v11+s3+$0x0], $0xffff;
	_ =	sdelay $0x2  }
0x438: {  	(erf) = vrcp.f32 v4  }
0x439: {  	s2 =	simm.s32 $0x600;
	v13 =	vpop (erf);
	(erf) = vrcp.f32 v6;
	v14 =	vmul.f32 v7, v5;
	[tilespmem:s30+$0x1E250] =	vst v15  }
.LBB2_12:
0x43a: {  	p1 =	sne.s32 s2, $0x2600;
	v3 =	vmul.f32 v3, v13;
	v5 =	vand.u32 $0x7, v5;
	v13 =	vmul.f32 v7, v9;
	v15 =	vld.idx.msk [tilespmem:v10+s3+$0x0], $0xffff  }
0x43b: {  	v5 =	vcvt.s32.f32 v5;
	v16 =	vmul.f32 v14, v2;
	v17 =	vld.idx.msk [tilespmem:v8+s3+$0x0], $0xffff  }
0x43c: {  	v9 =	vand.u32 $0x7, v9;
	v14 =	vmul.f32 $1.442695020e+00, v14;
	v12 =	vld.idx.msk [tilespmem:v12+s8+$0x0], $0xffff;
	v18 =	vmul.f32 v13, v2  }
0x43d: {  	v9 =	vcvt.s32.f32 v9;
	v16 =	vmul.f32 $1.442695020e+00, v16  }
0x43e: {  	v18 =	vmul.f32 $1.442695020e+00, v18;
	(erf) = vpow2.f32 v14  }
0x43f: {  	v13 =	vmul.f32 $1.442695020e+00, v13;
	v11 =	vld.idx.msk [tilespmem:v11+s8+$0x0], $0xffff;
	(erf) = vpow2.f32 v16  }
0x440: {  	v14 =	vadd.f32 $1.000000000e+00, v5;
	v5 =	vmul.f32 v6, v15;
	(erf) = vpow2.f32 v18  }
0x441: {  	(erf) = vpow2.f32 v13;
	v13 =	vmul.f32 v6, v17;
	v6 =	vpop (erf)  }
0x442: {  	v16 =	vadd.f32 $1.000000000e+00, v9;
	v18 =	vsub.f32 v14, v12;
	v19 =	vmul.f32 v5, v2;
	v9 =	vpop (erf)  }
0x443: {  	v20 =	vmul.f32 $1.442695020e+00, v5;
	v21 =	vmul.f32 v13, v2  }
0x444: {  	v22 =	vmul.f32 v18, v16;
	v24 =	vmul.f32 $1.442695020e+00, v19;
	v5 =	vld [tilespmem:s0+$0x1BA50]  }
0x445: {  	v16 =	vsub.f32 v16, v11;
	v23 =	vld [tilespmem:s1+$0x19210];
	v25 =	vmul.f32 $1.442695020e+00, v21;
	(erf) = vpow2.f32 v20  }
0x446: {  	v26 =	vmul.f32 $1.442695020e+00, v13;
	v20 =	vld [tilespmem:s1+$0x1A610];
	(erf) = vpow2.f32 v24  }
0x447: {  	v14 =	vmul.f32 v16, v14;
	v19 =	vpop (erf);
	v10 =	vld.idx.msk [tilespmem:v10+s8+$0x0], $0xffff;
	(erf) = vpow2.f32 v25  }
0x448: {  	v19 =	vmul.f32 v22, v19;
	v21 =	vpop (erf);
	v22 =	vld.idx.msk [tilespmem:v8+s8+$0x0], $0xffff;
	(erf) = vpow2.f32 v26  }
0x449: {  	v15 =	vand.u32 $0x7, v15;
	v17 =	vand.u32 $0x7, v17;
	v8 =	vadd.f32 $-1.000000000e+00, v21;
	v13 =	vpop (erf)  }
0x44a: {  	v15 =	vcvt.s32.f32 v15;
	v17 =	vcvt.s32.f32 v17;
	v13 =	vadd.f32 $-1.000000000e+00, v13;
	v21 =	vpop (erf)  }
0x44b: {  	v8 =	vmul.f32 v8, v18;
	v14 =	vmul.f32 v14, v21  }
0x44c: {  	v15 =	vadd.f32 $1.000000000e+00, v15;
	v17 =	vadd.f32 $1.000000000e+00, v17;
	v13 =	vmul.f32 v13, v16  }
0x44d: {  	[tilespmem:s1+$0x1E200] =	vst v3;
	v3 =	vadd.f32 v14, v19;
	v14 =	vld [tilespmem:s0+$0x1BA40];
	(erf) = vrcp.f32 v5  }
0x44e: {  	v21 =	vsub.f32 v17, v22;
	v19 =	vld.idx.msk [tilespmem:v23+s3+$0x0], $0xffff;
	v8 =	vmul.f32 v13, v8;
	v13 =	vsub.f32 v15, v10;
	v24 =	vpop (erf)  }
0x44f: {  	v11 =	vmul.f32 v11, v12;
	v25 =	vld [tilespmem:s1+$0x1BA10];
	(erf) = vrcp.f32 v7;
	v7 =	vpop (erf)  }
0x450: {  	v15 =	vmul.f32 v21, v15;
	v12 =	vld.idx.msk [tilespmem:v20+s3+$0x0], $0xffff;
	v3 =	vadd.f32 v8, v3;
	v8 =	vmul.f32 v13, v17;
	v17 =	vpop (erf)  }
0x451: {  	v16 =	vmul.f32 v16, v18;
	v7 =	vadd.f32 $-1.000000000e+00, v7;
	v17 =	vadd.f32 $-1.000000000e+00, v17;
	v18 =	vpop (erf)  }
0x452: {  	v26 =	vld [tilespmem:s0+$0x1CE30];
	v8 =	vmul.f32 v8, v24;
	v15 =	vmul.f32 v15, v18  }
0x453: {  	v28 =	vsub.f32 v3, v16;
	v7 =	vmul.f32 v7, v13;
	v16 =	vmul.f32 v17, v21  }
0x454: {  	v17 =	vmul.f32 v25, v19;
	v18 =	vld [tilespmem:s0+$0x19240];
	(erf) = vrcp.f32 v14  }
0x455: {  	v11 =	vadd.f32 v28, v11;
	v15 =	vadd.f32 v15, v8;
	v24 =	vld [tilespmem:s0+$0x1A640];
	v7 =	vmul.f32 v16, v7  }
0x456: {  	v16 =	vmul.f32 v25, v12;
	v27 =	vmul.f32 $1.442695020e+00, v17;
	v3 =	vpop (erf);
	v28 =	vld [tilespmem:s30+$0x1CE60]  }
0x457: {  	v13 =	vmul.f32 v21, v13;
	v8 =	vld [tilespmem:s1+$0x1BA20];
	v11 =	vmul.f32 v11, v26;
	v7 =	vadd.f32 v7, v15  }
0x458: {  	v19 =	vand.u32 $0x7, v19;
	v21 =	vmul.f32 $1.442695020e+00, v16;
	v15 =	vld.idx.msk [tilespmem:v23+s8+$0x0], $0xffff;
	(erf) = vpow2.f32 v27;
	v23 =	vpop (erf)  }
0x459: {  	v10 =	vmul.f32 v22, v10;
	v20 =	vld.idx.msk [tilespmem:v20+s8+$0x0], $0xffff;
	v11 =	vmul.f32 v11, v23;
	v7 =	vsub.f32 v7, v13  }
0x45a: {  	v12 =	vand.u32 $0x7, v12;
	v13 =	vcvt.s32.f32 v19;
	(erf) = vpow2.f32 v21;
	v19 =	vld [tilespmem:s30+$0x19270]  }
0x45b: {  	v12 =	vcvt.s32.f32 v12;
	v17 =	vmul.f32 v17, v2;
	[tilespmem:s0+$0x1E230] =	vst v11;
	v7 =	vadd.f32 v7, v10;
	v21 =	vld [tilespmem:s30+$0x1A670]  }
0x45c: {  	v11 =	vadd.f32 $1.000000000e+00, v13;
	v13 =	vmul.f32 v16, v2;
	(erf) = vrcp.f32 v8;
	v16 =	vld.idx.msk [tilespmem:v18+s3+$0x0], $0xffff  }
0x45d: {  	v22 =	vadd.f32 $1.000000000e+00, v12;
	v12 =	vmul.f32 $1.442695020e+00, v17;
	v17 =	vld.idx.msk [tilespmem:v24+s3+$0x0], $0xffff;
	v10 =	vpop (erf);
	v7 =	vmul.f32 v7, v28  }
0x45e: {  	v13 =	vmul.f32 $1.442695020e+00, v13;
	v23 =	vsub.f32 v11, v15;
	(erf) = vrcp.f32 v25  }
0x45f: {  	v25 =	vsub.f32 v22, v20;
	(erf) = vpow2.f32 v12;
	v7 =	vmul.f32 v7, v9  }
0x460: {  	v12 =	vmul.f32 v20, v15;
	(erf) = vpow2.f32 v13  }
0x461: {  	v9 =	vmul.f32 v23, v22;
	v13 =	vmul.f32 v25, v23;
	v15 =	vpop (erf);
	[tilespmem:s30+$0x1E260] =	vst v7  }
0x462: {  	v27 =	vmul.f32 v25, v11;
	v11 =	vmul.f32 v14, v16;
	v20 =	vld.idx.msk [tilespmem:v19+s3+$0x0], $0xffff  }
0x463: {  	v9 =	vmul.f32 v9, v15;
	v14 =	vmul.f32 v14, v17;
	v15 =	vpop (erf);
	v22 =	vld.idx.msk [tilespmem:v21+s3+$0x0], $0xffff  }
0x464: {  	v16 =	vand.u32 $0x7, v16;
	v28 =	vmul.f32 $1.442695020e+00, v11;
	v15 =	vmul.f32 v27, v15  }
0x465: {  	v16 =	vcvt.s32.f32 v16;
	v29 =	vmul.f32 $1.442695020e+00, v14;
	v7 =	vpop (erf)  }
0x466: {  	v11 =	vmul.f32 v11, v2;
	(erf) = vpow2.f32 v28  }
0x467: {  	v14 =	vmul.f32 v14, v2;
	v26 =	vpop (erf);
	(erf) = vpow2.f32 v29  }
0x468: {  	v11 =	vmul.f32 $1.442695020e+00, v11;
	v28 =	vmul.f32 v4, v20;
	v27 =	vpop (erf)  }
0x469: {  	v14 =	vmul.f32 $1.442695020e+00, v14;
	v30 =	vmul.f32 v4, v22;
	v29 =	vpop (erf)  }
0x46a: {  	s4 =	sshra.s32 s2, $0x2;
	(erf) = vpow2.f32 v11;
	v11 =	vmul.f32 v28, v2  }
0x46b: {  	v28 =	vmul.f32 $1.442695020e+00, v28;
	v31 =	vmul.f32 v30, v2;
	v4 =	vld [tilespmem:s4+$0x19200]  }
0x46c: {  	v18 =	vld.idx.msk [tilespmem:v18+s8+$0x0], $0xffff;
	(erf) = vpow2.f32 v14;
	v14 =	vmul.f32 $1.442695020e+00, v11  }
0x46d: {  	v9 =	vadd.f32 v15, v9;
	v15 =	vld.idx.msk [tilespmem:v24+s8+$0x0], $0xffff;
	v24 =	vmul.f32 $1.442695020e+00, v31;
	(erf) = vpow2.f32 v28  }
0x46e: {  	v17 =	vand.u32 $0x7, v17;
	v28 =	vmul.f32 $1.442695020e+00, v30;
	v11 =	vld [tilespmem:s4+$0x1A600];
	(erf) = vpow2.f32 v14  }
0x46f: {  	v17 =	vcvt.s32.f32 v17;
	v14 =	vadd.f32 $-1.000000000e+00, v27;
	v27 =	vpop (erf);
	v19 =	vld.idx.msk [tilespmem:v19+s8+$0x0], $0xffff;
	(erf) = vpow2.f32 v24  }
0x470: {  	v16 =	vadd.f32 $1.000000000e+00, v16;
	v24 =	vadd.f32 $-1.000000000e+00, v29;
	v29 =	vpop (erf);
	v21 =	vld.idx.msk [tilespmem:v21+s8+$0x0], $0xffff;
	(erf) = vpow2.f32 v28  }
0x471: {  	v17 =	vadd.f32 $1.000000000e+00, v17;
	v20 =	vand.u32 $0x7, v20;
	v22 =	vand.u32 $0x7, v22  }
0x472: {  	v20 =	vcvt.s32.f32 v20;
	v22 =	vcvt.s32.f32 v22;
	v28 =	vsub.f32 v16, v18  }
0x473: {  	v14 =	vmul.f32 v14, v23;
	v23 =	vmul.f32 v24, v25;
	v24 =	vsub.f32 v17, v15;
	v25 =	vpop (erf)  }
0x474: {  	v20 =	vadd.f32 $1.000000000e+00, v20;
	v22 =	vadd.f32 $1.000000000e+00, v22;
	v17 =	vmul.f32 v28, v17  }
0x475: {  	v14 =	vmul.f32 v23, v14;
	v23 =	vadd.f32 $-1.000000000e+00, v25;
	v16 =	vmul.f32 v24, v16;
	v30 =	vld.idx.msk [tilespmem:v4+s3+$0x0], $0xffff;
	v25 =	vpop (erf)  }
0x476: {  	v17 =	vmul.f32 v17, v27;
	v27 =	vsub.f32 v20, v19;
	v31 =	vsub.f32 v22, v21;
	v32 =	vpop (erf)  }
0x477: {  	v23 =	vmul.f32 v23, v28;
	v25 =	vadd.f32 $-1.000000000e+00, v25;
	v16 =	vmul.f32 v16, v29;
	v33 =	vld.idx.msk [tilespmem:v11+s3+$0x0], $0xffff;
	v29 =	vpop (erf)  }
0x478: {  	v14 =	vadd.f32 v14, v9;
	v22 =	vmul.f32 v27, v22;
	v20 =	vmul.f32 v31, v20;
	v9 =	vpop (erf)  }
0x479: {  	v25 =	vmul.f32 v25, v24;
	v29 =	vadd.f32 $-1.000000000e+00, v29;
	v34 =	vld [tilespmem:s1+$0x1CE10];
	v35 =	vadd.f32 $-1.000000000e+00, v9;
	v36 =	vpop (erf)  }
0x47a: {  	v13 =	vsub.f32 v14, v13;
	v14 =	vmul.f32 v22, v32;
	v9 =	vld [tilespmem:s4+$0x1BA00];
	v20 =	vmul.f32 v20, v36  }
0x47b: {  	v22 =	vand.u32 $0x7, v30;
	v29 =	vmul.f32 v29, v27;
	v32 =	vld [tilespmem:s1+$0x19220];
	v35 =	vmul.f32 v35, v31  }
0x47c: {  	v16 =	vadd.f32 v16, v17;
	v12 =	vadd.f32 v13, v12;
	v17 =	vmul.f32 v25, v23;
	v13 =	vld [tilespmem:s1+$0x1A620]  }
0x47d: {  	v23 =	vand.u32 $0x7, v33;
	v14 =	vadd.f32 v20, v14;
	v20 =	vmul.f32 v35, v29  }
0x47e: {  	v16 =	vadd.f32 v17, v16;
	v17 =	vmul.f32 v24, v28;
	v12 =	vmul.f32 v12, v34  }
0x47f: {  	v24 =	vmul.f32 v9, v30;
	v25 =	vld [tilespmem:s0+$0x1CE40];
	v14 =	vadd.f32 v20, v14;
	v20 =	vmul.f32 v31, v27  }
0x480: {  	v15 =	vmul.f32 v15, v18;
	v16 =	vsub.f32 v16, v17;
	v12 =	vmul.f32 v12, v26;
	v17 =	vld [tilespmem:s30+$0x1CE70]  }
0x481: {  	v19 =	vmul.f32 v21, v19;
	v18 =	vmul.f32 v9, v33;
	v26 =	vld [tilespmem:s0+$0x19250];
	v14 =	vsub.f32 v14, v20  }
0x482: {  	v21 =	vcvt.s32.f32 v23;
	v20 =	vcvt.s32.f32 v22;
	[tilespmem:s1+$0x1E210] =	vst v12;
	v12 =	vadd.f32 v16, v15;
	v15 =	vld [tilespmem:s0+$0x1A650]  }
0x483: {  	v22 =	vmul.f32 $1.442695020e+00, v18;
	v16 =	vmul.f32 $1.442695020e+00, v24;
	v23 =	vld.idx.msk [tilespmem:v32+s3+$0x0], $0xffff;
	v14 =	vadd.f32 v14, v19  }
0x484: {  	v19 =	vmul.f32 v24, v2;
	v24 =	vld.idx.msk [tilespmem:v13+s3+$0x0], $0xffff;
	v12 =	vmul.f32 v12, v25  }
0x485: {  	v18 =	vmul.f32 v18, v2;
	v14 =	vmul.f32 v14, v17  }
0x486: {  	(erf) = vpow2.f32 v16;
	v10 =	vmul.f32 v12, v10  }
0x487: {  	v12 =	vmul.f32 $1.442695020e+00, v19;
	v6 =	vmul.f32 v14, v6  }
0x488: {  	v14 =	vmul.f32 $1.442695020e+00, v18;
	(erf) = vpow2.f32 v22;
	[tilespmem:s0+$0x1E240] =	vst v10  }
0x489: {  	v10 =	vmul.f32 v8, v23;
	(erf) = vpow2.f32 v12;
	[tilespmem:s30+$0x1E270] =	vst v6;
	s30 =	smov.u32 s0;
	s0 =	smov.u32 s1;
	s1 =	smov.u32 s4  }
0x48a: {  	v6 =	vand.u32 $0x7, v23;
	v8 =	vmul.f32 v8, v24;
	(erf) = vpow2.f32 v14;
	v12 =	vld.idx.msk [tilespmem:v26+s3+$0x0], $0xffff  }
0x48b: {  	v6 =	vcvt.s32.f32 v6;
	v14 =	vmul.f32 v10, v2;
	v16 =	vld.idx.msk [tilespmem:v15+s3+$0x0], $0xffff  }
0x48c: {  	v18 =	vand.u32 $0x7, v24;
	v22 =	vmul.f32 $1.442695020e+00, v10;
	v19 =	vmul.f32 v8, v2;
	v17 =	vld.idx.msk [tilespmem:v32+s8+$0x0], $0xffff  }
0x48d: {  	v18 =	vcvt.s32.f32 v18;
	v14 =	vmul.f32 $1.442695020e+00, v14  }
0x48e: {  	v23 =	vmul.f32 $1.442695020e+00, v19;
	(erf) = vpow2.f32 v22  }
0x48f: {  	v24 =	vmul.f32 $1.442695020e+00, v8;
	v10 =	vpop (erf);
	v13 =	vld.idx.msk [tilespmem:v13+s8+$0x0], $0xffff;
	(erf) = vpow2.f32 v14  }
0x490: {  	v6 =	vadd.f32 $1.000000000e+00, v6;
	v14 =	vmul.f32 v5, v12;
	(erf) = vpow2.f32 v23  }
0x491: {  	v5 =	vmul.f32 v5, v16;
	v19 =	vpop (erf);
	(erf) = vpow2.f32 v24  }
0x492: {  	v23 =	vmul.f32 v14, v2;
	v22 =	vld.idx.msk [tilespmem:v4+s8+$0x0], $0xffff;
	v8 =	vpop (erf);
	v4 =	vadd.f32 $1.000000000e+00, v18;
	v18 =	vsub.f32 v6, v17  }
0x493: {  	v14 =	vmul.f32 $1.442695020e+00, v14;
	v25 =	vmul.f32 v5, v2;
	v24 =	vpop (erf)  }
0x494: {  	v23 =	vmul.f32 $1.442695020e+00, v23;
	v27 =	vmul.f32 v18, v4  }
0x495: {  	v4 =	vsub.f32 v4, v13;
	v28 =	vld.idx.msk [tilespmem:v11+s8+$0x0], $0xffff;
	v11 =	vmul.f32 $1.442695020e+00, v25;
	(erf) = vpow2.f32 v14  }
0x496: {  	v5 =	vmul.f32 $1.442695020e+00, v5;
	v14 =	vadd.f32 $1.000000000e+00, v20;
	(erf) = vpow2.f32 v23  }
0x497: {  	v20 =	vadd.f32 $1.000000000e+00, v21;
	v6 =	vmul.f32 v4, v6;
	v21 =	vpop (erf);
	v23 =	vld.idx.msk [tilespmem:v26+s8+$0x0], $0xffff;
	(erf) = vpow2.f32 v11  }
0x498: {  	v25 =	vsub.f32 v14, v22;
	v11 =	vmul.f32 v27, v21;
	v21 =	vpop (erf);
	v15 =	vld.idx.msk [tilespmem:v15+s8+$0x0], $0xffff;
	(erf) = vpow2.f32 v5  }
0x499: {  	v12 =	vand.u32 $0x7, v12;
	v16 =	vand.u32 $0x7, v16;
	v5 =	vadd.f32 $-1.000000000e+00, v21;
	v21 =	vpop (erf)  }
0x49a: {  	v12 =	vcvt.s32.f32 v12;
	v16 =	vcvt.s32.f32 v16;
	v21 =	vadd.f32 $-1.000000000e+00, v21;
	v26 =	vpop (erf)  }
0x49b: {  	v27 =	vsub.f32 v20, v28;
	v5 =	vmul.f32 v5, v18;
	v6 =	vmul.f32 v6, v26  }
0x49c: {  	v12 =	vadd.f32 $1.000000000e+00, v12;
	v16 =	vadd.f32 $1.000000000e+00, v16;
	v21 =	vmul.f32 v21, v4  }
0x49d: {  	v20 =	vmul.f32 v25, v20;
	v14 =	vmul.f32 v27, v14;
	v6 =	vadd.f32 v6, v11  }
0x49e: {  	v26 =	vsub.f32 v16, v15;
	v5 =	vmul.f32 v21, v5;
	v21 =	vsub.f32 v12, v23;
	v11 =	vpop (erf)  }
0x49f: {  	v20 =	vmul.f32 v20, v10;
	v4 =	vmul.f32 v4, v18;
	v10 =	vpop (erf)  }
0x4a0: {  	v12 =	vmul.f32 v26, v12;
	v5 =	vadd.f32 v5, v6;
	v6 =	vmul.f32 v21, v16;
	v16 =	vpop (erf)  }
0x4a1: {  	v13 =	vmul.f32 v13, v17;
	v10 =	vadd.f32 $-1.000000000e+00, v10;
	v17 =	vld [tilespmem:s0+$0x1CE20];
	v16 =	vadd.f32 $-1.000000000e+00, v16;
	v18 =	vpop (erf)  }
0x4a2: {  	v5 =	vsub.f32 v5, v4;
	v6 =	vmul.f32 v6, v11;
	v18 =	vmul.f32 v12, v18;
	v4 =	vld [tilespmem:s30+$0x1BA70]  }
0x4a3: {  	v8 =	vadd.f32 $-1.000000000e+00, v8;
	v10 =	vmul.f32 v10, v21;
	v12 =	vld [tilespmem:s0+$0x19230];
	v16 =	vmul.f32 v16, v26  }
0x4a4: {  	v24 =	vadd.f32 $-1.000000000e+00, v24;
	v14 =	vmul.f32 v14, v19;
	v5 =	vadd.f32 v5, v13;
	v11 =	vld [tilespmem:s0+$0x1A630]  }
0x4a5: {  	v13 =	vmul.f32 v8, v25;
	v8 =	vadd.f32 v18, v6;
	v16 =	vmul.f32 v16, v10;
	v6 =	vld [tilespmem:s30+$0x1BA60]  }
0x4a6: {  	v18 =	vmul.f32 v24, v27;
	v5 =	vmul.f32 v5, v17;
	v10 =	vld [tilespmem:s30+$0x19260]  }
0x4a7: {  	(erf) = vrcp.f32 v9;
	v9 =	vadd.f32 v16, v8;
	v16 =	vmul.f32 v26, v21;
	v8 =	vld [tilespmem:s30+$0x1A660]  }
0x4a8: {  	v14 =	vadd.f32 v14, v20;
	v13 =	vmul.f32 v18, v13;
	v5 =	vmul.f32 v5, v7;
	v17 =	vld [tilespmem:s30+$0x1CE50]  }
0x4a9: {  	v15 =	vmul.f32 v15, v23;
	v7 =	vld [tilespmem:s0+$0x1BA30];
	v9 =	vsub.f32 v9, v16  }
0x4aa: {  	v13 =	vadd.f32 v13, v14;
	v14 =	vmul.f32 v27, v25;
	v16 =	vld [tilespmem:s1+$0x1CE00];
	[tilespmem:s0+$0x1E220] =	vst v5  }
0x4ab: {  	v5 =	vld.idx.msk [tilespmem:v12+s3+$0x0], $0xffff;
	v15 =	vadd.f32 v9, v15  }
0x4ac: {  	v13 =	vsub.f32 v13, v14;
	v14 =	vmul.f32 v28, v22;
	v9 =	vld.idx.msk [tilespmem:v11+s3+$0x0], $0xffff  }
.Ltmp7:
0x4ad: {  	v15 =	vmul.f32 v15, v17;
	(pc) =	sbr.rel @p1 .LBB2_12-.Ltmp7, $4  }
0x4ae: {  	v14 =	vadd.f32 v13, v14  }
0x4af: {  	v15 =	vmul.f32 v15, v3  }
0x4b0: {  	v3 =	vmul.f32 v14, v16;
	v13 =	vpop (erf);
	(erf) = vrcp.f32 v4  }
0x4b1: {  	s2 =	sadd.s32 $0x200, s2;
	v14 =	vmul.f32 v7, v5;
	[tilespmem:s30+$0x1E250] =	vst v15;
	(erf) = vrcp.f32 v6  }
0x4b2: {  	_ = 	snop  }
0x4b3: {  	v15 =	vmul.f32 v7, v9  }
0x4b4: {  	v16 =	vmul.f32 v14, v2  }
0x4b5: {  	v50 =	vmul.f32 $1.442695020e+00, v14;
	v18 =	vmul.f32 v15, v2  }
0x4b6: {  	v17 =	vld.idx.msk [tilespmem:v10+s3+$0x0], $0xffff;
	v16 =	vmul.f32 $1.442695020e+00, v16  }
0x4b7: {  	v19 =	vld.idx.msk [tilespmem:v8+s3+$0x0], $0xffff;
	v5 =	vand.u32 $0x7, v5;
	(erf) = vpow2.f32 v50;
	v18 =	vmul.f32 $1.442695020e+00, v18  }
0x4b8: {  	v12 =	vld.idx.msk [tilespmem:v12+s8+$0x0], $0xffff;
	v5 =	vcvt.s32.f32 v5;
	(erf) = vpow2.f32 v16  }
0x4b9: {  	v52 =	vmul.f32 $1.442695020e+00, v15;
	(erf) = vpow2.f32 v18  }
0x4ba: {  	v51 =	vand.u32 $0x7, v9  }
0x4bb: {  	v53 =	vld.idx.msk [tilespmem:v11+s8+$0x0], $0xffff;
	v9 =	vcvt.s32.f32 v51;
	v5 =	vadd.f32 $1.000000000e+00, v5;
	(erf) = vpow2.f32 v52  }
0x4bc: {  	v23 =	vld [tilespmem:s1+$0x19210];
	v54 =	vmul.f32 v6, v17;
	v55 =	vmul.f32 v6, v19  }
0x4bd: {  	v13 =	vmul.f32 v3, v13;
	v63 =	vld [tilespmem:s1+$0x1A610];
	v9 =	vadd.f32 $1.000000000e+00, v9;
	v56 =	vsub.f32 v5, v12  }
0x4be: {  	v57 =	vmul.f32 v54, v2;
	v58 =	vmul.f32 v55, v2;
	v3 =	vpop (erf)  }
0x4bf: {  	v20 =	vmul.f32 $1.442695020e+00, v54;
	v21 =	vmul.f32 v56, v9;
	v11 =	vpop (erf)  }
0x4c0: {  	v22 =	vsub.f32 v9, v53;
	v6 =	vmul.f32 $1.442695020e+00, v55;
	v16 =	vmul.f32 $1.442695020e+00, v57;
	v59 =	vpop (erf)  }
0x4c1: {  	v9 =	vld [tilespmem:s0+$0x1BA50];
	v18 =	vmul.f32 $1.442695020e+00, v58;
	(erf) = vpow2.f32 v20;
	v60 =	vpop (erf)  }
0x4c2: {  	v8 =	vld.idx.msk [tilespmem:v8+s8+$0x0], $0xffff;
	v5 =	vmul.f32 v22, v5;
	(erf) = vpow2.f32 v16;
	v16 =	vadd.f32 $-1.000000000e+00, v60;
	v62 =	vpop (erf)  }
0x4c3: {  	v38 =	vld [tilespmem:s1+$0x1BA10];
	[tilespmem:s1+$0x1E200] =	vst v13;
	v61 =	vmul.f32 v21, v59;
	(erf) = vpow2.f32 v18;
	v31 =	vadd.f32 $-1.000000000e+00, v62  }
0x4c4: {  	v37 =	vld.idx.msk [tilespmem:v23+s3+$0x0], $0xffff;
	(erf) = vpow2.f32 v6;
	v32 =	vpop (erf);
	v16 =	vmul.f32 v16, v56  }
0x4c5: {  	v19 =	vand.u32 $0x7, v19;
	v24 =	vld.idx.msk [tilespmem:v63+s3+$0x0], $0xffff;
	v5 =	vmul.f32 v5, v32;
	v33 =	vmul.f32 v31, v22  }
0x4c6: {  	v34 =	vcvt.s32.f32 v19;
	v20 =	vld.idx.msk [tilespmem:v10+s8+$0x0], $0xffff;
	(erf) = vrcp.f32 v9  }
0x4c7: {  	(erf) = vrcp.f32 v7;
	v5 =	vadd.f32 v5, v61;
	v10 =	vmul.f32 v33, v16  }
0x4c8: {  	v36 =	vadd.f32 $1.000000000e+00, v34  }
0x4c9: {  	v30 =	vand.u32 $0x7, v17;
	v39 =	vmul.f32 v22, v56;
	v5 =	vadd.f32 v10, v5  }
0x4ca: {  	v43 =	vld [tilespmem:s0+$0x1CE30];
	v12 =	vmul.f32 v53, v12;
	v41 =	vsub.f32 v36, v8;
	v47 =	vmul.f32 v38, v37;
	v42 =	vpop (erf)  }
0x4cb: {  	v35 =	vld [tilespmem:s0+$0x1BA40];
	v28 =	vmul.f32 v38, v24;
	v8 =	vmul.f32 v8, v20;
	v44 =	vpop (erf);
	v5 =	vsub.f32 v5, v39  }
0x4cc: {  	v25 =	vld [tilespmem:s0+$0x19240];
	v6 =	vcvt.s32.f32 v30;
	v49 =	vmul.f32 $1.442695020e+00, v47;
	v45 =	vpop (erf)  }
0x4cd: {  	v27 =	vld [tilespmem:s0+$0x1A640];
	v50 =	vmul.f32 $1.442695020e+00, v28;
	v10 =	vadd.f32 $-1.000000000e+00, v45;
	v5 =	vadd.f32 v5, v12  }
0x4ce: {  	v51 =	vmul.f32 v47, v2;
	v53 =	vmul.f32 v28, v2;
	v6 =	vadd.f32 $1.000000000e+00, v6;
	v26 =	vpop (erf)  }
0x4cf: {  	v12 =	vpop (erf);
	v46 =	vmul.f32 v10, v41;
	v10 =	vld [tilespmem:s1+$0x1BA20];
	v5 =	vmul.f32 v5, v43  }
0x4d0: {  	v19 =	vmul.f32 $1.442695020e+00, v53;
	(erf) = vrcp.f32 v35;
	v40 =	vsub.f32 v6, v20;
	v48 =	vpop (erf)  }
0x4d1: {  	v6 =	vmul.f32 v41, v6;
	v5 =	vmul.f32 v5, v48  }
0x4d2: {  	v16 =	vand.u32 $0x7, v37;
	v7 =	vmul.f32 v40, v36;
	(erf) = vpow2.f32 v49  }
0x4d3: {  	v55 =	vld.idx.msk [tilespmem:v23+s8+$0x0], $0xffff;
	v16 =	vcvt.s32.f32 v16;
	(erf) = vpow2.f32 v50;
	[tilespmem:s0+$0x1E230] =	vst v5  }
0x4d4: {  	(erf) = vrcp.f32 v10;
	v5 =	vmul.f32 $1.442695020e+00, v51;
	v52 =	vld.idx.msk [tilespmem:v25+s3+$0x0], $0xffff  }
0x4d5: {  	v56 =	vand.u32 $0x7, v24;
	v18 =	vmul.f32 v41, v40;
	(erf) = vrcp.f32 v38;
	v54 =	vld.idx.msk [tilespmem:v27+s3+$0x0], $0xffff  }
0x4d6: {  	v21 =	vld.idx.msk [tilespmem:v63+s8+$0x0], $0xffff;
	v15 =	vadd.f32 $-1.000000000e+00, v44;
	v7 =	vmul.f32 v7, v42;
	(erf) = vpow2.f32 v5  }
0x4d7: {  	v16 =	vadd.f32 $1.000000000e+00, v16;
	v5 =	vcvt.s32.f32 v56;
	(erf) = vpow2.f32 v19  }
0x4d8: {  	v15 =	vmul.f32 v15, v40;
	v6 =	vmul.f32 v6, v26  }
0x4d9: {  	v62 =	vsub.f32 v16, v55;
	v5 =	vadd.f32 $1.000000000e+00, v5;
	v57 =	vmul.f32 v35, v52  }
0x4da: {  	v6 =	vadd.f32 v6, v7;
	v15 =	vmul.f32 v46, v15;
	v23 =	vpop (erf);
	v13 =	vmul.f32 v35, v54  }
0x4db: {  	v60 =	vpop (erf);
	v63 =	vsub.f32 v5, v21;
	v34 =	vmul.f32 v62, v5;
	v58 =	vmul.f32 $1.442695020e+00, v57  }
0x4dc: {  	v29 =	vpop (erf);
	v19 =	vmul.f32 v57, v2;
	v59 =	vmul.f32 $1.442695020e+00, v13  }
0x4dd: {  	v6 =	vadd.f32 v15, v6;
	v13 =	vmul.f32 v13, v2;
	v14 =	vpop (erf);
	v35 =	vmul.f32 v63, v16  }
0x4de: {  	v30 =	vpop (erf);
	(erf) = vpow2.f32 v58;
	v61 =	vmul.f32 $1.442695020e+00, v19  }
0x4df: {  	v33 =	vld [tilespmem:s30+$0x1CE60];
	v6 =	vsub.f32 v6, v18;
	v13 =	vmul.f32 $1.442695020e+00, v13;
	(erf) = vpow2.f32 v59;
	v37 =	vpop (erf)  }
0x4e0: {  	v39 =	vld.idx.msk [tilespmem:v25+s8+$0x0], $0xffff;
	v36 =	vand.u32 $0x7, v52;
	v15 =	vmul.f32 v34, v60;
	(erf) = vpow2.f32 v61;
	v38 =	vpop (erf)  }
0x4e1: {  	v5 =	vld [tilespmem:s30+$0x19270];
	v20 =	vadd.f32 $-1.000000000e+00, v37;
	(erf) = vpow2.f32 v13;
	v18 =	vadd.f32 $-1.000000000e+00, v38  }
0x4e2: {  	v40 =	vld.idx.msk [tilespmem:v27+s8+$0x0], $0xffff;
	v8 =	vadd.f32 v6, v8;
	v16 =	vcvt.s32.f32 v36;
	v13 =	vmul.f32 v35, v29  }
0x4e3: {  	v6 =	vld [tilespmem:s30+$0x1A670];
	v26 =	vand.u32 $0x7, v54;
	v20 =	vmul.f32 v20, v62;
	v18 =	vmul.f32 v18, v63  }
0x4e4: {  	v7 =	vmul.f32 v8, v33;
	v26 =	vcvt.s32.f32 v26  }
0x4e5: {  	v16 =	vadd.f32 $1.000000000e+00, v16;
	v13 =	vadd.f32 v13, v15;
	v18 =	vmul.f32 v18, v20  }
0x4e6: {  	v7 =	vmul.f32 v7, v11;
	v26 =	vadd.f32 $1.000000000e+00, v26  }
0x4e7: {  	v50 =	vld [tilespmem:s1+$0x1CE10];
	v44 =	vmul.f32 v63, v62;
	v43 =	vsub.f32 v16, v39;
	v41 =	vpop (erf);
	v13 =	vadd.f32 v18, v13  }
0x4e8: {  	v56 =	vld [tilespmem:s1+$0x1A620];
	[tilespmem:s30+$0x1E260] =	vst v7;
	v45 =	vsub.f32 v26, v40;
	v42 =	vpop (erf)  }
0x4e9: {  	v17 =	vmul.f32 v21, v55;
	v47 =	vmul.f32 v43, v26;
	v7 =	vld.idx.msk [tilespmem:v5+s3+$0x0], $0xffff;
	v46 =	vpop (erf);
	v51 =	vsub.f32 v13, v44  }
0x4ea: {  	v54 =	vld [tilespmem:s1+$0x19220];
	v16 =	vmul.f32 v45, v16;
	v20 =	vadd.f32 $-1.000000000e+00, v46;
	v48 =	vpop (erf)  }
0x4eb: {  	v8 =	vld.idx.msk [tilespmem:v6+s3+$0x0], $0xffff;
	v24 =	vmul.f32 v47, v41;
	v49 =	vadd.f32 $-1.000000000e+00, v48;
	v55 =	vadd.f32 v51, v17  }
0x4ec: {  	v52 =	vmul.f32 v16, v42;
	v20 =	vmul.f32 v20, v43  }
0x4ed: {  	v53 =	vmul.f32 v49, v45;
	v16 =	vmul.f32 v55, v50  }
0x4ee: {  	v59 =	vmul.f32 v4, v7  }
0x4ef: {  	v11 =	vadd.f32 v52, v24;
	v13 =	vmul.f32 v53, v20;
	v16 =	vmul.f32 v16, v30  }
0x4f0: {  	v62 =	vmul.f32 v4, v8  }
0x4f1: {  	v58 =	vld [tilespmem:s0+$0x1CE40];
	v57 =	vmul.f32 v45, v43;
	v29 =	vmul.f32 v59, v2;
	v11 =	vadd.f32 v13, v11;
	[tilespmem:s1+$0x1E210] =	vst v16  }
0x4f2: {  	v31 =	vmul.f32 v62, v2;
	v19 =	vmul.f32 $1.442695020e+00, v59;
	v30 =	vld.idx.msk [tilespmem:v54+s3+$0x0], $0xffff  }
0x4f3: {  	v60 =	vmul.f32 v40, v39;
	v21 =	vmul.f32 $1.442695020e+00, v29;
	v32 =	vld.idx.msk [tilespmem:v56+s3+$0x0], $0xffff;
	v11 =	vsub.f32 v11, v57  }
0x4f4: {  	v61 =	vld [tilespmem:s0+$0x19250];
	v33 =	vmul.f32 $1.442695020e+00, v31;
	(erf) = vpow2.f32 v19  }
0x4f5: {  	v63 =	vld [tilespmem:s0+$0x1A650];
	(erf) = vpow2.f32 v21;
	v11 =	vadd.f32 v11, v60  }
0x4f6: {  	v4 =	vmul.f32 $1.442695020e+00, v62;
	(erf) = vpow2.f32 v33  }
0x4f7: {  	v11 =	vmul.f32 v11, v58;
	v34 =	vmul.f32 v10, v30  }
0x4f8: {  	(erf) = vpow2.f32 v4;
	v10 =	vmul.f32 v10, v32  }
0x4f9: {  	v11 =	vmul.f32 v11, v23;
	v36 =	vmul.f32 v34, v2  }
0x4fa: {  	v15 =	vld.idx.msk [tilespmem:v54+s8+$0x0], $0xffff;
	v40 =	vand.u32 $0x7, v32;
	v19 =	vmul.f32 $1.442695020e+00, v34;
	v39 =	vmul.f32 v10, v2  }
0x4fb: {  	v17 =	vld.idx.msk [tilespmem:v56+s8+$0x0], $0xffff;
	v41 =	vcvt.s32.f32 v40;
	[tilespmem:s0+$0x1E240] =	vst v11;
	v4 =	vmul.f32 $1.442695020e+00, v36  }
0x4fc: {  	v37 =	vand.u32 $0x7, v30;
	v21 =	vmul.f32 $1.442695020e+00, v39;
	(erf) = vpow2.f32 v19;
	v35 =	vld.idx.msk [tilespmem:v61+s3+$0x0], $0xffff  }
0x4fd: {  	v11 =	vcvt.s32.f32 v37;
	v38 =	vld.idx.msk [tilespmem:v63+s3+$0x0], $0xffff;
	(erf) = vpow2.f32 v4  }
0x4fe: {  	v42 =	vmul.f32 $1.442695020e+00, v10;
	v46 =	vadd.f32 $1.000000000e+00, v41;
	(erf) = vpow2.f32 v21  }
0x4ff: {  	v43 =	vadd.f32 $1.000000000e+00, v11  }
0x500: {  	v51 =	vsub.f32 v46, v17;
	(erf) = vpow2.f32 v42  }
0x501: {  	v47 =	vsub.f32 v43, v15;
	v11 =	vpop (erf);
	v44 =	vmul.f32 v9, v35  }
0x502: {  	v22 =	vmul.f32 v51, v43;
	v10 =	vpop (erf);
	v45 =	vmul.f32 v9, v38  }
0x503: {  	v50 =	vmul.f32 v47, v46;
	v4 =	vpop (erf);
	v48 =	vmul.f32 v44, v2  }
0x504: {  	v18 =	vand.u32 $0x7, v35;
	v9 =	vpop (erf);
	v49 =	vmul.f32 v45, v2;
	v21 =	vmul.f32 $1.442695020e+00, v44  }
0x505: {  	v18 =	vcvt.s32.f32 v18;
	v53 =	vpop (erf);
	v24 =	vmul.f32 $1.442695020e+00, v48  }
0x506: {  	v25 =	vmul.f32 $1.442695020e+00, v49;
	(erf) = vpow2.f32 v21;
	v54 =	vpop (erf)  }
0x507: {  	v52 =	vmul.f32 $1.442695020e+00, v45;
	(erf) = vpow2.f32 v24;
	v55 =	vadd.f32 $-1.000000000e+00, v54;
	v56 =	vpop (erf)  }
0x508: {  	v23 =	vmul.f32 v50, v53;
	(erf) = vpow2.f32 v25;
	v24 =	vadd.f32 $-1.000000000e+00, v56  }
0x509: {  	v20 =	vld.idx.msk [tilespmem:v61+s8+$0x0], $0xffff;
	v57 =	vpop (erf);
	(erf) = vpow2.f32 v52;
	v21 =	vmul.f32 v55, v47  }
0x50a: {  	v16 =	vld.idx.msk [tilespmem:v63+s8+$0x0], $0xffff;
	v13 =	vand.u32 $0x7, v38;
	v22 =	vmul.f32 v22, v57;
	v24 =	vmul.f32 v24, v51  }
0x50b: {  	v13 =	vcvt.s32.f32 v13  }
0x50c: {  	v18 =	vadd.f32 $1.000000000e+00, v18;
	v22 =	vadd.f32 v22, v23;
	v21 =	vmul.f32 v24, v21  }
0x50d: {  	v13 =	vadd.f32 $1.000000000e+00, v13  }
0x50e: {  	v19 =	vmul.f32 v51, v47;
	v58 =	vsub.f32 v18, v20;
	v21 =	vadd.f32 v21, v22  }
0x50f: {  	v62 =	vld [tilespmem:s1+$0x1CE20];
	v59 =	vsub.f32 v13, v16;
	v60 =	vpop (erf)  }
0x510: {  	v15 =	vmul.f32 v17, v15;
	v13 =	vmul.f32 v58, v13;
	v61 =	vpop (erf);
	v30 =	vsub.f32 v21, v19  }
0x511: {  	v34 =	vld [tilespmem:s1+$0x19230];
	v18 =	vmul.f32 v59, v18;
	v63 =	vpop (erf);
	v31 =	vadd.f32 $-1.000000000e+00, v61  }
0x512: {  	v36 =	vld [tilespmem:s1+$0x1A630];
	v25 =	vmul.f32 v13, v60;
	v32 =	vadd.f32 $-1.000000000e+00, v63;
	v33 =	vpop (erf);
	v35 =	vadd.f32 v30, v15  }
0x513: {  	v18 =	vmul.f32 v18, v33;
	v37 =	vmul.f32 v31, v58  }
0x514: {  	v38 =	vmul.f32 v32, v59;
	v39 =	vmul.f32 v35, v62;
	_ =	sdelay $0x1  }
0x515: {  	v41 =	vld [tilespmem:s1+$0x1BA30];
	v18 =	vadd.f32 v18, v25;
	v17 =	vmul.f32 v38, v37;
	v14 =	vmul.f32 v39, v14  }
0x516: {  	v42 =	vld [tilespmem:s0+$0x1CE50]  }
0x517: {  	v40 =	vmul.f32 v59, v58;
	v13 =	vld [tilespmem:s0+$0x1BA70];
	v17 =	vadd.f32 v17, v18;
	[tilespmem:s1+$0x1E220] =	vst v14  }
0x518: {  	v44 =	vld.idx.msk [tilespmem:v34+s3+$0x0], $0xffff  }
0x519: {  	v16 =	vmul.f32 v16, v20;
	v45 =	vld.idx.msk [tilespmem:v36+s3+$0x0], $0xffff;
	v43 =	vsub.f32 v17, v40  }
0x51a: {  	v19 =	vld [tilespmem:s0+$0x19260]  }
0x51b: {  	v20 =	vld [tilespmem:s0+$0x1A660];
	v14 =	vadd.f32 v43, v16  }
0x51c: {  	v46 =	vld [tilespmem:s0+$0x1BA60]  }
0x51d: {  	v14 =	vmul.f32 v14, v42;
	v47 =	vmul.f32 v41, v44  }
0x51e: {  	(erf) = vrcp.f32 v13;
	v48 =	vmul.f32 v41, v45  }
0x51f: {  	v12 =	vmul.f32 v14, v12;
	v49 =	vmul.f32 v47, v2  }
0x520: {  	v50 =	vmul.f32 $1.442695020e+00, v47;
	v51 =	vmul.f32 v48, v2  }
0x521: {  	(erf) = vrcp.f32 v46;
	v55 =	vld.idx.msk [tilespmem:v34+s8+$0x0], $0xffff;
	[tilespmem:s0+$0x1E250] =	vst v12;
	v23 =	vmul.f32 $1.442695020e+00, v49  }
0x522: {  	v17 =	vand.u32 $0x7, v44;
	v22 =	vmul.f32 $1.442695020e+00, v51;
	(erf) = vpow2.f32 v50;
	v52 =	vld.idx.msk [tilespmem:v19+s3+$0x0], $0xffff  }
0x523: {  	v54 =	vcvt.s32.f32 v17;
	v53 =	vld.idx.msk [tilespmem:v20+s3+$0x0], $0xffff;
	(erf) = vpow2.f32 v23  }
0x524: {  	v15 =	vld.idx.msk [tilespmem:v36+s8+$0x0], $0xffff;
	v18 =	vand.u32 $0x7, v45;
	v14 =	vmul.f32 $1.442695020e+00, v48;
	(erf) = vpow2.f32 v22  }
0x525: {  	v18 =	vcvt.s32.f32 v18;
	v56 =	vadd.f32 $1.000000000e+00, v54  }
0x526: {  	(erf) = vpow2.f32 v14  }
0x527: {  	v18 =	vadd.f32 $1.000000000e+00, v18;
	v58 =	vsub.f32 v56, v55;
	v57 =	vmul.f32 v46, v52  }
0x528: {  	v16 =	vmul.f32 v46, v53  }
0x529: {  	v62 =	vsub.f32 v18, v15;
	v12 =	vpop (erf);
	v61 =	vmul.f32 v58, v18;
	v59 =	vmul.f32 v57, v2  }
0x52a: {  	v28 =	vpop (erf);
	v60 =	vmul.f32 v16, v2;
	v14 =	vmul.f32 $1.442695020e+00, v57  }
0x52b: {  	v22 =	vmul.f32 v62, v56;
	v31 =	vpop (erf);
	v26 =	vmul.f32 $1.442695020e+00, v59  }
0x52c: {  	v18 =	vld [tilespmem:s1+$0x1BA50];
	v27 =	vmul.f32 $1.442695020e+00, v60;
	(erf) = vpow2.f32 v14;
	v32 =	vpop (erf)  }
0x52d: {  	v63 =	vmul.f32 $1.442695020e+00, v16;
	(erf) = vpow2.f32 v26;
	v16 =	vadd.f32 $-1.000000000e+00, v32;
	v33 =	vpop (erf)  }
0x52e: {  	v34 =	vmul.f32 v61, v31;
	(erf) = vpow2.f32 v27;
	v26 =	vadd.f32 $-1.000000000e+00, v33  }
0x52f: {  	v35 =	vpop (erf);
	(erf) = vpow2.f32 v63;
	v16 =	vmul.f32 v16, v58  }
0x530: {  	v14 =	vmul.f32 v22, v35;
	v36 =	vmul.f32 v26, v62  }
0x531: {  	(erf) = vrcp.f32 v18  }
0x532: {  	v14 =	vadd.f32 v14, v34;
	(erf) = vrcp.f32 v41;
	v16 =	vmul.f32 v36, v16;
	_ =	sdelay $0x1  }
0x533: {  	v37 =	vmul.f32 v62, v58;
	v14 =	vadd.f32 v16, v14  }
0x534: {  	v38 =	vld [tilespmem:s1+$0x1CE30]  }
0x535: {  	v15 =	vmul.f32 v15, v55;
	v39 =	vpop (erf);
	v14 =	vsub.f32 v14, v37  }
0x536: {  	v41 =	vld [tilespmem:s1+$0x19240];
	v40 =	vpop (erf)  }
0x537: {  	v43 =	vld [tilespmem:s1+$0x1A640];
	v42 =	vpop (erf);
	v14 =	vadd.f32 v14, v15  }
0x538: {  	v44 =	vpop (erf)  }
0x539: {  	v16 =	vpop (erf);
	v14 =	vmul.f32 v14, v38  }
0x53a: {  	v45 =	vpop (erf)  }
0x53b: {  	v14 =	vmul.f32 v14, v45;
	_ =	sdelay $0x1  }
0x53c: {  	v46 =	vld [tilespmem:s1+$0x1BA40];
	[tilespmem:s1+$0x1E230] =	vst v14  }
0x53d: {  	v14 =	vld.idx.msk [tilespmem:v41+s3+$0x0], $0xffff  }
0x53e: {  	v47 =	vld.idx.msk [tilespmem:v43+s3+$0x0], $0xffff;
	_ =	sdelay $0x1  }
0x53f: {  	v24 =	vand.u32 $0x7, v52  }
0x540: {  	v19 =	vld.idx.msk [tilespmem:v19+s8+$0x0], $0xffff;
	v25 =	vand.u32 $0x7, v53;
	v24 =	vcvt.s32.f32 v24  }
0x541: {  	v25 =	vcvt.s32.f32 v25;
	v48 =	vmul.f32 v46, v14  }
0x542: {  	v20 =	vld.idx.msk [tilespmem:v20+s8+$0x0], $0xffff;
	(erf) = vrcp.f32 v46;
	v21 =	vmul.f32 v46, v47  }
0x543: {  	v24 =	vadd.f32 $1.000000000e+00, v24;
	v49 =	vmul.f32 $1.442695020e+00, v48;
	v30 =	vmul.f32 v48, v2  }
0x544: {  	v25 =	vadd.f32 $1.000000000e+00, v25;
	v32 =	vmul.f32 $1.442695020e+00, v21;
	v21 =	vmul.f32 v21, v2  }
0x545: {  	v33 =	vsub.f32 v24, v19;
	(erf) = vpow2.f32 v49;
	v30 =	vmul.f32 $1.442695020e+00, v30  }
0x546: {  	v21 =	vmul.f32 $1.442695020e+00, v21;
	(erf) = vpow2.f32 v32  }
0x547: {  	v50 =	vsub.f32 v25, v20;
	v25 =	vmul.f32 v33, v25;
	(erf) = vpow2.f32 v30  }
0x548: {  	(erf) = vpow2.f32 v21  }
0x549: {  	v24 =	vmul.f32 v50, v24;
	v22 =	vmul.f32 v25, v39;
	v23 =	vld.idx.msk [tilespmem:v41+s8+$0x0], $0xffff  }
0x54a: {  	v17 =	vadd.f32 $-1.000000000e+00, v40;
	v52 =	vld.idx.msk [tilespmem:v43+s8+$0x0], $0xffff;
	v14 =	vand.u32 $0x7, v14;
	v53 =	vand.u32 $0x7, v47  }
0x54b: {  	v51 =	vadd.f32 $-1.000000000e+00, v42;
	v14 =	vcvt.s32.f32 v14;
	v15 =	vcvt.s32.f32 v53  }
0x54c: {  	v24 =	vmul.f32 v24, v44;
	v17 =	vmul.f32 v17, v33  }
0x54d: {  	v54 =	vpop (erf);
	v14 =	vadd.f32 $1.000000000e+00, v14;
	v15 =	vadd.f32 $1.000000000e+00, v15;
	v21 =	vmul.f32 v51, v50  }
0x54e: {  	v22 =	vadd.f32 v24, v22;
	v55 =	vpop (erf)  }
0x54f: {  	v57 =	vsub.f32 v14, v23;
	v58 =	vsub.f32 v15, v52;
	v17 =	vmul.f32 v21, v17;
	v56 =	vpop (erf)  }
0x550: {  	v19 =	vmul.f32 v20, v19;
	v59 =	vpop (erf)  }
0x551: {  	v15 =	vmul.f32 v57, v15;
	v14 =	vmul.f32 v58, v14;
	v17 =	vadd.f32 v17, v22;
	v61 =	vpop (erf)  }
0x552: {  	v60 =	vmul.f32 v50, v33;
	v29 =	vadd.f32 $-1.000000000e+00, v59;
	v62 =	vadd.f32 $-1.000000000e+00, v61  }
0x553: {  	v63 =	vld [tilespmem:s0+$0x1CE60];
	v21 =	vmul.f32 v15, v55;
	v24 =	vmul.f32 v14, v56  }
0x554: {  	v17 =	vsub.f32 v17, v60;
	v29 =	vmul.f32 v29, v57;
	v20 =	vmul.f32 v62, v58  }
0x555: {  	v14 =	vld [tilespmem:s0+$0x1A670]  }
0x556: {  	v15 =	vld [tilespmem:s0+$0x19270];
	v17 =	vadd.f32 v17, v19;
	v33 =	vadd.f32 v24, v21;
	v20 =	vmul.f32 v20, v29;
	_ =	sdelay $0x1  }
0x557: {  	v34 =	vmul.f32 v58, v57;
	v17 =	vmul.f32 v17, v63;
	v19 =	vadd.f32 v20, v33  }
0x558: {  	v35 =	vld [tilespmem:s1+$0x1CE40]  }
0x559: {  	v36 =	vmul.f32 v52, v23;
	v17 =	vmul.f32 v17, v28;
	v19 =	vsub.f32 v19, v34  }
0x55a: {  	v37 =	vld [tilespmem:s1+$0x19250]  }
0x55b: {  	v38 =	vld [tilespmem:s1+$0x1A650];
	[tilespmem:s0+$0x1E260] =	vst v17;
	v20 =	vadd.f32 v19, v36  }
0x55c: {  	v17 =	vld.idx.msk [tilespmem:v14+s3+$0x0], $0xffff  }
0x55d: {  	v19 =	vld.idx.msk [tilespmem:v15+s3+$0x0], $0xffff;
	v20 =	vmul.f32 v20, v35;
	_ =	sdelay $0x1  }
0x55e: {  	v20 =	vmul.f32 v20, v54;
	_ =	sdelay $0x1  }
0x55f: {  	[tilespmem:s1+$0x1E240] =	vst v20  }
0x560: {  	v39 =	vmul.f32 v13, v19;
	v13 =	vmul.f32 v13, v17;
	v20 =	vld.idx.msk [tilespmem:v37+s3+$0x0], $0xffff  }
0x561: {  	v41 =	vld.idx.msk [tilespmem:v38+s3+$0x0], $0xffff  }
0x562: {  	v40 =	vmul.f32 v39, v2;
	v42 =	vmul.f32 v13, v2  }
0x563: {  	v21 =	vmul.f32 $1.442695020e+00, v39;
	v13 =	vmul.f32 $1.442695020e+00, v13  }
0x564: {  	v24 =	vmul.f32 $1.442695020e+00, v40;
	v26 =	vmul.f32 $1.442695020e+00, v42  }
0x565: {  	(erf) = vpow2.f32 v21;
	v43 =	vmul.f32 v18, v20  }
0x566: {  	(erf) = vpow2.f32 v24;
	v18 =	vmul.f32 v18, v41  }
0x567: {  	(erf) = vpow2.f32 v26;
	v44 =	vmul.f32 v43, v2  }
0x568: {  	v21 =	vmul.f32 $1.442695020e+00, v43;
	v45 =	vmul.f32 v18, v2  }
0x569: {  	(erf) = vpow2.f32 v13;
	v46 =	vmul.f32 $1.442695020e+00, v44  }
0x56a: {  	v47 =	vmul.f32 $1.442695020e+00, v45;
	(erf) = vpow2.f32 v21  }
0x56b: {  	v18 =	vmul.f32 $1.442695020e+00, v18;
	(erf) = vpow2.f32 v46  }
0x56c: {  	(erf) = vpow2.f32 v47  }
0x56d: {  	v22 =	vld.idx.msk [tilespmem:v37+s8+$0x0], $0xffff;
	v49 =	vand.u32 $0x7, v41;
	(erf) = vpow2.f32 v18  }
0x56e: {  	v23 =	vld.idx.msk [tilespmem:v38+s8+$0x0], $0xffff;
	v48 =	vand.u32 $0x7, v20;
	v20 =	vcvt.s32.f32 v49  }
0x56f: {  	v50 =	vcvt.s32.f32 v48;
	v13 =	vpop (erf)  }
0x570: {  	v21 =	vpop (erf)  }
0x571: {  	v24 =	vadd.f32 $1.000000000e+00, v50;
	v51 =	vadd.f32 $1.000000000e+00, v20;
	v18 =	vpop (erf)  }
0x572: {  	v20 =	vpop (erf)  }
0x573: {  	v52 =	vsub.f32 v24, v22;
	v53 =	vsub.f32 v51, v23;
	v54 =	vpop (erf)  }
0x574: {  	v55 =	vpop (erf)  }
0x575: {  	v25 =	vmul.f32 v52, v51;
	v24 =	vmul.f32 v53, v24;
	v56 =	vpop (erf)  }
0x576: {  	v29 =	vadd.f32 $-1.000000000e+00, v55;
	v30 =	vadd.f32 $-1.000000000e+00, v56;
	v57 =	vpop (erf)  }
0x577: {  	v25 =	vmul.f32 v25, v54;
	v24 =	vmul.f32 v24, v57  }
0x578: {  	v58 =	vmul.f32 v29, v52;
	v59 =	vmul.f32 v30, v53;
	_ =	sdelay $0x1  }
0x579: {  	v24 =	vadd.f32 v24, v25;
	v60 =	vmul.f32 v59, v58;
	_ =	sdelay $0x1  }
0x57a: {  	v61 =	vmul.f32 v53, v52;
	v24 =	vadd.f32 v60, v24  }
0x57b: {  	v62 =	vld [tilespmem:s1+$0x1CE50]  }
0x57c: {  	v22 =	vmul.f32 v23, v22;
	v24 =	vsub.f32 v24, v61  }
0x57d: {  	v63 =	vld [tilespmem:s1+$0x19260]  }
0x57e: {  	v33 =	vld [tilespmem:s1+$0x1A660];
	v22 =	vadd.f32 v24, v22;
	_ =	sdelay $0x1  }
0x57f: {  	v22 =	vmul.f32 v22, v62;
	_ =	sdelay $0x1  }
0x580: {  	v16 =	vmul.f32 v22, v16;
	_ =	sdelay $0x1  }
0x581: {  	v34 =	vld [tilespmem:s1+$0x1BA60];
	[tilespmem:s1+$0x1E250] =	vst v16  }
0x582: {  	v16 =	vld.idx.msk [tilespmem:v63+s3+$0x0], $0xffff  }
0x583: {  	v35 =	vld.idx.msk [tilespmem:v33+s3+$0x0], $0xffff  }
0x584: {  	v24 =	vld [tilespmem:s1+$0x1BA70];
	_ =	sdelay $0x2  }
0x585: {  	v36 =	vmul.f32 v34, v16  }
0x586: {  	v37 =	vmul.f32 v34, v35  }
0x587: {  	(erf) = vrcp.f32 v24;
	v38 =	vmul.f32 v36, v2  }
0x588: {  	v27 =	vmul.f32 $1.442695020e+00, v36;
	v39 =	vmul.f32 v37, v2  }
0x589: {  	(erf) = vrcp.f32 v34;
	v40 =	vmul.f32 $1.442695020e+00, v38  }
0x58a: {  	v41 =	vmul.f32 $1.442695020e+00, v39;
	(erf) = vpow2.f32 v27  }
0x58b: {  	v42 =	vmul.f32 $1.442695020e+00, v37;
	(erf) = vpow2.f32 v40  }
0x58c: {  	(erf) = vpow2.f32 v41  }
0x58d: {  	v43 =	vld.idx.msk [tilespmem:v63+s8+$0x0], $0xffff;
	(erf) = vpow2.f32 v42  }
0x58e: {  	v44 =	vld.idx.msk [tilespmem:v33+s8+$0x0], $0xffff;
	v16 =	vand.u32 $0x7, v16;
	v45 =	vand.u32 $0x7, v35  }
0x58f: {  	v46 =	vcvt.s32.f32 v16;
	v25 =	vcvt.s32.f32 v45;
	_ =	sdelay $0x1  }
0x590: {  	v16 =	vpop (erf);
	v26 =	vadd.f32 $1.000000000e+00, v46;
	v25 =	vadd.f32 $1.000000000e+00, v25  }
0x591: {  	v47 =	vpop (erf)  }
0x592: {  	v48 =	vsub.f32 v26, v43;
	v49 =	vsub.f32 v25, v44;
	v50 =	vpop (erf)  }
0x593: {  	v51 =	vpop (erf)  }
0x594: {  	v25 =	vmul.f32 v48, v25;
	v26 =	vmul.f32 v49, v26;
	v52 =	vpop (erf)  }
0x595: {  	v31 =	vadd.f32 $-1.000000000e+00, v51;
	v32 =	vadd.f32 $-1.000000000e+00, v52;
	v53 =	vpop (erf)  }
0x596: {  	v25 =	vmul.f32 v25, v50;
	v26 =	vmul.f32 v26, v53  }
0x597: {  	v54 =	vmul.f32 v31, v48;
	v55 =	vmul.f32 v32, v49;
	_ =	sdelay $0x1  }
0x598: {  	v25 =	vadd.f32 v26, v25;
	v56 =	vmul.f32 v55, v54;
	_ =	sdelay $0x1  }
0x599: {  	v57 =	vmul.f32 v49, v48;
	v25 =	vadd.f32 v56, v25  }
0x59a: {  	v58 =	vld [tilespmem:s1+$0x1CE60]  }
0x59b: {  	v22 =	vmul.f32 v44, v43;
	v25 =	vsub.f32 v25, v57  }
0x59c: {  	v59 =	vld [tilespmem:s1+$0x19270]  }
0x59d: {  	v60 =	vld [tilespmem:s1+$0x1A670];
	v22 =	vadd.f32 v25, v22;
	_ =	sdelay $0x1  }
0x59e: {  	v22 =	vmul.f32 v22, v58;
	_ =	sdelay $0x1  }
0x59f: {  	v22 =	vmul.f32 v22, v47  }
0x5a0: {  	v5 =	vld.idx.msk [tilespmem:v5+s8+$0x0], $0xffff;
	v7 =	vand.u32 $0x7, v7  }
0x5a1: {  	v6 =	vld.idx.msk [tilespmem:v6+s8+$0x0], $0xffff;
	v8 =	vand.u32 $0x7, v8;
	v7 =	vcvt.s32.f32 v7;
	[tilespmem:s1+$0x1E260] =	vst v22  }
0x5a2: {  	v8 =	vcvt.s32.f32 v8;
	v22 =	vld.idx.msk [tilespmem:v59+s3+$0x0], $0xffff  }
0x5a3: {  	v7 =	vadd.f32 $1.000000000e+00, v7;
	v61 =	vld.idx.msk [tilespmem:v60+s3+$0x0], $0xffff  }
0x5a4: {  	v8 =	vadd.f32 $1.000000000e+00, v8  }
0x5a5: {  	v10 =	vadd.f32 $-1.000000000e+00, v10;
	v19 =	vand.u32 $0x7, v19;
	v62 =	vsub.f32 v7, v5  }
0x5a6: {  	v19 =	vcvt.s32.f32 v19  }
0x5a7: {  	v10 =	vmul.f32 v10, v62;
	v63 =	vsub.f32 v8, v6;
	v32 =	vmul.f32 v24, v22  }
0x5a8: {  	v8 =	vmul.f32 v62, v8;
	v24 =	vmul.f32 v24, v61  }
0x5a9: {  	v7 =	vmul.f32 v63, v7;
	v33 =	vmul.f32 v32, v2  }
0x5aa: {  	v29 =	vmul.f32 $1.442695020e+00, v32;
	v34 =	vmul.f32 v24, v2  }
0x5ab: {  	v15 =	vld.idx.msk [tilespmem:v15+s8+$0x0], $0xffff;
	v8 =	vmul.f32 v8, v11;
	v11 =	vmul.f32 $1.442695020e+00, v33  }
0x5ac: {  	v4 =	vadd.f32 $-1.000000000e+00, v4;
	v30 =	vmul.f32 $1.442695020e+00, v34;
	(erf) = vpow2.f32 v29  }
0x5ad: {  	v14 =	vld.idx.msk [tilespmem:v14+s8+$0x0], $0xffff;
	v17 =	vand.u32 $0x7, v17;
	v24 =	vmul.f32 $1.442695020e+00, v24;
	(erf) = vpow2.f32 v11  }
0x5ae: {  	v36 =	vadd.f32 $1.000000000e+00, v19;
	v37 =	vld.idx.msk [tilespmem:v59+s8+$0x0], $0xffff;
	v22 =	vand.u32 $0x7, v22;
	(erf) = vpow2.f32 v30  }
0x5af: {  	v38 =	vld.idx.msk [tilespmem:v60+s8+$0x0], $0xffff;
	v39 =	vand.u32 $0x7, v61;
	v22 =	vcvt.s32.f32 v22;
	(erf) = vpow2.f32 v24  }
0x5b0: {  	v35 =	vcvt.s32.f32 v17;
	v40 =	vsub.f32 v36, v15;
	v23 =	vcvt.s32.f32 v39  }
0x5b1: {  	v4 =	vmul.f32 v4, v63;
	v42 =	vadd.f32 $-1.000000000e+00, v21;
	v22 =	vadd.f32 $1.000000000e+00, v22  }
0x5b2: {  	v23 =	vadd.f32 $1.000000000e+00, v23;
	v11 =	vadd.f32 $1.000000000e+00, v35  }
0x5b3: {  	v7 =	vmul.f32 v7, v9;
	v4 =	vmul.f32 v4, v10;
	v43 =	vsub.f32 v22, v37  }
0x5b4: {  	v10 =	vmul.f32 v42, v40;
	v44 =	vsub.f32 v23, v38;
	v41 =	vsub.f32 v11, v14  }
0x5b5: {  	v18 =	vadd.f32 $-1.000000000e+00, v18;
	v47 =	vmul.f32 v43, v23;
	v11 =	vmul.f32 v40, v11;
	v45 =	vpop (erf)  }
0x5b6: {  	v22 =	vmul.f32 v44, v22;
	v9 =	vmul.f32 v41, v36;
	v46 =	vpop (erf)  }
0x5b7: {  	v11 =	vmul.f32 v11, v13;
	v18 =	vmul.f32 v18, v41;
	v48 =	vpop (erf)  }
0x5b8: {  	v9 =	vmul.f32 v9, v20;
	v20 =	vadd.f32 $-1.000000000e+00, v46;
	v23 =	vadd.f32 $-1.000000000e+00, v48;
	v49 =	vpop (erf)  }
0x5b9: {  	v7 =	vadd.f32 v7, v8;
	v8 =	vmul.f32 v47, v45;
	v22 =	vmul.f32 v22, v49  }
0x5ba: {  	v50 =	vmul.f32 v20, v43;
	v51 =	vmul.f32 v23, v44  }
0x5bb: {  	v4 =	vadd.f32 v4, v7;
	v10 =	vmul.f32 v18, v10;
	v9 =	vadd.f32 v9, v11  }
0x5bc: {  	v52 =	vmul.f32 v63, v62;
	v8 =	vadd.f32 v22, v8;
	v7 =	vmul.f32 v51, v50  }
0x5bd: {  	v5 =	vmul.f32 v6, v5;
	v53 =	vld [tilespmem:s30+$0x1CE70];
	v54 =	vmul.f32 v41, v40;
	v9 =	vadd.f32 v10, v9  }
0x5be: {  	v4 =	vsub.f32 v4, v52;
	v55 =	vld [tilespmem:s0+$0x1CE70];
	v56 =	vmul.f32 v44, v43;
	v7 =	vadd.f32 v7, v8  }
0x5bf: {  	v57 =	vmul.f32 v14, v15;
	v58 =	vld [tilespmem:s1+$0x1CE70];
	v9 =	vsub.f32 v9, v54  }
0x5c0: {  	v4 =	vadd.f32 v4, v5;
	v60 =	vmul.f32 v38, v37;
	v59 =	vsub.f32 v7, v56  }
0x5c1: {  	v61 =	vadd.f32 v9, v57  }
0x5c2: {  	v4 =	vmul.f32 v4, v53;
	v5 =	vadd.f32 v59, v60  }
0x5c3: {  	v6 =	vmul.f32 v61, v55  }
0x5c4: {  	v3 =	vmul.f32 v4, v3;
	v62 =	vmul.f32 v5, v58  }
0x5c5: {  	v63 =	vmul.f32 v6, v12  }
0x5c6: {  	[tilespmem:s30+$0x1E270] =	vst v3;
	v3 =	vmul.f32 v62, v16  }
0x5c7: {  	[tilespmem:s0+$0x1E270] =	vst v63  }
0x5c8: {  	s4 =	simm.s32 $0x19200;
	s30 =	simm.s32 $0x1E200;
	[tilespmem:s1+$0x1E270] =	vst v3  }
0x5c9: {  	[spmem:s7] =	stream.indirect.scatter.add.f32 [tilespmem:s30], [sflag:$0x2], $0x1, s4, s28, $0xb8;
	[tilespmem:$0x1F9C0] =	vst v63  }
0x5ca: {  	s2 =	simm.s32 $0x1E280;
	s1 =	simm.s32 $0x19280  }
0x5cb: {  	[spmem:s7] =	stream.indirect.scatter.add.f32 [tilespmem:s2], [sflag:$0x2], $0x1, s1, s28, $0xb8;
	[tilespmem:$0x1F9C0] =	vst v63  }
0x5cc: {  	s4 =	simm.s32 $0x19300;
	s30 =	simm.s32 $0x1E300  }
0x5cd: {  	[spmem:s7] =	stream.indirect.scatter.add.f32 [tilespmem:s30], [sflag:$0x2], $0x1, s4, s28, $0xb8;
	[tilespmem:$0x1F9C0] =	vst v63  }
0x5ce: {  	s1 =	simm.s32 $0x19380;
	s2 =	simm.s32 $0x1E380  }
0x5cf: {  	[spmem:s7] =	stream.indirect.scatter.add.f32 [tilespmem:s2], [sflag:$0x2], $0x1, s1, s28, $0xb8;
	[tilespmem:$0x1F9C0] =	vst v63  }
0x5d0: {  	s4 =	simm.s32 $0x19400;
	s30 =	simm.s32 $0x1E400  }
0x5d1: {  	[spmem:s7] =	stream.indirect.scatter.add.f32 [tilespmem:s30], [sflag:$0x2], $0x1, s4, s28, $0xb8;
	[tilespmem:$0x1F9C0] =	vst v63  }
0x5d2: {  	s1 =	simm.s32 $0x19480;
	s2 =	simm.s32 $0x1E480  }
0x5d3: {  	[spmem:s7] =	stream.indirect.scatter.add.f32 [tilespmem:s2], [sflag:$0x2], $0x1, s1, s28, $0xb8;
	[tilespmem:$0x1F9C0] =	vst v63  }
0x5d4: {  	s4 =	simm.s32 $0x19500;
	s30 =	simm.s32 $0x1E500  }
0x5d5: {  	[spmem:s7] =	stream.indirect.scatter.add.f32 [tilespmem:s30], [sflag:$0x2], $0x1, s4, s28, $0xb8;
	[tilespmem:$0x1F9C0] =	vst v63  }
0x5d6: {  	s1 =	simm.s32 $0x19580;
	s2 =	simm.s32 $0x1E580  }
0x5d7: {  	[spmem:s7] =	stream.indirect.scatter.add.f32 [tilespmem:s2], [sflag:$0x2], $0x1, s1, s28, $0xb8;
	[tilespmem:$0x1F9C0] =	vst v63  }
0x5d8: {  	s4 =	simm.s32 $0x19600;
	s30 =	simm.s32 $0x1E600  }
0x5d9: {  	[spmem:s7] =	stream.indirect.scatter.add.f32 [tilespmem:s30], [sflag:$0x2], $0x1, s4, s28, $0xb8;
	[tilespmem:$0x1F9C0] =	vst v63  }
0x5da: {  	s1 =	simm.s32 $0x19680;
	s2 =	simm.s32 $0x1E680  }
0x5db: {  	[spmem:s7] =	stream.indirect.scatter.add.f32 [tilespmem:s2], [sflag:$0x2], $0x1, s1, s28, $0xb8;
	[tilespmem:$0x1F9C0] =	vst v63  }
0x5dc: {  	s4 =	simm.s32 $0x19700;
	s30 =	simm.s32 $0x1E700  }
0x5dd: {  	[spmem:s7] =	stream.indirect.scatter.add.f32 [tilespmem:s30], [sflag:$0x2], $0x1, s4, s28, $0xb8;
	[tilespmem:$0x1F9C0] =	vst v63  }
0x5de: {  	s2 =	simm.s32 $0x19780;
	s4 =	simm.s32 $0x1E780  }
0x5df: {  	[spmem:s7] =	stream.indirect.scatter.add.f32 [tilespmem:s4], [sflag:$0x2], $0x1, s2, s28, $0xb8;
	[tilespmem:$0x1F9C0] =	vst v63  }
0x5e0: {  	s30 =	simm.s32 $0x19800  }
0x5e1: {  	[spmem:s7] =	stream.indirect.scatter.add.f32 [tilespmem:s29], [sflag:$0x2], $0x1, s30, s28, $0xb8;
	[tilespmem:$0x1F9C0] =	vst v63  }
0x5e2: {  	_ = 	snop  }
0x5e3: {  	[spmem:s7] =	stream.indirect.scatter.add.f32 [tilespmem:s9], [sflag:$0x2], $0x1, s31, s28, $0xb8;
	[tilespmem:$0x1F9C0] =	vst v63  }
0x5e4: {  	_ = 	snop  }
0x5e5: {  	[spmem:s7] =	stream.indirect.scatter.add.f32 [tilespmem:s12], [sflag:$0x2], $0x1, s10, s28, $0xb8;
	[tilespmem:$0x1F9C0] =	vst v63  }
0x5e6: {  	_ = 	snop  }
0x5e7: {  	[spmem:s7] =	stream.indirect.scatter.add.f32 [tilespmem:s14], [sflag:$0x2], $0x1, s13, s28, $0xb8;
	[tilespmem:$0x1F9C0] =	vst v63  }
0x5e8: {  	_ = 	snop  }
0x5e9: {  	[spmem:s7] =	stream.indirect.scatter.add.f32 [tilespmem:s16], [sflag:$0x2], $0x1, s15, s28, $0xb8;
	[tilespmem:$0x1F9C0] =	vst v63  }
0x5ea: {  	_ = 	snop  }
0x5eb: {  	[spmem:s7] =	stream.indirect.scatter.add.f32 [tilespmem:s18], [sflag:$0x2], $0x1, s17, s28, $0xb8;
	[tilespmem:$0x1F9C0] =	vst v63  }
.Ltmp8:
0x5ec: {  	_ = 	snop;
	(pc) =	sbr.rel .LBB2_14-.Ltmp8, $4  }
0x5ed: {  	_ = 	snop  }
0x5ee: {  	[spmem:s7] =	stream.indirect.scatter.add.f32 [tilespmem:s21], [sflag:$0x2], $0x1, s20, s28, $0xb8;
	[tilespmem:$0x1F9C0] =	vst v63  }
0x5ef: {  	_ = 	snop  }
0x5f0: {  	[spmem:s7] =	stream.indirect.scatter.add.f32 [tilespmem:s19], [sflag:$0x2], $0x1, s22, s28, $0xb8;
	[tilespmem:$0x1F9C0] =	vst v63  }
.LBB2_15:
0x5f1: {  	s0 =	simm.s32 $0x2  }
0x5f2: {  	_ =	swait.ge [sflag:s0], $0x1400  }
0x5f3: {  	[sflag:s0] =	ssyncset.done $0x0  }
0x5f4: {  	[sflag:s0] =	ssyncadd.s32 $0xFFFFEC00  }
0x5f5: {  	[bflag:$0x0] =	sbarrier.arrive $0xFFFF  }
0x5f6: {  	s6 =	simm.s32 $0x3;
	s4 =	rddreg [dreg:$0x13]  }
0x5f7: {  	[tilespmem:s5], [sflag:$0x3] =	stream.linear.gather [spmem:s4], $0xC40, $0x38;
	[tilespmem:$0x1F9C0] =	vst v63  }
0x5f8: {  	_ =	swait.ge [sflag:s6], $0xC40  }
0x5f9: {  	[sflag:s6] =	ssyncset.done $0x0  }
0x5fa: {  	s0 =	simm.s32 $0x0;
	[sflag:s6] =	ssyncadd.s32 $0xFFFFF3C0  }
0x5fb: {  	v2 =	vld [tilespmem:s0+$0x1D800]  }
0x5fc: {  	s1 =	simm.s32 $0x40  }
.LBB2_16:
0x5fd: {  	p1 =	sne.s32 s1, $0x30C0  }
.Ltmp9:
0x5fe: {  	_ = 	snop;
	(pc) =	sbr.rel @p1 .LBB2_16-.Ltmp9, $4  }
0x5ff: {  	_ = 	snop  }
0x600: {  	s2 =	sshra.s32 s1, $0x2;
	s1 =	sadd.s32 $0x40, s1;
	v3 =	vmul.f32 v2, v1  }
0x601: {  	v2 =	vld [tilespmem:s2+$0x1D800]  }
0x602: {  	[tilespmem:s0+$0x1D800] =	vst v3;
	s0 =	smov.u32 s2  }
0x603: {  	_ =	sdelay $0x2  }
0x604: {  	v1 =	vmul.f32 v2, v1;
	_ =	sdelay $0x1  }
0x605: {  	[tilespmem:s0+$0x1D800] =	vst v1  }
0x606: {  	s0 =	rddreg [dreg:$0x15]  }
0x607: {  	[hbm4b:s0+s8] =	stream.linear.scatter [tilespmem:s5], [sflag:$0x3], $0xC40, $0x38;
	[tilespmem:$0x1F9C0] =	vst v63  }
0x608: {  	_ =	swait.ge [sflag:s6], $0xC40  }
0x609: {  	s1 =	rddreg [dreg:$0x17]  }
0x60a: {  	s30 =	rddreg [dreg:$0x16];
	s1 =	sadd.s32 $0x1, s1  }
0x60b: {  	p1 =	sne.s32 s1, s30  }
.Ltmp10:
0x60c: {  	_ = 	snop;
	(pc) =	sbr.rel @p1 .LBB2_1-.Ltmp10, $3  }
0x60d: {  	_ =	sdelay $0x1  }
0x60e: {  	[sflag:s6] =	ssyncset.done $0x0  }
0x60f: {  	[sflag:s6] =	ssyncadd.s32 $0xFFFFF3C0  }
0x610: {  	_ =	sfence.sel $0x180000  }
0x611: {  	[bflag:$0x0] =	sbarrier.arrive $0xFFFF  }
0x612: {  	_ =	strace $0x90000047  }
0x613: {  	s0 =	stileid.u32;
	[bflag:$0x2] =	sbarrier.arrive $0xFFFF  }
0x614: {  	p0 =	sne.s32 s0, $0x0;
	s0 =	rddreg [dreg:$0x9]  }
0x615: {  	s0 =	sadd.s32 @!p0 $0x100000, s0  }
0x616: {  	[sflag:s0] =	ssyncadd.tile.s32 @!p0 $0x1;
	_ =	shalt  }
.Lfunc_end2:
_tile_overlayer_lowered:
.L_overlay_start_2:
0x617: {  	(tag) =	ssettag $0x2  }
0x618: {  	s0 =	rddreg [dreg:$0x0];
	s2 =	stileid.u32  }
0x619: {  	s1 =	rddreg [dreg:$0x1];
	p0 =	sne.s32 s2, $0x0  }
0x61a: {  	s3 =	rddreg [dreg:$0x2];
	[bflag:$0x3] =	sbarrier.arrive $0xFFFF;
	s2 =	simm.s32 @!p0 $0x1C03  }
0x61b: {  	[timem:s3], [sflag:s2] =	dma.local @!p0 [hbm:s0], s1  }
0x61c: {  	s0 =	simm.s32 @!p0 $0x3  }
0x61d: {  	_ =	swait.ge @!p0 [sflag:s0], s1  }
0x61e: {  	s1 =	ssub.s32 @!p0 $0x0, s1;
	[sflag:s0] =	ssyncset.done @!p0 $0x0  }
0x61f: {  	[sflag:s0] =	ssyncadd.s32 @!p0 s1  }
0x620: {  	[bflag:$0x3] =	sbarrier.arrive $0xFFFF  }
0x621: {  	_ =	shalt  }

</sc_bundles>
